<compile_context>
chip_gen: v7x
topology: tpu7x:2x2x1
jax: 0.10.2.dev20260603
libtpu: 0.0.44.dev20260713+nightly
codegen_flags: <defaults>
</compile_context>

<pallas_src>
import functools

import jax
import jax.numpy as jnp
from jax import lax
from jax.experimental import pallas as pl
from jax.experimental.pallas import tpu as pltpu
from jax.experimental.pallas import tpu_sc as plsc

N = 10000
E = 320000
D = 128
H = 8
DK = 16
TWO_D = 2 * D

NC = 2
NS = 16
NW = NC * NS
EPW = E // NW
CH = 80
NCHUNK = EPW // CH
NPAD = 10240
RSC = NPAD // NS

_F32 = jnp.float32


def _mesh():
    return plsc.VectorSubcoreMesh(core_axis_name="c", subcore_axis_name="s")


def _fill_rows(ref, nrows, ncols16, value):
    v = jnp.full((16,), value, _F32)

    def body(i, _):
        for j in range(ncols16):
            ref[i, pl.ds(j * 16, 16)] = v
        return 0

    lax.fori_loop(0, nrows, body, 0)



@functools.partial(
    pl.kernel,
    out_type=(
        jax.ShapeDtypeStruct((NPAD, 16), _F32),
        jax.ShapeDtypeStruct((NPAD, 16), _F32),
    ),
    mesh=_mesh(),
    compiler_params=pltpu.CompilerParams(
        use_tc_tiling_on_sc=False, needs_layout_passes=False),
    scratch_types=[
        pltpu.VMEM((1, CH), jnp.int32),
        pltpu.VMEM((CH, 16), _F32),
        pltpu.VMEM((RSC, 16), _F32),
        pltpu.VMEM_SHARED((NPAD, 16), _F32),
    ],
)
def _sc_flags(src_hbm, dst_hbm, f0_hbm, f1_hbm, idx_v, ones_v, bounce_v, flags_sp):
    c = lax.axis_index("c")
    s = lax.axis_index("s")
    wid = s * NC + c
    base = wid * EPW

    _fill_rows(bounce_v, RSC, 1, 0.0)
    pltpu.sync_copy(bounce_v, flags_sp.at[pl.ds(s * RSC, RSC)])
    plsc.subcore_barrier()
    _fill_rows(ones_v, CH, 1, 1.0)

    def chunk(i, _):
        eb = base + i * CH
        pltpu.sync_copy(src_hbm.at[pl.ds(eb, CH)], idx_v.at[0])
        for g in range(CH // 16):
            iv = idx_v[0, pl.ds(g * 16, 16)]
            pltpu.sync_copy(ones_v.at[pl.ds(g * 16, 16)],
                            flags_sp.at[iv], add=True)
        pltpu.sync_copy(dst_hbm.at[pl.ds(eb, CH)], idx_v.at[0])
        for g in range(CH // 16):
            iv = idx_v[0, pl.ds(g * 16, 16)]
            pltpu.sync_copy(ones_v.at[pl.ds(g * 16, 16)],
                            flags_sp.at[iv], add=True)
        return 0

    lax.fori_loop(0, NCHUNK, chunk, 0)
    plsc.subcore_barrier()
    pltpu.sync_copy(flags_sp.at[pl.ds(s * RSC, RSC)], bounce_v)

    @pl.when(c == 0)
    def _():
        pltpu.sync_copy(bounce_v, f0_hbm.at[pl.ds(s * RSC, RSC)])

    @pl.when(c == 1)
    def _():
        pltpu.sync_copy(bounce_v, f1_hbm.at[pl.ds(s * RSC, RSC)])


_RB = 1000
_GB = N // _RB


def _tc_project_body(x_r, wk_r, bk_r, wq_r, bq_r, wv_r, bv_r,
                     bdk_r, bdq_r, bdv_r, f0_r, f1_r, fsb_r,
                     csrc_r, cdst_r, vt_r, boost_r, cnt_sm):
    i = pl.program_id(0)

    @pl.when(i == 0)
    def _():
        cnt_sm[0] = 0.0

    xb = x_r[:]
    k = jnp.dot(xb, wk_r[:], preferred_element_type=_F32) + bk_r[:]
    q = jnp.dot(xb, wq_r[:], preferred_element_type=_F32) + bq_r[:]
    v = jnp.dot(xb, wv_r[:], preferred_element_type=_F32) + bv_r[:]
    kt = jnp.dot(k, bdk_r[:], preferred_element_type=_F32)
    qt = jnp.dot(q, bdq_r[:], preferred_element_type=_F32)
    vt = jnp.dot(v, bdv_r[:], preferred_element_type=_F32)
    nrm = jnp.sqrt(jnp.sum(xb * xb, axis=1, keepdims=True))
    xn = xb / jnp.maximum(nrm, 1e-12)
    csrc_r[:, :D] = kt
    csrc_r[:, D:] = xn
    cdst_r[:, :D] = qt
    cdst_r[:, D:] = xn
    vt_r[:] = vt

    m = jnp.max(f0_r[:], axis=1) + jnp.max(f1_r[:], axis=1)
    cnt_sm[0] = cnt_sm[0] + jnp.sum((m == 0.0).astype(_F32))

    @pl.when(i == _GB - 1)
    def _():
        sparsity = (cnt_sm[0] - (NPAD - N)) / N
        val = jnp.where(sparsity > 0.3, fsb_r[0], 0.0)
        boost_r[:] = val * jnp.ones((8, 128), _F32)


def _tc_project(x, Wk, bk, Wq, bq, Wv, bv, BDk, BDq, BDv, f0, f1, fsb):
    full = lambda: pl.BlockSpec((D, D), lambda i: (0, 0))
    brow = lambda: pl.BlockSpec((1, D), lambda i: (0, 0))
    return pl.pallas_call(
        _tc_project_body,
        grid=(_GB,),
        in_specs=[
            pl.BlockSpec((_RB, D), lambda i: (i, 0)),
            full(), brow(), full(), brow(), full(), brow(),
            full(), full(), full(),
            pl.BlockSpec((NPAD // _GB, 16), lambda i: (i, 0)),
            pl.BlockSpec((NPAD // _GB, 16), lambda i: (i, 0)),
            pl.BlockSpec(memory_space=pltpu.SMEM),
        ],
        out_specs=[
            pl.BlockSpec((_RB, TWO_D), lambda i: (i, 0)),
            pl.BlockSpec((_RB, TWO_D), lambda i: (i, 0)),
            pl.BlockSpec((_RB, D), lambda i: (i, 0)),
            pl.BlockSpec((8, 128), lambda i: (0, 0)),
        ],
        out_shape=[
            jax.ShapeDtypeStruct((N, TWO_D), _F32),
            jax.ShapeDtypeStruct((N, TWO_D), _F32),
            jax.ShapeDtypeStruct((N, D), _F32),
            jax.ShapeDtypeStruct((8, 128), _F32),
        ],
        scratch_shapes=[pltpu.SMEM((1,), _F32)],
    )(x, Wk, bk.reshape(1, D), Wq, bq.reshape(1, D), Wv, bv.reshape(1, D),
      BDk, BDq, BDv, f0, f1, fsb)


@functools.partial(
    pl.kernel,
    out_type=(
        jax.ShapeDtypeStruct((E, 16), _F32),
        jax.ShapeDtypeStruct((NPAD, 16), _F32),
        jax.ShapeDtypeStruct((NPAD, 16), _F32),
    ),
    mesh=_mesh(),
    compiler_params=pltpu.CompilerParams(
        use_tc_tiling_on_sc=False, needs_layout_passes=False),
    scratch_types=[
        pltpu.VMEM((1, CH), jnp.int32),
        pltpu.VMEM((1, CH), jnp.int32),
        pltpu.VMEM((CH, TWO_D), _F32),
        pltpu.VMEM((CH, TWO_D), _F32),
        pltpu.VMEM((CH, 16), _F32),
        pltpu.VMEM((128,), _F32),
        pltpu.VMEM((RSC, 16), _F32),
        pltpu.VMEM_SHARED((NPAD, 16), _F32),
        pltpu.SemaphoreType.DMA,
    ],
)
def _sc_logits(srcs_hbm, dsts_hbm, csrc_hbm, cdst_hbm, boost_hbm,
               w_hbm, s0_hbm, s1_hbm,
               src_v, dst_v, srow_v, drow_v, wbuf_v, bvec_v, bounce_v,
               s_sp, sem):
    c = lax.axis_index("c")
    s = lax.axis_index("s")
    wid = s * NC + c
    base = wid * EPW

    _fill_rows(bounce_v, RSC, 1, 0.0)
    pltpu.sync_copy(bounce_v, s_sp.at[pl.ds(s * RSC, RSC)])
    plsc.subcore_barrier()
    pltpu.sync_copy(boost_hbm.at[0], bvec_v)
    bv = bvec_v[pl.ds(0, 16)]
    lanes = lax.iota(jnp.int32, 16)
    _fill_rows(wbuf_v, CH, 1, 0.0)

    def chunk(i, _):
        eb = base + i * CH
        pltpu.sync_copy(srcs_hbm.at[pl.ds(eb, CH)], src_v.at[0])
        pltpu.sync_copy(dsts_hbm.at[pl.ds(eb, CH)], dst_v.at[0])
        d1 = pltpu.async_copy(csrc_hbm.at[src_v.at[0]], srow_v, sem)
        d2 = pltpu.async_copy(cdst_hbm.at[dst_v.at[0]], drow_v, sem)
        d1.wait()
        d2.wait()

        def group(g, _):
            eids = g * 16 + lanes
            fs = jnp.zeros((16,), _F32)
            for j in range(D, TWO_D, 16):
                for d in range(16):
                    cidx = jnp.full((16,), j + d, jnp.int32)
                    a = plsc.load_gather(srow_v, [eids, cidx])
                    b = plsc.load_gather(drow_v, [eids, cidx])
                    fs = fs + a * b
            for h in range(H):
                acc = jnp.zeros((16,), _F32)
                for d in range(16):
                    cidx = jnp.full((16,), h * 16 + d, jnp.int32)
                    a = plsc.load_gather(srow_v, [eids, cidx])
                    b = plsc.load_gather(drow_v, [eids, cidx])
                    acc = acc + a * b
                wv = jnp.exp(acc * 0.25 + bv * fs)
                plsc.store_scatter(
                    wbuf_v, [eids, jnp.full((16,), h, jnp.int32)], wv)
            return 0

        lax.fori_loop(0, CH // 16, group, 0)
        pltpu.sync_copy(wbuf_v, w_hbm.at[pl.ds(eb, CH)])
        for g in range(CH // 16):
            iv = dst_v[0, pl.ds(g * 16, 16)]
            pltpu.sync_copy(wbuf_v.at[pl.ds(g * 16, 16)],
                            s_sp.at[iv], add=True)
        return 0

    lax.fori_loop(0, NCHUNK, chunk, 0)
    plsc.subcore_barrier()
    pltpu.sync_copy(s_sp.at[pl.ds(s * RSC, RSC)], bounce_v)

    @pl.when(c == 0)
    def _():
        pltpu.sync_copy(bounce_v, s0_hbm.at[pl.ds(s * RSC, RSC)])

    @pl.when(c == 1)
    def _():
        pltpu.sync_copy(bounce_v, s1_hbm.at[pl.ds(s * RSC, RSC)])


@functools.partial(
    pl.kernel,
    out_type=(
        jax.ShapeDtypeStruct((NPAD * H, DK), _F32),
        jax.ShapeDtypeStruct((NPAD * H, DK), _F32),
    ),
    mesh=_mesh(),
    compiler_params=pltpu.CompilerParams(
        use_tc_tiling_on_sc=False, needs_layout_passes=False),
    scratch_types=[
        pltpu.VMEM((1, CH), jnp.int32),
        pltpu.VMEM((1, CH), jnp.int32),
        pltpu.VMEM((CH, D), _F32),
        pltpu.VMEM((CH, 16), _F32),
        pltpu.VMEM((CH, 16), _F32),
        pltpu.VMEM((CH, 16), _F32),
        pltpu.VMEM((H, CH, 16), _F32),
        pltpu.VMEM((RSC, 16), _F32),
        pltpu.VMEM_SHARED((NPAD * H, DK), _F32),
        pltpu.SemaphoreType.DMA,
    ],
)
def _sc_messages(srcs_hbm, dsts_hbm, vt_hbm, w_hbm, s0_hbm, s1_hbm,
                 a0_hbm, a1_hbm,
                 src_v, dst_v, vrow_v, s0r_v, s1r_v, wbuf_v, tbuf_v, bounce_v,
                 agg_sp, sem):
    c = lax.axis_index("c")
    s = lax.axis_index("s")
    wid = s * NC + c
    base = wid * EPW

    _fill_rows(bounce_v, RSC, 1, 0.0)
    for p in range(H):
        pltpu.sync_copy(bounce_v, agg_sp.at[pl.ds((s * H + p) * RSC, RSC)])
    plsc.subcore_barrier()
    lanes = lax.iota(jnp.int32, 16)

    def chunk(i, _):
        eb = base + i * CH
        pltpu.sync_copy(srcs_hbm.at[pl.ds(eb, CH)], src_v.at[0])
        pltpu.sync_copy(dsts_hbm.at[pl.ds(eb, CH)], dst_v.at[0])
        pltpu.sync_copy(w_hbm.at[pl.ds(eb, CH)], wbuf_v)
        d1 = pltpu.async_copy(vt_hbm.at[src_v.at[0]], vrow_v, sem)
        d2 = pltpu.async_copy(s0_hbm.at[dst_v.at[0]], s0r_v, sem)
        d3 = pltpu.async_copy(s1_hbm.at[dst_v.at[0]], s1r_v, sem)
        d1.wait()
        d2.wait()
        d3.wait()

        def group(g, _):
            eids = g * 16 + lanes
            for h in range(H):
                hcol = jnp.full((16,), h, jnp.int32)
                w_c = plsc.load_gather(wbuf_v, [eids, hcol])
                s0c = plsc.load_gather(s0r_v, [eids, hcol])
                s1c = plsc.load_gather(s1r_v, [eids, hcol])
                attn = w_c / (s0c + s1c + 1e-12)
                for d in range(16):
                    cidx = jnp.full((16,), h * 16 + d, jnp.int32)
                    vv = plsc.load_gather(vrow_v, [eids, cidx])
                    plsc.store_scatter(
                        tbuf_v, [hcol, eids, jnp.full((16,), d, jnp.int32)],
                        vv * attn)
            return 0

        lax.fori_loop(0, CH // 16, group, 0)

        for j in range(H):
            for g in range(CH // 16):
                iv = dst_v[0, pl.ds(g * 16, 16)] * H + j
                pltpu.sync_copy(tbuf_v.at[j, pl.ds(g * 16, 16)],
                                agg_sp.at[iv], add=True)
        return 0

    lax.fori_loop(0, NCHUNK, chunk, 0)
    plsc.subcore_barrier()
    for p in range(H):
        pltpu.sync_copy(agg_sp.at[pl.ds((s * H + p) * RSC, RSC)], bounce_v)

        @pl.when(c == 0)
        def _():
            pltpu.sync_copy(bounce_v, a0_hbm.at[pl.ds((s * H + p) * RSC, RSC)])

        @pl.when(c == 1)
        def _():
            pltpu.sync_copy(bounce_v, a1_hbm.at[pl.ds((s * H + p) * RSC, RSC)])


def _tc_out_body(a0_r, a1_r, wa_r, ba_r, g_r, b_r, out_r):
    agg = a0_r[:] + a1_r[:]
    o = jnp.dot(agg, wa_r[:], preferred_element_type=_F32) + ba_r[:]
    mu = jnp.mean(o, axis=1, keepdims=True)
    var = jnp.mean((o - mu) ** 2, axis=1, keepdims=True)
    out_r[:] = (o - mu) * lax.rsqrt(var + 1e-5) * g_r[:] + b_r[:]


def _tc_out(a0, a1, Wa, ba, gamma, beta):
    return pl.pallas_call(
        _tc_out_body,
        grid=(_GB,),
        in_specs=[
            pl.BlockSpec((_RB, D), lambda i: (i, 0)),
            pl.BlockSpec((_RB, D), lambda i: (i, 0)),
            pl.BlockSpec((D, D), lambda i: (0, 0)),
            pl.BlockSpec((1, D), lambda i: (0, 0)),
            pl.BlockSpec((1, D), lambda i: (0, 0)),
            pl.BlockSpec((1, D), lambda i: (0, 0)),
        ],
        out_specs=pl.BlockSpec((_RB, D), lambda i: (i, 0)),
        out_shape=jax.ShapeDtypeStruct((N, D), _F32),
    )(a0, a1, Wa, ba.reshape(1, D), gamma.reshape(1, D), beta.reshape(1, D))


def _jnp_flags(src, dst):
    f = jnp.zeros((NPAD,), _F32).at[src].set(1.0).at[dst].set(1.0)
    f0 = jnp.broadcast_to(f[:, None], (NPAD, 16))
    return f0, jnp.zeros((NPAD, 16), _F32)


def _jnp_logits(src, dst, Csrc, Cdst, boost):
    srow = Csrc[src]
    drow = Cdst[dst]
    p = srow * drow
    att = p[:, :D].reshape(E, H, DK).sum(axis=2) * 0.25
    fs = p[:, D:].sum(axis=1, keepdims=True)
    w8 = jnp.exp(att + boost[0, 0] * fs)
    w = jnp.concatenate([w8, jnp.zeros((E, 8), _F32)], axis=1)
    s0 = jax.ops.segment_sum(w, dst, num_segments=NPAD)
    return w, s0, jnp.zeros((NPAD, 16), _F32)


def _jnp_messages(src, dst, vt, w, s0, s1):
    sv = (s0 + s1)[dst] + 1e-12
    attn = (w / sv)[:, :8]
    msg = vt[src].reshape(E, H, DK) * attn[:, :, None]
    a0 = jax.ops.segment_sum(msg.reshape(E, D), dst, num_segments=NPAD)
    return a0, jnp.zeros((NPAD, D), _F32)


def kernel(x, edge_index, Wk, bk, Wq, bq, Wv, bv, Wa, ba,
           rel_k, rel_q, rel_v, gamma, beta, feature_sim_boost):
    ei = edge_index.astype(jnp.int32)
    BDk = jax.scipy.linalg.block_diag(*rel_k)
    BDq = jax.scipy.linalg.block_diag(*rel_q)
    BDv = jax.scipy.linalg.block_diag(*rel_v)

    src = ei[0]
    dst = ei[1]
    f0, f1 = _sc_flags(src, dst)
    Csrc, Cdst, vt, boost = _tc_project(
        x, Wk, bk, Wq, bq, Wv, bv, BDk, BDq, BDv, f0, f1, feature_sim_boost)
    w, s0, s1 = _sc_logits(src, dst, Csrc, Cdst, boost)
    a0, a1 = _jnp_messages(src, dst, vt, w, s0, s1)
    a0 = a0[:N]
    a1 = a1[:N]
    return _tc_out(a0, a1, Wa, ba, gamma, beta)

# --- scband reference (transcript-rebuilt; emitter-appended) ---
"""Pipeline reference for scband-conversation-aware-hgtlayer-19413252177997 (READ-ONLY COPY).

The authoritative reference and input builder live on the scoring server;
editing this copy changes nothing except your own understanding.
"""

import jax, jax.numpy as jnp
import numpy as np

N = 10000
E = 320000
D = 128
H = 8
DK = D // H


def setup_inputs(seed: int = 0) -> dict:
    key = jax.random.key(seed)
    ks = jax.random.split(key, 16)
    x = jax.random.normal(ks[0], (N, D), dtype=jnp.float32)
    edge_index = jax.random.randint(ks[1], (2, E), 0, N)
    s = 0.05
    Wk = jax.random.normal(ks[2], (D, D), dtype=jnp.float32) * s
    bk = jnp.zeros((D,), dtype=jnp.float32)
    Wq = jax.random.normal(ks[3], (D, D), dtype=jnp.float32) * s
    bq = jnp.zeros((D,), dtype=jnp.float32)
    Wv = jax.random.normal(ks[4], (D, D), dtype=jnp.float32) * s
    bv = jnp.zeros((D,), dtype=jnp.float32)
    Wa = jax.random.normal(ks[5], (D, D), dtype=jnp.float32) * s
    ba = jnp.zeros((D,), dtype=jnp.float32)
    rel_k = jax.random.normal(ks[6], (H, DK, DK), dtype=jnp.float32) * (1.0 / np.sqrt(DK))
    rel_q = jax.random.normal(ks[7], (H, DK, DK), dtype=jnp.float32) * (1.0 / np.sqrt(DK))
    rel_v = jax.random.normal(ks[8], (H, DK, DK), dtype=jnp.float32) * (1.0 / np.sqrt(DK))
    gamma = jnp.ones((D,), dtype=jnp.float32)
    beta = jnp.zeros((D,), dtype=jnp.float32)
    feature_sim_boost = jnp.array([0.2], dtype=jnp.float32)
    return {
        'x': x, 'edge_index': edge_index,
        'Wk': Wk, 'bk': bk, 'Wq': Wq, 'bq': bq, 'Wv': Wv, 'bv': bv,
        'Wa': Wa, 'ba': ba,
        'rel_k': rel_k, 'rel_q': rel_q, 'rel_v': rel_v,
        'gamma': gamma, 'beta': beta,
        'feature_sim_boost': feature_sim_boost,
    }


def reference(x, edge_index, Wk, bk, Wq, bq, Wv, bv, Wa, ba, rel_k, rel_q, rel_v, gamma, beta, feature_sim_boost):
    src = edge_index[0]
    dst = edge_index[1]
    # degree computation (index_add of ones over src and dst for the single node type)
    deg = jnp.zeros((N,), dtype=jnp.float32).at[src].add(1.0).at[dst].add(1.0)
    sparsity = jnp.mean((deg == 0).astype(jnp.float32))
    # per-node-type k/q/v projections
    k = (x @ Wk + bk).reshape(N, H, DK)
    q = (x @ Wq + bq).reshape(N, H, DK)
    v = (x @ Wv + bv).reshape(N, H, DK)
    # gather per-edge (SparseCore gather)
    k_src = k[src]
    q_dst = q[dst]
    v_src = v[src]
    # relation-specific transforms (bmm over heads)
    k_t = jnp.einsum('ehd,hdf->ehf', k_src, rel_k)
    q_t = jnp.einsum('ehd,hdf->ehf', q_dst, rel_q)
    attention = jnp.sum(q_t * k_t, axis=2) / jnp.sqrt(float(DK))
    # feature-similarity boost applied when destination sparsity > 0.3 (edge_feat is None here)
    xs = x[src]
    xd = x[dst]
    sn = xs / jnp.maximum(jnp.linalg.norm(xs, axis=1, keepdims=True), 1e-12)
    dn = xd / jnp.maximum(jnp.linalg.norm(xd, axis=1, keepdims=True), 1e-12)
    feat_sim = jnp.sum(sn * dn, axis=1, keepdims=True)
    attention = jnp.where(sparsity > 0.3, attention + feature_sim_boost[0] * feat_sim, attention)
    # per-destination softmax (segment softmax over dst groups, same math as the unique-dst loop)
    m = jax.ops.segment_max(attention, dst, num_segments=N)
    m = jnp.where(jnp.isfinite(m), m, 0.0)
    e = jnp.exp(attention - m[dst])
    s = jax.ops.segment_sum(e, dst, num_segments=N)
    attn = e / (s[dst] + 1e-12)
    # dropout is identity in eval mode
    v_t = jnp.einsum('ehd,hdf->ehf', v_src, rel_v)
    message = v_t * attn[:, :, None]
    agg = jax.ops.segment_sum(message, dst, num_segments=N).reshape(N, D)
    out = agg @ Wa + ba
    # LayerNorm (use_norm=True)
    mu = out.mean(axis=-1, keepdims=True)
    var = ((out - mu) ** 2).mean(axis=-1, keepdims=True)
    out = (out - mu) / jnp.sqrt(var + 1e-5) * gamma + beta
    return out

if __name__ == "__main__":
    import jax
    _d = setup_inputs()
    print(jax.jit(kernel)(*tuple(_d.values())))

</pallas_src>

<mosaic_0001>
#map = affine_map<(d0, d1) -> (0)>
#map1 = affine_map<(d0, d1) -> (0, 0)>
module attributes {stable_mosaic.version = 14 : i64} {
  func.func @_sc_flags(%arg0: i32, %arg1: i32, %arg2: memref<320000xi32, #tpu.memory_space<hbm>>, %arg3: memref<320000xi32, #tpu.memory_space<hbm>>, %arg4: memref<10240x16xf32, #tpu.memory_space<hbm>>, %arg5: memref<10240x16xf32, #tpu.memory_space<hbm>>, %arg6: memref<1x80xi32, #tpu.memory_space<vmem>>, %arg7: memref<80x16xf32, #tpu.memory_space<vmem>>, %arg8: memref<640x16xf32, #tpu.memory_space<vmem>>, %arg9: memref<10240x16xf32, #tpu.memory_space<vmem_shared>>) attributes {dimension_semantics = [#tpu.dimension_semantics<core_parallel>, #tpu.dimension_semantics<subcore_parallel>], iteration_bounds = array<i64: 2, 16>, scalar_prefetch = 0 : i64, scratch_operands = 4 : i64, tpu.core_type = #tpu.core_type<sc_vector_subcore>, window_params = [{transform_indices = #map}, {transform_indices = #map}, {transform_indices = #map1}, {transform_indices = #map1}]} {
    %mul3A = arith.constant 2 : i32
    %mul3A_0 = arith.muli %arg1, %mul3A : i32
    %add3A = arith.addi %mul3A_0, %arg0 : i32
    %mul3A_1 = arith.constant 10000 : i32
    %mul3A_2 = arith.muli %add3A, %mul3A_1 : i32
    %broadcast_in_dim3A = arith.constant 0.000000e+00 : f32
    %broadcast_in_dim3A_3 = vector.broadcast %broadcast_in_dim3A : f32 to vector<16xf32>
    %scan3A = arith.constant 0 : i32
    %scan3A_4 = arith.constant 0 : i32
    %scan3A_5 = arith.constant 640 : i32
    %scan3A_6 = arith.addi %scan3A_4, %scan3A_5 : i32
    %scan3A_7 = arith.constant 1 : i32
    %scan3A_8 = scf.for %scan3A_38 = %scan3A_4 to %scan3A_6 step %scan3A_7 iter_args(%scan3A_39 = %scan3A) -> (i32)  : i32 {
      %swap3A = arith.index_cast %scan3A_38 : i32 to index
      %swap3A_40 = arith.constant 0 : index
      %swap3A_41 = tpu.vector_load %arg8[%swap3A, %swap3A_40] {strides = array<i32>} : memref<640x16xf32, #tpu.memory_space<vmem>>, vector<16xf32>,
      tpu.vector_store %arg8[%swap3A, %swap3A_40], %broadcast_in_dim3A_3 {strides = array<i32>} : memref<640x16xf32, #tpu.memory_space<vmem>>, vector<16xf32>,
      %scan3A_42 = arith.constant 0 : i32
      scf.yield %scan3A_42 : i32
    }
    %scan3A_9 = arith.constant 640 : i32
    %mul3A_10 = arith.constant 640 : i32
    %mul3A_11 = arith.muli %arg1, %mul3A_10 : i32
    "tpu.region"() ({
      %run_scoped3A = tpu.sem_alloc : memref<!tpu.dma_semaphore, #tpu.memory_space<semaphore_mem>>
      %dma_start3A = arith.constant 0 : i32
      %dma_start3A_38 = tpu.memref_slice %arg9[%mul3A_11, %dma_start3A] : memref<10240x16xf32, #tpu.memory_space<vmem_shared>> -> memref<640x16xf32, #tpu.memory_space<vmem_shared>>
      %dma_start3A_39 = arith.constant 0 : i32
      %dma_start3A_40 = tpu.memref_slice %arg9[%mul3A_11, %dma_start3A_39] : memref<10240x16xf32, #tpu.memory_space<vmem_shared>> -> memref<640x16xf32, #tpu.memory_space<vmem_shared>>
      tpu.enqueue_dma source(%arg8 : memref<640x16xf32, #tpu.memory_space<vmem>>) target(%dma_start3A_40 : memref<640x16xf32, #tpu.memory_space<vmem_shared>>) target_semaphore(%run_scoped3A : memref<!tpu.dma_semaphore, #tpu.memory_space<semaphore_mem>>)
      %dma_wait3A = arith.constant 0 : i32
      %dma_wait3A_41 = tpu.memref_slice %arg9[%mul3A_11, %dma_wait3A] : memref<10240x16xf32, #tpu.memory_space<vmem_shared>> -> memref<640x16xf32, #tpu.memory_space<vmem_shared>>
      %dma_wait3A_42 = arith.constant 0 : i32
      %dma_wait3A_43 = tpu.memref_slice %arg9[%mul3A_11, %dma_wait3A_42] : memref<10240x16xf32, #tpu.memory_space<vmem_shared>> -> memref<640x16xf32, #tpu.memory_space<vmem_shared>>
      tpu.wait_dma2 semaphore(%run_scoped3A : memref<!tpu.dma_semaphore, #tpu.memory_space<semaphore_mem>>) src(%arg8 : memref<640x16xf32, #tpu.memory_space<vmem>>) dst(%dma_wait3A_43 : memref<640x16xf32, #tpu.memory_space<vmem_shared>>)
      tpu.yield
    }) : () -> ()
    %barrier3A = arith.constant 0 : index
    tpu.barrier barrier_id(%barrier3A)
    %broadcast_in_dim3A_12 = arith.constant 1.000000e+00 : f32
    %broadcast_in_dim3A_13 = vector.broadcast %broadcast_in_dim3A_12 : f32 to vector<16xf32>
    %scan3A_14 = arith.constant 0 : i32
    %scan3A_15 = arith.constant 0 : i32
    %scan3A_16 = arith.constant 80 : i32
    %scan3A_17 = arith.addi %scan3A_15, %scan3A_16 : i32
    %scan3A_18 = arith.constant 1 : i32
    %scan3A_19 = scf.for %scan3A_38 = %scan3A_15 to %scan3A_17 step %scan3A_18 iter_args(%scan3A_39 = %scan3A_14) -> (i32)  : i32 {
      %swap3A = arith.index_cast %scan3A_38 : i32 to index
      %swap3A_40 = arith.constant 0 : index
      %swap3A_41 = tpu.vector_load %arg7[%swap3A, %swap3A_40] {strides = array<i32>} : memref<80x16xf32, #tpu.memory_space<vmem>>, vector<16xf32>,
      tpu.vector_store %arg7[%swap3A, %swap3A_40], %broadcast_in_dim3A_13 {strides = array<i32>} : memref<80x16xf32, #tpu.memory_space<vmem>>, vector<16xf32>,
      %scan3A_42 = arith.constant 0 : i32
      scf.yield %scan3A_42 : i32
    }
    %scan3A_20 = arith.constant 80 : i32
    %scan3A_21 = arith.constant 0 : i32
    %scan3A_22 = arith.constant 0 : i32
    %scan3A_23 = arith.constant 125 : i32
    %scan3A_24 = arith.addi %scan3A_22, %scan3A_23 : i32
    %scan3A_25 = arith.constant 1 : i32
    %scan3A_26 = scf.for %scan3A_38 = %scan3A_22 to %scan3A_24 step %scan3A_25 iter_args(%scan3A_39 = %scan3A_21) -> (i32)  : i32 {
      %mul3A_40 = arith.constant 80 : i32
      %mul3A_41 = arith.muli %scan3A_38, %mul3A_40 : i32
      %add3A_42 = arith.addi %mul3A_2, %mul3A_41 : i32
      %run_scoped3A = arith.constant 0 : i32
      "tpu.region"() ({
        %run_scoped3A_84 = tpu.sem_alloc : memref<!tpu.dma_semaphore, #tpu.memory_space<semaphore_mem>>
        %dma_start3A = arith.constant 0 : i32
        %dma_start3A_85 = tpu.memref_slice %arg6[%run_scoped3A, %dma_start3A] : memref<1x80xi32, #tpu.memory_space<vmem>> -> memref<1x80xi32, #tpu.memory_space<vmem>>
        %dma_start3A_86 = tpu.memref_squeeze %dma_start3A_85 : memref<1x80xi32, #tpu.memory_space<vmem>> -> memref<80xi32, #tpu.memory_space<vmem>>
        %dma_start3A_87 = tpu.memref_slice %arg2[%add3A_42] : memref<320000xi32, #tpu.memory_space<hbm>> -> memref<80xi32, #tpu.memory_space<hbm>>
        %dma_start3A_88 = arith.constant 0 : i32
        %dma_start3A_89 = tpu.memref_slice %arg6[%run_scoped3A, %dma_start3A_88] : memref<1x80xi32, #tpu.memory_space<vmem>> -> memref<1x80xi32, #tpu.memory_space<vmem>>
        %dma_start3A_90 = tpu.memref_squeeze %dma_start3A_89 : memref<1x80xi32, #tpu.memory_space<vmem>> -> memref<80xi32, #tpu.memory_space<vmem>>
        %dma_start3A_91 = tpu.memref_slice %arg2[%add3A_42] : memref<320000xi32, #tpu.memory_space<hbm>> -> memref<80xi32, #tpu.memory_space<hbm>>
        tpu.enqueue_dma source(%dma_start3A_91 : memref<80xi32, #tpu.memory_space<hbm>>) target(%dma_start3A_90 : memref<80xi32, #tpu.memory_space<vmem>>) target_semaphore(%run_scoped3A_84 : memref<!tpu.dma_semaphore, #tpu.memory_space<semaphore_mem>>)
        %dma_wait3A = arith.constant 0 : i32
        %dma_wait3A_92 = tpu.memref_slice %arg6[%run_scoped3A, %dma_wait3A] : memref<1x80xi32, #tpu.memory_space<vmem>> -> memref<1x80xi32, #tpu.memory_space<vmem>>
        %dma_wait3A_93 = tpu.memref_squeeze %dma_wait3A_92 : memref<1x80xi32, #tpu.memory_space<vmem>> -> memref<80xi32, #tpu.memory_space<vmem>>
        %dma_wait3A_94 = tpu.memref_slice %arg2[%add3A_42] : memref<320000xi32, #tpu.memory_space<hbm>> -> memref<80xi32, #tpu.memory_space<hbm>>
        %dma_wait3A_95 = arith.constant 0 : i32
        %dma_wait3A_96 = tpu.memref_slice %arg6[%run_scoped3A, %dma_wait3A_95] : memref<1x80xi32, #tpu.memory_space<vmem>> -> memref<1x80xi32, #tpu.memory_space<vmem>>
        %dma_wait3A_97 = tpu.memref_squeeze %dma_wait3A_96 : memref<1x80xi32, #tpu.memory_space<vmem>> -> memref<80xi32, #tpu.memory_space<vmem>>
        %dma_wait3A_98 = tpu.memref_slice %arg2[%add3A_42] : memref<320000xi32, #tpu.memory_space<hbm>> -> memref<80xi32, #tpu.memory_space<hbm>>
        tpu.wait_dma2 semaphore(%run_scoped3A_84 : memref<!tpu.dma_semaphore, #tpu.memory_space<semaphore_mem>>) src(%dma_wait3A_98 : memref<80xi32, #tpu.memory_space<hbm>>) dst(%dma_wait3A_97 : memref<80xi32, #tpu.memory_space<vmem>>)
        tpu.yield
      }) : () -> ()
      %get3A = arith.constant 0 : i32
      %get3A_43 = arith.index_cast %get3A : i32 to index
      %get3A_44 = arith.constant 0 : index
      %get3A_45 = tpu.vector_load %arg6[%get3A_43, %get3A_44] {strides = array<i32>} : memref<1x80xi32, #tpu.memory_space<vmem>>, vector<16xi32>,
      "tpu.region"() ({
        %run_scoped3A_84 = tpu.sem_alloc : memref<!tpu.dma_semaphore, #tpu.memory_space<semaphore_mem>>
        %dma_start3A = arith.constant 0 : i32
        %dma_start3A_85 = arith.constant 0 : i32
        %dma_start3A_86 = tpu.memref_slice %arg7[%dma_start3A, %dma_start3A_85] : memref<80x16xf32, #tpu.memory_space<vmem>> -> memref<16x16xf32, #tpu.memory_space<vmem>>
        %dma_start3A_87 = arith.constant 0 : i32
        %dma_start3A_88 = arith.constant 0 : i32
        %dma_start3A_89 = tpu.memref_slice %arg9[%dma_start3A_87, %dma_start3A_88] : memref<10240x16xf32, #tpu.memory_space<vmem_shared>> -> memref<10240x16xf32, #tpu.memory_space<vmem_shared>>
        tpu.enqueue_indirect_dma source(%dma_start3A_86 : memref<16x16xf32, #tpu.memory_space<vmem>>) target(%dma_start3A_89 : memref<10240x16xf32, #tpu.memory_space<vmem_shared>>) offsets(%get3A_45 : vector<16xi32>) semaphore(%run_scoped3A_84 : memref<!tpu.dma_semaphore, #tpu.memory_space<semaphore_mem>>) {add = true}
        %dma_wait3A = arith.constant 0 : i32
        %dma_wait3A_90 = arith.constant 0 : i32
        %dma_wait3A_91 = tpu.memref_slice %arg7[%dma_wait3A, %dma_wait3A_90] : memref<80x16xf32, #tpu.memory_space<vmem>> -> memref<16x16xf32, #tpu.memory_space<vmem>>
        %dma_wait3A_92 = arith.constant 0 : i32
        %dma_wait3A_93 = arith.constant 0 : i32
        %dma_wait3A_94 = tpu.memref_slice %arg9[%dma_wait3A_92, %dma_wait3A_93] : memref<10240x16xf32, #tpu.memory_space<vmem_shared>> -> memref<10240x16xf32, #tpu.memory_space<vmem_shared>>
        tpu.wait_indirect_dma semaphore(%run_scoped3A_84 : memref<!tpu.dma_semaphore, #tpu.memory_space<semaphore_mem>>) src(%dma_wait3A_91 : memref<16x16xf32, #tpu.memory_space<vmem>>) dst(%dma_wait3A_94 : memref<10240x16xf32, #tpu.memory_space<vmem_shared>>)
        tpu.yield
      }) : () -> ()
      %get3A_46 = arith.constant 0 : i32
      %get3A_47 = arith.index_cast %get3A_46 : i32 to index
      %get3A_48 = arith.constant 16 : index
      %get3A_49 = tpu.vector_load %arg6[%get3A_47, %get3A_48] {strides = array<i32>} : memref<1x80xi32, #tpu.memory_space<vmem>>, vector<16xi32>,
      "tpu.region"() ({
        %run_scoped3A_84 = tpu.sem_alloc : memref<!tpu.dma_semaphore, #tpu.memory_space<semaphore_mem>>
        %dma_start3A = arith.constant 16 : i32
        %dma_start3A_85 = arith.constant 0 : i32
        %dma_start3A_86 = tpu.memref_slice %arg7[%dma_start3A, %dma_start3A_85] : memref<80x16xf32, #tpu.memory_space<vmem>> -> memref<16x16xf32, #tpu.memory_space<vmem>>
        %dma_start3A_87 = arith.constant 0 : i32
        %dma_start3A_88 = arith.constant 0 : i32
        %dma_start3A_89 = tpu.memref_slice %arg9[%dma_start3A_87, %dma_start3A_88] : memref<10240x16xf32, #tpu.memory_space<vmem_shared>> -> memref<10240x16xf32, #tpu.memory_space<vmem_shared>>
        tpu.enqueue_indirect_dma source(%dma_start3A_86 : memref<16x16xf32, #tpu.memory_space<vmem>>) target(%dma_start3A_89 : memref<10240x16xf32, #tpu.memory_space<vmem_shared>>) offsets(%get3A_49 : vector<16xi32>) semaphore(%run_scoped3A_84 : memref<!tpu.dma_semaphore, #tpu.memory_space<semaphore_mem>>) {add = true}
        %dma_wait3A = arith.constant 16 : i32
        %dma_wait3A_90 = arith.constant 0 : i32
        %dma_wait3A_91 = tpu.memref_slice %arg7[%dma_wait3A, %dma_wait3A_90] : memref<80x16xf32, #tpu.memory_space<vmem>> -> memref<16x16xf32, #tpu.memory_space<vmem>>
        %dma_wait3A_92 = arith.constant 0 : i32
        %dma_wait3A_93 = arith.constant 0 : i32
        %dma_wait3A_94 = tpu.memref_slice %arg9[%dma_wait3A_92, %dma_wait3A_93] : memref<10240x16xf32, #tpu.memory_space<vmem_shared>> -> memref<10240x16xf32, #tpu.memory_space<vmem_shared>>
        tpu.wait_indirect_dma semaphore(%run_scoped3A_84 : memref<!tpu.dma_semaphore, #tpu.memory_space<semaphore_mem>>) src(%dma_wait3A_91 : memref<16x16xf32, #tpu.memory_space<vmem>>) dst(%dma_wait3A_94 : memref<10240x16xf32, #tpu.memory_space<vmem_shared>>)
        tpu.yield
      }) : () -> ()
      %get3A_50 = arith.constant 0 : i32
      %get3A_51 = arith.index_cast %get3A_50 : i32 to index
      %get3A_52 = arith.constant 32 : index
      %get3A_53 = tpu.vector_load %arg6[%get3A_51, %get3A_52] {strides = array<i32>} : memref<1x80xi32, #tpu.memory_space<vmem>>, vector<16xi32>,
      "tpu.region"() ({
        %run_scoped3A_84 = tpu.sem_alloc : memref<!tpu.dma_semaphore, #tpu.memory_space<semaphore_mem>>
        %dma_start3A = arith.constant 32 : i32
        %dma_start3A_85 = arith.constant 0 : i32
        %dma_start3A_86 = tpu.memref_slice %arg7[%dma_start3A, %dma_start3A_85] : memref<80x16xf32, #tpu.memory_space<vmem>> -> memref<16x16xf32, #tpu.memory_space<vmem>>
        %dma_start3A_87 = arith.constant 0 : i32
        %dma_start3A_88 = arith.constant 0 : i32
        %dma_start3A_89 = tpu.memref_slice %arg9[%dma_start3A_87, %dma_start3A_88] : memref<10240x16xf32, #tpu.memory_space<vmem_shared>> -> memref<10240x16xf32, #tpu.memory_space<vmem_shared>>
        tpu.enqueue_indirect_dma source(%dma_start3A_86 : memref<16x16xf32, #tpu.memory_space<vmem>>) target(%dma_start3A_89 : memref<10240x16xf32, #tpu.memory_space<vmem_shared>>) offsets(%get3A_53 : vector<16xi32>) semaphore(%run_scoped3A_84 : memref<!tpu.dma_semaphore, #tpu.memory_space<semaphore_mem>>) {add = true}
        %dma_wait3A = arith.constant 32 : i32
        %dma_wait3A_90 = arith.constant 0 : i32
        %dma_wait3A_91 = tpu.memref_slice %arg7[%dma_wait3A, %dma_wait3A_90] : memref<80x16xf32, #tpu.memory_space<vmem>> -> memref<16x16xf32, #tpu.memory_space<vmem>>
        %dma_wait3A_92 = arith.constant 0 : i32
        %dma_wait3A_93 = arith.constant 0 : i32
        %dma_wait3A_94 = tpu.memref_slice %arg9[%dma_wait3A_92, %dma_wait3A_93] : memref<10240x16xf32, #tpu.memory_space<vmem_shared>> -> memref<10240x16xf32, #tpu.memory_space<vmem_shared>>
        tpu.wait_indirect_dma semaphore(%run_scoped3A_84 : memref<!tpu.dma_semaphore, #tpu.memory_space<semaphore_mem>>) src(%dma_wait3A_91 : memref<16x16xf32, #tpu.memory_space<vmem>>) dst(%dma_wait3A_94 : memref<10240x16xf32, #tpu.memory_space<vmem_shared>>)
        tpu.yield
      }) : () -> ()
      %get3A_54 = arith.constant 0 : i32
      %get3A_55 = arith.index_cast %get3A_54 : i32 to index
      %get3A_56 = arith.constant 48 : index
      %get3A_57 = tpu.vector_load %arg6[%get3A_55, %get3A_56] {strides = array<i32>} : memref<1x80xi32, #tpu.memory_space<vmem>>, vector<16xi32>,
      "tpu.region"() ({
        %run_scoped3A_84 = tpu.sem_alloc : memref<!tpu.dma_semaphore, #tpu.memory_space<semaphore_mem>>
        %dma_start3A = arith.constant 48 : i32
        %dma_start3A_85 = arith.constant 0 : i32
        %dma_start3A_86 = tpu.memref_slice %arg7[%dma_start3A, %dma_start3A_85] : memref<80x16xf32, #tpu.memory_space<vmem>> -> memref<16x16xf32, #tpu.memory_space<vmem>>
        %dma_start3A_87 = arith.constant 0 : i32
        %dma_start3A_88 = arith.constant 0 : i32
        %dma_start3A_89 = tpu.memref_slice %arg9[%dma_start3A_87, %dma_start3A_88] : memref<10240x16xf32, #tpu.memory_space<vmem_shared>> -> memref<10240x16xf32, #tpu.memory_space<vmem_shared>>
        tpu.enqueue_indirect_dma source(%dma_start3A_86 : memref<16x16xf32, #tpu.memory_space<vmem>>) target(%dma_start3A_89 : memref<10240x16xf32, #tpu.memory_space<vmem_shared>>) offsets(%get3A_57 : vector<16xi32>) semaphore(%run_scoped3A_84 : memref<!tpu.dma_semaphore, #tpu.memory_space<semaphore_mem>>) {add = true}
        %dma_wait3A = arith.constant 48 : i32
        %dma_wait3A_90 = arith.constant 0 : i32
        %dma_wait3A_91 = tpu.memref_slice %arg7[%dma_wait3A, %dma_wait3A_90] : memref<80x16xf32, #tpu.memory_space<vmem>> -> memref<16x16xf32, #tpu.memory_space<vmem>>
        %dma_wait3A_92 = arith.constant 0 : i32
        %dma_wait3A_93 = arith.constant 0 : i32
        %dma_wait3A_94 = tpu.memref_slice %arg9[%dma_wait3A_92, %dma_wait3A_93] : memref<10240x16xf32, #tpu.memory_space<vmem_shared>> -> memref<10240x16xf32, #tpu.memory_space<vmem_shared>>
        tpu.wait_indirect_dma semaphore(%run_scoped3A_84 : memref<!tpu.dma_semaphore, #tpu.memory_space<semaphore_mem>>) src(%dma_wait3A_91 : memref<16x16xf32, #tpu.memory_space<vmem>>) dst(%dma_wait3A_94 : memref<10240x16xf32, #tpu.memory_space<vmem_shared>>)
        tpu.yield
      }) : () -> ()
      %get3A_58 = arith.constant 0 : i32
      %get3A_59 = arith.index_cast %get3A_58 : i32 to index
      %get3A_60 = arith.constant 64 : index
      %get3A_61 = tpu.vector_load %arg6[%get3A_59, %get3A_60] {strides = array<i32>} : memref<1x80xi32, #tpu.memory_space<vmem>>, vector<16xi32>,
      "tpu.region"() ({
        %run_scoped3A_84 = tpu.sem_alloc : memref<!tpu.dma_semaphore, #tpu.memory_space<semaphore_mem>>
        %dma_start3A = arith.constant 64 : i32
        %dma_start3A_85 = arith.constant 0 : i32
        %dma_start3A_86 = tpu.memref_slice %arg7[%dma_start3A, %dma_start3A_85] : memref<80x16xf32, #tpu.memory_space<vmem>> -> memref<16x16xf32, #tpu.memory_space<vmem>>
        %dma_start3A_87 = arith.constant 0 : i32
        %dma_start3A_88 = arith.constant 0 : i32
        %dma_start3A_89 = tpu.memref_slice %arg9[%dma_start3A_87, %dma_start3A_88] : memref<10240x16xf32, #tpu.memory_space<vmem_shared>> -> memref<10240x16xf32, #tpu.memory_space<vmem_shared>>
        tpu.enqueue_indirect_dma source(%dma_start3A_86 : memref<16x16xf32, #tpu.memory_space<vmem>>) target(%dma_start3A_89 : memref<10240x16xf32, #tpu.memory_space<vmem_shared>>) offsets(%get3A_61 : vector<16xi32>) semaphore(%run_scoped3A_84 : memref<!tpu.dma_semaphore, #tpu.memory_space<semaphore_mem>>) {add = true}
        %dma_wait3A = arith.constant 64 : i32
        %dma_wait3A_90 = arith.constant 0 : i32
        %dma_wait3A_91 = tpu.memref_slice %arg7[%dma_wait3A, %dma_wait3A_90] : memref<80x16xf32, #tpu.memory_space<vmem>> -> memref<16x16xf32, #tpu.memory_space<vmem>>
        %dma_wait3A_92 = arith.constant 0 : i32
        %dma_wait3A_93 = arith.constant 0 : i32
        %dma_wait3A_94 = tpu.memref_slice %arg9[%dma_wait3A_92, %dma_wait3A_93] : memref<10240x16xf32, #tpu.memory_space<vmem_shared>> -> memref<10240x16xf32, #tpu.memory_space<vmem_shared>>
        tpu.wait_indirect_dma semaphore(%run_scoped3A_84 : memref<!tpu.dma_semaphore, #tpu.memory_space<semaphore_mem>>) src(%dma_wait3A_91 : memref<16x16xf32, #tpu.memory_space<vmem>>) dst(%dma_wait3A_94 : memref<10240x16xf32, #tpu.memory_space<vmem_shared>>)
        tpu.yield
      }) : () -> ()
      %run_scoped3A_62 = arith.constant 0 : i32
      "tpu.region"() ({
        %run_scoped3A_84 = tpu.sem_alloc : memref<!tpu.dma_semaphore, #tpu.memory_space<semaphore_mem>>
        %dma_start3A = arith.constant 0 : i32
        %dma_start3A_85 = tpu.memref_slice %arg6[%run_scoped3A_62, %dma_start3A] : memref<1x80xi32, #tpu.memory_space<vmem>> -> memref<1x80xi32, #tpu.memory_space<vmem>>
        %dma_start3A_86 = tpu.memref_squeeze %dma_start3A_85 : memref<1x80xi32, #tpu.memory_space<vmem>> -> memref<80xi32, #tpu.memory_space<vmem>>
        %dma_start3A_87 = tpu.memref_slice %arg3[%add3A_42] : memref<320000xi32, #tpu.memory_space<hbm>> -> memref<80xi32, #tpu.memory_space<hbm>>
        %dma_start3A_88 = arith.constant 0 : i32
        %dma_start3A_89 = tpu.memref_slice %arg6[%run_scoped3A_62, %dma_start3A_88] : memref<1x80xi32, #tpu.memory_space<vmem>> -> memref<1x80xi32, #tpu.memory_space<vmem>>
        %dma_start3A_90 = tpu.memref_squeeze %dma_start3A_89 : memref<1x80xi32, #tpu.memory_space<vmem>> -> memref<80xi32, #tpu.memory_space<vmem>>
        %dma_start3A_91 = tpu.memref_slice %arg3[%add3A_42] : memref<320000xi32, #tpu.memory_space<hbm>> -> memref<80xi32, #tpu.memory_space<hbm>>
        tpu.enqueue_dma source(%dma_start3A_91 : memref<80xi32, #tpu.memory_space<hbm>>) target(%dma_start3A_90 : memref<80xi32, #tpu.memory_space<vmem>>) target_semaphore(%run_scoped3A_84 : memref<!tpu.dma_semaphore, #tpu.memory_space<semaphore_mem>>)
        %dma_wait3A = arith.constant 0 : i32
        %dma_wait3A_92 = tpu.memref_slice %arg6[%run_scoped3A_62, %dma_wait3A] : memref<1x80xi32, #tpu.memory_space<vmem>> -> memref<1x80xi32, #tpu.memory_space<vmem>>
        %dma_wait3A_93 = tpu.memref_squeeze %dma_wait3A_92 : memref<1x80xi32, #tpu.memory_space<vmem>> -> memref<80xi32, #tpu.memory_space<vmem>>
        %dma_wait3A_94 = tpu.memref_slice %arg3[%add3A_42] : memref<320000xi32, #tpu.memory_space<hbm>> -> memref<80xi32, #tpu.memory_space<hbm>>
        %dma_wait3A_95 = arith.constant 0 : i32
        %dma_wait3A_96 = tpu.memref_slice %arg6[%run_scoped3A_62, %dma_wait3A_95] : memref<1x80xi32, #tpu.memory_space<vmem>> -> memref<1x80xi32, #tpu.memory_space<vmem>>
        %dma_wait3A_97 = tpu.memref_squeeze %dma_wait3A_96 : memref<1x80xi32, #tpu.memory_space<vmem>> -> memref<80xi32, #tpu.memory_space<vmem>>
        %dma_wait3A_98 = tpu.memref_slice %arg3[%add3A_42] : memref<320000xi32, #tpu.memory_space<hbm>> -> memref<80xi32, #tpu.memory_space<hbm>>
        tpu.wait_dma2 semaphore(%run_scoped3A_84 : memref<!tpu.dma_semaphore, #tpu.memory_space<semaphore_mem>>) src(%dma_wait3A_98 : memref<80xi32, #tpu.memory_space<hbm>>) dst(%dma_wait3A_97 : memref<80xi32, #tpu.memory_space<vmem>>)
        tpu.yield
      }) : () -> ()
      %get3A_63 = arith.constant 0 : i32
      %get3A_64 = arith.index_cast %get3A_63 : i32 to index
      %get3A_65 = arith.constant 0 : index
      %get3A_66 = tpu.vector_load %arg6[%get3A_64, %get3A_65] {strides = array<i32>} : memref<1x80xi32, #tpu.memory_space<vmem>>, vector<16xi32>,
      "tpu.region"() ({
        %run_scoped3A_84 = tpu.sem_alloc : memref<!tpu.dma_semaphore, #tpu.memory_space<semaphore_mem>>
        %dma_start3A = arith.constant 0 : i32
        %dma_start3A_85 = arith.constant 0 : i32
        %dma_start3A_86 = tpu.memref_slice %arg7[%dma_start3A, %dma_start3A_85] : memref<80x16xf32, #tpu.memory_space<vmem>> -> memref<16x16xf32, #tpu.memory_space<vmem>>
        %dma_start3A_87 = arith.constant 0 : i32
        %dma_start3A_88 = arith.constant 0 : i32
        %dma_start3A_89 = tpu.memref_slice %arg9[%dma_start3A_87, %dma_start3A_88] : memref<10240x16xf32, #tpu.memory_space<vmem_shared>> -> memref<10240x16xf32, #tpu.memory_space<vmem_shared>>
        tpu.enqueue_indirect_dma source(%dma_start3A_86 : memref<16x16xf32, #tpu.memory_space<vmem>>) target(%dma_start3A_89 : memref<10240x16xf32, #tpu.memory_space<vmem_shared>>) offsets(%get3A_66 : vector<16xi32>) semaphore(%run_scoped3A_84 : memref<!tpu.dma_semaphore, #tpu.memory_space<semaphore_mem>>) {add = true}
        %dma_wait3A = arith.constant 0 : i32
        %dma_wait3A_90 = arith.constant 0 : i32
        %dma_wait3A_91 = tpu.memref_slice %arg7[%dma_wait3A, %dma_wait3A_90] : memref<80x16xf32, #tpu.memory_space<vmem>> -> memref<16x16xf32, #tpu.memory_space<vmem>>
        %dma_wait3A_92 = arith.constant 0 : i32
        %dma_wait3A_93 = arith.constant 0 : i32
        %dma_wait3A_94 = tpu.memref_slice %arg9[%dma_wait3A_92, %dma_wait3A_93] : memref<10240x16xf32, #tpu.memory_space<vmem_shared>> -> memref<10240x16xf32, #tpu.memory_space<vmem_shared>>
        tpu.wait_indirect_dma semaphore(%run_scoped3A_84 : memref<!tpu.dma_semaphore, #tpu.memory_space<semaphore_mem>>) src(%dma_wait3A_91 : memref<16x16xf32, #tpu.memory_space<vmem>>) dst(%dma_wait3A_94 : memref<10240x16xf32, #tpu.memory_space<vmem_shared>>)
        tpu.yield
      }) : () -> ()
      %get3A_67 = arith.constant 0 : i32
      %get3A_68 = arith.index_cast %get3A_67 : i32 to index
      %get3A_69 = arith.constant 16 : index
      %get3A_70 = tpu.vector_load %arg6[%get3A_68, %get3A_69] {strides = array<i32>} : memref<1x80xi32, #tpu.memory_space<vmem>>, vector<16xi32>,
      "tpu.region"() ({
        %run_scoped3A_84 = tpu.sem_alloc : memref<!tpu.dma_semaphore, #tpu.memory_space<semaphore_mem>>
        %dma_start3A = arith.constant 16 : i32
        %dma_start3A_85 = arith.constant 0 : i32
        %dma_start3A_86 = tpu.memref_slice %arg7[%dma_start3A, %dma_start3A_85] : memref<80x16xf32, #tpu.memory_space<vmem>> -> memref<16x16xf32, #tpu.memory_space<vmem>>
        %dma_start3A_87 = arith.constant 0 : i32
        %dma_start3A_88 = arith.constant 0 : i32
        %dma_start3A_89 = tpu.memref_slice %arg9[%dma_start3A_87, %dma_start3A_88] : memref<10240x16xf32, #tpu.memory_space<vmem_shared>> -> memref<10240x16xf32, #tpu.memory_space<vmem_shared>>
        tpu.enqueue_indirect_dma source(%dma_start3A_86 : memref<16x16xf32, #tpu.memory_space<vmem>>) target(%dma_start3A_89 : memref<10240x16xf32, #tpu.memory_space<vmem_shared>>) offsets(%get3A_70 : vector<16xi32>) semaphore(%run_scoped3A_84 : memref<!tpu.dma_semaphore, #tpu.memory_space<semaphore_mem>>) {add = true}
        %dma_wait3A = arith.constant 16 : i32
        %dma_wait3A_90 = arith.constant 0 : i32
        %dma_wait3A_91 = tpu.memref_slice %arg7[%dma_wait3A, %dma_wait3A_90] : memref<80x16xf32, #tpu.memory_space<vmem>> -> memref<16x16xf32, #tpu.memory_space<vmem>>
        %dma_wait3A_92 = arith.constant 0 : i32
        %dma_wait3A_93 = arith.constant 0 : i32
        %dma_wait3A_94 = tpu.memref_slice %arg9[%dma_wait3A_92, %dma_wait3A_93] : memref<10240x16xf32, #tpu.memory_space<vmem_shared>> -> memref<10240x16xf32, #tpu.memory_space<vmem_shared>>
        tpu.wait_indirect_dma semaphore(%run_scoped3A_84 : memref<!tpu.dma_semaphore, #tpu.memory_space<semaphore_mem>>) src(%dma_wait3A_91 : memref<16x16xf32, #tpu.memory_space<vmem>>) dst(%dma_wait3A_94 : memref<10240x16xf32, #tpu.memory_space<vmem_shared>>)
        tpu.yield
      }) : () -> ()
      %get3A_71 = arith.constant 0 : i32
      %get3A_72 = arith.index_cast %get3A_71 : i32 to index
      %get3A_73 = arith.constant 32 : index
      %get3A_74 = tpu.vector_load %arg6[%get3A_72, %get3A_73] {strides = array<i32>} : memref<1x80xi32, #tpu.memory_space<vmem>>, vector<16xi32>,
      "tpu.region"() ({
        %run_scoped3A_84 = tpu.sem_alloc : memref<!tpu.dma_semaphore, #tpu.memory_space<semaphore_mem>>
        %dma_start3A = arith.constant 32 : i32
        %dma_start3A_85 = arith.constant 0 : i32
        %dma_start3A_86 = tpu.memref_slice %arg7[%dma_start3A, %dma_start3A_85] : memref<80x16xf32, #tpu.memory_space<vmem>> -> memref<16x16xf32, #tpu.memory_space<vmem>>
        %dma_start3A_87 = arith.constant 0 : i32
        %dma_start3A_88 = arith.constant 0 : i32
        %dma_start3A_89 = tpu.memref_slice %arg9[%dma_start3A_87, %dma_start3A_88] : memref<10240x16xf32, #tpu.memory_space<vmem_shared>> -> memref<10240x16xf32, #tpu.memory_space<vmem_shared>>
        tpu.enqueue_indirect_dma source(%dma_start3A_86 : memref<16x16xf32, #tpu.memory_space<vmem>>) target(%dma_start3A_89 : memref<10240x16xf32, #tpu.memory_space<vmem_shared>>) offsets(%get3A_74 : vector<16xi32>) semaphore(%run_scoped3A_84 : memref<!tpu.dma_semaphore, #tpu.memory_space<semaphore_mem>>) {add = true}
        %dma_wait3A = arith.constant 32 : i32
        %dma_wait3A_90 = arith.constant 0 : i32
        %dma_wait3A_91 = tpu.memref_slice %arg7[%dma_wait3A, %dma_wait3A_90] : memref<80x16xf32, #tpu.memory_space<vmem>> -> memref<16x16xf32, #tpu.memory_space<vmem>>
        %dma_wait3A_92 = arith.constant 0 : i32
        %dma_wait3A_93 = arith.constant 0 : i32
        %dma_wait3A_94 = tpu.memref_slice %arg9[%dma_wait3A_92, %dma_wait3A_93] : memref<10240x16xf32, #tpu.memory_space<vmem_shared>> -> memref<10240x16xf32, #tpu.memory_space<vmem_shared>>
        tpu.wait_indirect_dma semaphore(%run_scoped3A_84 : memref<!tpu.dma_semaphore, #tpu.memory_space<semaphore_mem>>) src(%dma_wait3A_91 : memref<16x16xf32, #tpu.memory_space<vmem>>) dst(%dma_wait3A_94 : memref<10240x16xf32, #tpu.memory_space<vmem_shared>>)
        tpu.yield
      }) : () -> ()
      %get3A_75 = arith.constant 0 : i32
      %get3A_76 = arith.index_cast %get3A_75 : i32 to index
      %get3A_77 = arith.constant 48 : index
      %get3A_78 = tpu.vector_load %arg6[%get3A_76, %get3A_77] {strides = array<i32>} : memref<1x80xi32, #tpu.memory_space<vmem>>, vector<16xi32>,
      "tpu.region"() ({
        %run_scoped3A_84 = tpu.sem_alloc : memref<!tpu.dma_semaphore, #tpu.memory_space<semaphore_mem>>
        %dma_start3A = arith.constant 48 : i32
        %dma_start3A_85 = arith.constant 0 : i32
        %dma_start3A_86 = tpu.memref_slice %arg7[%dma_start3A, %dma_start3A_85] : memref<80x16xf32, #tpu.memory_space<vmem>> -> memref<16x16xf32, #tpu.memory_space<vmem>>
        %dma_start3A_87 = arith.constant 0 : i32
        %dma_start3A_88 = arith.constant 0 : i32
        %dma_start3A_89 = tpu.memref_slice %arg9[%dma_start3A_87, %dma_start3A_88] : memref<10240x16xf32, #tpu.memory_space<vmem_shared>> -> memref<10240x16xf32, #tpu.memory_space<vmem_shared>>
        tpu.enqueue_indirect_dma source(%dma_start3A_86 : memref<16x16xf32, #tpu.memory_space<vmem>>) target(%dma_start3A_89 : memref<10240x16xf32, #tpu.memory_space<vmem_shared>>) offsets(%get3A_78 : vector<16xi32>) semaphore(%run_scoped3A_84 : memref<!tpu.dma_semaphore, #tpu.memory_space<semaphore_mem>>) {add = true}
        %dma_wait3A = arith.constant 48 : i32
        %dma_wait3A_90 = arith.constant 0 : i32
        %dma_wait3A_91 = tpu.memref_slice %arg7[%dma_wait3A, %dma_wait3A_90] : memref<80x16xf32, #tpu.memory_space<vmem>> -> memref<16x16xf32, #tpu.memory_space<vmem>>
        %dma_wait3A_92 = arith.constant 0 : i32
        %dma_wait3A_93 = arith.constant 0 : i32
        %dma_wait3A_94 = tpu.memref_slice %arg9[%dma_wait3A_92, %dma_wait3A_93] : memref<10240x16xf32, #tpu.memory_space<vmem_shared>> -> memref<10240x16xf32, #tpu.memory_space<vmem_shared>>
        tpu.wait_indirect_dma semaphore(%run_scoped3A_84 : memref<!tpu.dma_semaphore, #tpu.memory_space<semaphore_mem>>) src(%dma_wait3A_91 : memref<16x16xf32, #tpu.memory_space<vmem>>) dst(%dma_wait3A_94 : memref<10240x16xf32, #tpu.memory_space<vmem_shared>>)
        tpu.yield
      }) : () -> ()
      %get3A_79 = arith.constant 0 : i32
      %get3A_80 = arith.index_cast %get3A_79 : i32 to index
      %get3A_81 = arith.constant 64 : index
      %get3A_82 = tpu.vector_load %arg6[%get3A_80, %get3A_81] {strides = array<i32>} : memref<1x80xi32, #tpu.memory_space<vmem>>, vector<16xi32>,
      "tpu.region"() ({
        %run_scoped3A_84 = tpu.sem_alloc : memref<!tpu.dma_semaphore, #tpu.memory_space<semaphore_mem>>
        %dma_start3A = arith.constant 64 : i32
        %dma_start3A_85 = arith.constant 0 : i32
        %dma_start3A_86 = tpu.memref_slice %arg7[%dma_start3A, %dma_start3A_85] : memref<80x16xf32, #tpu.memory_space<vmem>> -> memref<16x16xf32, #tpu.memory_space<vmem>>
        %dma_start3A_87 = arith.constant 0 : i32
        %dma_start3A_88 = arith.constant 0 : i32
        %dma_start3A_89 = tpu.memref_slice %arg9[%dma_start3A_87, %dma_start3A_88] : memref<10240x16xf32, #tpu.memory_space<vmem_shared>> -> memref<10240x16xf32, #tpu.memory_space<vmem_shared>>
        tpu.enqueue_indirect_dma source(%dma_start3A_86 : memref<16x16xf32, #tpu.memory_space<vmem>>) target(%dma_start3A_89 : memref<10240x16xf32, #tpu.memory_space<vmem_shared>>) offsets(%get3A_82 : vector<16xi32>) semaphore(%run_scoped3A_84 : memref<!tpu.dma_semaphore, #tpu.memory_space<semaphore_mem>>) {add = true}
        %dma_wait3A = arith.constant 64 : i32
        %dma_wait3A_90 = arith.constant 0 : i32
        %dma_wait3A_91 = tpu.memref_slice %arg7[%dma_wait3A, %dma_wait3A_90] : memref<80x16xf32, #tpu.memory_space<vmem>> -> memref<16x16xf32, #tpu.memory_space<vmem>>
        %dma_wait3A_92 = arith.constant 0 : i32
        %dma_wait3A_93 = arith.constant 0 : i32
        %dma_wait3A_94 = tpu.memref_slice %arg9[%dma_wait3A_92, %dma_wait3A_93] : memref<10240x16xf32, #tpu.memory_space<vmem_shared>> -> memref<10240x16xf32, #tpu.memory_space<vmem_shared>>
        tpu.wait_indirect_dma semaphore(%run_scoped3A_84 : memref<!tpu.dma_semaphore, #tpu.memory_space<semaphore_mem>>) src(%dma_wait3A_91 : memref<16x16xf32, #tpu.memory_space<vmem>>) dst(%dma_wait3A_94 : memref<10240x16xf32, #tpu.memory_space<vmem_shared>>)
        tpu.yield
      }) : () -> ()
      %scan3A_83 = arith.constant 0 : i32
      scf.yield %scan3A_83 : i32
    }
    %scan3A_27 = arith.constant 125 : i32
    %barrier3A_28 = arith.constant 0 : index
    tpu.barrier barrier_id(%barrier3A_28)
    %mul3A_29 = arith.constant 640 : i32
    %mul3A_30 = arith.muli %arg1, %mul3A_29 : i32
    "tpu.region"() ({
      %run_scoped3A = tpu.sem_alloc : memref<!tpu.dma_semaphore, #tpu.memory_space<semaphore_mem>>
      %dma_start3A = arith.constant 0 : i32
      %dma_start3A_38 = tpu.memref_slice %arg9[%mul3A_30, %dma_start3A] : memref<10240x16xf32, #tpu.memory_space<vmem_shared>> -> memref<640x16xf32, #tpu.memory_space<vmem_shared>>
      %dma_start3A_39 = arith.constant 0 : i32
      %dma_start3A_40 = tpu.memref_slice %arg9[%mul3A_30, %dma_start3A_39] : memref<10240x16xf32, #tpu.memory_space<vmem_shared>> -> memref<640x16xf32, #tpu.memory_space<vmem_shared>>
      tpu.enqueue_dma source(%dma_start3A_40 : memref<640x16xf32, #tpu.memory_space<vmem_shared>>) target(%arg8 : memref<640x16xf32, #tpu.memory_space<vmem>>) target_semaphore(%run_scoped3A : memref<!tpu.dma_semaphore, #tpu.memory_space<semaphore_mem>>)
      %dma_wait3A = arith.constant 0 : i32
      %dma_wait3A_41 = tpu.memref_slice %arg9[%mul3A_30, %dma_wait3A] : memref<10240x16xf32, #tpu.memory_space<vmem_shared>> -> memref<640x16xf32, #tpu.memory_space<vmem_shared>>
      %dma_wait3A_42 = arith.constant 0 : i32
      %dma_wait3A_43 = tpu.memref_slice %arg9[%mul3A_30, %dma_wait3A_42] : memref<10240x16xf32, #tpu.memory_space<vmem_shared>> -> memref<640x16xf32, #tpu.memory_space<vmem_shared>>
      tpu.wait_dma2 semaphore(%run_scoped3A : memref<!tpu.dma_semaphore, #tpu.memory_space<semaphore_mem>>) src(%dma_wait3A_43 : memref<640x16xf32, #tpu.memory_space<vmem_shared>>) dst(%arg8 : memref<640x16xf32, #tpu.memory_space<vmem>>)
      tpu.yield
    }) : () -> ()
    %eq3A = arith.constant 0 : i32
    %eq3A_31 = arith.cmpi eq, %arg0, %eq3A : i32
    %convert_element_type3A = arith.extui %eq3A_31 : i1 to i32
    %cond3A = arith.constant 0 : i32
    %cond3A_32 = arith.cmpi ne, %convert_element_type3A, %cond3A : i32
    scf.if %cond3A_32 {
      %mul3A_38 = arith.constant 640 : i32
      %mul3A_39 = arith.muli %arg1, %mul3A_38 : i32
      "tpu.region"() ({
        %run_scoped3A = tpu.sem_alloc : memref<!tpu.dma_semaphore, #tpu.memory_space<semaphore_mem>>
        %dma_start3A = arith.constant 0 : i32
        %dma_start3A_40 = tpu.memref_slice %arg4[%mul3A_39, %dma_start3A] : memref<10240x16xf32, #tpu.memory_space<hbm>> -> memref<640x16xf32, #tpu.memory_space<hbm>>
        %dma_start3A_41 = arith.constant 0 : i32
        %dma_start3A_42 = tpu.memref_slice %arg4[%mul3A_39, %dma_start3A_41] : memref<10240x16xf32, #tpu.memory_space<hbm>> -> memref<640x16xf32, #tpu.memory_space<hbm>>
        tpu.enqueue_dma source(%arg8 : memref<640x16xf32, #tpu.memory_space<vmem>>) target(%dma_start3A_42 : memref<640x16xf32, #tpu.memory_space<hbm>>) target_semaphore(%run_scoped3A : memref<!tpu.dma_semaphore, #tpu.memory_space<semaphore_mem>>)
        %dma_wait3A = arith.constant 0 : i32
        %dma_wait3A_43 = tpu.memref_slice %arg4[%mul3A_39, %dma_wait3A] : memref<10240x16xf32, #tpu.memory_space<hbm>> -> memref<640x16xf32, #tpu.memory_space<hbm>>
        %dma_wait3A_44 = arith.constant 0 : i32
        %dma_wait3A_45 = tpu.memref_slice %arg4[%mul3A_39, %dma_wait3A_44] : memref<10240x16xf32, #tpu.memory_space<hbm>> -> memref<640x16xf32, #tpu.memory_space<hbm>>
        tpu.wait_dma2 semaphore(%run_scoped3A : memref<!tpu.dma_semaphore, #tpu.memory_space<semaphore_mem>>) src(%arg8 : memref<640x16xf32, #tpu.memory_space<vmem>>) dst(%dma_wait3A_45 : memref<640x16xf32, #tpu.memory_space<hbm>>)
        tpu.yield
      }) : () -> ()
    } else {
    }
    %eq3A_33 = arith.constant 1 : i32
    %eq3A_34 = arith.cmpi eq, %arg0, %eq3A_33 : i32
    %convert_element_type3A_35 = arith.extui %eq3A_34 : i1 to i32
    %cond3A_36 = arith.constant 0 : i32
    %cond3A_37 = arith.cmpi ne, %convert_element_type3A_35, %cond3A_36 : i32
    scf.if %cond3A_37 {
      %mul3A_38 = arith.constant 640 : i32
      %mul3A_39 = arith.muli %arg1, %mul3A_38 : i32
      "tpu.region"() ({
        %run_scoped3A = tpu.sem_alloc : memref<!tpu.dma_semaphore, #tpu.memory_space<semaphore_mem>>
        %dma_start3A = arith.constant 0 : i32
        %dma_start3A_40 = tpu.memref_slice %arg5[%mul3A_39, %dma_start3A] : memref<10240x16xf32, #tpu.memory_space<hbm>> -> memref<640x16xf32, #tpu.memory_space<hbm>>
        %dma_start3A_41 = arith.constant 0 : i32
        %dma_start3A_42 = tpu.memref_slice %arg5[%mul3A_39, %dma_start3A_41] : memref<10240x16xf32, #tpu.memory_space<hbm>> -> memref<640x16xf32, #tpu.memory_space<hbm>>
        tpu.enqueue_dma source(%arg8 : memref<640x16xf32, #tpu.memory_space<vmem>>) target(%dma_start3A_42 : memref<640x16xf32, #tpu.memory_space<hbm>>) target_semaphore(%run_scoped3A : memref<!tpu.dma_semaphore, #tpu.memory_space<semaphore_mem>>)
        %dma_wait3A = arith.constant 0 : i32
        %dma_wait3A_43 = tpu.memref_slice %arg5[%mul3A_39, %dma_wait3A] : memref<10240x16xf32, #tpu.memory_space<hbm>> -> memref<640x16xf32, #tpu.memory_space<hbm>>
        %dma_wait3A_44 = arith.constant 0 : i32
        %dma_wait3A_45 = tpu.memref_slice %arg5[%mul3A_39, %dma_wait3A_44] : memref<10240x16xf32, #tpu.memory_space<hbm>> -> memref<640x16xf32, #tpu.memory_space<hbm>>
        tpu.wait_dma2 semaphore(%run_scoped3A : memref<!tpu.dma_semaphore, #tpu.memory_space<semaphore_mem>>) src(%arg8 : memref<640x16xf32, #tpu.memory_space<vmem>>) dst(%dma_wait3A_45 : memref<640x16xf32, #tpu.memory_space<hbm>>)
        tpu.yield
      }) : () -> ()
    } else {
    }
    return
  }
}

#map = affine_map<(d0, d1) -> (0)>
#map1 = affine_map<(d0, d1) -> (0, 0)>
module attributes {stable_mosaic.version = 14 : i64} {
  func.func @_sc_logits(%arg0: i32, %arg1: i32, %arg2: memref<320000xi32, #tpu.memory_space<hbm>>, %arg3: memref<320000xi32, #tpu.memory_space<hbm>>, %arg4: memref<10000x256xf32, #tpu.memory_space<hbm>>, %arg5: memref<10000x256xf32, #tpu.memory_space<hbm>>, %arg6: memref<8x128xf32, #tpu.memory_space<hbm>>, %arg7: memref<320000x16xf32, #tpu.memory_space<hbm>>, %arg8: memref<10240x16xf32, #tpu.memory_space<hbm>>, %arg9: memref<10240x16xf32, #tpu.memory_space<hbm>>, %arg10: memref<1x80xi32, #tpu.memory_space<vmem>>, %arg11: memref<1x80xi32, #tpu.memory_space<vmem>>, %arg12: memref<80x256xf32, #tpu.memory_space<vmem>>, %arg13: memref<80x256xf32, #tpu.memory_space<vmem>>, %arg14: memref<80x16xf32, #tpu.memory_space<vmem>>, %arg15: memref<128xf32, #tpu.memory_space<vmem>>, %arg16: memref<640x16xf32, #tpu.memory_space<vmem>>, %arg17: memref<10240x16xf32, #tpu.memory_space<vmem_shared>>, %arg18: memref<!tpu.dma_semaphore, #tpu.memory_space<semaphore_mem>>) attributes {dimension_semantics = [#tpu.dimension_semantics<core_parallel>, #tpu.dimension_semantics<subcore_parallel>], iteration_bounds = array<i64: 2, 16>, scalar_prefetch = 0 : i64, scratch_operands = 9 : i64, tpu.core_type = #tpu.core_type<sc_vector_subcore>, window_params = [{transform_indices = #map}, {transform_indices = #map}, {transform_indices = #map1}, {transform_indices = #map1}, {transform_indices = #map1}, {transform_indices = #map1}, {transform_indices = #map1}, {transform_indices = #map1}]} {
    %mul3A = arith.constant 2 : i32
    %mul3A_0 = arith.muli %arg1, %mul3A : i32
    %add3A = arith.addi %mul3A_0, %arg0 : i32
    %mul3A_1 = arith.constant 10000 : i32
    %mul3A_2 = arith.muli %add3A, %mul3A_1 : i32
    %broadcast_in_dim3A = arith.constant 0.000000e+00 : f32
    %broadcast_in_dim3A_3 = vector.broadcast %broadcast_in_dim3A : f32 to vector<16xf32>
    %scan3A = arith.constant 0 : i32
    %scan3A_4 = arith.constant 0 : i32
    %scan3A_5 = arith.constant 640 : i32
    %scan3A_6 = arith.addi %scan3A_4, %scan3A_5 : i32
    %scan3A_7 = arith.constant 1 : i32
    %scan3A_8 = scf.for %scan3A_39 = %scan3A_4 to %scan3A_6 step %scan3A_7 iter_args(%scan3A_40 = %scan3A) -> (i32)  : i32 {
      %swap3A = arith.index_cast %scan3A_39 : i32 to index
      %swap3A_41 = arith.constant 0 : index
      %swap3A_42 = tpu.vector_load %arg16[%swap3A, %swap3A_41] {strides = array<i32>} : memref<640x16xf32, #tpu.memory_space<vmem>>, vector<16xf32>,
      tpu.vector_store %arg16[%swap3A, %swap3A_41], %broadcast_in_dim3A_3 {strides = array<i32>} : memref<640x16xf32, #tpu.memory_space<vmem>>, vector<16xf32>,
      %scan3A_43 = arith.constant 0 : i32
      scf.yield %scan3A_43 : i32
    }
    %scan3A_9 = arith.constant 640 : i32
    %mul3A_10 = arith.constant 640 : i32
    %mul3A_11 = arith.muli %arg1, %mul3A_10 : i32
    "tpu.region"() ({
      %run_scoped3A_39 = tpu.sem_alloc : memref<!tpu.dma_semaphore, #tpu.memory_space<semaphore_mem>>
      %dma_start3A = arith.constant 0 : i32
      %dma_start3A_40 = tpu.memref_slice %arg17[%mul3A_11, %dma_start3A] : memref<10240x16xf32, #tpu.memory_space<vmem_shared>> -> memref<640x16xf32, #tpu.memory_space<vmem_shared>>
      %dma_start3A_41 = arith.constant 0 : i32
      %dma_start3A_42 = tpu.memref_slice %arg17[%mul3A_11, %dma_start3A_41] : memref<10240x16xf32, #tpu.memory_space<vmem_shared>> -> memref<640x16xf32, #tpu.memory_space<vmem_shared>>
      tpu.enqueue_dma source(%arg16 : memref<640x16xf32, #tpu.memory_space<vmem>>) target(%dma_start3A_42 : memref<640x16xf32, #tpu.memory_space<vmem_shared>>) target_semaphore(%run_scoped3A_39 : memref<!tpu.dma_semaphore, #tpu.memory_space<semaphore_mem>>)
      %dma_wait3A = arith.constant 0 : i32
      %dma_wait3A_43 = tpu.memref_slice %arg17[%mul3A_11, %dma_wait3A] : memref<10240x16xf32, #tpu.memory_space<vmem_shared>> -> memref<640x16xf32, #tpu.memory_space<vmem_shared>>
      %dma_wait3A_44 = arith.constant 0 : i32
      %dma_wait3A_45 = tpu.memref_slice %arg17[%mul3A_11, %dma_wait3A_44] : memref<10240x16xf32, #tpu.memory_space<vmem_shared>> -> memref<640x16xf32, #tpu.memory_space<vmem_shared>>
      tpu.wait_dma2 semaphore(%run_scoped3A_39 : memref<!tpu.dma_semaphore, #tpu.memory_space<semaphore_mem>>) src(%arg16 : memref<640x16xf32, #tpu.memory_space<vmem>>) dst(%dma_wait3A_45 : memref<640x16xf32, #tpu.memory_space<vmem_shared>>)
      tpu.yield
    }) : () -> ()
    %barrier3A = arith.constant 0 : index
    tpu.barrier barrier_id(%barrier3A)
    %run_scoped3A = arith.constant 0 : i32
    "tpu.region"() ({
      %run_scoped3A_39 = tpu.sem_alloc : memref<!tpu.dma_semaphore, #tpu.memory_space<semaphore_mem>>
      %dma_start3A = arith.constant 0 : i32
      %dma_start3A_40 = tpu.memref_slice %arg6[%run_scoped3A, %dma_start3A] : memref<8x128xf32, #tpu.memory_space<hbm>> -> memref<1x128xf32, #tpu.memory_space<hbm>>
      %dma_start3A_41 = tpu.memref_squeeze %dma_start3A_40 : memref<1x128xf32, #tpu.memory_space<hbm>> -> memref<128xf32, #tpu.memory_space<hbm>>
      %dma_start3A_42 = arith.constant 0 : i32
      %dma_start3A_43 = tpu.memref_slice %arg6[%run_scoped3A, %dma_start3A_42] : memref<8x128xf32, #tpu.memory_space<hbm>> -> memref<1x128xf32, #tpu.memory_space<hbm>>
      %dma_start3A_44 = tpu.memref_squeeze %dma_start3A_43 : memref<1x128xf32, #tpu.memory_space<hbm>> -> memref<128xf32, #tpu.memory_space<hbm>>
      tpu.enqueue_dma source(%dma_start3A_44 : memref<128xf32, #tpu.memory_space<hbm>>) target(%arg15 : memref<128xf32, #tpu.memory_space<vmem>>) target_semaphore(%run_scoped3A_39 : memref<!tpu.dma_semaphore, #tpu.memory_space<semaphore_mem>>)
      %dma_wait3A = arith.constant 0 : i32
      %dma_wait3A_45 = tpu.memref_slice %arg6[%run_scoped3A, %dma_wait3A] : memref<8x128xf32, #tpu.memory_space<hbm>> -> memref<1x128xf32, #tpu.memory_space<hbm>>
      %dma_wait3A_46 = tpu.memref_squeeze %dma_wait3A_45 : memref<1x128xf32, #tpu.memory_space<hbm>> -> memref<128xf32, #tpu.memory_space<hbm>>
      %dma_wait3A_47 = arith.constant 0 : i32
      %dma_wait3A_48 = tpu.memref_slice %arg6[%run_scoped3A, %dma_wait3A_47] : memref<8x128xf32, #tpu.memory_space<hbm>> -> memref<1x128xf32, #tpu.memory_space<hbm>>
      %dma_wait3A_49 = tpu.memref_squeeze %dma_wait3A_48 : memref<1x128xf32, #tpu.memory_space<hbm>> -> memref<128xf32, #tpu.memory_space<hbm>>
      tpu.wait_dma2 semaphore(%run_scoped3A_39 : memref<!tpu.dma_semaphore, #tpu.memory_space<semaphore_mem>>) src(%dma_wait3A_49 : memref<128xf32, #tpu.memory_space<hbm>>) dst(%arg15 : memref<128xf32, #tpu.memory_space<vmem>>)
      tpu.yield
    }) : () -> ()
    %get3A = arith.constant 0 : index
    %get3A_12 = tpu.vector_load %arg15[%get3A] {strides = array<i32>} : memref<128xf32, #tpu.memory_space<vmem>>, vector<16xf32>,
    %iota3A = tpu.iota {dimensions = array<i32: 0>} : vector<16xi32>
    %broadcast_in_dim3A_13 = arith.constant 0.000000e+00 : f32
    %broadcast_in_dim3A_14 = vector.broadcast %broadcast_in_dim3A_13 : f32 to vector<16xf32>
    %scan3A_15 = arith.constant 0 : i32
    %scan3A_16 = arith.constant 0 : i32
    %scan3A_17 = arith.constant 80 : i32
    %scan3A_18 = arith.addi %scan3A_16, %scan3A_17 : i32
    %scan3A_19 = arith.constant 1 : i32
    %scan3A_20 = scf.for %scan3A_39 = %scan3A_16 to %scan3A_18 step %scan3A_19 iter_args(%scan3A_40 = %scan3A_15) -> (i32)  : i32 {
      %swap3A = arith.index_cast %scan3A_39 : i32 to index
      %swap3A_41 = arith.constant 0 : index
      %swap3A_42 = tpu.vector_load %arg14[%swap3A, %swap3A_41] {strides = array<i32>} : memref<80x16xf32, #tpu.memory_space<vmem>>, vector<16xf32>,
      tpu.vector_store %arg14[%swap3A, %swap3A_41], %broadcast_in_dim3A_14 {strides = array<i32>} : memref<80x16xf32, #tpu.memory_space<vmem>>, vector<16xf32>,
      %scan3A_43 = arith.constant 0 : i32
      scf.yield %scan3A_43 : i32
    }
    %scan3A_21 = arith.constant 80 : i32
    %scan3A_22 = arith.constant 0 : i32
    %scan3A_23 = arith.constant 0 : i32
    %scan3A_24 = arith.constant 125 : i32
    %scan3A_25 = arith.addi %scan3A_23, %scan3A_24 : i32
    %scan3A_26 = arith.constant 1 : i32
    %scan3A_27 = scf.for %scan3A_39 = %scan3A_23 to %scan3A_25 step %scan3A_26 iter_args(%scan3A_40 = %scan3A_22) -> (i32)  : i32 {
      %mul3A_41 = arith.constant 80 : i32
      %mul3A_42 = arith.muli %scan3A_39, %mul3A_41 : i32
      %add3A_43 = arith.addi %mul3A_2, %mul3A_42 : i32
      %run_scoped3A_44 = arith.constant 0 : i32
      "tpu.region"() ({
        %run_scoped3A_100 = tpu.sem_alloc : memref<!tpu.dma_semaphore, #tpu.memory_space<semaphore_mem>>
        %dma_start3A_101 = arith.constant 0 : i32
        %dma_start3A_102 = tpu.memref_slice %arg10[%run_scoped3A_44, %dma_start3A_101] : memref<1x80xi32, #tpu.memory_space<vmem>> -> memref<1x80xi32, #tpu.memory_space<vmem>>
        %dma_start3A_103 = tpu.memref_squeeze %dma_start3A_102 : memref<1x80xi32, #tpu.memory_space<vmem>> -> memref<80xi32, #tpu.memory_space<vmem>>
        %dma_start3A_104 = tpu.memref_slice %arg2[%add3A_43] : memref<320000xi32, #tpu.memory_space<hbm>> -> memref<80xi32, #tpu.memory_space<hbm>>
        %dma_start3A_105 = arith.constant 0 : i32
        %dma_start3A_106 = tpu.memref_slice %arg10[%run_scoped3A_44, %dma_start3A_105] : memref<1x80xi32, #tpu.memory_space<vmem>> -> memref<1x80xi32, #tpu.memory_space<vmem>>
        %dma_start3A_107 = tpu.memref_squeeze %dma_start3A_106 : memref<1x80xi32, #tpu.memory_space<vmem>> -> memref<80xi32, #tpu.memory_space<vmem>>
        %dma_start3A_108 = tpu.memref_slice %arg2[%add3A_43] : memref<320000xi32, #tpu.memory_space<hbm>> -> memref<80xi32, #tpu.memory_space<hbm>>
        tpu.enqueue_dma source(%dma_start3A_108 : memref<80xi32, #tpu.memory_space<hbm>>) target(%dma_start3A_107 : memref<80xi32, #tpu.memory_space<vmem>>) target_semaphore(%run_scoped3A_100 : memref<!tpu.dma_semaphore, #tpu.memory_space<semaphore_mem>>)
        %dma_wait3A_109 = arith.constant 0 : i32
        %dma_wait3A_110 = tpu.memref_slice %arg10[%run_scoped3A_44, %dma_wait3A_109] : memref<1x80xi32, #tpu.memory_space<vmem>> -> memref<1x80xi32, #tpu.memory_space<vmem>>
        %dma_wait3A_111 = tpu.memref_squeeze %dma_wait3A_110 : memref<1x80xi32, #tpu.memory_space<vmem>> -> memref<80xi32, #tpu.memory_space<vmem>>
        %dma_wait3A_112 = tpu.memref_slice %arg2[%add3A_43] : memref<320000xi32, #tpu.memory_space<hbm>> -> memref<80xi32, #tpu.memory_space<hbm>>
        %dma_wait3A_113 = arith.constant 0 : i32
        %dma_wait3A_114 = tpu.memref_slice %arg10[%run_scoped3A_44, %dma_wait3A_113] : memref<1x80xi32, #tpu.memory_space<vmem>> -> memref<1x80xi32, #tpu.memory_space<vmem>>
        %dma_wait3A_115 = tpu.memref_squeeze %dma_wait3A_114 : memref<1x80xi32, #tpu.memory_space<vmem>> -> memref<80xi32, #tpu.memory_space<vmem>>
        %dma_wait3A_116 = tpu.memref_slice %arg2[%add3A_43] : memref<320000xi32, #tpu.memory_space<hbm>> -> memref<80xi32, #tpu.memory_space<hbm>>
        tpu.wait_dma2 semaphore(%run_scoped3A_100 : memref<!tpu.dma_semaphore, #tpu.memory_space<semaphore_mem>>) src(%dma_wait3A_116 : memref<80xi32, #tpu.memory_space<hbm>>) dst(%dma_wait3A_115 : memref<80xi32, #tpu.memory_space<vmem>>)
        tpu.yield
      }) : () -> ()
      %run_scoped3A_45 = arith.constant 0 : i32
      "tpu.region"() ({
        %run_scoped3A_100 = tpu.sem_alloc : memref<!tpu.dma_semaphore, #tpu.memory_space<semaphore_mem>>
        %dma_start3A_101 = arith.constant 0 : i32
        %dma_start3A_102 = tpu.memref_slice %arg11[%run_scoped3A_45, %dma_start3A_101] : memref<1x80xi32, #tpu.memory_space<vmem>> -> memref<1x80xi32, #tpu.memory_space<vmem>>
        %dma_start3A_103 = tpu.memref_squeeze %dma_start3A_102 : memref<1x80xi32, #tpu.memory_space<vmem>> -> memref<80xi32, #tpu.memory_space<vmem>>
        %dma_start3A_104 = tpu.memref_slice %arg3[%add3A_43] : memref<320000xi32, #tpu.memory_space<hbm>> -> memref<80xi32, #tpu.memory_space<hbm>>
        %dma_start3A_105 = arith.constant 0 : i32
        %dma_start3A_106 = tpu.memref_slice %arg11[%run_scoped3A_45, %dma_start3A_105] : memref<1x80xi32, #tpu.memory_space<vmem>> -> memref<1x80xi32, #tpu.memory_space<vmem>>
        %dma_start3A_107 = tpu.memref_squeeze %dma_start3A_106 : memref<1x80xi32, #tpu.memory_space<vmem>> -> memref<80xi32, #tpu.memory_space<vmem>>
        %dma_start3A_108 = tpu.memref_slice %arg3[%add3A_43] : memref<320000xi32, #tpu.memory_space<hbm>> -> memref<80xi32, #tpu.memory_space<hbm>>
        tpu.enqueue_dma source(%dma_start3A_108 : memref<80xi32, #tpu.memory_space<hbm>>) target(%dma_start3A_107 : memref<80xi32, #tpu.memory_space<vmem>>) target_semaphore(%run_scoped3A_100 : memref<!tpu.dma_semaphore, #tpu.memory_space<semaphore_mem>>)
        %dma_wait3A_109 = arith.constant 0 : i32
        %dma_wait3A_110 = tpu.memref_slice %arg11[%run_scoped3A_45, %dma_wait3A_109] : memref<1x80xi32, #tpu.memory_space<vmem>> -> memref<1x80xi32, #tpu.memory_space<vmem>>
        %dma_wait3A_111 = tpu.memref_squeeze %dma_wait3A_110 : memref<1x80xi32, #tpu.memory_space<vmem>> -> memref<80xi32, #tpu.memory_space<vmem>>
        %dma_wait3A_112 = tpu.memref_slice %arg3[%add3A_43] : memref<320000xi32, #tpu.memory_space<hbm>> -> memref<80xi32, #tpu.memory_space<hbm>>
        %dma_wait3A_113 = arith.constant 0 : i32
        %dma_wait3A_114 = tpu.memref_slice %arg11[%run_scoped3A_45, %dma_wait3A_113] : memref<1x80xi32, #tpu.memory_space<vmem>> -> memref<1x80xi32, #tpu.memory_space<vmem>>
        %dma_wait3A_115 = tpu.memref_squeeze %dma_wait3A_114 : memref<1x80xi32, #tpu.memory_space<vmem>> -> memref<80xi32, #tpu.memory_space<vmem>>
        %dma_wait3A_116 = tpu.memref_slice %arg3[%add3A_43] : memref<320000xi32, #tpu.memory_space<hbm>> -> memref<80xi32, #tpu.memory_space<hbm>>
        tpu.wait_dma2 semaphore(%run_scoped3A_100 : memref<!tpu.dma_semaphore, #tpu.memory_space<semaphore_mem>>) src(%dma_wait3A_116 : memref<80xi32, #tpu.memory_space<hbm>>) dst(%dma_wait3A_115 : memref<80xi32, #tpu.memory_space<vmem>>)
        tpu.yield
      }) : () -> ()
      %dma_start3A = arith.constant 0 : i32
      %dma_start3A_46 = arith.constant 0 : i32
      %dma_start3A_47 = tpu.memref_slice %arg10[%dma_start3A, %dma_start3A_46] : memref<1x80xi32, #tpu.memory_space<vmem>> -> memref<1x80xi32, #tpu.memory_space<vmem>>
      %dma_start3A_48 = tpu.memref_squeeze %dma_start3A_47 : memref<1x80xi32, #tpu.memory_space<vmem>> -> memref<80xi32, #tpu.memory_space<vmem>>
      %dma_start3A_49 = arith.constant 0 : i32
      %dma_start3A_50 = arith.constant 0 : i32
      %dma_start3A_51 = tpu.memref_slice %arg4[%dma_start3A_49, %dma_start3A_50] : memref<10000x256xf32, #tpu.memory_space<hbm>> -> memref<10000x256xf32, #tpu.memory_space<hbm>>
      tpu.enqueue_indirect_dma source(%dma_start3A_51 : memref<10000x256xf32, #tpu.memory_space<hbm>>) target(%arg12 : memref<80x256xf32, #tpu.memory_space<vmem>>) offsets(%dma_start3A_48 : memref<80xi32, #tpu.memory_space<vmem>>) semaphore(%arg18 : memref<!tpu.dma_semaphore, #tpu.memory_space<semaphore_mem>>)
      %dma_start3A_52 = arith.constant 0 : i32
      %dma_start3A_53 = arith.constant 0 : i32
      %dma_start3A_54 = tpu.memref_slice %arg11[%dma_start3A_52, %dma_start3A_53] : memref<1x80xi32, #tpu.memory_space<vmem>> -> memref<1x80xi32, #tpu.memory_space<vmem>>
      %dma_start3A_55 = tpu.memref_squeeze %dma_start3A_54 : memref<1x80xi32, #tpu.memory_space<vmem>> -> memref<80xi32, #tpu.memory_space<vmem>>
      %dma_start3A_56 = arith.constant 0 : i32
      %dma_start3A_57 = arith.constant 0 : i32
      %dma_start3A_58 = tpu.memref_slice %arg5[%dma_start3A_56, %dma_start3A_57] : memref<10000x256xf32, #tpu.memory_space<hbm>> -> memref<10000x256xf32, #tpu.memory_space<hbm>>
      tpu.enqueue_indirect_dma source(%dma_start3A_58 : memref<10000x256xf32, #tpu.memory_space<hbm>>) target(%arg13 : memref<80x256xf32, #tpu.memory_space<vmem>>) offsets(%dma_start3A_55 : memref<80xi32, #tpu.memory_space<vmem>>) semaphore(%arg18 : memref<!tpu.dma_semaphore, #tpu.memory_space<semaphore_mem>>)
      %dma_wait3A = arith.constant 0 : i32
      %dma_wait3A_59 = arith.constant 0 : i32
      %dma_wait3A_60 = tpu.memref_slice %arg10[%dma_wait3A, %dma_wait3A_59] : memref<1x80xi32, #tpu.memory_space<vmem>> -> memref<1x80xi32, #tpu.memory_space<vmem>>
      %dma_wait3A_61 = tpu.memref_squeeze %dma_wait3A_60 : memref<1x80xi32, #tpu.memory_space<vmem>> -> memref<80xi32, #tpu.memory_space<vmem>>
      %dma_wait3A_62 = arith.constant 0 : i32
      %dma_wait3A_63 = arith.constant 0 : i32
      %dma_wait3A_64 = tpu.memref_slice %arg4[%dma_wait3A_62, %dma_wait3A_63] : memref<10000x256xf32, #tpu.memory_space<hbm>> -> memref<10000x256xf32, #tpu.memory_space<hbm>>
      tpu.wait_indirect_dma semaphore(%arg18 : memref<!tpu.dma_semaphore, #tpu.memory_space<semaphore_mem>>) src(%dma_wait3A_64 : memref<10000x256xf32, #tpu.memory_space<hbm>>) dst(%arg12 : memref<80x256xf32, #tpu.memory_space<vmem>>)
      %dma_wait3A_65 = arith.constant 0 : i32
      %dma_wait3A_66 = arith.constant 0 : i32
      %dma_wait3A_67 = tpu.memref_slice %arg11[%dma_wait3A_65, %dma_wait3A_66] : memref<1x80xi32, #tpu.memory_space<vmem>> -> memref<1x80xi32, #tpu.memory_space<vmem>>
      %dma_wait3A_68 = tpu.memref_squeeze %dma_wait3A_67 : memref<1x80xi32, #tpu.memory_space<vmem>> -> memref<80xi32, #tpu.memory_space<vmem>>
      %dma_wait3A_69 = arith.constant 0 : i32
      %dma_wait3A_70 = arith.constant 0 : i32
      %dma_wait3A_71 = tpu.memref_slice %arg5[%dma_wait3A_69, %dma_wait3A_70] : memref<10000x256xf32, #tpu.memory_space<hbm>> -> memref<10000x256xf32, #tpu.memory_space<hbm>>
      tpu.wait_indirect_dma semaphore(%arg18 : memref<!tpu.dma_semaphore, #tpu.memory_space<semaphore_mem>>) src(%dma_wait3A_71 : memref<10000x256xf32, #tpu.memory_space<hbm>>) dst(%arg13 : memref<80x256xf32, #tpu.memory_space<vmem>>)
      %scan3A_72 = arith.constant 0 : i32
      %scan3A_73 = arith.constant 0 : i32
      %scan3A_74 = arith.constant 5 : i32
      %scan3A_75 = arith.addi %scan3A_73, %scan3A_74 : i32
      %scan3A_76 = arith.constant 1 : i32
      %scan3A_77 = scf.for %scan3A_100 = %scan3A_73 to %scan3A_75 step %scan3A_76 iter_args(%scan3A_101 = %scan3A_72) -> (i32)  : i32 {
        %mul3A_102 = arith.constant 16 : i32
        %mul3A_103 = arith.muli %scan3A_100, %mul3A_102 : i32
        %add3A_104 = vector.broadcast %mul3A_103 : i32 to vector<16xi32>
        %add3A_105 = arith.addi %add3A_104, %iota3A : vector<16xi32>
        %broadcast_in_dim3A_106 = arith.constant 0.000000e+00 : f32
        %broadcast_in_dim3A_107 = vector.broadcast %broadcast_in_dim3A_106 : f32 to vector<16xf32>
        %broadcast_in_dim3A_108 = arith.constant 128 : i32
        %broadcast_in_dim3A_109 = vector.broadcast %broadcast_in_dim3A_108 : i32 to vector<16xi32>
        %gather3A = tpu.vector_load_idx %arg12[%add3A_105, %broadcast_in_dim3A_109] : memref<80x256xf32, #tpu.memory_space<vmem>>[vector<16xi32>, vector<16xi32>], vector<16xf32>,
        %gather3A_110 = tpu.vector_load_idx %arg13[%add3A_105, %broadcast_in_dim3A_109] : memref<80x256xf32, #tpu.memory_space<vmem>>[vector<16xi32>, vector<16xi32>], vector<16xf32>,
        %mul3A_111 = arith.mulf %gather3A, %gather3A_110 : vector<16xf32>
        %add3A_112 = arith.addf %broadcast_in_dim3A_107, %mul3A_111 : vector<16xf32>
        %broadcast_in_dim3A_113 = arith.constant 129 : i32
        %broadcast_in_dim3A_114 = vector.broadcast %broadcast_in_dim3A_113 : i32 to vector<16xi32>
        %gather3A_115 = tpu.vector_load_idx %arg12[%add3A_105, %broadcast_in_dim3A_114] : memref<80x256xf32, #tpu.memory_space<vmem>>[vector<16xi32>, vector<16xi32>], vector<16xf32>,
        %gather3A_116 = tpu.vector_load_idx %arg13[%add3A_105, %broadcast_in_dim3A_114] : memref<80x256xf32, #tpu.memory_space<vmem>>[vector<16xi32>, vector<16xi32>], vector<16xf32>,
        %mul3A_117 = arith.mulf %gather3A_115, %gather3A_116 : vector<16xf32>
        %add3A_118 = arith.addf %add3A_112, %mul3A_117 : vector<16xf32>
        %broadcast_in_dim3A_119 = arith.constant 130 : i32
        %broadcast_in_dim3A_120 = vector.broadcast %broadcast_in_dim3A_119 : i32 to vector<16xi32>
        %gather3A_121 = tpu.vector_load_idx %arg12[%add3A_105, %broadcast_in_dim3A_120] : memref<80x256xf32, #tpu.memory_space<vmem>>[vector<16xi32>, vector<16xi32>], vector<16xf32>,
        %gather3A_122 = tpu.vector_load_idx %arg13[%add3A_105, %broadcast_in_dim3A_120] : memref<80x256xf32, #tpu.memory_space<vmem>>[vector<16xi32>, vector<16xi32>], vector<16xf32>,
        %mul3A_123 = arith.mulf %gather3A_121, %gather3A_122 : vector<16xf32>
        %add3A_124 = arith.addf %add3A_118, %mul3A_123 : vector<16xf32>
        %broadcast_in_dim3A_125 = arith.constant 131 : i32
        %broadcast_in_dim3A_126 = vector.broadcast %broadcast_in_dim3A_125 : i32 to vector<16xi32>
        %gather3A_127 = tpu.vector_load_idx %arg12[%add3A_105, %broadcast_in_dim3A_126] : memref<80x256xf32, #tpu.memory_space<vmem>>[vector<16xi32>, vector<16xi32>], vector<16xf32>,
        %gather3A_128 = tpu.vector_load_idx %arg13[%add3A_105, %broadcast_in_dim3A_126] : memref<80x256xf32, #tpu.memory_space<vmem>>[vector<16xi32>, vector<16xi32>], vector<16xf32>,
        %mul3A_129 = arith.mulf %gather3A_127, %gather3A_128 : vector<16xf32>
        %add3A_130 = arith.addf %add3A_124, %mul3A_129 : vector<16xf32>
        %broadcast_in_dim3A_131 = arith.constant 132 : i32
        %broadcast_in_dim3A_132 = vector.broadcast %broadcast_in_dim3A_131 : i32 to vector<16xi32>
        %gather3A_133 = tpu.vector_load_idx %arg12[%add3A_105, %broadcast_in_dim3A_132] : memref<80x256xf32, #tpu.memory_space<vmem>>[vector<16xi32>, vector<16xi32>], vector<16xf32>,
        %gather3A_134 = tpu.vector_load_idx %arg13[%add3A_105, %broadcast_in_dim3A_132] : memref<80x256xf32, #tpu.memory_space<vmem>>[vector<16xi32>, vector<16xi32>], vector<16xf32>,
        %mul3A_135 = arith.mulf %gather3A_133, %gather3A_134 : vector<16xf32>
        %add3A_136 = arith.addf %add3A_130, %mul3A_135 : vector<16xf32>
        %broadcast_in_dim3A_137 = arith.constant 133 : i32
        %broadcast_in_dim3A_138 = vector.broadcast %broadcast_in_dim3A_137 : i32 to vector<16xi32>
        %gather3A_139 = tpu.vector_load_idx %arg12[%add3A_105, %broadcast_in_dim3A_138] : memref<80x256xf32, #tpu.memory_space<vmem>>[vector<16xi32>, vector<16xi32>], vector<16xf32>,
        %gather3A_140 = tpu.vector_load_idx %arg13[%add3A_105, %broadcast_in_dim3A_138] : memref<80x256xf32, #tpu.memory_space<vmem>>[vector<16xi32>, vector<16xi32>], vector<16xf32>,
        %mul3A_141 = arith.mulf %gather3A_139, %gather3A_140 : vector<16xf32>
        %add3A_142 = arith.addf %add3A_136, %mul3A_141 : vector<16xf32>
        %broadcast_in_dim3A_143 = arith.constant 134 : i32
        %broadcast_in_dim3A_144 = vector.broadcast %broadcast_in_dim3A_143 : i32 to vector<16xi32>
        %gather3A_145 = tpu.vector_load_idx %arg12[%add3A_105, %broadcast_in_dim3A_144] : memref<80x256xf32, #tpu.memory_space<vmem>>[vector<16xi32>, vector<16xi32>], vector<16xf32>,
        %gather3A_146 = tpu.vector_load_idx %arg13[%add3A_105, %broadcast_in_dim3A_144] : memref<80x256xf32, #tpu.memory_space<vmem>>[vector<16xi32>, vector<16xi32>], vector<16xf32>,
        %mul3A_147 = arith.mulf %gather3A_145, %gather3A_146 : vector<16xf32>
        %add3A_148 = arith.addf %add3A_142, %mul3A_147 : vector<16xf32>
        %broadcast_in_dim3A_149 = arith.constant 135 : i32
        %broadcast_in_dim3A_150 = vector.broadcast %broadcast_in_dim3A_149 : i32 to vector<16xi32>
        %gather3A_151 = tpu.vector_load_idx %arg12[%add3A_105, %broadcast_in_dim3A_150] : memref<80x256xf32, #tpu.memory_space<vmem>>[vector<16xi32>, vector<16xi32>], vector<16xf32>,
        %gather3A_152 = tpu.vector_load_idx %arg13[%add3A_105, %broadcast_in_dim3A_150] : memref<80x256xf32, #tpu.memory_space<vmem>>[vector<16xi32>, vector<16xi32>], vector<16xf32>,
        %mul3A_153 = arith.mulf %gather3A_151, %gather3A_152 : vector<16xf32>
        %add3A_154 = arith.addf %add3A_148, %mul3A_153 : vector<16xf32>
        %broadcast_in_dim3A_155 = arith.constant 136 : i32
        %broadcast_in_dim3A_156 = vector.broadcast %broadcast_in_dim3A_155 : i32 to vector<16xi32>
        %gather3A_157 = tpu.vector_load_idx %arg12[%add3A_105, %broadcast_in_dim3A_156] : memref<80x256xf32, #tpu.memory_space<vmem>>[vector<16xi32>, vector<16xi32>], vector<16xf32>,
        %gather3A_158 = tpu.vector_load_idx %arg13[%add3A_105, %broadcast_in_dim3A_156] : memref<80x256xf32, #tpu.memory_space<vmem>>[vector<16xi32>, vector<16xi32>], vector<16xf32>,
        %mul3A_159 = arith.mulf %gather3A_157, %gather3A_158 : vector<16xf32>
        %add3A_160 = arith.addf %add3A_154, %mul3A_159 : vector<16xf32>
        %broadcast_in_dim3A_161 = arith.constant 137 : i32
        %broadcast_in_dim3A_162 = vector.broadcast %broadcast_in_dim3A_161 : i32 to vector<16xi32>
        %gather3A_163 = tpu.vector_load_idx %arg12[%add3A_105, %broadcast_in_dim3A_162] : memref<80x256xf32, #tpu.memory_space<vmem>>[vector<16xi32>, vector<16xi32>], vector<16xf32>,
        %gather3A_164 = tpu.vector_load_idx %arg13[%add3A_105, %broadcast_in_dim3A_162] : memref<80x256xf32, #tpu.memory_space<vmem>>[vector<16xi32>, vector<16xi32>], vector<16xf32>,
        %mul3A_165 = arith.mulf %gather3A_163, %gather3A_164 : vector<16xf32>
        %add3A_166 = arith.addf %add3A_160, %mul3A_165 : vector<16xf32>
        %broadcast_in_dim3A_167 = arith.constant 138 : i32
        %broadcast_in_dim3A_168 = vector.broadcast %broadcast_in_dim3A_167 : i32 to vector<16xi32>
        %gather3A_169 = tpu.vector_load_idx %arg12[%add3A_105, %broadcast_in_dim3A_168] : memref<80x256xf32, #tpu.memory_space<vmem>>[vector<16xi32>, vector<16xi32>], vector<16xf32>,
        %gather3A_170 = tpu.vector_load_idx %arg13[%add3A_105, %broadcast_in_dim3A_168] : memref<80x256xf32, #tpu.memory_space<vmem>>[vector<16xi32>, vector<16xi32>], vector<16xf32>,
        %mul3A_171 = arith.mulf %gather3A_169, %gather3A_170 : vector<16xf32>
        %add3A_172 = arith.addf %add3A_166, %mul3A_171 : vector<16xf32>
        %broadcast_in_dim3A_173 = arith.constant 139 : i32
        %broadcast_in_dim3A_174 = vector.broadcast %broadcast_in_dim3A_173 : i32 to vector<16xi32>
        %gather3A_175 = tpu.vector_load_idx %arg12[%add3A_105, %broadcast_in_dim3A_174] : memref<80x256xf32, #tpu.memory_space<vmem>>[vector<16xi32>, vector<16xi32>], vector<16xf32>,
        %gather3A_176 = tpu.vector_load_idx %arg13[%add3A_105, %broadcast_in_dim3A_174] : memref<80x256xf32, #tpu.memory_space<vmem>>[vector<16xi32>, vector<16xi32>], vector<16xf32>,
        %mul3A_177 = arith.mulf %gather3A_175, %gather3A_176 : vector<16xf32>
        %add3A_178 = arith.addf %add3A_172, %mul3A_177 : vector<16xf32>
        %broadcast_in_dim3A_179 = arith.constant 140 : i32
        %broadcast_in_dim3A_180 = vector.broadcast %broadcast_in_dim3A_179 : i32 to vector<16xi32>
        %gather3A_181 = tpu.vector_load_idx %arg12[%add3A_105, %broadcast_in_dim3A_180] : memref<80x256xf32, #tpu.memory_space<vmem>>[vector<16xi32>, vector<16xi32>], vector<16xf32>,
        %gather3A_182 = tpu.vector_load_idx %arg13[%add3A_105, %broadcast_in_dim3A_180] : memref<80x256xf32, #tpu.memory_space<vmem>>[vector<16xi32>, vector<16xi32>], vector<16xf32>,
        %mul3A_183 = arith.mulf %gather3A_181, %gather3A_182 : vector<16xf32>
        %add3A_184 = arith.addf %add3A_178, %mul3A_183 : vector<16xf32>
        %broadcast_in_dim3A_185 = arith.constant 141 : i32
        %broadcast_in_dim3A_186 = vector.broadcast %broadcast_in_dim3A_185 : i32 to vector<16xi32>
        %gather3A_187 = tpu.vector_load_idx %arg12[%add3A_105, %broadcast_in_dim3A_186] : memref<80x256xf32, #tpu.memory_space<vmem>>[vector<16xi32>, vector<16xi32>], vector<16xf32>,
        %gather3A_188 = tpu.vector_load_idx %arg13[%add3A_105, %broadcast_in_dim3A_186] : memref<80x256xf32, #tpu.memory_space<vmem>>[vector<16xi32>, vector<16xi32>], vector<16xf32>,
        %mul3A_189 = arith.mulf %gather3A_187, %gather3A_188 : vector<16xf32>
        %add3A_190 = arith.addf %add3A_184, %mul3A_189 : vector<16xf32>
        %broadcast_in_dim3A_191 = arith.constant 142 : i32
        %broadcast_in_dim3A_192 = vector.broadcast %broadcast_in_dim3A_191 : i32 to vector<16xi32>
        %gather3A_193 = tpu.vector_load_idx %arg12[%add3A_105, %broadcast_in_dim3A_192] : memref<80x256xf32, #tpu.memory_space<vmem>>[vector<16xi32>, vector<16xi32>], vector<16xf32>,
        %gather3A_194 = tpu.vector_load_idx %arg13[%add3A_105, %broadcast_in_dim3A_192] : memref<80x256xf32, #tpu.memory_space<vmem>>[vector<16xi32>, vector<16xi32>], vector<16xf32>,
        %mul3A_195 = arith.mulf %gather3A_193, %gather3A_194 : vector<16xf32>
        %add3A_196 = arith.addf %add3A_190, %mul3A_195 : vector<16xf32>
        %broadcast_in_dim3A_197 = arith.constant 143 : i32
        %broadcast_in_dim3A_198 = vector.broadcast %broadcast_in_dim3A_197 : i32 to vector<16xi32>
        %gather3A_199 = tpu.vector_load_idx %arg12[%add3A_105, %broadcast_in_dim3A_198] : memref<80x256xf32, #tpu.memory_space<vmem>>[vector<16xi32>, vector<16xi32>], vector<16xf32>,
        %gather3A_200 = tpu.vector_load_idx %arg13[%add3A_105, %broadcast_in_dim3A_198] : memref<80x256xf32, #tpu.memory_space<vmem>>[vector<16xi32>, vector<16xi32>], vector<16xf32>,
        %mul3A_201 = arith.mulf %gather3A_199, %gather3A_200 : vector<16xf32>
        %add3A_202 = arith.addf %add3A_196, %mul3A_201 : vector<16xf32>
        %broadcast_in_dim3A_203 = arith.constant 144 : i32
        %broadcast_in_dim3A_204 = vector.broadcast %broadcast_in_dim3A_203 : i32 to vector<16xi32>
        %gather3A_205 = tpu.vector_load_idx %arg12[%add3A_105, %broadcast_in_dim3A_204] : memref<80x256xf32, #tpu.memory_space<vmem>>[vector<16xi32>, vector<16xi32>], vector<16xf32>,
        %gather3A_206 = tpu.vector_load_idx %arg13[%add3A_105, %broadcast_in_dim3A_204] : memref<80x256xf32, #tpu.memory_space<vmem>>[vector<16xi32>, vector<16xi32>], vector<16xf32>,
        %mul3A_207 = arith.mulf %gather3A_205, %gather3A_206 : vector<16xf32>
        %add3A_208 = arith.addf %add3A_202, %mul3A_207 : vector<16xf32>
        %broadcast_in_dim3A_209 = arith.constant 145 : i32
        %broadcast_in_dim3A_210 = vector.broadcast %broadcast_in_dim3A_209 : i32 to vector<16xi32>
        %gather3A_211 = tpu.vector_load_idx %arg12[%add3A_105, %broadcast_in_dim3A_210] : memref<80x256xf32, #tpu.memory_space<vmem>>[vector<16xi32>, vector<16xi32>], vector<16xf32>,
        %gather3A_212 = tpu.vector_load_idx %arg13[%add3A_105, %broadcast_in_dim3A_210] : memref<80x256xf32, #tpu.memory_space<vmem>>[vector<16xi32>, vector<16xi32>], vector<16xf32>,
        %mul3A_213 = arith.mulf %gather3A_211, %gather3A_212 : vector<16xf32>
        %add3A_214 = arith.addf %add3A_208, %mul3A_213 : vector<16xf32>
        %broadcast_in_dim3A_215 = arith.constant 146 : i32
        %broadcast_in_dim3A_216 = vector.broadcast %broadcast_in_dim3A_215 : i32 to vector<16xi32>
        %gather3A_217 = tpu.vector_load_idx %arg12[%add3A_105, %broadcast_in_dim3A_216] : memref<80x256xf32, #tpu.memory_space<vmem>>[vector<16xi32>, vector<16xi32>], vector<16xf32>,
        %gather3A_218 = tpu.vector_load_idx %arg13[%add3A_105, %broadcast_in_dim3A_216] : memref<80x256xf32, #tpu.memory_space<vmem>>[vector<16xi32>, vector<16xi32>], vector<16xf32>,
        %mul3A_219 = arith.mulf %gather3A_217, %gather3A_218 : vector<16xf32>
        %add3A_220 = arith.addf %add3A_214, %mul3A_219 : vector<16xf32>
        %broadcast_in_dim3A_221 = arith.constant 147 : i32
        %broadcast_in_dim3A_222 = vector.broadcast %broadcast_in_dim3A_221 : i32 to vector<16xi32>
        %gather3A_223 = tpu.vector_load_idx %arg12[%add3A_105, %broadcast_in_dim3A_222] : memref<80x256xf32, #tpu.memory_space<vmem>>[vector<16xi32>, vector<16xi32>], vector<16xf32>,
        %gather3A_224 = tpu.vector_load_idx %arg13[%add3A_105, %broadcast_in_dim3A_222] : memref<80x256xf32, #tpu.memory_space<vmem>>[vector<16xi32>, vector<16xi32>], vector<16xf32>,
        %mul3A_225 = arith.mulf %gather3A_223, %gather3A_224 : vector<16xf32>
        %add3A_226 = arith.addf %add3A_220, %mul3A_225 : vector<16xf32>
        %broadcast_in_dim3A_227 = arith.constant 148 : i32
        %broadcast_in_dim3A_228 = vector.broadcast %broadcast_in_dim3A_227 : i32 to vector<16xi32>
        %gather3A_229 = tpu.vector_load_idx %arg12[%add3A_105, %broadcast_in_dim3A_228] : memref<80x256xf32, #tpu.memory_space<vmem>>[vector<16xi32>, vector<16xi32>], vector<16xf32>,
        %gather3A_230 = tpu.vector_load_idx %arg13[%add3A_105, %broadcast_in_dim3A_228] : memref<80x256xf32, #tpu.memory_space<vmem>>[vector<16xi32>, vector<16xi32>], vector<16xf32>,
        %mul3A_231 = arith.mulf %gather3A_229, %gather3A_230 : vector<16xf32>
        %add3A_232 = arith.addf %add3A_226, %mul3A_231 : vector<16xf32>
        %broadcast_in_dim3A_233 = arith.constant 149 : i32
        %broadcast_in_dim3A_234 = vector.broadcast %broadcast_in_dim3A_233 : i32 to vector<16xi32>
        %gather3A_235 = tpu.vector_load_idx %arg12[%add3A_105, %broadcast_in_dim3A_234] : memref<80x256xf32, #tpu.memory_space<vmem>>[vector<16xi32>, vector<16xi32>], vector<16xf32>,
        %gather3A_236 = tpu.vector_load_idx %arg13[%add3A_105, %broadcast_in_dim3A_234] : memref<80x256xf32, #tpu.memory_space<vmem>>[vector<16xi32>, vector<16xi32>], vector<16xf32>,
        %mul3A_237 = arith.mulf %gather3A_235, %gather3A_236 : vector<16xf32>
        %add3A_238 = arith.addf %add3A_232, %mul3A_237 : vector<16xf32>
        %broadcast_in_dim3A_239 = arith.constant 150 : i32
        %broadcast_in_dim3A_240 = vector.broadcast %broadcast_in_dim3A_239 : i32 to vector<16xi32>
        %gather3A_241 = tpu.vector_load_idx %arg12[%add3A_105, %broadcast_in_dim3A_240] : memref<80x256xf32, #tpu.memory_space<vmem>>[vector<16xi32>, vector<16xi32>], vector<16xf32>,
        %gather3A_242 = tpu.vector_load_idx %arg13[%add3A_105, %broadcast_in_dim3A_240] : memref<80x256xf32, #tpu.memory_space<vmem>>[vector<16xi32>, vector<16xi32>], vector<16xf32>,
        %mul3A_243 = arith.mulf %gather3A_241, %gather3A_242 : vector<16xf32>
        %add3A_244 = arith.addf %add3A_238, %mul3A_243 : vector<16xf32>
        %broadcast_in_dim3A_245 = arith.constant 151 : i32
        %broadcast_in_dim3A_246 = vector.broadcast %broadcast_in_dim3A_245 : i32 to vector<16xi32>
        %gather3A_247 = tpu.vector_load_idx %arg12[%add3A_105, %broadcast_in_dim3A_246] : memref<80x256xf32, #tpu.memory_space<vmem>>[vector<16xi32>, vector<16xi32>], vector<16xf32>,
        %gather3A_248 = tpu.vector_load_idx %arg13[%add3A_105, %broadcast_in_dim3A_246] : memref<80x256xf32, #tpu.memory_space<vmem>>[vector<16xi32>, vector<16xi32>], vector<16xf32>,
        %mul3A_249 = arith.mulf %gather3A_247, %gather3A_248 : vector<16xf32>
        %add3A_250 = arith.addf %add3A_244, %mul3A_249 : vector<16xf32>
        %broadcast_in_dim3A_251 = arith.constant 152 : i32
        %broadcast_in_dim3A_252 = vector.broadcast %broadcast_in_dim3A_251 : i32 to vector<16xi32>
        %gather3A_253 = tpu.vector_load_idx %arg12[%add3A_105, %broadcast_in_dim3A_252] : memref<80x256xf32, #tpu.memory_space<vmem>>[vector<16xi32>, vector<16xi32>], vector<16xf32>,
        %gather3A_254 = tpu.vector_load_idx %arg13[%add3A_105, %broadcast_in_dim3A_252] : memref<80x256xf32, #tpu.memory_space<vmem>>[vector<16xi32>, vector<16xi32>], vector<16xf32>,
        %mul3A_255 = arith.mulf %gather3A_253, %gather3A_254 : vector<16xf32>
        %add3A_256 = arith.addf %add3A_250, %mul3A_255 : vector<16xf32>
        %broadcast_in_dim3A_257 = arith.constant 153 : i32
        %broadcast_in_dim3A_258 = vector.broadcast %broadcast_in_dim3A_257 : i32 to vector<16xi32>
        %gather3A_259 = tpu.vector_load_idx %arg12[%add3A_105, %broadcast_in_dim3A_258] : memref<80x256xf32, #tpu.memory_space<vmem>>[vector<16xi32>, vector<16xi32>], vector<16xf32>,
        %gather3A_260 = tpu.vector_load_idx %arg13[%add3A_105, %broadcast_in_dim3A_258] : memref<80x256xf32, #tpu.memory_space<vmem>>[vector<16xi32>, vector<16xi32>], vector<16xf32>,
        %mul3A_261 = arith.mulf %gather3A_259, %gather3A_260 : vector<16xf32>
        %add3A_262 = arith.addf %add3A_256, %mul3A_261 : vector<16xf32>
        %broadcast_in_dim3A_263 = arith.constant 154 : i32
        %broadcast_in_dim3A_264 = vector.broadcast %broadcast_in_dim3A_263 : i32 to vector<16xi32>
        %gather3A_265 = tpu.vector_load_idx %arg12[%add3A_105, %broadcast_in_dim3A_264] : memref<80x256xf32, #tpu.memory_space<vmem>>[vector<16xi32>, vector<16xi32>], vector<16xf32>,
        %gather3A_266 = tpu.vector_load_idx %arg13[%add3A_105, %broadcast_in_dim3A_264] : memref<80x256xf32, #tpu.memory_space<vmem>>[vector<16xi32>, vector<16xi32>], vector<16xf32>,
        %mul3A_267 = arith.mulf %gather3A_265, %gather3A_266 : vector<16xf32>
        %add3A_268 = arith.addf %add3A_262, %mul3A_267 : vector<16xf32>
        %broadcast_in_dim3A_269 = arith.constant 155 : i32
        %broadcast_in_dim3A_270 = vector.broadcast %broadcast_in_dim3A_269 : i32 to vector<16xi32>
        %gather3A_271 = tpu.vector_load_idx %arg12[%add3A_105, %broadcast_in_dim3A_270] : memref<80x256xf32, #tpu.memory_space<vmem>>[vector<16xi32>, vector<16xi32>], vector<16xf32>,
        %gather3A_272 = tpu.vector_load_idx %arg13[%add3A_105, %broadcast_in_dim3A_270] : memref<80x256xf32, #tpu.memory_space<vmem>>[vector<16xi32>, vector<16xi32>], vector<16xf32>,
        %mul3A_273 = arith.mulf %gather3A_271, %gather3A_272 : vector<16xf32>
        %add3A_274 = arith.addf %add3A_268, %mul3A_273 : vector<16xf32>
        %broadcast_in_dim3A_275 = arith.constant 156 : i32
        %broadcast_in_dim3A_276 = vector.broadcast %broadcast_in_dim3A_275 : i32 to vector<16xi32>
        %gather3A_277 = tpu.vector_load_idx %arg12[%add3A_105, %broadcast_in_dim3A_276] : memref<80x256xf32, #tpu.memory_space<vmem>>[vector<16xi32>, vector<16xi32>], vector<16xf32>,
        %gather3A_278 = tpu.vector_load_idx %arg13[%add3A_105, %broadcast_in_dim3A_276] : memref<80x256xf32, #tpu.memory_space<vmem>>[vector<16xi32>, vector<16xi32>], vector<16xf32>,
        %mul3A_279 = arith.mulf %gather3A_277, %gather3A_278 : vector<16xf32>
        %add3A_280 = arith.addf %add3A_274, %mul3A_279 : vector<16xf32>
        %broadcast_in_dim3A_281 = arith.constant 157 : i32
        %broadcast_in_dim3A_282 = vector.broadcast %broadcast_in_dim3A_281 : i32 to vector<16xi32>
        %gather3A_283 = tpu.vector_load_idx %arg12[%add3A_105, %broadcast_in_dim3A_282] : memref<80x256xf32, #tpu.memory_space<vmem>>[vector<16xi32>, vector<16xi32>], vector<16xf32>,
        %gather3A_284 = tpu.vector_load_idx %arg13[%add3A_105, %broadcast_in_dim3A_282] : memref<80x256xf32, #tpu.memory_space<vmem>>[vector<16xi32>, vector<16xi32>], vector<16xf32>,
        %mul3A_285 = arith.mulf %gather3A_283, %gather3A_284 : vector<16xf32>
        %add3A_286 = arith.addf %add3A_280, %mul3A_285 : vector<16xf32>
        %broadcast_in_dim3A_287 = arith.constant 158 : i32
        %broadcast_in_dim3A_288 = vector.broadcast %broadcast_in_dim3A_287 : i32 to vector<16xi32>
        %gather3A_289 = tpu.vector_load_idx %arg12[%add3A_105, %broadcast_in_dim3A_288] : memref<80x256xf32, #tpu.memory_space<vmem>>[vector<16xi32>, vector<16xi32>], vector<16xf32>,
        %gather3A_290 = tpu.vector_load_idx %arg13[%add3A_105, %broadcast_in_dim3A_288] : memref<80x256xf32, #tpu.memory_space<vmem>>[vector<16xi32>, vector<16xi32>], vector<16xf32>,
        %mul3A_291 = arith.mulf %gather3A_289, %gather3A_290 : vector<16xf32>
        %add3A_292 = arith.addf %add3A_286, %mul3A_291 : vector<16xf32>
        %broadcast_in_dim3A_293 = arith.constant 159 : i32
        %broadcast_in_dim3A_294 = vector.broadcast %broadcast_in_dim3A_293 : i32 to vector<16xi32>
        %gather3A_295 = tpu.vector_load_idx %arg12[%add3A_105, %broadcast_in_dim3A_294] : memref<80x256xf32, #tpu.memory_space<vmem>>[vector<16xi32>, vector<16xi32>], vector<16xf32>,
        %gather3A_296 = tpu.vector_load_idx %arg13[%add3A_105, %broadcast_in_dim3A_294] : memref<80x256xf32, #tpu.memory_space<vmem>>[vector<16xi32>, vector<16xi32>], vector<16xf32>,
        %mul3A_297 = arith.mulf %gather3A_295, %gather3A_296 : vector<16xf32>
        %add3A_298 = arith.addf %add3A_292, %mul3A_297 : vector<16xf32>
        %broadcast_in_dim3A_299 = arith.constant 160 : i32
        %broadcast_in_dim3A_300 = vector.broadcast %broadcast_in_dim3A_299 : i32 to vector<16xi32>
        %gather3A_301 = tpu.vector_load_idx %arg12[%add3A_105, %broadcast_in_dim3A_300] : memref<80x256xf32, #tpu.memory_space<vmem>>[vector<16xi32>, vector<16xi32>], vector<16xf32>,
        %gather3A_302 = tpu.vector_load_idx %arg13[%add3A_105, %broadcast_in_dim3A_300] : memref<80x256xf32, #tpu.memory_space<vmem>>[vector<16xi32>, vector<16xi32>], vector<16xf32>,
        %mul3A_303 = arith.mulf %gather3A_301, %gather3A_302 : vector<16xf32>
        %add3A_304 = arith.addf %add3A_298, %mul3A_303 : vector<16xf32>
        %broadcast_in_dim3A_305 = arith.constant 161 : i32
        %broadcast_in_dim3A_306 = vector.broadcast %broadcast_in_dim3A_305 : i32 to vector<16xi32>
        %gather3A_307 = tpu.vector_load_idx %arg12[%add3A_105, %broadcast_in_dim3A_306] : memref<80x256xf32, #tpu.memory_space<vmem>>[vector<16xi32>, vector<16xi32>], vector<16xf32>,
        %gather3A_308 = tpu.vector_load_idx %arg13[%add3A_105, %broadcast_in_dim3A_306] : memref<80x256xf32, #tpu.memory_space<vmem>>[vector<16xi32>, vector<16xi32>], vector<16xf32>,
        %mul3A_309 = arith.mulf %gather3A_307, %gather3A_308 : vector<16xf32>
        %add3A_310 = arith.addf %add3A_304, %mul3A_309 : vector<16xf32>
        %broadcast_in_dim3A_311 = arith.constant 162 : i32
        %broadcast_in_dim3A_312 = vector.broadcast %broadcast_in_dim3A_311 : i32 to vector<16xi32>
        %gather3A_313 = tpu.vector_load_idx %arg12[%add3A_105, %broadcast_in_dim3A_312] : memref<80x256xf32, #tpu.memory_space<vmem>>[vector<16xi32>, vector<16xi32>], vector<16xf32>,
        %gather3A_314 = tpu.vector_load_idx %arg13[%add3A_105, %broadcast_in_dim3A_312] : memref<80x256xf32, #tpu.memory_space<vmem>>[vector<16xi32>, vector<16xi32>], vector<16xf32>,
        %mul3A_315 = arith.mulf %gather3A_313, %gather3A_314 : vector<16xf32>
        %add3A_316 = arith.addf %add3A_310, %mul3A_315 : vector<16xf32>
        %broadcast_in_dim3A_317 = arith.constant 163 : i32
        %broadcast_in_dim3A_318 = vector.broadcast %broadcast_in_dim3A_317 : i32 to vector<16xi32>
        %gather3A_319 = tpu.vector_load_idx %arg12[%add3A_105, %broadcast_in_dim3A_318] : memref<80x256xf32, #tpu.memory_space<vmem>>[vector<16xi32>, vector<16xi32>], vector<16xf32>,
        %gather3A_320 = tpu.vector_load_idx %arg13[%add3A_105, %broadcast_in_dim3A_318] : memref<80x256xf32, #tpu.memory_space<vmem>>[vector<16xi32>, vector<16xi32>], vector<16xf32>,
        %mul3A_321 = arith.mulf %gather3A_319, %gather3A_320 : vector<16xf32>
        %add3A_322 = arith.addf %add3A_316, %mul3A_321 : vector<16xf32>
        %broadcast_in_dim3A_323 = arith.constant 164 : i32
        %broadcast_in_dim3A_324 = vector.broadcast %broadcast_in_dim3A_323 : i32 to vector<16xi32>
        %gather3A_325 = tpu.vector_load_idx %arg12[%add3A_105, %broadcast_in_dim3A_324] : memref<80x256xf32, #tpu.memory_space<vmem>>[vector<16xi32>, vector<16xi32>], vector<16xf32>,
        %gather3A_326 = tpu.vector_load_idx %arg13[%add3A_105, %broadcast_in_dim3A_324] : memref<80x256xf32, #tpu.memory_space<vmem>>[vector<16xi32>, vector<16xi32>], vector<16xf32>,
        %mul3A_327 = arith.mulf %gather3A_325, %gather3A_326 : vector<16xf32>
        %add3A_328 = arith.addf %add3A_322, %mul3A_327 : vector<16xf32>
        %broadcast_in_dim3A_329 = arith.constant 165 : i32
        %broadcast_in_dim3A_330 = vector.broadcast %broadcast_in_dim3A_329 : i32 to vector<16xi32>
        %gather3A_331 = tpu.vector_load_idx %arg12[%add3A_105, %broadcast_in_dim3A_330] : memref<80x256xf32, #tpu.memory_space<vmem>>[vector<16xi32>, vector<16xi32>], vector<16xf32>,
        %gather3A_332 = tpu.vector_load_idx %arg13[%add3A_105, %broadcast_in_dim3A_330] : memref<80x256xf32, #tpu.memory_space<vmem>>[vector<16xi32>, vector<16xi32>], vector<16xf32>,
        %mul3A_333 = arith.mulf %gather3A_331, %gather3A_332 : vector<16xf32>
        %add3A_334 = arith.addf %add3A_328, %mul3A_333 : vector<16xf32>
        %broadcast_in_dim3A_335 = arith.constant 166 : i32
        %broadcast_in_dim3A_336 = vector.broadcast %broadcast_in_dim3A_335 : i32 to vector<16xi32>
        %gather3A_337 = tpu.vector_load_idx %arg12[%add3A_105, %broadcast_in_dim3A_336] : memref<80x256xf32, #tpu.memory_space<vmem>>[vector<16xi32>, vector<16xi32>], vector<16xf32>,
        %gather3A_338 = tpu.vector_load_idx %arg13[%add3A_105, %broadcast_in_dim3A_336] : memref<80x256xf32, #tpu.memory_space<vmem>>[vector<16xi32>, vector<16xi32>], vector<16xf32>,
        %mul3A_339 = arith.mulf %gather3A_337, %gather3A_338 : vector<16xf32>
        %add3A_340 = arith.addf %add3A_334, %mul3A_339 : vector<16xf32>
        %broadcast_in_dim3A_341 = arith.constant 167 : i32
        %broadcast_in_dim3A_342 = vector.broadcast %broadcast_in_dim3A_341 : i32 to vector<16xi32>
        %gather3A_343 = tpu.vector_load_idx %arg12[%add3A_105, %broadcast_in_dim3A_342] : memref<80x256xf32, #tpu.memory_space<vmem>>[vector<16xi32>, vector<16xi32>], vector<16xf32>,
        %gather3A_344 = tpu.vector_load_idx %arg13[%add3A_105, %broadcast_in_dim3A_342] : memref<80x256xf32, #tpu.memory_space<vmem>>[vector<16xi32>, vector<16xi32>], vector<16xf32>,
        %mul3A_345 = arith.mulf %gather3A_343, %gather3A_344 : vector<16xf32>
        %add3A_346 = arith.addf %add3A_340, %mul3A_345 : vector<16xf32>
        %broadcast_in_dim3A_347 = arith.constant 168 : i32
        %broadcast_in_dim3A_348 = vector.broadcast %broadcast_in_dim3A_347 : i32 to vector<16xi32>
        %gather3A_349 = tpu.vector_load_idx %arg12[%add3A_105, %broadcast_in_dim3A_348] : memref<80x256xf32, #tpu.memory_space<vmem>>[vector<16xi32>, vector<16xi32>], vector<16xf32>,
        %gather3A_350 = tpu.vector_load_idx %arg13[%add3A_105, %broadcast_in_dim3A_348] : memref<80x256xf32, #tpu.memory_space<vmem>>[vector<16xi32>, vector<16xi32>], vector<16xf32>,
        %mul3A_351 = arith.mulf %gather3A_349, %gather3A_350 : vector<16xf32>
        %add3A_352 = arith.addf %add3A_346, %mul3A_351 : vector<16xf32>
        %broadcast_in_dim3A_353 = arith.constant 169 : i32
        %broadcast_in_dim3A_354 = vector.broadcast %broadcast_in_dim3A_353 : i32 to vector<16xi32>
        %gather3A_355 = tpu.vector_load_idx %arg12[%add3A_105, %broadcast_in_dim3A_354] : memref<80x256xf32, #tpu.memory_space<vmem>>[vector<16xi32>, vector<16xi32>], vector<16xf32>,
        %gather3A_356 = tpu.vector_load_idx %arg13[%add3A_105, %broadcast_in_dim3A_354] : memref<80x256xf32, #tpu.memory_space<vmem>>[vector<16xi32>, vector<16xi32>], vector<16xf32>,
        %mul3A_357 = arith.mulf %gather3A_355, %gather3A_356 : vector<16xf32>
        %add3A_358 = arith.addf %add3A_352, %mul3A_357 : vector<16xf32>
        %broadcast_in_dim3A_359 = arith.constant 170 : i32
        %broadcast_in_dim3A_360 = vector.broadcast %broadcast_in_dim3A_359 : i32 to vector<16xi32>
        %gather3A_361 = tpu.vector_load_idx %arg12[%add3A_105, %broadcast_in_dim3A_360] : memref<80x256xf32, #tpu.memory_space<vmem>>[vector<16xi32>, vector<16xi32>], vector<16xf32>,
        %gather3A_362 = tpu.vector_load_idx %arg13[%add3A_105, %broadcast_in_dim3A_360] : memref<80x256xf32, #tpu.memory_space<vmem>>[vector<16xi32>, vector<16xi32>], vector<16xf32>,
        %mul3A_363 = arith.mulf %gather3A_361, %gather3A_362 : vector<16xf32>
        %add3A_364 = arith.addf %add3A_358, %mul3A_363 : vector<16xf32>
        %broadcast_in_dim3A_365 = arith.constant 171 : i32
        %broadcast_in_dim3A_366 = vector.broadcast %broadcast_in_dim3A_365 : i32 to vector<16xi32>
        %gather3A_367 = tpu.vector_load_idx %arg12[%add3A_105, %broadcast_in_dim3A_366] : memref<80x256xf32, #tpu.memory_space<vmem>>[vector<16xi32>, vector<16xi32>], vector<16xf32>,
        %gather3A_368 = tpu.vector_load_idx %arg13[%add3A_105, %broadcast_in_dim3A_366] : memref<80x256xf32, #tpu.memory_space<vmem>>[vector<16xi32>, vector<16xi32>], vector<16xf32>,
        %mul3A_369 = arith.mulf %gather3A_367, %gather3A_368 : vector<16xf32>
        %add3A_370 = arith.addf %add3A_364, %mul3A_369 : vector<16xf32>
        %broadcast_in_dim3A_371 = arith.constant 172 : i32
        %broadcast_in_dim3A_372 = vector.broadcast %broadcast_in_dim3A_371 : i32 to vector<16xi32>
        %gather3A_373 = tpu.vector_load_idx %arg12[%add3A_105, %broadcast_in_dim3A_372] : memref<80x256xf32, #tpu.memory_space<vmem>>[vector<16xi32>, vector<16xi32>], vector<16xf32>,
        %gather3A_374 = tpu.vector_load_idx %arg13[%add3A_105, %broadcast_in_dim3A_372] : memref<80x256xf32, #tpu.memory_space<vmem>>[vector<16xi32>, vector<16xi32>], vector<16xf32>,
        %mul3A_375 = arith.mulf %gather3A_373, %gather3A_374 : vector<16xf32>
        %add3A_376 = arith.addf %add3A_370, %mul3A_375 : vector<16xf32>
        %broadcast_in_dim3A_377 = arith.constant 173 : i32
        %broadcast_in_dim3A_378 = vector.broadcast %broadcast_in_dim3A_377 : i32 to vector<16xi32>
        %gather3A_379 = tpu.vector_load_idx %arg12[%add3A_105, %broadcast_in_dim3A_378] : memref<80x256xf32, #tpu.memory_space<vmem>>[vector<16xi32>, vector<16xi32>], vector<16xf32>,
        %gather3A_380 = tpu.vector_load_idx %arg13[%add3A_105, %broadcast_in_dim3A_378] : memref<80x256xf32, #tpu.memory_space<vmem>>[vector<16xi32>, vector<16xi32>], vector<16xf32>,
        %mul3A_381 = arith.mulf %gather3A_379, %gather3A_380 : vector<16xf32>
        %add3A_382 = arith.addf %add3A_376, %mul3A_381 : vector<16xf32>
        %broadcast_in_dim3A_383 = arith.constant 174 : i32
        %broadcast_in_dim3A_384 = vector.broadcast %broadcast_in_dim3A_383 : i32 to vector<16xi32>
        %gather3A_385 = tpu.vector_load_idx %arg12[%add3A_105, %broadcast_in_dim3A_384] : memref<80x256xf32, #tpu.memory_space<vmem>>[vector<16xi32>, vector<16xi32>], vector<16xf32>,
        %gather3A_386 = tpu.vector_load_idx %arg13[%add3A_105, %broadcast_in_dim3A_384] : memref<80x256xf32, #tpu.memory_space<vmem>>[vector<16xi32>, vector<16xi32>], vector<16xf32>,
        %mul3A_387 = arith.mulf %gather3A_385, %gather3A_386 : vector<16xf32>
        %add3A_388 = arith.addf %add3A_382, %mul3A_387 : vector<16xf32>
        %broadcast_in_dim3A_389 = arith.constant 175 : i32
        %broadcast_in_dim3A_390 = vector.broadcast %broadcast_in_dim3A_389 : i32 to vector<16xi32>
        %gather3A_391 = tpu.vector_load_idx %arg12[%add3A_105, %broadcast_in_dim3A_390] : memref<80x256xf32, #tpu.memory_space<vmem>>[vector<16xi32>, vector<16xi32>], vector<16xf32>,
        %gather3A_392 = tpu.vector_load_idx %arg13[%add3A_105, %broadcast_in_dim3A_390] : memref<80x256xf32, #tpu.memory_space<vmem>>[vector<16xi32>, vector<16xi32>], vector<16xf32>,
        %mul3A_393 = arith.mulf %gather3A_391, %gather3A_392 : vector<16xf32>
        %add3A_394 = arith.addf %add3A_388, %mul3A_393 : vector<16xf32>
        %broadcast_in_dim3A_395 = arith.constant 176 : i32
        %broadcast_in_dim3A_396 = vector.broadcast %broadcast_in_dim3A_395 : i32 to vector<16xi32>
        %gather3A_397 = tpu.vector_load_idx %arg12[%add3A_105, %broadcast_in_dim3A_396] : memref<80x256xf32, #tpu.memory_space<vmem>>[vector<16xi32>, vector<16xi32>], vector<16xf32>,
        %gather3A_398 = tpu.vector_load_idx %arg13[%add3A_105, %broadcast_in_dim3A_396] : memref<80x256xf32, #tpu.memory_space<vmem>>[vector<16xi32>, vector<16xi32>], vector<16xf32>,
        %mul3A_399 = arith.mulf %gather3A_397, %gather3A_398 : vector<16xf32>
        %add3A_400 = arith.addf %add3A_394, %mul3A_399 : vector<16xf32>
        %broadcast_in_dim3A_401 = arith.constant 177 : i32
        %broadcast_in_dim3A_402 = vector.broadcast %broadcast_in_dim3A_401 : i32 to vector<16xi32>
        %gather3A_403 = tpu.vector_load_idx %arg12[%add3A_105, %broadcast_in_dim3A_402] : memref<80x256xf32, #tpu.memory_space<vmem>>[vector<16xi32>, vector<16xi32>], vector<16xf32>,
        %gather3A_404 = tpu.vector_load_idx %arg13[%add3A_105, %broadcast_in_dim3A_402] : memref<80x256xf32, #tpu.memory_space<vmem>>[vector<16xi32>, vector<16xi32>], vector<16xf32>,
        %mul3A_405 = arith.mulf %gather3A_403, %gather3A_404 : vector<16xf32>
        %add3A_406 = arith.addf %add3A_400, %mul3A_405 : vector<16xf32>
        %broadcast_in_dim3A_407 = arith.constant 178 : i32
        %broadcast_in_dim3A_408 = vector.broadcast %broadcast_in_dim3A_407 : i32 to vector<16xi32>
        %gather3A_409 = tpu.vector_load_idx %arg12[%add3A_105, %broadcast_in_dim3A_408] : memref<80x256xf32, #tpu.memory_space<vmem>>[vector<16xi32>, vector<16xi32>], vector<16xf32>,
        %gather3A_410 = tpu.vector_load_idx %arg13[%add3A_105, %broadcast_in_dim3A_408] : memref<80x256xf32, #tpu.memory_space<vmem>>[vector<16xi32>, vector<16xi32>], vector<16xf32>,
        %mul3A_411 = arith.mulf %gather3A_409, %gather3A_410 : vector<16xf32>
        %add3A_412 = arith.addf %add3A_406, %mul3A_411 : vector<16xf32>
        %broadcast_in_dim3A_413 = arith.constant 179 : i32
        %broadcast_in_dim3A_414 = vector.broadcast %broadcast_in_dim3A_413 : i32 to vector<16xi32>
        %gather3A_415 = tpu.vector_load_idx %arg12[%add3A_105, %broadcast_in_dim3A_414] : memref<80x256xf32, #tpu.memory_space<vmem>>[vector<16xi32>, vector<16xi32>], vector<16xf32>,
        %gather3A_416 = tpu.vector_load_idx %arg13[%add3A_105, %broadcast_in_dim3A_414] : memref<80x256xf32, #tpu.memory_space<vmem>>[vector<16xi32>, vector<16xi32>], vector<16xf32>,
        %mul3A_417 = arith.mulf %gather3A_415, %gather3A_416 : vector<16xf32>
        %add3A_418 = arith.addf %add3A_412, %mul3A_417 : vector<16xf32>
        %broadcast_in_dim3A_419 = arith.constant 180 : i32
        %broadcast_in_dim3A_420 = vector.broadcast %broadcast_in_dim3A_419 : i32 to vector<16xi32>
        %gather3A_421 = tpu.vector_load_idx %arg12[%add3A_105, %broadcast_in_dim3A_420] : memref<80x256xf32, #tpu.memory_space<vmem>>[vector<16xi32>, vector<16xi32>], vector<16xf32>,
        %gather3A_422 = tpu.vector_load_idx %arg13[%add3A_105, %broadcast_in_dim3A_420] : memref<80x256xf32, #tpu.memory_space<vmem>>[vector<16xi32>, vector<16xi32>], vector<16xf32>,
        %mul3A_423 = arith.mulf %gather3A_421, %gather3A_422 : vector<16xf32>
        %add3A_424 = arith.addf %add3A_418, %mul3A_423 : vector<16xf32>
        %broadcast_in_dim3A_425 = arith.constant 181 : i32
        %broadcast_in_dim3A_426 = vector.broadcast %broadcast_in_dim3A_425 : i32 to vector<16xi32>
        %gather3A_427 = tpu.vector_load_idx %arg12[%add3A_105, %broadcast_in_dim3A_426] : memref<80x256xf32, #tpu.memory_space<vmem>>[vector<16xi32>, vector<16xi32>], vector<16xf32>,
        %gather3A_428 = tpu.vector_load_idx %arg13[%add3A_105, %broadcast_in_dim3A_426] : memref<80x256xf32, #tpu.memory_space<vmem>>[vector<16xi32>, vector<16xi32>], vector<16xf32>,
        %mul3A_429 = arith.mulf %gather3A_427, %gather3A_428 : vector<16xf32>
        %add3A_430 = arith.addf %add3A_424, %mul3A_429 : vector<16xf32>
        %broadcast_in_dim3A_431 = arith.constant 182 : i32
        %broadcast_in_dim3A_432 = vector.broadcast %broadcast_in_dim3A_431 : i32 to vector<16xi32>
        %gather3A_433 = tpu.vector_load_idx %arg12[%add3A_105, %broadcast_in_dim3A_432] : memref<80x256xf32, #tpu.memory_space<vmem>>[vector<16xi32>, vector<16xi32>], vector<16xf32>,
        %gather3A_434 = tpu.vector_load_idx %arg13[%add3A_105, %broadcast_in_dim3A_432] : memref<80x256xf32, #tpu.memory_space<vmem>>[vector<16xi32>, vector<16xi32>], vector<16xf32>,
        %mul3A_435 = arith.mulf %gather3A_433, %gather3A_434 : vector<16xf32>
        %add3A_436 = arith.addf %add3A_430, %mul3A_435 : vector<16xf32>
        %broadcast_in_dim3A_437 = arith.constant 183 : i32
        %broadcast_in_dim3A_438 = vector.broadcast %broadcast_in_dim3A_437 : i32 to vector<16xi32>
        %gather3A_439 = tpu.vector_load_idx %arg12[%add3A_105, %broadcast_in_dim3A_438] : memref<80x256xf32, #tpu.memory_space<vmem>>[vector<16xi32>, vector<16xi32>], vector<16xf32>,
        %gather3A_440 = tpu.vector_load_idx %arg13[%add3A_105, %broadcast_in_dim3A_438] : memref<80x256xf32, #tpu.memory_space<vmem>>[vector<16xi32>, vector<16xi32>], vector<16xf32>,
        %mul3A_441 = arith.mulf %gather3A_439, %gather3A_440 : vector<16xf32>
        %add3A_442 = arith.addf %add3A_436, %mul3A_441 : vector<16xf32>
        %broadcast_in_dim3A_443 = arith.constant 184 : i32
        %broadcast_in_dim3A_444 = vector.broadcast %broadcast_in_dim3A_443 : i32 to vector<16xi32>
        %gather3A_445 = tpu.vector_load_idx %arg12[%add3A_105, %broadcast_in_dim3A_444] : memref<80x256xf32, #tpu.memory_space<vmem>>[vector<16xi32>, vector<16xi32>], vector<16xf32>,
        %gather3A_446 = tpu.vector_load_idx %arg13[%add3A_105, %broadcast_in_dim3A_444] : memref<80x256xf32, #tpu.memory_space<vmem>>[vector<16xi32>, vector<16xi32>], vector<16xf32>,
        %mul3A_447 = arith.mulf %gather3A_445, %gather3A_446 : vector<16xf32>
        %add3A_448 = arith.addf %add3A_442, %mul3A_447 : vector<16xf32>
        %broadcast_in_dim3A_449 = arith.constant 185 : i32
        %broadcast_in_dim3A_450 = vector.broadcast %broadcast_in_dim3A_449 : i32 to vector<16xi32>
        %gather3A_451 = tpu.vector_load_idx %arg12[%add3A_105, %broadcast_in_dim3A_450] : memref<80x256xf32, #tpu.memory_space<vmem>>[vector<16xi32>, vector<16xi32>], vector<16xf32>,
        %gather3A_452 = tpu.vector_load_idx %arg13[%add3A_105, %broadcast_in_dim3A_450] : memref<80x256xf32, #tpu.memory_space<vmem>>[vector<16xi32>, vector<16xi32>], vector<16xf32>,
        %mul3A_453 = arith.mulf %gather3A_451, %gather3A_452 : vector<16xf32>
        %add3A_454 = arith.addf %add3A_448, %mul3A_453 : vector<16xf32>
        %broadcast_in_dim3A_455 = arith.constant 186 : i32
        %broadcast_in_dim3A_456 = vector.broadcast %broadcast_in_dim3A_455 : i32 to vector<16xi32>
        %gather3A_457 = tpu.vector_load_idx %arg12[%add3A_105, %broadcast_in_dim3A_456] : memref<80x256xf32, #tpu.memory_space<vmem>>[vector<16xi32>, vector<16xi32>], vector<16xf32>,
        %gather3A_458 = tpu.vector_load_idx %arg13[%add3A_105, %broadcast_in_dim3A_456] : memref<80x256xf32, #tpu.memory_space<vmem>>[vector<16xi32>, vector<16xi32>], vector<16xf32>,
        %mul3A_459 = arith.mulf %gather3A_457, %gather3A_458 : vector<16xf32>
        %add3A_460 = arith.addf %add3A_454, %mul3A_459 : vector<16xf32>
        %broadcast_in_dim3A_461 = arith.constant 187 : i32
        %broadcast_in_dim3A_462 = vector.broadcast %broadcast_in_dim3A_461 : i32 to vector<16xi32>
        %gather3A_463 = tpu.vector_load_idx %arg12[%add3A_105, %broadcast_in_dim3A_462] : memref<80x256xf32, #tpu.memory_space<vmem>>[vector<16xi32>, vector<16xi32>], vector<16xf32>,
        %gather3A_464 = tpu.vector_load_idx %arg13[%add3A_105, %broadcast_in_dim3A_462] : memref<80x256xf32, #tpu.memory_space<vmem>>[vector<16xi32>, vector<16xi32>], vector<16xf32>,
        %mul3A_465 = arith.mulf %gather3A_463, %gather3A_464 : vector<16xf32>
        %add3A_466 = arith.addf %add3A_460, %mul3A_465 : vector<16xf32>
        %broadcast_in_dim3A_467 = arith.constant 188 : i32
        %broadcast_in_dim3A_468 = vector.broadcast %broadcast_in_dim3A_467 : i32 to vector<16xi32>
        %gather3A_469 = tpu.vector_load_idx %arg12[%add3A_105, %broadcast_in_dim3A_468] : memref<80x256xf32, #tpu.memory_space<vmem>>[vector<16xi32>, vector<16xi32>], vector<16xf32>,
        %gather3A_470 = tpu.vector_load_idx %arg13[%add3A_105, %broadcast_in_dim3A_468] : memref<80x256xf32, #tpu.memory_space<vmem>>[vector<16xi32>, vector<16xi32>], vector<16xf32>,
        %mul3A_471 = arith.mulf %gather3A_469, %gather3A_470 : vector<16xf32>
        %add3A_472 = arith.addf %add3A_466, %mul3A_471 : vector<16xf32>
        %broadcast_in_dim3A_473 = arith.constant 189 : i32
        %broadcast_in_dim3A_474 = vector.broadcast %broadcast_in_dim3A_473 : i32 to vector<16xi32>
        %gather3A_475 = tpu.vector_load_idx %arg12[%add3A_105, %broadcast_in_dim3A_474] : memref<80x256xf32, #tpu.memory_space<vmem>>[vector<16xi32>, vector<16xi32>], vector<16xf32>,
        %gather3A_476 = tpu.vector_load_idx %arg13[%add3A_105, %broadcast_in_dim3A_474] : memref<80x256xf32, #tpu.memory_space<vmem>>[vector<16xi32>, vector<16xi32>], vector<16xf32>,
        %mul3A_477 = arith.mulf %gather3A_475, %gather3A_476 : vector<16xf32>
        %add3A_478 = arith.addf %add3A_472, %mul3A_477 : vector<16xf32>
        %broadcast_in_dim3A_479 = arith.constant 190 : i32
        %broadcast_in_dim3A_480 = vector.broadcast %broadcast_in_dim3A_479 : i32 to vector<16xi32>
        %gather3A_481 = tpu.vector_load_idx %arg12[%add3A_105, %broadcast_in_dim3A_480] : memref<80x256xf32, #tpu.memory_space<vmem>>[vector<16xi32>, vector<16xi32>], vector<16xf32>,
        %gather3A_482 = tpu.vector_load_idx %arg13[%add3A_105, %broadcast_in_dim3A_480] : memref<80x256xf32, #tpu.memory_space<vmem>>[vector<16xi32>, vector<16xi32>], vector<16xf32>,
        %mul3A_483 = arith.mulf %gather3A_481, %gather3A_482 : vector<16xf32>
        %add3A_484 = arith.addf %add3A_478, %mul3A_483 : vector<16xf32>
        %broadcast_in_dim3A_485 = arith.constant 191 : i32
        %broadcast_in_dim3A_486 = vector.broadcast %broadcast_in_dim3A_485 : i32 to vector<16xi32>
        %gather3A_487 = tpu.vector_load_idx %arg12[%add3A_105, %broadcast_in_dim3A_486] : memref<80x256xf32, #tpu.memory_space<vmem>>[vector<16xi32>, vector<16xi32>], vector<16xf32>,
        %gather3A_488 = tpu.vector_load_idx %arg13[%add3A_105, %broadcast_in_dim3A_486] : memref<80x256xf32, #tpu.memory_space<vmem>>[vector<16xi32>, vector<16xi32>], vector<16xf32>,
        %mul3A_489 = arith.mulf %gather3A_487, %gather3A_488 : vector<16xf32>
        %add3A_490 = arith.addf %add3A_484, %mul3A_489 : vector<16xf32>
        %broadcast_in_dim3A_491 = arith.constant 192 : i32
        %broadcast_in_dim3A_492 = vector.broadcast %broadcast_in_dim3A_491 : i32 to vector<16xi32>
        %gather3A_493 = tpu.vector_load_idx %arg12[%add3A_105, %broadcast_in_dim3A_492] : memref<80x256xf32, #tpu.memory_space<vmem>>[vector<16xi32>, vector<16xi32>], vector<16xf32>,
        %gather3A_494 = tpu.vector_load_idx %arg13[%add3A_105, %broadcast_in_dim3A_492] : memref<80x256xf32, #tpu.memory_space<vmem>>[vector<16xi32>, vector<16xi32>], vector<16xf32>,
        %mul3A_495 = arith.mulf %gather3A_493, %gather3A_494 : vector<16xf32>
        %add3A_496 = arith.addf %add3A_490, %mul3A_495 : vector<16xf32>
        %broadcast_in_dim3A_497 = arith.constant 193 : i32
        %broadcast_in_dim3A_498 = vector.broadcast %broadcast_in_dim3A_497 : i32 to vector<16xi32>
        %gather3A_499 = tpu.vector_load_idx %arg12[%add3A_105, %broadcast_in_dim3A_498] : memref<80x256xf32, #tpu.memory_space<vmem>>[vector<16xi32>, vector<16xi32>], vector<16xf32>,
        %gather3A_500 = tpu.vector_load_idx %arg13[%add3A_105, %broadcast_in_dim3A_498] : memref<80x256xf32, #tpu.memory_space<vmem>>[vector<16xi32>, vector<16xi32>], vector<16xf32>,
        %mul3A_501 = arith.mulf %gather3A_499, %gather3A_500 : vector<16xf32>
        %add3A_502 = arith.addf %add3A_496, %mul3A_501 : vector<16xf32>
        %broadcast_in_dim3A_503 = arith.constant 194 : i32
        %broadcast_in_dim3A_504 = vector.broadcast %broadcast_in_dim3A_503 : i32 to vector<16xi32>
        %gather3A_505 = tpu.vector_load_idx %arg12[%add3A_105, %broadcast_in_dim3A_504] : memref<80x256xf32, #tpu.memory_space<vmem>>[vector<16xi32>, vector<16xi32>], vector<16xf32>,
        %gather3A_506 = tpu.vector_load_idx %arg13[%add3A_105, %broadcast_in_dim3A_504] : memref<80x256xf32, #tpu.memory_space<vmem>>[vector<16xi32>, vector<16xi32>], vector<16xf32>,
        %mul3A_507 = arith.mulf %gather3A_505, %gather3A_506 : vector<16xf32>
        %add3A_508 = arith.addf %add3A_502, %mul3A_507 : vector<16xf32>
        %broadcast_in_dim3A_509 = arith.constant 195 : i32
        %broadcast_in_dim3A_510 = vector.broadcast %broadcast_in_dim3A_509 : i32 to vector<16xi32>
        %gather3A_511 = tpu.vector_load_idx %arg12[%add3A_105, %broadcast_in_dim3A_510] : memref<80x256xf32, #tpu.memory_space<vmem>>[vector<16xi32>, vector<16xi32>], vector<16xf32>,
        %gather3A_512 = tpu.vector_load_idx %arg13[%add3A_105, %broadcast_in_dim3A_510] : memref<80x256xf32, #tpu.memory_space<vmem>>[vector<16xi32>, vector<16xi32>], vector<16xf32>,
        %mul3A_513 = arith.mulf %gather3A_511, %gather3A_512 : vector<16xf32>
        %add3A_514 = arith.addf %add3A_508, %mul3A_513 : vector<16xf32>
        %broadcast_in_dim3A_515 = arith.constant 196 : i32
        %broadcast_in_dim3A_516 = vector.broadcast %broadcast_in_dim3A_515 : i32 to vector<16xi32>
        %gather3A_517 = tpu.vector_load_idx %arg12[%add3A_105, %broadcast_in_dim3A_516] : memref<80x256xf32, #tpu.memory_space<vmem>>[vector<16xi32>, vector<16xi32>], vector<16xf32>,
        %gather3A_518 = tpu.vector_load_idx %arg13[%add3A_105, %broadcast_in_dim3A_516] : memref<80x256xf32, #tpu.memory_space<vmem>>[vector<16xi32>, vector<16xi32>], vector<16xf32>,
        %mul3A_519 = arith.mulf %gather3A_517, %gather3A_518 : vector<16xf32>
        %add3A_520 = arith.addf %add3A_514, %mul3A_519 : vector<16xf32>
        %broadcast_in_dim3A_521 = arith.constant 197 : i32
        %broadcast_in_dim3A_522 = vector.broadcast %broadcast_in_dim3A_521 : i32 to vector<16xi32>
        %gather3A_523 = tpu.vector_load_idx %arg12[%add3A_105, %broadcast_in_dim3A_522] : memref<80x256xf32, #tpu.memory_space<vmem>>[vector<16xi32>, vector<16xi32>], vector<16xf32>,
        %gather3A_524 = tpu.vector_load_idx %arg13[%add3A_105, %broadcast_in_dim3A_522] : memref<80x256xf32, #tpu.memory_space<vmem>>[vector<16xi32>, vector<16xi32>], vector<16xf32>,
        %mul3A_525 = arith.mulf %gather3A_523, %gather3A_524 : vector<16xf32>
        %add3A_526 = arith.addf %add3A_520, %mul3A_525 : vector<16xf32>
        %broadcast_in_dim3A_527 = arith.constant 198 : i32
        %broadcast_in_dim3A_528 = vector.broadcast %broadcast_in_dim3A_527 : i32 to vector<16xi32>
        %gather3A_529 = tpu.vector_load_idx %arg12[%add3A_105, %broadcast_in_dim3A_528] : memref<80x256xf32, #tpu.memory_space<vmem>>[vector<16xi32>, vector<16xi32>], vector<16xf32>,
        %gather3A_530 = tpu.vector_load_idx %arg13[%add3A_105, %broadcast_in_dim3A_528] : memref<80x256xf32, #tpu.memory_space<vmem>>[vector<16xi32>, vector<16xi32>], vector<16xf32>,
        %mul3A_531 = arith.mulf %gather3A_529, %gather3A_530 : vector<16xf32>
        %add3A_532 = arith.addf %add3A_526, %mul3A_531 : vector<16xf32>
        %broadcast_in_dim3A_533 = arith.constant 199 : i32
        %broadcast_in_dim3A_534 = vector.broadcast %broadcast_in_dim3A_533 : i32 to vector<16xi32>
        %gather3A_535 = tpu.vector_load_idx %arg12[%add3A_105, %broadcast_in_dim3A_534] : memref<80x256xf32, #tpu.memory_space<vmem>>[vector<16xi32>, vector<16xi32>], vector<16xf32>,
        %gather3A_536 = tpu.vector_load_idx %arg13[%add3A_105, %broadcast_in_dim3A_534] : memref<80x256xf32, #tpu.memory_space<vmem>>[vector<16xi32>, vector<16xi32>], vector<16xf32>,
        %mul3A_537 = arith.mulf %gather3A_535, %gather3A_536 : vector<16xf32>
        %add3A_538 = arith.addf %add3A_532, %mul3A_537 : vector<16xf32>
        %broadcast_in_dim3A_539 = arith.constant 200 : i32
        %broadcast_in_dim3A_540 = vector.broadcast %broadcast_in_dim3A_539 : i32 to vector<16xi32>
        %gather3A_541 = tpu.vector_load_idx %arg12[%add3A_105, %broadcast_in_dim3A_540] : memref<80x256xf32, #tpu.memory_space<vmem>>[vector<16xi32>, vector<16xi32>], vector<16xf32>,
        %gather3A_542 = tpu.vector_load_idx %arg13[%add3A_105, %broadcast_in_dim3A_540] : memref<80x256xf32, #tpu.memory_space<vmem>>[vector<16xi32>, vector<16xi32>], vector<16xf32>,
        %mul3A_543 = arith.mulf %gather3A_541, %gather3A_542 : vector<16xf32>
        %add3A_544 = arith.addf %add3A_538, %mul3A_543 : vector<16xf32>
        %broadcast_in_dim3A_545 = arith.constant 201 : i32
        %broadcast_in_dim3A_546 = vector.broadcast %broadcast_in_dim3A_545 : i32 to vector<16xi32>
        %gather3A_547 = tpu.vector_load_idx %arg12[%add3A_105, %broadcast_in_dim3A_546] : memref<80x256xf32, #tpu.memory_space<vmem>>[vector<16xi32>, vector<16xi32>], vector<16xf32>,
        %gather3A_548 = tpu.vector_load_idx %arg13[%add3A_105, %broadcast_in_dim3A_546] : memref<80x256xf32, #tpu.memory_space<vmem>>[vector<16xi32>, vector<16xi32>], vector<16xf32>,
        %mul3A_549 = arith.mulf %gather3A_547, %gather3A_548 : vector<16xf32>
        %add3A_550 = arith.addf %add3A_544, %mul3A_549 : vector<16xf32>
        %broadcast_in_dim3A_551 = arith.constant 202 : i32
        %broadcast_in_dim3A_552 = vector.broadcast %broadcast_in_dim3A_551 : i32 to vector<16xi32>
        %gather3A_553 = tpu.vector_load_idx %arg12[%add3A_105, %broadcast_in_dim3A_552] : memref<80x256xf32, #tpu.memory_space<vmem>>[vector<16xi32>, vector<16xi32>], vector<16xf32>,
        %gather3A_554 = tpu.vector_load_idx %arg13[%add3A_105, %broadcast_in_dim3A_552] : memref<80x256xf32, #tpu.memory_space<vmem>>[vector<16xi32>, vector<16xi32>], vector<16xf32>,
        %mul3A_555 = arith.mulf %gather3A_553, %gather3A_554 : vector<16xf32>
        %add3A_556 = arith.addf %add3A_550, %mul3A_555 : vector<16xf32>
        %broadcast_in_dim3A_557 = arith.constant 203 : i32
        %broadcast_in_dim3A_558 = vector.broadcast %broadcast_in_dim3A_557 : i32 to vector<16xi32>
        %gather3A_559 = tpu.vector_load_idx %arg12[%add3A_105, %broadcast_in_dim3A_558] : memref<80x256xf32, #tpu.memory_space<vmem>>[vector<16xi32>, vector<16xi32>], vector<16xf32>,
        %gather3A_560 = tpu.vector_load_idx %arg13[%add3A_105, %broadcast_in_dim3A_558] : memref<80x256xf32, #tpu.memory_space<vmem>>[vector<16xi32>, vector<16xi32>], vector<16xf32>,
        %mul3A_561 = arith.mulf %gather3A_559, %gather3A_560 : vector<16xf32>
        %add3A_562 = arith.addf %add3A_556, %mul3A_561 : vector<16xf32>
        %broadcast_in_dim3A_563 = arith.constant 204 : i32
        %broadcast_in_dim3A_564 = vector.broadcast %broadcast_in_dim3A_563 : i32 to vector<16xi32>
        %gather3A_565 = tpu.vector_load_idx %arg12[%add3A_105, %broadcast_in_dim3A_564] : memref<80x256xf32, #tpu.memory_space<vmem>>[vector<16xi32>, vector<16xi32>], vector<16xf32>,
        %gather3A_566 = tpu.vector_load_idx %arg13[%add3A_105, %broadcast_in_dim3A_564] : memref<80x256xf32, #tpu.memory_space<vmem>>[vector<16xi32>, vector<16xi32>], vector<16xf32>,
        %mul3A_567 = arith.mulf %gather3A_565, %gather3A_566 : vector<16xf32>
        %add3A_568 = arith.addf %add3A_562, %mul3A_567 : vector<16xf32>
        %broadcast_in_dim3A_569 = arith.constant 205 : i32
        %broadcast_in_dim3A_570 = vector.broadcast %broadcast_in_dim3A_569 : i32 to vector<16xi32>
        %gather3A_571 = tpu.vector_load_idx %arg12[%add3A_105, %broadcast_in_dim3A_570] : memref<80x256xf32, #tpu.memory_space<vmem>>[vector<16xi32>, vector<16xi32>], vector<16xf32>,
        %gather3A_572 = tpu.vector_load_idx %arg13[%add3A_105, %broadcast_in_dim3A_570] : memref<80x256xf32, #tpu.memory_space<vmem>>[vector<16xi32>, vector<16xi32>], vector<16xf32>,
        %mul3A_573 = arith.mulf %gather3A_571, %gather3A_572 : vector<16xf32>
        %add3A_574 = arith.addf %add3A_568, %mul3A_573 : vector<16xf32>
        %broadcast_in_dim3A_575 = arith.constant 206 : i32
        %broadcast_in_dim3A_576 = vector.broadcast %broadcast_in_dim3A_575 : i32 to vector<16xi32>
        %gather3A_577 = tpu.vector_load_idx %arg12[%add3A_105, %broadcast_in_dim3A_576] : memref<80x256xf32, #tpu.memory_space<vmem>>[vector<16xi32>, vector<16xi32>], vector<16xf32>,
        %gather3A_578 = tpu.vector_load_idx %arg13[%add3A_105, %broadcast_in_dim3A_576] : memref<80x256xf32, #tpu.memory_space<vmem>>[vector<16xi32>, vector<16xi32>], vector<16xf32>,
        %mul3A_579 = arith.mulf %gather3A_577, %gather3A_578 : vector<16xf32>
        %add3A_580 = arith.addf %add3A_574, %mul3A_579 : vector<16xf32>
        %broadcast_in_dim3A_581 = arith.constant 207 : i32
        %broadcast_in_dim3A_582 = vector.broadcast %broadcast_in_dim3A_581 : i32 to vector<16xi32>
        %gather3A_583 = tpu.vector_load_idx %arg12[%add3A_105, %broadcast_in_dim3A_582] : memref<80x256xf32, #tpu.memory_space<vmem>>[vector<16xi32>, vector<16xi32>], vector<16xf32>,
        %gather3A_584 = tpu.vector_load_idx %arg13[%add3A_105, %broadcast_in_dim3A_582] : memref<80x256xf32, #tpu.memory_space<vmem>>[vector<16xi32>, vector<16xi32>], vector<16xf32>,
        %mul3A_585 = arith.mulf %gather3A_583, %gather3A_584 : vector<16xf32>
        %add3A_586 = arith.addf %add3A_580, %mul3A_585 : vector<16xf32>
        %broadcast_in_dim3A_587 = arith.constant 208 : i32
        %broadcast_in_dim3A_588 = vector.broadcast %broadcast_in_dim3A_587 : i32 to vector<16xi32>
        %gather3A_589 = tpu.vector_load_idx %arg12[%add3A_105, %broadcast_in_dim3A_588] : memref<80x256xf32, #tpu.memory_space<vmem>>[vector<16xi32>, vector<16xi32>], vector<16xf32>,
        %gather3A_590 = tpu.vector_load_idx %arg13[%add3A_105, %broadcast_in_dim3A_588] : memref<80x256xf32, #tpu.memory_space<vmem>>[vector<16xi32>, vector<16xi32>], vector<16xf32>,
        %mul3A_591 = arith.mulf %gather3A_589, %gather3A_590 : vector<16xf32>
        %add3A_592 = arith.addf %add3A_586, %mul3A_591 : vector<16xf32>
        %broadcast_in_dim3A_593 = arith.constant 209 : i32
        %broadcast_in_dim3A_594 = vector.broadcast %broadcast_in_dim3A_593 : i32 to vector<16xi32>
        %gather3A_595 = tpu.vector_load_idx %arg12[%add3A_105, %broadcast_in_dim3A_594] : memref<80x256xf32, #tpu.memory_space<vmem>>[vector<16xi32>, vector<16xi32>], vector<16xf32>,
        %gather3A_596 = tpu.vector_load_idx %arg13[%add3A_105, %broadcast_in_dim3A_594] : memref<80x256xf32, #tpu.memory_space<vmem>>[vector<16xi32>, vector<16xi32>], vector<16xf32>,
        %mul3A_597 = arith.mulf %gather3A_595, %gather3A_596 : vector<16xf32>
        %add3A_598 = arith.addf %add3A_592, %mul3A_597 : vector<16xf32>
        %broadcast_in_dim3A_599 = arith.constant 210 : i32
        %broadcast_in_dim3A_600 = vector.broadcast %broadcast_in_dim3A_599 : i32 to vector<16xi32>
        %gather3A_601 = tpu.vector_load_idx %arg12[%add3A_105, %broadcast_in_dim3A_600] : memref<80x256xf32, #tpu.memory_space<vmem>>[vector<16xi32>, vector<16xi32>], vector<16xf32>,
        %gather3A_602 = tpu.vector_load_idx %arg13[%add3A_105, %broadcast_in_dim3A_600] : memref<80x256xf32, #tpu.memory_space<vmem>>[vector<16xi32>, vector<16xi32>], vector<16xf32>,
        %mul3A_603 = arith.mulf %gather3A_601, %gather3A_602 : vector<16xf32>
        %add3A_604 = arith.addf %add3A_598, %mul3A_603 : vector<16xf32>
        %broadcast_in_dim3A_605 = arith.constant 211 : i32
        %broadcast_in_dim3A_606 = vector.broadcast %broadcast_in_dim3A_605 : i32 to vector<16xi32>
        %gather3A_607 = tpu.vector_load_idx %arg12[%add3A_105, %broadcast_in_dim3A_606] : memref<80x256xf32, #tpu.memory_space<vmem>>[vector<16xi32>, vector<16xi32>], vector<16xf32>,
        %gather3A_608 = tpu.vector_load_idx %arg13[%add3A_105, %broadcast_in_dim3A_606] : memref<80x256xf32, #tpu.memory_space<vmem>>[vector<16xi32>, vector<16xi32>], vector<16xf32>,
        %mul3A_609 = arith.mulf %gather3A_607, %gather3A_608 : vector<16xf32>
        %add3A_610 = arith.addf %add3A_604, %mul3A_609 : vector<16xf32>
        %broadcast_in_dim3A_611 = arith.constant 212 : i32
        %broadcast_in_dim3A_612 = vector.broadcast %broadcast_in_dim3A_611 : i32 to vector<16xi32>
        %gather3A_613 = tpu.vector_load_idx %arg12[%add3A_105, %broadcast_in_dim3A_612] : memref<80x256xf32, #tpu.memory_space<vmem>>[vector<16xi32>, vector<16xi32>], vector<16xf32>,
        %gather3A_614 = tpu.vector_load_idx %arg13[%add3A_105, %broadcast_in_dim3A_612] : memref<80x256xf32, #tpu.memory_space<vmem>>[vector<16xi32>, vector<16xi32>], vector<16xf32>,
        %mul3A_615 = arith.mulf %gather3A_613, %gather3A_614 : vector<16xf32>
        %add3A_616 = arith.addf %add3A_610, %mul3A_615 : vector<16xf32>
        %broadcast_in_dim3A_617 = arith.constant 213 : i32
        %broadcast_in_dim3A_618 = vector.broadcast %broadcast_in_dim3A_617 : i32 to vector<16xi32>
        %gather3A_619 = tpu.vector_load_idx %arg12[%add3A_105, %broadcast_in_dim3A_618] : memref<80x256xf32, #tpu.memory_space<vmem>>[vector<16xi32>, vector<16xi32>], vector<16xf32>,
        %gather3A_620 = tpu.vector_load_idx %arg13[%add3A_105, %broadcast_in_dim3A_618] : memref<80x256xf32, #tpu.memory_space<vmem>>[vector<16xi32>, vector<16xi32>], vector<16xf32>,
        %mul3A_621 = arith.mulf %gather3A_619, %gather3A_620 : vector<16xf32>
        %add3A_622 = arith.addf %add3A_616, %mul3A_621 : vector<16xf32>
        %broadcast_in_dim3A_623 = arith.constant 214 : i32
        %broadcast_in_dim3A_624 = vector.broadcast %broadcast_in_dim3A_623 : i32 to vector<16xi32>
        %gather3A_625 = tpu.vector_load_idx %arg12[%add3A_105, %broadcast_in_dim3A_624] : memref<80x256xf32, #tpu.memory_space<vmem>>[vector<16xi32>, vector<16xi32>], vector<16xf32>,
        %gather3A_626 = tpu.vector_load_idx %arg13[%add3A_105, %broadcast_in_dim3A_624] : memref<80x256xf32, #tpu.memory_space<vmem>>[vector<16xi32>, vector<16xi32>], vector<16xf32>,
        %mul3A_627 = arith.mulf %gather3A_625, %gather3A_626 : vector<16xf32>
        %add3A_628 = arith.addf %add3A_622, %mul3A_627 : vector<16xf32>
        %broadcast_in_dim3A_629 = arith.constant 215 : i32
        %broadcast_in_dim3A_630 = vector.broadcast %broadcast_in_dim3A_629 : i32 to vector<16xi32>
        %gather3A_631 = tpu.vector_load_idx %arg12[%add3A_105, %broadcast_in_dim3A_630] : memref<80x256xf32, #tpu.memory_space<vmem>>[vector<16xi32>, vector<16xi32>], vector<16xf32>,
        %gather3A_632 = tpu.vector_load_idx %arg13[%add3A_105, %broadcast_in_dim3A_630] : memref<80x256xf32, #tpu.memory_space<vmem>>[vector<16xi32>, vector<16xi32>], vector<16xf32>,
        %mul3A_633 = arith.mulf %gather3A_631, %gather3A_632 : vector<16xf32>
        %add3A_634 = arith.addf %add3A_628, %mul3A_633 : vector<16xf32>
        %broadcast_in_dim3A_635 = arith.constant 216 : i32
        %broadcast_in_dim3A_636 = vector.broadcast %broadcast_in_dim3A_635 : i32 to vector<16xi32>
        %gather3A_637 = tpu.vector_load_idx %arg12[%add3A_105, %broadcast_in_dim3A_636] : memref<80x256xf32, #tpu.memory_space<vmem>>[vector<16xi32>, vector<16xi32>], vector<16xf32>,
        %gather3A_638 = tpu.vector_load_idx %arg13[%add3A_105, %broadcast_in_dim3A_636] : memref<80x256xf32, #tpu.memory_space<vmem>>[vector<16xi32>, vector<16xi32>], vector<16xf32>,
        %mul3A_639 = arith.mulf %gather3A_637, %gather3A_638 : vector<16xf32>
        %add3A_640 = arith.addf %add3A_634, %mul3A_639 : vector<16xf32>
        %broadcast_in_dim3A_641 = arith.constant 217 : i32
        %broadcast_in_dim3A_642 = vector.broadcast %broadcast_in_dim3A_641 : i32 to vector<16xi32>
        %gather3A_643 = tpu.vector_load_idx %arg12[%add3A_105, %broadcast_in_dim3A_642] : memref<80x256xf32, #tpu.memory_space<vmem>>[vector<16xi32>, vector<16xi32>], vector<16xf32>,
        %gather3A_644 = tpu.vector_load_idx %arg13[%add3A_105, %broadcast_in_dim3A_642] : memref<80x256xf32, #tpu.memory_space<vmem>>[vector<16xi32>, vector<16xi32>], vector<16xf32>,
        %mul3A_645 = arith.mulf %gather3A_643, %gather3A_644 : vector<16xf32>
        %add3A_646 = arith.addf %add3A_640, %mul3A_645 : vector<16xf32>
        %broadcast_in_dim3A_647 = arith.constant 218 : i32
        %broadcast_in_dim3A_648 = vector.broadcast %broadcast_in_dim3A_647 : i32 to vector<16xi32>
        %gather3A_649 = tpu.vector_load_idx %arg12[%add3A_105, %broadcast_in_dim3A_648] : memref<80x256xf32, #tpu.memory_space<vmem>>[vector<16xi32>, vector<16xi32>], vector<16xf32>,
        %gather3A_650 = tpu.vector_load_idx %arg13[%add3A_105, %broadcast_in_dim3A_648] : memref<80x256xf32, #tpu.memory_space<vmem>>[vector<16xi32>, vector<16xi32>], vector<16xf32>,
        %mul3A_651 = arith.mulf %gather3A_649, %gather3A_650 : vector<16xf32>
        %add3A_652 = arith.addf %add3A_646, %mul3A_651 : vector<16xf32>
        %broadcast_in_dim3A_653 = arith.constant 219 : i32
        %broadcast_in_dim3A_654 = vector.broadcast %broadcast_in_dim3A_653 : i32 to vector<16xi32>
        %gather3A_655 = tpu.vector_load_idx %arg12[%add3A_105, %broadcast_in_dim3A_654] : memref<80x256xf32, #tpu.memory_space<vmem>>[vector<16xi32>, vector<16xi32>], vector<16xf32>,
        %gather3A_656 = tpu.vector_load_idx %arg13[%add3A_105, %broadcast_in_dim3A_654] : memref<80x256xf32, #tpu.memory_space<vmem>>[vector<16xi32>, vector<16xi32>], vector<16xf32>,
        %mul3A_657 = arith.mulf %gather3A_655, %gather3A_656 : vector<16xf32>
        %add3A_658 = arith.addf %add3A_652, %mul3A_657 : vector<16xf32>
        %broadcast_in_dim3A_659 = arith.constant 220 : i32
        %broadcast_in_dim3A_660 = vector.broadcast %broadcast_in_dim3A_659 : i32 to vector<16xi32>
        %gather3A_661 = tpu.vector_load_idx %arg12[%add3A_105, %broadcast_in_dim3A_660] : memref<80x256xf32, #tpu.memory_space<vmem>>[vector<16xi32>, vector<16xi32>], vector<16xf32>,
        %gather3A_662 = tpu.vector_load_idx %arg13[%add3A_105, %broadcast_in_dim3A_660] : memref<80x256xf32, #tpu.memory_space<vmem>>[vector<16xi32>, vector<16xi32>], vector<16xf32>,
        %mul3A_663 = arith.mulf %gather3A_661, %gather3A_662 : vector<16xf32>
        %add3A_664 = arith.addf %add3A_658, %mul3A_663 : vector<16xf32>
        %broadcast_in_dim3A_665 = arith.constant 221 : i32
        %broadcast_in_dim3A_666 = vector.broadcast %broadcast_in_dim3A_665 : i32 to vector<16xi32>
        %gather3A_667 = tpu.vector_load_idx %arg12[%add3A_105, %broadcast_in_dim3A_666] : memref<80x256xf32, #tpu.memory_space<vmem>>[vector<16xi32>, vector<16xi32>], vector<16xf32>,
        %gather3A_668 = tpu.vector_load_idx %arg13[%add3A_105, %broadcast_in_dim3A_666] : memref<80x256xf32, #tpu.memory_space<vmem>>[vector<16xi32>, vector<16xi32>], vector<16xf32>,
        %mul3A_669 = arith.mulf %gather3A_667, %gather3A_668 : vector<16xf32>
        %add3A_670 = arith.addf %add3A_664, %mul3A_669 : vector<16xf32>
        %broadcast_in_dim3A_671 = arith.constant 222 : i32
        %broadcast_in_dim3A_672 = vector.broadcast %broadcast_in_dim3A_671 : i32 to vector<16xi32>
        %gather3A_673 = tpu.vector_load_idx %arg12[%add3A_105, %broadcast_in_dim3A_672] : memref<80x256xf32, #tpu.memory_space<vmem>>[vector<16xi32>, vector<16xi32>], vector<16xf32>,
        %gather3A_674 = tpu.vector_load_idx %arg13[%add3A_105, %broadcast_in_dim3A_672] : memref<80x256xf32, #tpu.memory_space<vmem>>[vector<16xi32>, vector<16xi32>], vector<16xf32>,
        %mul3A_675 = arith.mulf %gather3A_673, %gather3A_674 : vector<16xf32>
        %add3A_676 = arith.addf %add3A_670, %mul3A_675 : vector<16xf32>
        %broadcast_in_dim3A_677 = arith.constant 223 : i32
        %broadcast_in_dim3A_678 = vector.broadcast %broadcast_in_dim3A_677 : i32 to vector<16xi32>
        %gather3A_679 = tpu.vector_load_idx %arg12[%add3A_105, %broadcast_in_dim3A_678] : memref<80x256xf32, #tpu.memory_space<vmem>>[vector<16xi32>, vector<16xi32>], vector<16xf32>,
        %gather3A_680 = tpu.vector_load_idx %arg13[%add3A_105, %broadcast_in_dim3A_678] : memref<80x256xf32, #tpu.memory_space<vmem>>[vector<16xi32>, vector<16xi32>], vector<16xf32>,
        %mul3A_681 = arith.mulf %gather3A_679, %gather3A_680 : vector<16xf32>
        %add3A_682 = arith.addf %add3A_676, %mul3A_681 : vector<16xf32>
        %broadcast_in_dim3A_683 = arith.constant 224 : i32
        %broadcast_in_dim3A_684 = vector.broadcast %broadcast_in_dim3A_683 : i32 to vector<16xi32>
        %gather3A_685 = tpu.vector_load_idx %arg12[%add3A_105, %broadcast_in_dim3A_684] : memref<80x256xf32, #tpu.memory_space<vmem>>[vector<16xi32>, vector<16xi32>], vector<16xf32>,
        %gather3A_686 = tpu.vector_load_idx %arg13[%add3A_105, %broadcast_in_dim3A_684] : memref<80x256xf32, #tpu.memory_space<vmem>>[vector<16xi32>, vector<16xi32>], vector<16xf32>,
        %mul3A_687 = arith.mulf %gather3A_685, %gather3A_686 : vector<16xf32>
        %add3A_688 = arith.addf %add3A_682, %mul3A_687 : vector<16xf32>
        %broadcast_in_dim3A_689 = arith.constant 225 : i32
        %broadcast_in_dim3A_690 = vector.broadcast %broadcast_in_dim3A_689 : i32 to vector<16xi32>
        %gather3A_691 = tpu.vector_load_idx %arg12[%add3A_105, %broadcast_in_dim3A_690] : memref<80x256xf32, #tpu.memory_space<vmem>>[vector<16xi32>, vector<16xi32>], vector<16xf32>,
        %gather3A_692 = tpu.vector_load_idx %arg13[%add3A_105, %broadcast_in_dim3A_690] : memref<80x256xf32, #tpu.memory_space<vmem>>[vector<16xi32>, vector<16xi32>], vector<16xf32>,
        %mul3A_693 = arith.mulf %gather3A_691, %gather3A_692 : vector<16xf32>
        %add3A_694 = arith.addf %add3A_688, %mul3A_693 : vector<16xf32>
        %broadcast_in_dim3A_695 = arith.constant 226 : i32
        %broadcast_in_dim3A_696 = vector.broadcast %broadcast_in_dim3A_695 : i32 to vector<16xi32>
        %gather3A_697 = tpu.vector_load_idx %arg12[%add3A_105, %broadcast_in_dim3A_696] : memref<80x256xf32, #tpu.memory_space<vmem>>[vector<16xi32>, vector<16xi32>], vector<16xf32>,
        %gather3A_698 = tpu.vector_load_idx %arg13[%add3A_105, %broadcast_in_dim3A_696] : memref<80x256xf32, #tpu.memory_space<vmem>>[vector<16xi32>, vector<16xi32>], vector<16xf32>,
        %mul3A_699 = arith.mulf %gather3A_697, %gather3A_698 : vector<16xf32>
        %add3A_700 = arith.addf %add3A_694, %mul3A_699 : vector<16xf32>
        %broadcast_in_dim3A_701 = arith.constant 227 : i32
        %broadcast_in_dim3A_702 = vector.broadcast %broadcast_in_dim3A_701 : i32 to vector<16xi32>
        %gather3A_703 = tpu.vector_load_idx %arg12[%add3A_105, %broadcast_in_dim3A_702] : memref<80x256xf32, #tpu.memory_space<vmem>>[vector<16xi32>, vector<16xi32>], vector<16xf32>,
        %gather3A_704 = tpu.vector_load_idx %arg13[%add3A_105, %broadcast_in_dim3A_702] : memref<80x256xf32, #tpu.memory_space<vmem>>[vector<16xi32>, vector<16xi32>], vector<16xf32>,
        %mul3A_705 = arith.mulf %gather3A_703, %gather3A_704 : vector<16xf32>
        %add3A_706 = arith.addf %add3A_700, %mul3A_705 : vector<16xf32>
        %broadcast_in_dim3A_707 = arith.constant 228 : i32
        %broadcast_in_dim3A_708 = vector.broadcast %broadcast_in_dim3A_707 : i32 to vector<16xi32>
        %gather3A_709 = tpu.vector_load_idx %arg12[%add3A_105, %broadcast_in_dim3A_708] : memref<80x256xf32, #tpu.memory_space<vmem>>[vector<16xi32>, vector<16xi32>], vector<16xf32>,
        %gather3A_710 = tpu.vector_load_idx %arg13[%add3A_105, %broadcast_in_dim3A_708] : memref<80x256xf32, #tpu.memory_space<vmem>>[vector<16xi32>, vector<16xi32>], vector<16xf32>,
        %mul3A_711 = arith.mulf %gather3A_709, %gather3A_710 : vector<16xf32>
        %add3A_712 = arith.addf %add3A_706, %mul3A_711 : vector<16xf32>
        %broadcast_in_dim3A_713 = arith.constant 229 : i32
        %broadcast_in_dim3A_714 = vector.broadcast %broadcast_in_dim3A_713 : i32 to vector<16xi32>
        %gather3A_715 = tpu.vector_load_idx %arg12[%add3A_105, %broadcast_in_dim3A_714] : memref<80x256xf32, #tpu.memory_space<vmem>>[vector<16xi32>, vector<16xi32>], vector<16xf32>,
        %gather3A_716 = tpu.vector_load_idx %arg13[%add3A_105, %broadcast_in_dim3A_714] : memref<80x256xf32, #tpu.memory_space<vmem>>[vector<16xi32>, vector<16xi32>], vector<16xf32>,
        %mul3A_717 = arith.mulf %gather3A_715, %gather3A_716 : vector<16xf32>
        %add3A_718 = arith.addf %add3A_712, %mul3A_717 : vector<16xf32>
        %broadcast_in_dim3A_719 = arith.constant 230 : i32
        %broadcast_in_dim3A_720 = vector.broadcast %broadcast_in_dim3A_719 : i32 to vector<16xi32>
        %gather3A_721 = tpu.vector_load_idx %arg12[%add3A_105, %broadcast_in_dim3A_720] : memref<80x256xf32, #tpu.memory_space<vmem>>[vector<16xi32>, vector<16xi32>], vector<16xf32>,
        %gather3A_722 = tpu.vector_load_idx %arg13[%add3A_105, %broadcast_in_dim3A_720] : memref<80x256xf32, #tpu.memory_space<vmem>>[vector<16xi32>, vector<16xi32>], vector<16xf32>,
        %mul3A_723 = arith.mulf %gather3A_721, %gather3A_722 : vector<16xf32>
        %add3A_724 = arith.addf %add3A_718, %mul3A_723 : vector<16xf32>
        %broadcast_in_dim3A_725 = arith.constant 231 : i32
        %broadcast_in_dim3A_726 = vector.broadcast %broadcast_in_dim3A_725 : i32 to vector<16xi32>
        %gather3A_727 = tpu.vector_load_idx %arg12[%add3A_105, %broadcast_in_dim3A_726] : memref<80x256xf32, #tpu.memory_space<vmem>>[vector<16xi32>, vector<16xi32>], vector<16xf32>,
        %gather3A_728 = tpu.vector_load_idx %arg13[%add3A_105, %broadcast_in_dim3A_726] : memref<80x256xf32, #tpu.memory_space<vmem>>[vector<16xi32>, vector<16xi32>], vector<16xf32>,
        %mul3A_729 = arith.mulf %gather3A_727, %gather3A_728 : vector<16xf32>
        %add3A_730 = arith.addf %add3A_724, %mul3A_729 : vector<16xf32>
        %broadcast_in_dim3A_731 = arith.constant 232 : i32
        %broadcast_in_dim3A_732 = vector.broadcast %broadcast_in_dim3A_731 : i32 to vector<16xi32>
        %gather3A_733 = tpu.vector_load_idx %arg12[%add3A_105, %broadcast_in_dim3A_732] : memref<80x256xf32, #tpu.memory_space<vmem>>[vector<16xi32>, vector<16xi32>], vector<16xf32>,
        %gather3A_734 = tpu.vector_load_idx %arg13[%add3A_105, %broadcast_in_dim3A_732] : memref<80x256xf32, #tpu.memory_space<vmem>>[vector<16xi32>, vector<16xi32>], vector<16xf32>,
        %mul3A_735 = arith.mulf %gather3A_733, %gather3A_734 : vector<16xf32>
        %add3A_736 = arith.addf %add3A_730, %mul3A_735 : vector<16xf32>
        %broadcast_in_dim3A_737 = arith.constant 233 : i32
        %broadcast_in_dim3A_738 = vector.broadcast %broadcast_in_dim3A_737 : i32 to vector<16xi32>
        %gather3A_739 = tpu.vector_load_idx %arg12[%add3A_105, %broadcast_in_dim3A_738] : memref<80x256xf32, #tpu.memory_space<vmem>>[vector<16xi32>, vector<16xi32>], vector<16xf32>,
        %gather3A_740 = tpu.vector_load_idx %arg13[%add3A_105, %broadcast_in_dim3A_738] : memref<80x256xf32, #tpu.memory_space<vmem>>[vector<16xi32>, vector<16xi32>], vector<16xf32>,
        %mul3A_741 = arith.mulf %gather3A_739, %gather3A_740 : vector<16xf32>
        %add3A_742 = arith.addf %add3A_736, %mul3A_741 : vector<16xf32>
        %broadcast_in_dim3A_743 = arith.constant 234 : i32
        %broadcast_in_dim3A_744 = vector.broadcast %broadcast_in_dim3A_743 : i32 to vector<16xi32>
        %gather3A_745 = tpu.vector_load_idx %arg12[%add3A_105, %broadcast_in_dim3A_744] : memref<80x256xf32, #tpu.memory_space<vmem>>[vector<16xi32>, vector<16xi32>], vector<16xf32>,
        %gather3A_746 = tpu.vector_load_idx %arg13[%add3A_105, %broadcast_in_dim3A_744] : memref<80x256xf32, #tpu.memory_space<vmem>>[vector<16xi32>, vector<16xi32>], vector<16xf32>,
        %mul3A_747 = arith.mulf %gather3A_745, %gather3A_746 : vector<16xf32>
        %add3A_748 = arith.addf %add3A_742, %mul3A_747 : vector<16xf32>
        %broadcast_in_dim3A_749 = arith.constant 235 : i32
        %broadcast_in_dim3A_750 = vector.broadcast %broadcast_in_dim3A_749 : i32 to vector<16xi32>
        %gather3A_751 = tpu.vector_load_idx %arg12[%add3A_105, %broadcast_in_dim3A_750] : memref<80x256xf32, #tpu.memory_space<vmem>>[vector<16xi32>, vector<16xi32>], vector<16xf32>,
        %gather3A_752 = tpu.vector_load_idx %arg13[%add3A_105, %broadcast_in_dim3A_750] : memref<80x256xf32, #tpu.memory_space<vmem>>[vector<16xi32>, vector<16xi32>], vector<16xf32>,
        %mul3A_753 = arith.mulf %gather3A_751, %gather3A_752 : vector<16xf32>
        %add3A_754 = arith.addf %add3A_748, %mul3A_753 : vector<16xf32>
        %broadcast_in_dim3A_755 = arith.constant 236 : i32
        %broadcast_in_dim3A_756 = vector.broadcast %broadcast_in_dim3A_755 : i32 to vector<16xi32>
        %gather3A_757 = tpu.vector_load_idx %arg12[%add3A_105, %broadcast_in_dim3A_756] : memref<80x256xf32, #tpu.memory_space<vmem>>[vector<16xi32>, vector<16xi32>], vector<16xf32>,
        %gather3A_758 = tpu.vector_load_idx %arg13[%add3A_105, %broadcast_in_dim3A_756] : memref<80x256xf32, #tpu.memory_space<vmem>>[vector<16xi32>, vector<16xi32>], vector<16xf32>,
        %mul3A_759 = arith.mulf %gather3A_757, %gather3A_758 : vector<16xf32>
        %add3A_760 = arith.addf %add3A_754, %mul3A_759 : vector<16xf32>
        %broadcast_in_dim3A_761 = arith.constant 237 : i32
        %broadcast_in_dim3A_762 = vector.broadcast %broadcast_in_dim3A_761 : i32 to vector<16xi32>
        %gather3A_763 = tpu.vector_load_idx %arg12[%add3A_105, %broadcast_in_dim3A_762] : memref<80x256xf32, #tpu.memory_space<vmem>>[vector<16xi32>, vector<16xi32>], vector<16xf32>,
        %gather3A_764 = tpu.vector_load_idx %arg13[%add3A_105, %broadcast_in_dim3A_762] : memref<80x256xf32, #tpu.memory_space<vmem>>[vector<16xi32>, vector<16xi32>], vector<16xf32>,
        %mul3A_765 = arith.mulf %gather3A_763, %gather3A_764 : vector<16xf32>
        %add3A_766 = arith.addf %add3A_760, %mul3A_765 : vector<16xf32>
        %broadcast_in_dim3A_767 = arith.constant 238 : i32
        %broadcast_in_dim3A_768 = vector.broadcast %broadcast_in_dim3A_767 : i32 to vector<16xi32>
        %gather3A_769 = tpu.vector_load_idx %arg12[%add3A_105, %broadcast_in_dim3A_768] : memref<80x256xf32, #tpu.memory_space<vmem>>[vector<16xi32>, vector<16xi32>], vector<16xf32>,
        %gather3A_770 = tpu.vector_load_idx %arg13[%add3A_105, %broadcast_in_dim3A_768] : memref<80x256xf32, #tpu.memory_space<vmem>>[vector<16xi32>, vector<16xi32>], vector<16xf32>,
        %mul3A_771 = arith.mulf %gather3A_769, %gather3A_770 : vector<16xf32>
        %add3A_772 = arith.addf %add3A_766, %mul3A_771 : vector<16xf32>
        %broadcast_in_dim3A_773 = arith.constant 239 : i32
        %broadcast_in_dim3A_774 = vector.broadcast %broadcast_in_dim3A_773 : i32 to vector<16xi32>
        %gather3A_775 = tpu.vector_load_idx %arg12[%add3A_105, %broadcast_in_dim3A_774] : memref<80x256xf32, #tpu.memory_space<vmem>>[vector<16xi32>, vector<16xi32>], vector<16xf32>,
        %gather3A_776 = tpu.vector_load_idx %arg13[%add3A_105, %broadcast_in_dim3A_774] : memref<80x256xf32, #tpu.memory_space<vmem>>[vector<16xi32>, vector<16xi32>], vector<16xf32>,
        %mul3A_777 = arith.mulf %gather3A_775, %gather3A_776 : vector<16xf32>
        %add3A_778 = arith.addf %add3A_772, %mul3A_777 : vector<16xf32>
        %broadcast_in_dim3A_779 = arith.constant 240 : i32
        %broadcast_in_dim3A_780 = vector.broadcast %broadcast_in_dim3A_779 : i32 to vector<16xi32>
        %gather3A_781 = tpu.vector_load_idx %arg12[%add3A_105, %broadcast_in_dim3A_780] : memref<80x256xf32, #tpu.memory_space<vmem>>[vector<16xi32>, vector<16xi32>], vector<16xf32>,
        %gather3A_782 = tpu.vector_load_idx %arg13[%add3A_105, %broadcast_in_dim3A_780] : memref<80x256xf32, #tpu.memory_space<vmem>>[vector<16xi32>, vector<16xi32>], vector<16xf32>,
        %mul3A_783 = arith.mulf %gather3A_781, %gather3A_782 : vector<16xf32>
        %add3A_784 = arith.addf %add3A_778, %mul3A_783 : vector<16xf32>
        %broadcast_in_dim3A_785 = arith.constant 241 : i32
        %broadcast_in_dim3A_786 = vector.broadcast %broadcast_in_dim3A_785 : i32 to vector<16xi32>
        %gather3A_787 = tpu.vector_load_idx %arg12[%add3A_105, %broadcast_in_dim3A_786] : memref<80x256xf32, #tpu.memory_space<vmem>>[vector<16xi32>, vector<16xi32>], vector<16xf32>,
        %gather3A_788 = tpu.vector_load_idx %arg13[%add3A_105, %broadcast_in_dim3A_786] : memref<80x256xf32, #tpu.memory_space<vmem>>[vector<16xi32>, vector<16xi32>], vector<16xf32>,
        %mul3A_789 = arith.mulf %gather3A_787, %gather3A_788 : vector<16xf32>
        %add3A_790 = arith.addf %add3A_784, %mul3A_789 : vector<16xf32>
        %broadcast_in_dim3A_791 = arith.constant 242 : i32
        %broadcast_in_dim3A_792 = vector.broadcast %broadcast_in_dim3A_791 : i32 to vector<16xi32>
        %gather3A_793 = tpu.vector_load_idx %arg12[%add3A_105, %broadcast_in_dim3A_792] : memref<80x256xf32, #tpu.memory_space<vmem>>[vector<16xi32>, vector<16xi32>], vector<16xf32>,
        %gather3A_794 = tpu.vector_load_idx %arg13[%add3A_105, %broadcast_in_dim3A_792] : memref<80x256xf32, #tpu.memory_space<vmem>>[vector<16xi32>, vector<16xi32>], vector<16xf32>,
        %mul3A_795 = arith.mulf %gather3A_793, %gather3A_794 : vector<16xf32>
        %add3A_796 = arith.addf %add3A_790, %mul3A_795 : vector<16xf32>
        %broadcast_in_dim3A_797 = arith.constant 243 : i32
        %broadcast_in_dim3A_798 = vector.broadcast %broadcast_in_dim3A_797 : i32 to vector<16xi32>
        %gather3A_799 = tpu.vector_load_idx %arg12[%add3A_105, %broadcast_in_dim3A_798] : memref<80x256xf32, #tpu.memory_space<vmem>>[vector<16xi32>, vector<16xi32>], vector<16xf32>,
        %gather3A_800 = tpu.vector_load_idx %arg13[%add3A_105, %broadcast_in_dim3A_798] : memref<80x256xf32, #tpu.memory_space<vmem>>[vector<16xi32>, vector<16xi32>], vector<16xf32>,
        %mul3A_801 = arith.mulf %gather3A_799, %gather3A_800 : vector<16xf32>
        %add3A_802 = arith.addf %add3A_796, %mul3A_801 : vector<16xf32>
        %broadcast_in_dim3A_803 = arith.constant 244 : i32
        %broadcast_in_dim3A_804 = vector.broadcast %broadcast_in_dim3A_803 : i32 to vector<16xi32>
        %gather3A_805 = tpu.vector_load_idx %arg12[%add3A_105, %broadcast_in_dim3A_804] : memref<80x256xf32, #tpu.memory_space<vmem>>[vector<16xi32>, vector<16xi32>], vector<16xf32>,
        %gather3A_806 = tpu.vector_load_idx %arg13[%add3A_105, %broadcast_in_dim3A_804] : memref<80x256xf32, #tpu.memory_space<vmem>>[vector<16xi32>, vector<16xi32>], vector<16xf32>,
        %mul3A_807 = arith.mulf %gather3A_805, %gather3A_806 : vector<16xf32>
        %add3A_808 = arith.addf %add3A_802, %mul3A_807 : vector<16xf32>
        %broadcast_in_dim3A_809 = arith.constant 245 : i32
        %broadcast_in_dim3A_810 = vector.broadcast %broadcast_in_dim3A_809 : i32 to vector<16xi32>
        %gather3A_811 = tpu.vector_load_idx %arg12[%add3A_105, %broadcast_in_dim3A_810] : memref<80x256xf32, #tpu.memory_space<vmem>>[vector<16xi32>, vector<16xi32>], vector<16xf32>,
        %gather3A_812 = tpu.vector_load_idx %arg13[%add3A_105, %broadcast_in_dim3A_810] : memref<80x256xf32, #tpu.memory_space<vmem>>[vector<16xi32>, vector<16xi32>], vector<16xf32>,
        %mul3A_813 = arith.mulf %gather3A_811, %gather3A_812 : vector<16xf32>
        %add3A_814 = arith.addf %add3A_808, %mul3A_813 : vector<16xf32>
        %broadcast_in_dim3A_815 = arith.constant 246 : i32
        %broadcast_in_dim3A_816 = vector.broadcast %broadcast_in_dim3A_815 : i32 to vector<16xi32>
        %gather3A_817 = tpu.vector_load_idx %arg12[%add3A_105, %broadcast_in_dim3A_816] : memref<80x256xf32, #tpu.memory_space<vmem>>[vector<16xi32>, vector<16xi32>], vector<16xf32>,
        %gather3A_818 = tpu.vector_load_idx %arg13[%add3A_105, %broadcast_in_dim3A_816] : memref<80x256xf32, #tpu.memory_space<vmem>>[vector<16xi32>, vector<16xi32>], vector<16xf32>,
        %mul3A_819 = arith.mulf %gather3A_817, %gather3A_818 : vector<16xf32>
        %add3A_820 = arith.addf %add3A_814, %mul3A_819 : vector<16xf32>
        %broadcast_in_dim3A_821 = arith.constant 247 : i32
        %broadcast_in_dim3A_822 = vector.broadcast %broadcast_in_dim3A_821 : i32 to vector<16xi32>
        %gather3A_823 = tpu.vector_load_idx %arg12[%add3A_105, %broadcast_in_dim3A_822] : memref<80x256xf32, #tpu.memory_space<vmem>>[vector<16xi32>, vector<16xi32>], vector<16xf32>,
        %gather3A_824 = tpu.vector_load_idx %arg13[%add3A_105, %broadcast_in_dim3A_822] : memref<80x256xf32, #tpu.memory_space<vmem>>[vector<16xi32>, vector<16xi32>], vector<16xf32>,
        %mul3A_825 = arith.mulf %gather3A_823, %gather3A_824 : vector<16xf32>
        %add3A_826 = arith.addf %add3A_820, %mul3A_825 : vector<16xf32>
        %broadcast_in_dim3A_827 = arith.constant 248 : i32
        %broadcast_in_dim3A_828 = vector.broadcast %broadcast_in_dim3A_827 : i32 to vector<16xi32>
        %gather3A_829 = tpu.vector_load_idx %arg12[%add3A_105, %broadcast_in_dim3A_828] : memref<80x256xf32, #tpu.memory_space<vmem>>[vector<16xi32>, vector<16xi32>], vector<16xf32>,
        %gather3A_830 = tpu.vector_load_idx %arg13[%add3A_105, %broadcast_in_dim3A_828] : memref<80x256xf32, #tpu.memory_space<vmem>>[vector<16xi32>, vector<16xi32>], vector<16xf32>,
        %mul3A_831 = arith.mulf %gather3A_829, %gather3A_830 : vector<16xf32>
        %add3A_832 = arith.addf %add3A_826, %mul3A_831 : vector<16xf32>
        %broadcast_in_dim3A_833 = arith.constant 249 : i32
        %broadcast_in_dim3A_834 = vector.broadcast %broadcast_in_dim3A_833 : i32 to vector<16xi32>
        %gather3A_835 = tpu.vector_load_idx %arg12[%add3A_105, %broadcast_in_dim3A_834] : memref<80x256xf32, #tpu.memory_space<vmem>>[vector<16xi32>, vector<16xi32>], vector<16xf32>,
        %gather3A_836 = tpu.vector_load_idx %arg13[%add3A_105, %broadcast_in_dim3A_834] : memref<80x256xf32, #tpu.memory_space<vmem>>[vector<16xi32>, vector<16xi32>], vector<16xf32>,
        %mul3A_837 = arith.mulf %gather3A_835, %gather3A_836 : vector<16xf32>
        %add3A_838 = arith.addf %add3A_832, %mul3A_837 : vector<16xf32>
        %broadcast_in_dim3A_839 = arith.constant 250 : i32
        %broadcast_in_dim3A_840 = vector.broadcast %broadcast_in_dim3A_839 : i32 to vector<16xi32>
        %gather3A_841 = tpu.vector_load_idx %arg12[%add3A_105, %broadcast_in_dim3A_840] : memref<80x256xf32, #tpu.memory_space<vmem>>[vector<16xi32>, vector<16xi32>], vector<16xf32>,
        %gather3A_842 = tpu.vector_load_idx %arg13[%add3A_105, %broadcast_in_dim3A_840] : memref<80x256xf32, #tpu.memory_space<vmem>>[vector<16xi32>, vector<16xi32>], vector<16xf32>,
        %mul3A_843 = arith.mulf %gather3A_841, %gather3A_842 : vector<16xf32>
        %add3A_844 = arith.addf %add3A_838, %mul3A_843 : vector<16xf32>
        %broadcast_in_dim3A_845 = arith.constant 251 : i32
        %broadcast_in_dim3A_846 = vector.broadcast %broadcast_in_dim3A_845 : i32 to vector<16xi32>
        %gather3A_847 = tpu.vector_load_idx %arg12[%add3A_105, %broadcast_in_dim3A_846] : memref<80x256xf32, #tpu.memory_space<vmem>>[vector<16xi32>, vector<16xi32>], vector<16xf32>,
        %gather3A_848 = tpu.vector_load_idx %arg13[%add3A_105, %broadcast_in_dim3A_846] : memref<80x256xf32, #tpu.memory_space<vmem>>[vector<16xi32>, vector<16xi32>], vector<16xf32>,
        %mul3A_849 = arith.mulf %gather3A_847, %gather3A_848 : vector<16xf32>
        %add3A_850 = arith.addf %add3A_844, %mul3A_849 : vector<16xf32>
        %broadcast_in_dim3A_851 = arith.constant 252 : i32
        %broadcast_in_dim3A_852 = vector.broadcast %broadcast_in_dim3A_851 : i32 to vector<16xi32>
        %gather3A_853 = tpu.vector_load_idx %arg12[%add3A_105, %broadcast_in_dim3A_852] : memref<80x256xf32, #tpu.memory_space<vmem>>[vector<16xi32>, vector<16xi32>], vector<16xf32>,
        %gather3A_854 = tpu.vector_load_idx %arg13[%add3A_105, %broadcast_in_dim3A_852] : memref<80x256xf32, #tpu.memory_space<vmem>>[vector<16xi32>, vector<16xi32>], vector<16xf32>,
        %mul3A_855 = arith.mulf %gather3A_853, %gather3A_854 : vector<16xf32>
        %add3A_856 = arith.addf %add3A_850, %mul3A_855 : vector<16xf32>
        %broadcast_in_dim3A_857 = arith.constant 253 : i32
        %broadcast_in_dim3A_858 = vector.broadcast %broadcast_in_dim3A_857 : i32 to vector<16xi32>
        %gather3A_859 = tpu.vector_load_idx %arg12[%add3A_105, %broadcast_in_dim3A_858] : memref<80x256xf32, #tpu.memory_space<vmem>>[vector<16xi32>, vector<16xi32>], vector<16xf32>,
        %gather3A_860 = tpu.vector_load_idx %arg13[%add3A_105, %broadcast_in_dim3A_858] : memref<80x256xf32, #tpu.memory_space<vmem>>[vector<16xi32>, vector<16xi32>], vector<16xf32>,
        %mul3A_861 = arith.mulf %gather3A_859, %gather3A_860 : vector<16xf32>
        %add3A_862 = arith.addf %add3A_856, %mul3A_861 : vector<16xf32>
        %broadcast_in_dim3A_863 = arith.constant 254 : i32
        %broadcast_in_dim3A_864 = vector.broadcast %broadcast_in_dim3A_863 : i32 to vector<16xi32>
        %gather3A_865 = tpu.vector_load_idx %arg12[%add3A_105, %broadcast_in_dim3A_864] : memref<80x256xf32, #tpu.memory_space<vmem>>[vector<16xi32>, vector<16xi32>], vector<16xf32>,
        %gather3A_866 = tpu.vector_load_idx %arg13[%add3A_105, %broadcast_in_dim3A_864] : memref<80x256xf32, #tpu.memory_space<vmem>>[vector<16xi32>, vector<16xi32>], vector<16xf32>,
        %mul3A_867 = arith.mulf %gather3A_865, %gather3A_866 : vector<16xf32>
        %add3A_868 = arith.addf %add3A_862, %mul3A_867 : vector<16xf32>
        %broadcast_in_dim3A_869 = arith.constant 255 : i32
        %broadcast_in_dim3A_870 = vector.broadcast %broadcast_in_dim3A_869 : i32 to vector<16xi32>
        %gather3A_871 = tpu.vector_load_idx %arg12[%add3A_105, %broadcast_in_dim3A_870] : memref<80x256xf32, #tpu.memory_space<vmem>>[vector<16xi32>, vector<16xi32>], vector<16xf32>,
        %gather3A_872 = tpu.vector_load_idx %arg13[%add3A_105, %broadcast_in_dim3A_870] : memref<80x256xf32, #tpu.memory_space<vmem>>[vector<16xi32>, vector<16xi32>], vector<16xf32>,
        %mul3A_873 = arith.mulf %gather3A_871, %gather3A_872 : vector<16xf32>
        %add3A_874 = arith.addf %add3A_868, %mul3A_873 : vector<16xf32>
        %broadcast_in_dim3A_875 = arith.constant 0.000000e+00 : f32
        %broadcast_in_dim3A_876 = vector.broadcast %broadcast_in_dim3A_875 : f32 to vector<16xf32>
        %broadcast_in_dim3A_877 = arith.constant 0 : i32
        %broadcast_in_dim3A_878 = vector.broadcast %broadcast_in_dim3A_877 : i32 to vector<16xi32>
        %gather3A_879 = tpu.vector_load_idx %arg12[%add3A_105, %broadcast_in_dim3A_878] : memref<80x256xf32, #tpu.memory_space<vmem>>[vector<16xi32>, vector<16xi32>], vector<16xf32>,
        %gather3A_880 = tpu.vector_load_idx %arg13[%add3A_105, %broadcast_in_dim3A_878] : memref<80x256xf32, #tpu.memory_space<vmem>>[vector<16xi32>, vector<16xi32>], vector<16xf32>,
        %mul3A_881 = arith.mulf %gather3A_879, %gather3A_880 : vector<16xf32>
        %add3A_882 = arith.addf %broadcast_in_dim3A_876, %mul3A_881 : vector<16xf32>
        %broadcast_in_dim3A_883 = arith.constant 1 : i32
        %broadcast_in_dim3A_884 = vector.broadcast %broadcast_in_dim3A_883 : i32 to vector<16xi32>
        %gather3A_885 = tpu.vector_load_idx %arg12[%add3A_105, %broadcast_in_dim3A_884] : memref<80x256xf32, #tpu.memory_space<vmem>>[vector<16xi32>, vector<16xi32>], vector<16xf32>,
        %gather3A_886 = tpu.vector_load_idx %arg13[%add3A_105, %broadcast_in_dim3A_884] : memref<80x256xf32, #tpu.memory_space<vmem>>[vector<16xi32>, vector<16xi32>], vector<16xf32>,
        %mul3A_887 = arith.mulf %gather3A_885, %gather3A_886 : vector<16xf32>
        %add3A_888 = arith.addf %add3A_882, %mul3A_887 : vector<16xf32>
        %broadcast_in_dim3A_889 = arith.constant 2 : i32
        %broadcast_in_dim3A_890 = vector.broadcast %broadcast_in_dim3A_889 : i32 to vector<16xi32>
        %gather3A_891 = tpu.vector_load_idx %arg12[%add3A_105, %broadcast_in_dim3A_890] : memref<80x256xf32, #tpu.memory_space<vmem>>[vector<16xi32>, vector<16xi32>], vector<16xf32>,
        %gather3A_892 = tpu.vector_load_idx %arg13[%add3A_105, %broadcast_in_dim3A_890] : memref<80x256xf32, #tpu.memory_space<vmem>>[vector<16xi32>, vector<16xi32>], vector<16xf32>,
        %mul3A_893 = arith.mulf %gather3A_891, %gather3A_892 : vector<16xf32>
        %add3A_894 = arith.addf %add3A_888, %mul3A_893 : vector<16xf32>
        %broadcast_in_dim3A_895 = arith.constant 3 : i32
        %broadcast_in_dim3A_896 = vector.broadcast %broadcast_in_dim3A_895 : i32 to vector<16xi32>
        %gather3A_897 = tpu.vector_load_idx %arg12[%add3A_105, %broadcast_in_dim3A_896] : memref<80x256xf32, #tpu.memory_space<vmem>>[vector<16xi32>, vector<16xi32>], vector<16xf32>,
        %gather3A_898 = tpu.vector_load_idx %arg13[%add3A_105, %broadcast_in_dim3A_896] : memref<80x256xf32, #tpu.memory_space<vmem>>[vector<16xi32>, vector<16xi32>], vector<16xf32>,
        %mul3A_899 = arith.mulf %gather3A_897, %gather3A_898 : vector<16xf32>
        %add3A_900 = arith.addf %add3A_894, %mul3A_899 : vector<16xf32>
        %broadcast_in_dim3A_901 = arith.constant 4 : i32
        %broadcast_in_dim3A_902 = vector.broadcast %broadcast_in_dim3A_901 : i32 to vector<16xi32>
        %gather3A_903 = tpu.vector_load_idx %arg12[%add3A_105, %broadcast_in_dim3A_902] : memref<80x256xf32, #tpu.memory_space<vmem>>[vector<16xi32>, vector<16xi32>], vector<16xf32>,
        %gather3A_904 = tpu.vector_load_idx %arg13[%add3A_105, %broadcast_in_dim3A_902] : memref<80x256xf32, #tpu.memory_space<vmem>>[vector<16xi32>, vector<16xi32>], vector<16xf32>,
        %mul3A_905 = arith.mulf %gather3A_903, %gather3A_904 : vector<16xf32>
        %add3A_906 = arith.addf %add3A_900, %mul3A_905 : vector<16xf32>
        %broadcast_in_dim3A_907 = arith.constant 5 : i32
        %broadcast_in_dim3A_908 = vector.broadcast %broadcast_in_dim3A_907 : i32 to vector<16xi32>
        %gather3A_909 = tpu.vector_load_idx %arg12[%add3A_105, %broadcast_in_dim3A_908] : memref<80x256xf32, #tpu.memory_space<vmem>>[vector<16xi32>, vector<16xi32>], vector<16xf32>,
        %gather3A_910 = tpu.vector_load_idx %arg13[%add3A_105, %broadcast_in_dim3A_908] : memref<80x256xf32, #tpu.memory_space<vmem>>[vector<16xi32>, vector<16xi32>], vector<16xf32>,
        %mul3A_911 = arith.mulf %gather3A_909, %gather3A_910 : vector<16xf32>
        %add3A_912 = arith.addf %add3A_906, %mul3A_911 : vector<16xf32>
        %broadcast_in_dim3A_913 = arith.constant 6 : i32
        %broadcast_in_dim3A_914 = vector.broadcast %broadcast_in_dim3A_913 : i32 to vector<16xi32>
        %gather3A_915 = tpu.vector_load_idx %arg12[%add3A_105, %broadcast_in_dim3A_914] : memref<80x256xf32, #tpu.memory_space<vmem>>[vector<16xi32>, vector<16xi32>], vector<16xf32>,
        %gather3A_916 = tpu.vector_load_idx %arg13[%add3A_105, %broadcast_in_dim3A_914] : memref<80x256xf32, #tpu.memory_space<vmem>>[vector<16xi32>, vector<16xi32>], vector<16xf32>,
        %mul3A_917 = arith.mulf %gather3A_915, %gather3A_916 : vector<16xf32>
        %add3A_918 = arith.addf %add3A_912, %mul3A_917 : vector<16xf32>
        %broadcast_in_dim3A_919 = arith.constant 7 : i32
        %broadcast_in_dim3A_920 = vector.broadcast %broadcast_in_dim3A_919 : i32 to vector<16xi32>
        %gather3A_921 = tpu.vector_load_idx %arg12[%add3A_105, %broadcast_in_dim3A_920] : memref<80x256xf32, #tpu.memory_space<vmem>>[vector<16xi32>, vector<16xi32>], vector<16xf32>,
        %gather3A_922 = tpu.vector_load_idx %arg13[%add3A_105, %broadcast_in_dim3A_920] : memref<80x256xf32, #tpu.memory_space<vmem>>[vector<16xi32>, vector<16xi32>], vector<16xf32>,
        %mul3A_923 = arith.mulf %gather3A_921, %gather3A_922 : vector<16xf32>
        %add3A_924 = arith.addf %add3A_918, %mul3A_923 : vector<16xf32>
        %broadcast_in_dim3A_925 = arith.constant 8 : i32
        %broadcast_in_dim3A_926 = vector.broadcast %broadcast_in_dim3A_925 : i32 to vector<16xi32>
        %gather3A_927 = tpu.vector_load_idx %arg12[%add3A_105, %broadcast_in_dim3A_926] : memref<80x256xf32, #tpu.memory_space<vmem>>[vector<16xi32>, vector<16xi32>], vector<16xf32>,
        %gather3A_928 = tpu.vector_load_idx %arg13[%add3A_105, %broadcast_in_dim3A_926] : memref<80x256xf32, #tpu.memory_space<vmem>>[vector<16xi32>, vector<16xi32>], vector<16xf32>,
        %mul3A_929 = arith.mulf %gather3A_927, %gather3A_928 : vector<16xf32>
        %add3A_930 = arith.addf %add3A_924, %mul3A_929 : vector<16xf32>
        %broadcast_in_dim3A_931 = arith.constant 9 : i32
        %broadcast_in_dim3A_932 = vector.broadcast %broadcast_in_dim3A_931 : i32 to vector<16xi32>
        %gather3A_933 = tpu.vector_load_idx %arg12[%add3A_105, %broadcast_in_dim3A_932] : memref<80x256xf32, #tpu.memory_space<vmem>>[vector<16xi32>, vector<16xi32>], vector<16xf32>,
        %gather3A_934 = tpu.vector_load_idx %arg13[%add3A_105, %broadcast_in_dim3A_932] : memref<80x256xf32, #tpu.memory_space<vmem>>[vector<16xi32>, vector<16xi32>], vector<16xf32>,
        %mul3A_935 = arith.mulf %gather3A_933, %gather3A_934 : vector<16xf32>
        %add3A_936 = arith.addf %add3A_930, %mul3A_935 : vector<16xf32>
        %broadcast_in_dim3A_937 = arith.constant 10 : i32
        %broadcast_in_dim3A_938 = vector.broadcast %broadcast_in_dim3A_937 : i32 to vector<16xi32>
        %gather3A_939 = tpu.vector_load_idx %arg12[%add3A_105, %broadcast_in_dim3A_938] : memref<80x256xf32, #tpu.memory_space<vmem>>[vector<16xi32>, vector<16xi32>], vector<16xf32>,
        %gather3A_940 = tpu.vector_load_idx %arg13[%add3A_105, %broadcast_in_dim3A_938] : memref<80x256xf32, #tpu.memory_space<vmem>>[vector<16xi32>, vector<16xi32>], vector<16xf32>,
        %mul3A_941 = arith.mulf %gather3A_939, %gather3A_940 : vector<16xf32>
        %add3A_942 = arith.addf %add3A_936, %mul3A_941 : vector<16xf32>
        %broadcast_in_dim3A_943 = arith.constant 11 : i32
        %broadcast_in_dim3A_944 = vector.broadcast %broadcast_in_dim3A_943 : i32 to vector<16xi32>
        %gather3A_945 = tpu.vector_load_idx %arg12[%add3A_105, %broadcast_in_dim3A_944] : memref<80x256xf32, #tpu.memory_space<vmem>>[vector<16xi32>, vector<16xi32>], vector<16xf32>,
        %gather3A_946 = tpu.vector_load_idx %arg13[%add3A_105, %broadcast_in_dim3A_944] : memref<80x256xf32, #tpu.memory_space<vmem>>[vector<16xi32>, vector<16xi32>], vector<16xf32>,
        %mul3A_947 = arith.mulf %gather3A_945, %gather3A_946 : vector<16xf32>
        %add3A_948 = arith.addf %add3A_942, %mul3A_947 : vector<16xf32>
        %broadcast_in_dim3A_949 = arith.constant 12 : i32
        %broadcast_in_dim3A_950 = vector.broadcast %broadcast_in_dim3A_949 : i32 to vector<16xi32>
        %gather3A_951 = tpu.vector_load_idx %arg12[%add3A_105, %broadcast_in_dim3A_950] : memref<80x256xf32, #tpu.memory_space<vmem>>[vector<16xi32>, vector<16xi32>], vector<16xf32>,
        %gather3A_952 = tpu.vector_load_idx %arg13[%add3A_105, %broadcast_in_dim3A_950] : memref<80x256xf32, #tpu.memory_space<vmem>>[vector<16xi32>, vector<16xi32>], vector<16xf32>,
        %mul3A_953 = arith.mulf %gather3A_951, %gather3A_952 : vector<16xf32>
        %add3A_954 = arith.addf %add3A_948, %mul3A_953 : vector<16xf32>
        %broadcast_in_dim3A_955 = arith.constant 13 : i32
        %broadcast_in_dim3A_956 = vector.broadcast %broadcast_in_dim3A_955 : i32 to vector<16xi32>
        %gather3A_957 = tpu.vector_load_idx %arg12[%add3A_105, %broadcast_in_dim3A_956] : memref<80x256xf32, #tpu.memory_space<vmem>>[vector<16xi32>, vector<16xi32>], vector<16xf32>,
        %gather3A_958 = tpu.vector_load_idx %arg13[%add3A_105, %broadcast_in_dim3A_956] : memref<80x256xf32, #tpu.memory_space<vmem>>[vector<16xi32>, vector<16xi32>], vector<16xf32>,
        %mul3A_959 = arith.mulf %gather3A_957, %gather3A_958 : vector<16xf32>
        %add3A_960 = arith.addf %add3A_954, %mul3A_959 : vector<16xf32>
        %broadcast_in_dim3A_961 = arith.constant 14 : i32
        %broadcast_in_dim3A_962 = vector.broadcast %broadcast_in_dim3A_961 : i32 to vector<16xi32>
        %gather3A_963 = tpu.vector_load_idx %arg12[%add3A_105, %broadcast_in_dim3A_962] : memref<80x256xf32, #tpu.memory_space<vmem>>[vector<16xi32>, vector<16xi32>], vector<16xf32>,
        %gather3A_964 = tpu.vector_load_idx %arg13[%add3A_105, %broadcast_in_dim3A_962] : memref<80x256xf32, #tpu.memory_space<vmem>>[vector<16xi32>, vector<16xi32>], vector<16xf32>,
        %mul3A_965 = arith.mulf %gather3A_963, %gather3A_964 : vector<16xf32>
        %add3A_966 = arith.addf %add3A_960, %mul3A_965 : vector<16xf32>
        %broadcast_in_dim3A_967 = arith.constant 15 : i32
        %broadcast_in_dim3A_968 = vector.broadcast %broadcast_in_dim3A_967 : i32 to vector<16xi32>
        %gather3A_969 = tpu.vector_load_idx %arg12[%add3A_105, %broadcast_in_dim3A_968] : memref<80x256xf32, #tpu.memory_space<vmem>>[vector<16xi32>, vector<16xi32>], vector<16xf32>,
        %gather3A_970 = tpu.vector_load_idx %arg13[%add3A_105, %broadcast_in_dim3A_968] : memref<80x256xf32, #tpu.memory_space<vmem>>[vector<16xi32>, vector<16xi32>], vector<16xf32>,
        %mul3A_971 = arith.mulf %gather3A_969, %gather3A_970 : vector<16xf32>
        %add3A_972 = arith.addf %add3A_966, %mul3A_971 : vector<16xf32>
        %mul3A_973 = arith.constant 2.500000e-01 : f32
        %mul3A_974 = vector.broadcast %mul3A_973 : f32 to vector<16xf32>
        %mul3A_975 = arith.mulf %add3A_972, %mul3A_974 : vector<16xf32>
        %mul3A_976 = arith.mulf %get3A_12, %add3A_874 : vector<16xf32>
        %add3A_977 = arith.addf %mul3A_975, %mul3A_976 : vector<16xf32>
        %exp3A = math.exp %add3A_977 : vector<16xf32>
        %broadcast_in_dim3A_978 = arith.constant 0 : i32
        %broadcast_in_dim3A_979 = vector.broadcast %broadcast_in_dim3A_978 : i32 to vector<16xi32>
        tpu.vector_store_idx %arg14[%add3A_105, %broadcast_in_dim3A_979], %exp3A : memref<80x16xf32, #tpu.memory_space<vmem>>[vector<16xi32>, vector<16xi32>], vector<16xf32>,
        %broadcast_in_dim3A_980 = arith.constant 0.000000e+00 : f32
        %broadcast_in_dim3A_981 = vector.broadcast %broadcast_in_dim3A_980 : f32 to vector<16xf32>
        %broadcast_in_dim3A_982 = arith.constant 16 : i32
        %broadcast_in_dim3A_983 = vector.broadcast %broadcast_in_dim3A_982 : i32 to vector<16xi32>
        %gather3A_984 = tpu.vector_load_idx %arg12[%add3A_105, %broadcast_in_dim3A_983] : memref<80x256xf32, #tpu.memory_space<vmem>>[vector<16xi32>, vector<16xi32>], vector<16xf32>,
        %gather3A_985 = tpu.vector_load_idx %arg13[%add3A_105, %broadcast_in_dim3A_983] : memref<80x256xf32, #tpu.memory_space<vmem>>[vector<16xi32>, vector<16xi32>], vector<16xf32>,
        %mul3A_986 = arith.mulf %gather3A_984, %gather3A_985 : vector<16xf32>
        %add3A_987 = arith.addf %broadcast_in_dim3A_981, %mul3A_986 : vector<16xf32>
        %broadcast_in_dim3A_988 = arith.constant 17 : i32
        %broadcast_in_dim3A_989 = vector.broadcast %broadcast_in_dim3A_988 : i32 to vector<16xi32>
        %gather3A_990 = tpu.vector_load_idx %arg12[%add3A_105, %broadcast_in_dim3A_989] : memref<80x256xf32, #tpu.memory_space<vmem>>[vector<16xi32>, vector<16xi32>], vector<16xf32>,
        %gather3A_991 = tpu.vector_load_idx %arg13[%add3A_105, %broadcast_in_dim3A_989] : memref<80x256xf32, #tpu.memory_space<vmem>>[vector<16xi32>, vector<16xi32>], vector<16xf32>,
        %mul3A_992 = arith.mulf %gather3A_990, %gather3A_991 : vector<16xf32>
        %add3A_993 = arith.addf %add3A_987, %mul3A_992 : vector<16xf32>
        %broadcast_in_dim3A_994 = arith.constant 18 : i32
        %broadcast_in_dim3A_995 = vector.broadcast %broadcast_in_dim3A_994 : i32 to vector<16xi32>
        %gather3A_996 = tpu.vector_load_idx %arg12[%add3A_105, %broadcast_in_dim3A_995] : memref<80x256xf32, #tpu.memory_space<vmem>>[vector<16xi32>, vector<16xi32>], vector<16xf32>,
        %gather3A_997 = tpu.vector_load_idx %arg13[%add3A_105, %broadcast_in_dim3A_995] : memref<80x256xf32, #tpu.memory_space<vmem>>[vector<16xi32>, vector<16xi32>], vector<16xf32>,
        %mul3A_998 = arith.mulf %gather3A_996, %gather3A_997 : vector<16xf32>
        %add3A_999 = arith.addf %add3A_993, %mul3A_998 : vector<16xf32>
        %broadcast_in_dim3A_1000 = arith.constant 19 : i32
        %broadcast_in_dim3A_1001 = vector.broadcast %broadcast_in_dim3A_1000 : i32 to vector<16xi32>
        %gather3A_1002 = tpu.vector_load_idx %arg12[%add3A_105, %broadcast_in_dim3A_1001] : memref<80x256xf32, #tpu.memory_space<vmem>>[vector<16xi32>, vector<16xi32>], vector<16xf32>,
        %gather3A_1003 = tpu.vector_load_idx %arg13[%add3A_105, %broadcast_in_dim3A_1001] : memref<80x256xf32, #tpu.memory_space<vmem>>[vector<16xi32>, vector<16xi32>], vector<16xf32>,
        %mul3A_1004 = arith.mulf %gather3A_1002, %gather3A_1003 : vector<16xf32>
        %add3A_1005 = arith.addf %add3A_999, %mul3A_1004 : vector<16xf32>
        %broadcast_in_dim3A_1006 = arith.constant 20 : i32
        %broadcast_in_dim3A_1007 = vector.broadcast %broadcast_in_dim3A_1006 : i32 to vector<16xi32>
        %gather3A_1008 = tpu.vector_load_idx %arg12[%add3A_105, %broadcast_in_dim3A_1007] : memref<80x256xf32, #tpu.memory_space<vmem>>[vector<16xi32>, vector<16xi32>], vector<16xf32>,
        %gather3A_1009 = tpu.vector_load_idx %arg13[%add3A_105, %broadcast_in_dim3A_1007] : memref<80x256xf32, #tpu.memory_space<vmem>>[vector<16xi32>, vector<16xi32>], vector<16xf32>,
        %mul3A_1010 = arith.mulf %gather3A_1008, %gather3A_1009 : vector<16xf32>
        %add3A_1011 = arith.addf %add3A_1005, %mul3A_1010 : vector<16xf32>
        %broadcast_in_dim3A_1012 = arith.constant 21 : i32
        %broadcast_in_dim3A_1013 = vector.broadcast %broadcast_in_dim3A_1012 : i32 to vector<16xi32>
        %gather3A_1014 = tpu.vector_load_idx %arg12[%add3A_105, %broadcast_in_dim3A_1013] : memref<80x256xf32, #tpu.memory_space<vmem>>[vector<16xi32>, vector<16xi32>], vector<16xf32>,
        %gather3A_1015 = tpu.vector_load_idx %arg13[%add3A_105, %broadcast_in_dim3A_1013] : memref<80x256xf32, #tpu.memory_space<vmem>>[vector<16xi32>, vector<16xi32>], vector<16xf32>,
        %mul3A_1016 = arith.mulf %gather3A_1014, %gather3A_1015 : vector<16xf32>
        %add3A_1017 = arith.addf %add3A_1011, %mul3A_1016 : vector<16xf32>
        %broadcast_in_dim3A_1018 = arith.constant 22 : i32
        %broadcast_in_dim3A_1019 = vector.broadcast %broadcast_in_dim3A_1018 : i32 to vector<16xi32>
        %gather3A_1020 = tpu.vector_load_idx %arg12[%add3A_105, %broadcast_in_dim3A_1019] : memref<80x256xf32, #tpu.memory_space<vmem>>[vector<16xi32>, vector<16xi32>], vector<16xf32>,
        %gather3A_1021 = tpu.vector_load_idx %arg13[%add3A_105, %broadcast_in_dim3A_1019] : memref<80x256xf32, #tpu.memory_space<vmem>>[vector<16xi32>, vector<16xi32>], vector<16xf32>,
        %mul3A_1022 = arith.mulf %gather3A_1020, %gather3A_1021 : vector<16xf32>
        %add3A_1023 = arith.addf %add3A_1017, %mul3A_1022 : vector<16xf32>
        %broadcast_in_dim3A_1024 = arith.constant 23 : i32
        %broadcast_in_dim3A_1025 = vector.broadcast %broadcast_in_dim3A_1024 : i32 to vector<16xi32>
        %gather3A_1026 = tpu.vector_load_idx %arg12[%add3A_105, %broadcast_in_dim3A_1025] : memref<80x256xf32, #tpu.memory_space<vmem>>[vector<16xi32>, vector<16xi32>], vector<16xf32>,
        %gather3A_1027 = tpu.vector_load_idx %arg13[%add3A_105, %broadcast_in_dim3A_1025] : memref<80x256xf32, #tpu.memory_space<vmem>>[vector<16xi32>, vector<16xi32>], vector<16xf32>,
        %mul3A_1028 = arith.mulf %gather3A_1026, %gather3A_1027 : vector<16xf32>
        %add3A_1029 = arith.addf %add3A_1023, %mul3A_1028 : vector<16xf32>
        %broadcast_in_dim3A_1030 = arith.constant 24 : i32
        %broadcast_in_dim3A_1031 = vector.broadcast %broadcast_in_dim3A_1030 : i32 to vector<16xi32>
        %gather3A_1032 = tpu.vector_load_idx %arg12[%add3A_105, %broadcast_in_dim3A_1031] : memref<80x256xf32, #tpu.memory_space<vmem>>[vector<16xi32>, vector<16xi32>], vector<16xf32>,
        %gather3A_1033 = tpu.vector_load_idx %arg13[%add3A_105, %broadcast_in_dim3A_1031] : memref<80x256xf32, #tpu.memory_space<vmem>>[vector<16xi32>, vector<16xi32>], vector<16xf32>,
        %mul3A_1034 = arith.mulf %gather3A_1032, %gather3A_1033 : vector<16xf32>
        %add3A_1035 = arith.addf %add3A_1029, %mul3A_1034 : vector<16xf32>
        %broadcast_in_dim3A_1036 = arith.constant 25 : i32
        %broadcast_in_dim3A_1037 = vector.broadcast %broadcast_in_dim3A_1036 : i32 to vector<16xi32>
        %gather3A_1038 = tpu.vector_load_idx %arg12[%add3A_105, %broadcast_in_dim3A_1037] : memref<80x256xf32, #tpu.memory_space<vmem>>[vector<16xi32>, vector<16xi32>], vector<16xf32>,
        %gather3A_1039 = tpu.vector_load_idx %arg13[%add3A_105, %broadcast_in_dim3A_1037] : memref<80x256xf32, #tpu.memory_space<vmem>>[vector<16xi32>, vector<16xi32>], vector<16xf32>,
        %mul3A_1040 = arith.mulf %gather3A_1038, %gather3A_1039 : vector<16xf32>
        %add3A_1041 = arith.addf %add3A_1035, %mul3A_1040 : vector<16xf32>
        %broadcast_in_dim3A_1042 = arith.constant 26 : i32
        %broadcast_in_dim3A_1043 = vector.broadcast %broadcast_in_dim3A_1042 : i32 to vector<16xi32>
        %gather3A_1044 = tpu.vector_load_idx %arg12[%add3A_105, %broadcast_in_dim3A_1043] : memref<80x256xf32, #tpu.memory_space<vmem>>[vector<16xi32>, vector<16xi32>], vector<16xf32>,
        %gather3A_1045 = tpu.vector_load_idx %arg13[%add3A_105, %broadcast_in_dim3A_1043] : memref<80x256xf32, #tpu.memory_space<vmem>>[vector<16xi32>, vector<16xi32>], vector<16xf32>,
        %mul3A_1046 = arith.mulf %gather3A_1044, %gather3A_1045 : vector<16xf32>
        %add3A_1047 = arith.addf %add3A_1041, %mul3A_1046 : vector<16xf32>
        %broadcast_in_dim3A_1048 = arith.constant 27 : i32
        %broadcast_in_dim3A_1049 = vector.broadcast %broadcast_in_dim3A_1048 : i32 to vector<16xi32>
        %gather3A_1050 = tpu.vector_load_idx %arg12[%add3A_105, %broadcast_in_dim3A_1049] : memref<80x256xf32, #tpu.memory_space<vmem>>[vector<16xi32>, vector<16xi32>], vector<16xf32>,
        %gather3A_1051 = tpu.vector_load_idx %arg13[%add3A_105, %broadcast_in_dim3A_1049] : memref<80x256xf32, #tpu.memory_space<vmem>>[vector<16xi32>, vector<16xi32>], vector<16xf32>,
        %mul3A_1052 = arith.mulf %gather3A_1050, %gather3A_1051 : vector<16xf32>
        %add3A_1053 = arith.addf %add3A_1047, %mul3A_1052 : vector<16xf32>
        %broadcast_in_dim3A_1054 = arith.constant 28 : i32
        %broadcast_in_dim3A_1055 = vector.broadcast %broadcast_in_dim3A_1054 : i32 to vector<16xi32>
        %gather3A_1056 = tpu.vector_load_idx %arg12[%add3A_105, %broadcast_in_dim3A_1055] : memref<80x256xf32, #tpu.memory_space<vmem>>[vector<16xi32>, vector<16xi32>], vector<16xf32>,
        %gather3A_1057 = tpu.vector_load_idx %arg13[%add3A_105, %broadcast_in_dim3A_1055] : memref<80x256xf32, #tpu.memory_space<vmem>>[vector<16xi32>, vector<16xi32>], vector<16xf32>,
        %mul3A_1058 = arith.mulf %gather3A_1056, %gather3A_1057 : vector<16xf32>
        %add3A_1059 = arith.addf %add3A_1053, %mul3A_1058 : vector<16xf32>
        %broadcast_in_dim3A_1060 = arith.constant 29 : i32
        %broadcast_in_dim3A_1061 = vector.broadcast %broadcast_in_dim3A_1060 : i32 to vector<16xi32>
        %gather3A_1062 = tpu.vector_load_idx %arg12[%add3A_105, %broadcast_in_dim3A_1061] : memref<80x256xf32, #tpu.memory_space<vmem>>[vector<16xi32>, vector<16xi32>], vector<16xf32>,
        %gather3A_1063 = tpu.vector_load_idx %arg13[%add3A_105, %broadcast_in_dim3A_1061] : memref<80x256xf32, #tpu.memory_space<vmem>>[vector<16xi32>, vector<16xi32>], vector<16xf32>,
        %mul3A_1064 = arith.mulf %gather3A_1062, %gather3A_1063 : vector<16xf32>
        %add3A_1065 = arith.addf %add3A_1059, %mul3A_1064 : vector<16xf32>
        %broadcast_in_dim3A_1066 = arith.constant 30 : i32
        %broadcast_in_dim3A_1067 = vector.broadcast %broadcast_in_dim3A_1066 : i32 to vector<16xi32>
        %gather3A_1068 = tpu.vector_load_idx %arg12[%add3A_105, %broadcast_in_dim3A_1067] : memref<80x256xf32, #tpu.memory_space<vmem>>[vector<16xi32>, vector<16xi32>], vector<16xf32>,
        %gather3A_1069 = tpu.vector_load_idx %arg13[%add3A_105, %broadcast_in_dim3A_1067] : memref<80x256xf32, #tpu.memory_space<vmem>>[vector<16xi32>, vector<16xi32>], vector<16xf32>,
        %mul3A_1070 = arith.mulf %gather3A_1068, %gather3A_1069 : vector<16xf32>
        %add3A_1071 = arith.addf %add3A_1065, %mul3A_1070 : vector<16xf32>
        %broadcast_in_dim3A_1072 = arith.constant 31 : i32
        %broadcast_in_dim3A_1073 = vector.broadcast %broadcast_in_dim3A_1072 : i32 to vector<16xi32>
        %gather3A_1074 = tpu.vector_load_idx %arg12[%add3A_105, %broadcast_in_dim3A_1073] : memref<80x256xf32, #tpu.memory_space<vmem>>[vector<16xi32>, vector<16xi32>], vector<16xf32>,
        %gather3A_1075 = tpu.vector_load_idx %arg13[%add3A_105, %broadcast_in_dim3A_1073] : memref<80x256xf32, #tpu.memory_space<vmem>>[vector<16xi32>, vector<16xi32>], vector<16xf32>,
        %mul3A_1076 = arith.mulf %gather3A_1074, %gather3A_1075 : vector<16xf32>
        %add3A_1077 = arith.addf %add3A_1071, %mul3A_1076 : vector<16xf32>
        %mul3A_1078 = arith.constant 2.500000e-01 : f32
        %mul3A_1079 = vector.broadcast %mul3A_1078 : f32 to vector<16xf32>
        %mul3A_1080 = arith.mulf %add3A_1077, %mul3A_1079 : vector<16xf32>
        %mul3A_1081 = arith.mulf %get3A_12, %add3A_874 : vector<16xf32>
        %add3A_1082 = arith.addf %mul3A_1080, %mul3A_1081 : vector<16xf32>
        %exp3A_1083 = math.exp %add3A_1082 : vector<16xf32>
        %broadcast_in_dim3A_1084 = arith.constant 1 : i32
        %broadcast_in_dim3A_1085 = vector.broadcast %broadcast_in_dim3A_1084 : i32 to vector<16xi32>
        tpu.vector_store_idx %arg14[%add3A_105, %broadcast_in_dim3A_1085], %exp3A_1083 : memref<80x16xf32, #tpu.memory_space<vmem>>[vector<16xi32>, vector<16xi32>], vector<16xf32>,
        %broadcast_in_dim3A_1086 = arith.constant 0.000000e+00 : f32
        %broadcast_in_dim3A_1087 = vector.broadcast %broadcast_in_dim3A_1086 : f32 to vector<16xf32>
        %broadcast_in_dim3A_1088 = arith.constant 32 : i32
        %broadcast_in_dim3A_1089 = vector.broadcast %broadcast_in_dim3A_1088 : i32 to vector<16xi32>
        %gather3A_1090 = tpu.vector_load_idx %arg12[%add3A_105, %broadcast_in_dim3A_1089] : memref<80x256xf32, #tpu.memory_space<vmem>>[vector<16xi32>, vector<16xi32>], vector<16xf32>,
        %gather3A_1091 = tpu.vector_load_idx %arg13[%add3A_105, %broadcast_in_dim3A_1089] : memref<80x256xf32, #tpu.memory_space<vmem>>[vector<16xi32>, vector<16xi32>], vector<16xf32>,
        %mul3A_1092 = arith.mulf %gather3A_1090, %gather3A_1091 : vector<16xf32>
        %add3A_1093 = arith.addf %broadcast_in_dim3A_1087, %mul3A_1092 : vector<16xf32>
        %broadcast_in_dim3A_1094 = arith.constant 33 : i32
        %broadcast_in_dim3A_1095 = vector.broadcast %broadcast_in_dim3A_1094 : i32 to vector<16xi32>
        %gather3A_1096 = tpu.vector_load_idx %arg12[%add3A_105, %broadcast_in_dim3A_1095] : memref<80x256xf32, #tpu.memory_space<vmem>>[vector<16xi32>, vector<16xi32>], vector<16xf32>,
        %gather3A_1097 = tpu.vector_load_idx %arg13[%add3A_105, %broadcast_in_dim3A_1095] : memref<80x256xf32, #tpu.memory_space<vmem>>[vector<16xi32>, vector<16xi32>], vector<16xf32>,
        %mul3A_1098 = arith.mulf %gather3A_1096, %gather3A_1097 : vector<16xf32>
        %add3A_1099 = arith.addf %add3A_1093, %mul3A_1098 : vector<16xf32>
        %broadcast_in_dim3A_1100 = arith.constant 34 : i32
        %broadcast_in_dim3A_1101 = vector.broadcast %broadcast_in_dim3A_1100 : i32 to vector<16xi32>
        %gather3A_1102 = tpu.vector_load_idx %arg12[%add3A_105, %broadcast_in_dim3A_1101] : memref<80x256xf32, #tpu.memory_space<vmem>>[vector<16xi32>, vector<16xi32>], vector<16xf32>,
        %gather3A_1103 = tpu.vector_load_idx %arg13[%add3A_105, %broadcast_in_dim3A_1101] : memref<80x256xf32, #tpu.memory_space<vmem>>[vector<16xi32>, vector<16xi32>], vector<16xf32>,
        %mul3A_1104 = arith.mulf %gather3A_1102, %gather3A_1103 : vector<16xf32>
        %add3A_1105 = arith.addf %add3A_1099, %mul3A_1104 : vector<16xf32>
        %broadcast_in_dim3A_1106 = arith.constant 35 : i32
        %broadcast_in_dim3A_1107 = vector.broadcast %broadcast_in_dim3A_1106 : i32 to vector<16xi32>
        %gather3A_1108 = tpu.vector_load_idx %arg12[%add3A_105, %broadcast_in_dim3A_1107] : memref<80x256xf32, #tpu.memory_space<vmem>>[vector<16xi32>, vector<16xi32>], vector<16xf32>,
        %gather3A_1109 = tpu.vector_load_idx %arg13[%add3A_105, %broadcast_in_dim3A_1107] : memref<80x256xf32, #tpu.memory_space<vmem>>[vector<16xi32>, vector<16xi32>], vector<16xf32>,
        %mul3A_1110 = arith.mulf %gather3A_1108, %gather3A_1109 : vector<16xf32>
        %add3A_1111 = arith.addf %add3A_1105, %mul3A_1110 : vector<16xf32>
        %broadcast_in_dim3A_1112 = arith.constant 36 : i32
        %broadcast_in_dim3A_1113 = vector.broadcast %broadcast_in_dim3A_1112 : i32 to vector<16xi32>
        %gather3A_1114 = tpu.vector_load_idx %arg12[%add3A_105, %broadcast_in_dim3A_1113] : memref<80x256xf32, #tpu.memory_space<vmem>>[vector<16xi32>, vector<16xi32>], vector<16xf32>,
        %gather3A_1115 = tpu.vector_load_idx %arg13[%add3A_105, %broadcast_in_dim3A_1113] : memref<80x256xf32, #tpu.memory_space<vmem>>[vector<16xi32>, vector<16xi32>], vector<16xf32>,
        %mul3A_1116 = arith.mulf %gather3A_1114, %gather3A_1115 : vector<16xf32>
        %add3A_1117 = arith.addf %add3A_1111, %mul3A_1116 : vector<16xf32>
        %broadcast_in_dim3A_1118 = arith.constant 37 : i32
        %broadcast_in_dim3A_1119 = vector.broadcast %broadcast_in_dim3A_1118 : i32 to vector<16xi32>
        %gather3A_1120 = tpu.vector_load_idx %arg12[%add3A_105, %broadcast_in_dim3A_1119] : memref<80x256xf32, #tpu.memory_space<vmem>>[vector<16xi32>, vector<16xi32>], vector<16xf32>,
        %gather3A_1121 = tpu.vector_load_idx %arg13[%add3A_105, %broadcast_in_dim3A_1119] : memref<80x256xf32, #tpu.memory_space<vmem>>[vector<16xi32>, vector<16xi32>], vector<16xf32>,
        %mul3A_1122 = arith.mulf %gather3A_1120, %gather3A_1121 : vector<16xf32>
        %add3A_1123 = arith.addf %add3A_1117, %mul3A_1122 : vector<16xf32>
        %broadcast_in_dim3A_1124 = arith.constant 38 : i32
        %broadcast_in_dim3A_1125 = vector.broadcast %broadcast_in_dim3A_1124 : i32 to vector<16xi32>
        %gather3A_1126 = tpu.vector_load_idx %arg12[%add3A_105, %broadcast_in_dim3A_1125] : memref<80x256xf32, #tpu.memory_space<vmem>>[vector<16xi32>, vector<16xi32>], vector<16xf32>,
        %gather3A_1127 = tpu.vector_load_idx %arg13[%add3A_105, %broadcast_in_dim3A_1125] : memref<80x256xf32, #tpu.memory_space<vmem>>[vector<16xi32>, vector<16xi32>], vector<16xf32>,
        %mul3A_1128 = arith.mulf %gather3A_1126, %gather3A_1127 : vector<16xf32>
        %add3A_1129 = arith.addf %add3A_1123, %mul3A_1128 : vector<16xf32>
        %broadcast_in_dim3A_1130 = arith.constant 39 : i32
        %broadcast_in_dim3A_1131 = vector.broadcast %broadcast_in_dim3A_1130 : i32 to vector<16xi32>
        %gather3A_1132 = tpu.vector_load_idx %arg12[%add3A_105, %broadcast_in_dim3A_1131] : memref<80x256xf32, #tpu.memory_space<vmem>>[vector<16xi32>, vector<16xi32>], vector<16xf32>,
        %gather3A_1133 = tpu.vector_load_idx %arg13[%add3A_105, %broadcast_in_dim3A_1131] : memref<80x256xf32, #tpu.memory_space<vmem>>[vector<16xi32>, vector<16xi32>], vector<16xf32>,
        %mul3A_1134 = arith.mulf %gather3A_1132, %gather3A_1133 : vector<16xf32>
        %add3A_1135 = arith.addf %add3A_1129, %mul3A_1134 : vector<16xf32>
        %broadcast_in_dim3A_1136 = arith.constant 40 : i32
        %broadcast_in_dim3A_1137 = vector.broadcast %broadcast_in_dim3A_1136 : i32 to vector<16xi32>
        %gather3A_1138 = tpu.vector_load_idx %arg12[%add3A_105, %broadcast_in_dim3A_1137] : memref<80x256xf32, #tpu.memory_space<vmem>>[vector<16xi32>, vector<16xi32>], vector<16xf32>,
        %gather3A_1139 = tpu.vector_load_idx %arg13[%add3A_105, %broadcast_in_dim3A_1137] : memref<80x256xf32, #tpu.memory_space<vmem>>[vector<16xi32>, vector<16xi32>], vector<16xf32>,
        %mul3A_1140 = arith.mulf %gather3A_1138, %gather3A_1139 : vector<16xf32>
        %add3A_1141 = arith.addf %add3A_1135, %mul3A_1140 : vector<16xf32>
        %broadcast_in_dim3A_1142 = arith.constant 41 : i32
        %broadcast_in_dim3A_1143 = vector.broadcast %broadcast_in_dim3A_1142 : i32 to vector<16xi32>
        %gather3A_1144 = tpu.vector_load_idx %arg12[%add3A_105, %broadcast_in_dim3A_1143] : memref<80x256xf32, #tpu.memory_space<vmem>>[vector<16xi32>, vector<16xi32>], vector<16xf32>,
        %gather3A_1145 = tpu.vector_load_idx %arg13[%add3A_105, %broadcast_in_dim3A_1143] : memref<80x256xf32, #tpu.memory_space<vmem>>[vector<16xi32>, vector<16xi32>], vector<16xf32>,
        %mul3A_1146 = arith.mulf %gather3A_1144, %gather3A_1145 : vector<16xf32>
        %add3A_1147 = arith.addf %add3A_1141, %mul3A_1146 : vector<16xf32>
        %broadcast_in_dim3A_1148 = arith.constant 42 : i32
        %broadcast_in_dim3A_1149 = vector.broadcast %broadcast_in_dim3A_1148 : i32 to vector<16xi32>
        %gather3A_1150 = tpu.vector_load_idx %arg12[%add3A_105, %broadcast_in_dim3A_1149] : memref<80x256xf32, #tpu.memory_space<vmem>>[vector<16xi32>, vector<16xi32>], vector<16xf32>,
        %gather3A_1151 = tpu.vector_load_idx %arg13[%add3A_105, %broadcast_in_dim3A_1149] : memref<80x256xf32, #tpu.memory_space<vmem>>[vector<16xi32>, vector<16xi32>], vector<16xf32>,
        %mul3A_1152 = arith.mulf %gather3A_1150, %gather3A_1151 : vector<16xf32>
        %add3A_1153 = arith.addf %add3A_1147, %mul3A_1152 : vector<16xf32>
        %broadcast_in_dim3A_1154 = arith.constant 43 : i32
        %broadcast_in_dim3A_1155 = vector.broadcast %broadcast_in_dim3A_1154 : i32 to vector<16xi32>
        %gather3A_1156 = tpu.vector_load_idx %arg12[%add3A_105, %broadcast_in_dim3A_1155] : memref<80x256xf32, #tpu.memory_space<vmem>>[vector<16xi32>, vector<16xi32>], vector<16xf32>,
        %gather3A_1157 = tpu.vector_load_idx %arg13[%add3A_105, %broadcast_in_dim3A_1155] : memref<80x256xf32, #tpu.memory_space<vmem>>[vector<16xi32>, vector<16xi32>], vector<16xf32>,
        %mul3A_1158 = arith.mulf %gather3A_1156, %gather3A_1157 : vector<16xf32>
        %add3A_1159 = arith.addf %add3A_1153, %mul3A_1158 : vector<16xf32>
        %broadcast_in_dim3A_1160 = arith.constant 44 : i32
        %broadcast_in_dim3A_1161 = vector.broadcast %broadcast_in_dim3A_1160 : i32 to vector<16xi32>
        %gather3A_1162 = tpu.vector_load_idx %arg12[%add3A_105, %broadcast_in_dim3A_1161] : memref<80x256xf32, #tpu.memory_space<vmem>>[vector<16xi32>, vector<16xi32>], vector<16xf32>,
        %gather3A_1163 = tpu.vector_load_idx %arg13[%add3A_105, %broadcast_in_dim3A_1161] : memref<80x256xf32, #tpu.memory_space<vmem>>[vector<16xi32>, vector<16xi32>], vector<16xf32>,
        %mul3A_1164 = arith.mulf %gather3A_1162, %gather3A_1163 : vector<16xf32>
        %add3A_1165 = arith.addf %add3A_1159, %mul3A_1164 : vector<16xf32>
        %broadcast_in_dim3A_1166 = arith.constant 45 : i32
        %broadcast_in_dim3A_1167 = vector.broadcast %broadcast_in_dim3A_1166 : i32 to vector<16xi32>
        %gather3A_1168 = tpu.vector_load_idx %arg12[%add3A_105, %broadcast_in_dim3A_1167] : memref<80x256xf32, #tpu.memory_space<vmem>>[vector<16xi32>, vector<16xi32>], vector<16xf32>,
        %gather3A_1169 = tpu.vector_load_idx %arg13[%add3A_105, %broadcast_in_dim3A_1167] : memref<80x256xf32, #tpu.memory_space<vmem>>[vector<16xi32>, vector<16xi32>], vector<16xf32>,
        %mul3A_1170 = arith.mulf %gather3A_1168, %gather3A_1169 : vector<16xf32>
        %add3A_1171 = arith.addf %add3A_1165, %mul3A_1170 : vector<16xf32>
        %broadcast_in_dim3A_1172 = arith.constant 46 : i32
        %broadcast_in_dim3A_1173 = vector.broadcast %broadcast_in_dim3A_1172 : i32 to vector<16xi32>
        %gather3A_1174 = tpu.vector_load_idx %arg12[%add3A_105, %broadcast_in_dim3A_1173] : memref<80x256xf32, #tpu.memory_space<vmem>>[vector<16xi32>, vector<16xi32>], vector<16xf32>,
        %gather3A_1175 = tpu.vector_load_idx %arg13[%add3A_105, %broadcast_in_dim3A_1173] : memref<80x256xf32, #tpu.memory_space<vmem>>[vector<16xi32>, vector<16xi32>], vector<16xf32>,
        %mul3A_1176 = arith.mulf %gather3A_1174, %gather3A_1175 : vector<16xf32>
        %add3A_1177 = arith.addf %add3A_1171, %mul3A_1176 : vector<16xf32>
        %broadcast_in_dim3A_1178 = arith.constant 47 : i32
        %broadcast_in_dim3A_1179 = vector.broadcast %broadcast_in_dim3A_1178 : i32 to vector<16xi32>
        %gather3A_1180 = tpu.vector_load_idx %arg12[%add3A_105, %broadcast_in_dim3A_1179] : memref<80x256xf32, #tpu.memory_space<vmem>>[vector<16xi32>, vector<16xi32>], vector<16xf32>,
        %gather3A_1181 = tpu.vector_load_idx %arg13[%add3A_105, %broadcast_in_dim3A_1179] : memref<80x256xf32, #tpu.memory_space<vmem>>[vector<16xi32>, vector<16xi32>], vector<16xf32>,
        %mul3A_1182 = arith.mulf %gather3A_1180, %gather3A_1181 : vector<16xf32>
        %add3A_1183 = arith.addf %add3A_1177, %mul3A_1182 : vector<16xf32>
        %mul3A_1184 = arith.constant 2.500000e-01 : f32
        %mul3A_1185 = vector.broadcast %mul3A_1184 : f32 to vector<16xf32>
        %mul3A_1186 = arith.mulf %add3A_1183, %mul3A_1185 : vector<16xf32>
        %mul3A_1187 = arith.mulf %get3A_12, %add3A_874 : vector<16xf32>
        %add3A_1188 = arith.addf %mul3A_1186, %mul3A_1187 : vector<16xf32>
        %exp3A_1189 = math.exp %add3A_1188 : vector<16xf32>
        %broadcast_in_dim3A_1190 = arith.constant 2 : i32
        %broadcast_in_dim3A_1191 = vector.broadcast %broadcast_in_dim3A_1190 : i32 to vector<16xi32>
        tpu.vector_store_idx %arg14[%add3A_105, %broadcast_in_dim3A_1191], %exp3A_1189 : memref<80x16xf32, #tpu.memory_space<vmem>>[vector<16xi32>, vector<16xi32>], vector<16xf32>,
        %broadcast_in_dim3A_1192 = arith.constant 0.000000e+00 : f32
        %broadcast_in_dim3A_1193 = vector.broadcast %broadcast_in_dim3A_1192 : f32 to vector<16xf32>
        %broadcast_in_dim3A_1194 = arith.constant 48 : i32
        %broadcast_in_dim3A_1195 = vector.broadcast %broadcast_in_dim3A_1194 : i32 to vector<16xi32>
        %gather3A_1196 = tpu.vector_load_idx %arg12[%add3A_105, %broadcast_in_dim3A_1195] : memref<80x256xf32, #tpu.memory_space<vmem>>[vector<16xi32>, vector<16xi32>], vector<16xf32>,
        %gather3A_1197 = tpu.vector_load_idx %arg13[%add3A_105, %broadcast_in_dim3A_1195] : memref<80x256xf32, #tpu.memory_space<vmem>>[vector<16xi32>, vector<16xi32>], vector<16xf32>,
        %mul3A_1198 = arith.mulf %gather3A_1196, %gather3A_1197 : vector<16xf32>
        %add3A_1199 = arith.addf %broadcast_in_dim3A_1193, %mul3A_1198 : vector<16xf32>
        %broadcast_in_dim3A_1200 = arith.constant 49 : i32
        %broadcast_in_dim3A_1201 = vector.broadcast %broadcast_in_dim3A_1200 : i32 to vector<16xi32>
        %gather3A_1202 = tpu.vector_load_idx %arg12[%add3A_105, %broadcast_in_dim3A_1201] : memref<80x256xf32, #tpu.memory_space<vmem>>[vector<16xi32>, vector<16xi32>], vector<16xf32>,
        %gather3A_1203 = tpu.vector_load_idx %arg13[%add3A_105, %broadcast_in_dim3A_1201] : memref<80x256xf32, #tpu.memory_space<vmem>>[vector<16xi32>, vector<16xi32>], vector<16xf32>,
        %mul3A_1204 = arith.mulf %gather3A_1202, %gather3A_1203 : vector<16xf32>
        %add3A_1205 = arith.addf %add3A_1199, %mul3A_1204 : vector<16xf32>
        %broadcast_in_dim3A_1206 = arith.constant 50 : i32
        %broadcast_in_dim3A_1207 = vector.broadcast %broadcast_in_dim3A_1206 : i32 to vector<16xi32>
        %gather3A_1208 = tpu.vector_load_idx %arg12[%add3A_105, %broadcast_in_dim3A_1207] : memref<80x256xf32, #tpu.memory_space<vmem>>[vector<16xi32>, vector<16xi32>], vector<16xf32>,
        %gather3A_1209 = tpu.vector_load_idx %arg13[%add3A_105, %broadcast_in_dim3A_1207] : memref<80x256xf32, #tpu.memory_space<vmem>>[vector<16xi32>, vector<16xi32>], vector<16xf32>,
        %mul3A_1210 = arith.mulf %gather3A_1208, %gather3A_1209 : vector<16xf32>
        %add3A_1211 = arith.addf %add3A_1205, %mul3A_1210 : vector<16xf32>
        %broadcast_in_dim3A_1212 = arith.constant 51 : i32
        %broadcast_in_dim3A_1213 = vector.broadcast %broadcast_in_dim3A_1212 : i32 to vector<16xi32>
        %gather3A_1214 = tpu.vector_load_idx %arg12[%add3A_105, %broadcast_in_dim3A_1213] : memref<80x256xf32, #tpu.memory_space<vmem>>[vector<16xi32>, vector<16xi32>], vector<16xf32>,
        %gather3A_1215 = tpu.vector_load_idx %arg13[%add3A_105, %broadcast_in_dim3A_1213] : memref<80x256xf32, #tpu.memory_space<vmem>>[vector<16xi32>, vector<16xi32>], vector<16xf32>,
        %mul3A_1216 = arith.mulf %gather3A_1214, %gather3A_1215 : vector<16xf32>
        %add3A_1217 = arith.addf %add3A_1211, %mul3A_1216 : vector<16xf32>
        %broadcast_in_dim3A_1218 = arith.constant 52 : i32
        %broadcast_in_dim3A_1219 = vector.broadcast %broadcast_in_dim3A_1218 : i32 to vector<16xi32>
        %gather3A_1220 = tpu.vector_load_idx %arg12[%add3A_105, %broadcast_in_dim3A_1219] : memref<80x256xf32, #tpu.memory_space<vmem>>[vector<16xi32>, vector<16xi32>], vector<16xf32>,
        %gather3A_1221 = tpu.vector_load_idx %arg13[%add3A_105, %broadcast_in_dim3A_1219] : memref<80x256xf32, #tpu.memory_space<vmem>>[vector<16xi32>, vector<16xi32>], vector<16xf32>,
        %mul3A_1222 = arith.mulf %gather3A_1220, %gather3A_1221 : vector<16xf32>
        %add3A_1223 = arith.addf %add3A_1217, %mul3A_1222 : vector<16xf32>
        %broadcast_in_dim3A_1224 = arith.constant 53 : i32
        %broadcast_in_dim3A_1225 = vector.broadcast %broadcast_in_dim3A_1224 : i32 to vector<16xi32>
        %gather3A_1226 = tpu.vector_load_idx %arg12[%add3A_105, %broadcast_in_dim3A_1225] : memref<80x256xf32, #tpu.memory_space<vmem>>[vector<16xi32>, vector<16xi32>], vector<16xf32>,
        %gather3A_1227 = tpu.vector_load_idx %arg13[%add3A_105, %broadcast_in_dim3A_1225] : memref<80x256xf32, #tpu.memory_space<vmem>>[vector<16xi32>, vector<16xi32>], vector<16xf32>,
        %mul3A_1228 = arith.mulf %gather3A_1226, %gather3A_1227 : vector<16xf32>
        %add3A_1229 = arith.addf %add3A_1223, %mul3A_1228 : vector<16xf32>
        %broadcast_in_dim3A_1230 = arith.constant 54 : i32
        %broadcast_in_dim3A_1231 = vector.broadcast %broadcast_in_dim3A_1230 : i32 to vector<16xi32>
        %gather3A_1232 = tpu.vector_load_idx %arg12[%add3A_105, %broadcast_in_dim3A_1231] : memref<80x256xf32, #tpu.memory_space<vmem>>[vector<16xi32>, vector<16xi32>], vector<16xf32>,
        %gather3A_1233 = tpu.vector_load_idx %arg13[%add3A_105, %broadcast_in_dim3A_1231] : memref<80x256xf32, #tpu.memory_space<vmem>>[vector<16xi32>, vector<16xi32>], vector<16xf32>,
        %mul3A_1234 = arith.mulf %gather3A_1232, %gather3A_1233 : vector<16xf32>
        %add3A_1235 = arith.addf %add3A_1229, %mul3A_1234 : vector<16xf32>
        %broadcast_in_dim3A_1236 = arith.constant 55 : i32
        %broadcast_in_dim3A_1237 = vector.broadcast %broadcast_in_dim3A_1236 : i32 to vector<16xi32>
        %gather3A_1238 = tpu.vector_load_idx %arg12[%add3A_105, %broadcast_in_dim3A_1237] : memref<80x256xf32, #tpu.memory_space<vmem>>[vector<16xi32>, vector<16xi32>], vector<16xf32>,
        %gather3A_1239 = tpu.vector_load_idx %arg13[%add3A_105, %broadcast_in_dim3A_1237] : memref<80x256xf32, #tpu.memory_space<vmem>>[vector<16xi32>, vector<16xi32>], vector<16xf32>,
        %mul3A_1240 = arith.mulf %gather3A_1238, %gather3A_1239 : vector<16xf32>
        %add3A_1241 = arith.addf %add3A_1235, %mul3A_1240 : vector<16xf32>
        %broadcast_in_dim3A_1242 = arith.constant 56 : i32
        %broadcast_in_dim3A_1243 = vector.broadcast %broadcast_in_dim3A_1242 : i32 to vector<16xi32>
        %gather3A_1244 = tpu.vector_load_idx %arg12[%add3A_105, %broadcast_in_dim3A_1243] : memref<80x256xf32, #tpu.memory_space<vmem>>[vector<16xi32>, vector<16xi32>], vector<16xf32>,
        %gather3A_1245 = tpu.vector_load_idx %arg13[%add3A_105, %broadcast_in_dim3A_1243] : memref<80x256xf32, #tpu.memory_space<vmem>>[vector<16xi32>, vector<16xi32>], vector<16xf32>,
        %mul3A_1246 = arith.mulf %gather3A_1244, %gather3A_1245 : vector<16xf32>
        %add3A_1247 = arith.addf %add3A_1241, %mul3A_1246 : vector<16xf32>
        %broadcast_in_dim3A_1248 = arith.constant 57 : i32
        %broadcast_in_dim3A_1249 = vector.broadcast %broadcast_in_dim3A_1248 : i32 to vector<16xi32>
        %gather3A_1250 = tpu.vector_load_idx %arg12[%add3A_105, %broadcast_in_dim3A_1249] : memref<80x256xf32, #tpu.memory_space<vmem>>[vector<16xi32>, vector<16xi32>], vector<16xf32>,
        %gather3A_1251 = tpu.vector_load_idx %arg13[%add3A_105, %broadcast_in_dim3A_1249] : memref<80x256xf32, #tpu.memory_space<vmem>>[vector<16xi32>, vector<16xi32>], vector<16xf32>,
        %mul3A_1252 = arith.mulf %gather3A_1250, %gather3A_1251 : vector<16xf32>
        %add3A_1253 = arith.addf %add3A_1247, %mul3A_1252 : vector<16xf32>
        %broadcast_in_dim3A_1254 = arith.constant 58 : i32
        %broadcast_in_dim3A_1255 = vector.broadcast %broadcast_in_dim3A_1254 : i32 to vector<16xi32>
        %gather3A_1256 = tpu.vector_load_idx %arg12[%add3A_105, %broadcast_in_dim3A_1255] : memref<80x256xf32, #tpu.memory_space<vmem>>[vector<16xi32>, vector<16xi32>], vector<16xf32>,
        %gather3A_1257 = tpu.vector_load_idx %arg13[%add3A_105, %broadcast_in_dim3A_1255] : memref<80x256xf32, #tpu.memory_space<vmem>>[vector<16xi32>, vector<16xi32>], vector<16xf32>,
        %mul3A_1258 = arith.mulf %gather3A_1256, %gather3A_1257 : vector<16xf32>
        %add3A_1259 = arith.addf %add3A_1253, %mul3A_1258 : vector<16xf32>
        %broadcast_in_dim3A_1260 = arith.constant 59 : i32
        %broadcast_in_dim3A_1261 = vector.broadcast %broadcast_in_dim3A_1260 : i32 to vector<16xi32>
        %gather3A_1262 = tpu.vector_load_idx %arg12[%add3A_105, %broadcast_in_dim3A_1261] : memref<80x256xf32, #tpu.memory_space<vmem>>[vector<16xi32>, vector<16xi32>], vector<16xf32>,
        %gather3A_1263 = tpu.vector_load_idx %arg13[%add3A_105, %broadcast_in_dim3A_1261] : memref<80x256xf32, #tpu.memory_space<vmem>>[vector<16xi32>, vector<16xi32>], vector<16xf32>,
        %mul3A_1264 = arith.mulf %gather3A_1262, %gather3A_1263 : vector<16xf32>
        %add3A_1265 = arith.addf %add3A_1259, %mul3A_1264 : vector<16xf32>
        %broadcast_in_dim3A_1266 = arith.constant 60 : i32
        %broadcast_in_dim3A_1267 = vector.broadcast %broadcast_in_dim3A_1266 : i32 to vector<16xi32>
        %gather3A_1268 = tpu.vector_load_idx %arg12[%add3A_105, %broadcast_in_dim3A_1267] : memref<80x256xf32, #tpu.memory_space<vmem>>[vector<16xi32>, vector<16xi32>], vector<16xf32>,
        %gather3A_1269 = tpu.vector_load_idx %arg13[%add3A_105, %broadcast_in_dim3A_1267] : memref<80x256xf32, #tpu.memory_space<vmem>>[vector<16xi32>, vector<16xi32>], vector<16xf32>,
        %mul3A_1270 = arith.mulf %gather3A_1268, %gather3A_1269 : vector<16xf32>
        %add3A_1271 = arith.addf %add3A_1265, %mul3A_1270 : vector<16xf32>
        %broadcast_in_dim3A_1272 = arith.constant 61 : i32
        %broadcast_in_dim3A_1273 = vector.broadcast %broadcast_in_dim3A_1272 : i32 to vector<16xi32>
        %gather3A_1274 = tpu.vector_load_idx %arg12[%add3A_105, %broadcast_in_dim3A_1273] : memref<80x256xf32, #tpu.memory_space<vmem>>[vector<16xi32>, vector<16xi32>], vector<16xf32>,
        %gather3A_1275 = tpu.vector_load_idx %arg13[%add3A_105, %broadcast_in_dim3A_1273] : memref<80x256xf32, #tpu.memory_space<vmem>>[vector<16xi32>, vector<16xi32>], vector<16xf32>,
        %mul3A_1276 = arith.mulf %gather3A_1274, %gather3A_1275 : vector<16xf32>
        %add3A_1277 = arith.addf %add3A_1271, %mul3A_1276 : vector<16xf32>
        %broadcast_in_dim3A_1278 = arith.constant 62 : i32
        %broadcast_in_dim3A_1279 = vector.broadcast %broadcast_in_dim3A_1278 : i32 to vector<16xi32>
        %gather3A_1280 = tpu.vector_load_idx %arg12[%add3A_105, %broadcast_in_dim3A_1279] : memref<80x256xf32, #tpu.memory_space<vmem>>[vector<16xi32>, vector<16xi32>], vector<16xf32>,
        %gather3A_1281 = tpu.vector_load_idx %arg13[%add3A_105, %broadcast_in_dim3A_1279] : memref<80x256xf32, #tpu.memory_space<vmem>>[vector<16xi32>, vector<16xi32>], vector<16xf32>,
        %mul3A_1282 = arith.mulf %gather3A_1280, %gather3A_1281 : vector<16xf32>
        %add3A_1283 = arith.addf %add3A_1277, %mul3A_1282 : vector<16xf32>
        %broadcast_in_dim3A_1284 = arith.constant 63 : i32
        %broadcast_in_dim3A_1285 = vector.broadcast %broadcast_in_dim3A_1284 : i32 to vector<16xi32>
        %gather3A_1286 = tpu.vector_load_idx %arg12[%add3A_105, %broadcast_in_dim3A_1285] : memref<80x256xf32, #tpu.memory_space<vmem>>[vector<16xi32>, vector<16xi32>], vector<16xf32>,
        %gather3A_1287 = tpu.vector_load_idx %arg13[%add3A_105, %broadcast_in_dim3A_1285] : memref<80x256xf32, #tpu.memory_space<vmem>>[vector<16xi32>, vector<16xi32>], vector<16xf32>,
        %mul3A_1288 = arith.mulf %gather3A_1286, %gather3A_1287 : vector<16xf32>
        %add3A_1289 = arith.addf %add3A_1283, %mul3A_1288 : vector<16xf32>
        %mul3A_1290 = arith.constant 2.500000e-01 : f32
        %mul3A_1291 = vector.broadcast %mul3A_1290 : f32 to vector<16xf32>
        %mul3A_1292 = arith.mulf %add3A_1289, %mul3A_1291 : vector<16xf32>
        %mul3A_1293 = arith.mulf %get3A_12, %add3A_874 : vector<16xf32>
        %add3A_1294 = arith.addf %mul3A_1292, %mul3A_1293 : vector<16xf32>
        %exp3A_1295 = math.exp %add3A_1294 : vector<16xf32>
        %broadcast_in_dim3A_1296 = arith.constant 3 : i32
        %broadcast_in_dim3A_1297 = vector.broadcast %broadcast_in_dim3A_1296 : i32 to vector<16xi32>
        tpu.vector_store_idx %arg14[%add3A_105, %broadcast_in_dim3A_1297], %exp3A_1295 : memref<80x16xf32, #tpu.memory_space<vmem>>[vector<16xi32>, vector<16xi32>], vector<16xf32>,
        %broadcast_in_dim3A_1298 = arith.constant 0.000000e+00 : f32
        %broadcast_in_dim3A_1299 = vector.broadcast %broadcast_in_dim3A_1298 : f32 to vector<16xf32>
        %broadcast_in_dim3A_1300 = arith.constant 64 : i32
        %broadcast_in_dim3A_1301 = vector.broadcast %broadcast_in_dim3A_1300 : i32 to vector<16xi32>
        %gather3A_1302 = tpu.vector_load_idx %arg12[%add3A_105, %broadcast_in_dim3A_1301] : memref<80x256xf32, #tpu.memory_space<vmem>>[vector<16xi32>, vector<16xi32>], vector<16xf32>,
        %gather3A_1303 = tpu.vector_load_idx %arg13[%add3A_105, %broadcast_in_dim3A_1301] : memref<80x256xf32, #tpu.memory_space<vmem>>[vector<16xi32>, vector<16xi32>], vector<16xf32>,
        %mul3A_1304 = arith.mulf %gather3A_1302, %gather3A_1303 : vector<16xf32>
        %add3A_1305 = arith.addf %broadcast_in_dim3A_1299, %mul3A_1304 : vector<16xf32>
        %broadcast_in_dim3A_1306 = arith.constant 65 : i32
        %broadcast_in_dim3A_1307 = vector.broadcast %broadcast_in_dim3A_1306 : i32 to vector<16xi32>
        %gather3A_1308 = tpu.vector_load_idx %arg12[%add3A_105, %broadcast_in_dim3A_1307] : memref<80x256xf32, #tpu.memory_space<vmem>>[vector<16xi32>, vector<16xi32>], vector<16xf32>,
        %gather3A_1309 = tpu.vector_load_idx %arg13[%add3A_105, %broadcast_in_dim3A_1307] : memref<80x256xf32, #tpu.memory_space<vmem>>[vector<16xi32>, vector<16xi32>], vector<16xf32>,
        %mul3A_1310 = arith.mulf %gather3A_1308, %gather3A_1309 : vector<16xf32>
        %add3A_1311 = arith.addf %add3A_1305, %mul3A_1310 : vector<16xf32>
        %broadcast_in_dim3A_1312 = arith.constant 66 : i32
        %broadcast_in_dim3A_1313 = vector.broadcast %broadcast_in_dim3A_1312 : i32 to vector<16xi32>
        %gather3A_1314 = tpu.vector_load_idx %arg12[%add3A_105, %broadcast_in_dim3A_1313] : memref<80x256xf32, #tpu.memory_space<vmem>>[vector<16xi32>, vector<16xi32>], vector<16xf32>,
        %gather3A_1315 = tpu.vector_load_idx %arg13[%add3A_105, %broadcast_in_dim3A_1313] : memref<80x256xf32, #tpu.memory_space<vmem>>[vector<16xi32>, vector<16xi32>], vector<16xf32>,
        %mul3A_1316 = arith.mulf %gather3A_1314, %gather3A_1315 : vector<16xf32>
        %add3A_1317 = arith.addf %add3A_1311, %mul3A_1316 : vector<16xf32>
        %broadcast_in_dim3A_1318 = arith.constant 67 : i32
        %broadcast_in_dim3A_1319 = vector.broadcast %broadcast_in_dim3A_1318 : i32 to vector<16xi32>
        %gather3A_1320 = tpu.vector_load_idx %arg12[%add3A_105, %broadcast_in_dim3A_1319] : memref<80x256xf32, #tpu.memory_space<vmem>>[vector<16xi32>, vector<16xi32>], vector<16xf32>,
        %gather3A_1321 = tpu.vector_load_idx %arg13[%add3A_105, %broadcast_in_dim3A_1319] : memref<80x256xf32, #tpu.memory_space<vmem>>[vector<16xi32>, vector<16xi32>], vector<16xf32>,
        %mul3A_1322 = arith.mulf %gather3A_1320, %gather3A_1321 : vector<16xf32>
        %add3A_1323 = arith.addf %add3A_1317, %mul3A_1322 : vector<16xf32>
        %broadcast_in_dim3A_1324 = arith.constant 68 : i32
        %broadcast_in_dim3A_1325 = vector.broadcast %broadcast_in_dim3A_1324 : i32 to vector<16xi32>
        %gather3A_1326 = tpu.vector_load_idx %arg12[%add3A_105, %broadcast_in_dim3A_1325] : memref<80x256xf32, #tpu.memory_space<vmem>>[vector<16xi32>, vector<16xi32>], vector<16xf32>,
        %gather3A_1327 = tpu.vector_load_idx %arg13[%add3A_105, %broadcast_in_dim3A_1325] : memref<80x256xf32, #tpu.memory_space<vmem>>[vector<16xi32>, vector<16xi32>], vector<16xf32>,
        %mul3A_1328 = arith.mulf %gather3A_1326, %gather3A_1327 : vector<16xf32>
        %add3A_1329 = arith.addf %add3A_1323, %mul3A_1328 : vector<16xf32>
        %broadcast_in_dim3A_1330 = arith.constant 69 : i32
        %broadcast_in_dim3A_1331 = vector.broadcast %broadcast_in_dim3A_1330 : i32 to vector<16xi32>
        %gather3A_1332 = tpu.vector_load_idx %arg12[%add3A_105, %broadcast_in_dim3A_1331] : memref<80x256xf32, #tpu.memory_space<vmem>>[vector<16xi32>, vector<16xi32>], vector<16xf32>,
        %gather3A_1333 = tpu.vector_load_idx %arg13[%add3A_105, %broadcast_in_dim3A_1331] : memref<80x256xf32, #tpu.memory_space<vmem>>[vector<16xi32>, vector<16xi32>], vector<16xf32>,
        %mul3A_1334 = arith.mulf %gather3A_1332, %gather3A_1333 : vector<16xf32>
        %add3A_1335 = arith.addf %add3A_1329, %mul3A_1334 : vector<16xf32>
        %broadcast_in_dim3A_1336 = arith.constant 70 : i32
        %broadcast_in_dim3A_1337 = vector.broadcast %broadcast_in_dim3A_1336 : i32 to vector<16xi32>
        %gather3A_1338 = tpu.vector_load_idx %arg12[%add3A_105, %broadcast_in_dim3A_1337] : memref<80x256xf32, #tpu.memory_space<vmem>>[vector<16xi32>, vector<16xi32>], vector<16xf32>,
        %gather3A_1339 = tpu.vector_load_idx %arg13[%add3A_105, %broadcast_in_dim3A_1337] : memref<80x256xf32, #tpu.memory_space<vmem>>[vector<16xi32>, vector<16xi32>], vector<16xf32>,
        %mul3A_1340 = arith.mulf %gather3A_1338, %gather3A_1339 : vector<16xf32>
        %add3A_1341 = arith.addf %add3A_1335, %mul3A_1340 : vector<16xf32>
        %broadcast_in_dim3A_1342 = arith.constant 71 : i32
        %broadcast_in_dim3A_1343 = vector.broadcast %broadcast_in_dim3A_1342 : i32 to vector<16xi32>
        %gather3A_1344 = tpu.vector_load_idx %arg12[%add3A_105, %broadcast_in_dim3A_1343] : memref<80x256xf32, #tpu.memory_space<vmem>>[vector<16xi32>, vector<16xi32>], vector<16xf32>,
        %gather3A_1345 = tpu.vector_load_idx %arg13[%add3A_105, %broadcast_in_dim3A_1343] : memref<80x256xf32, #tpu.memory_space<vmem>>[vector<16xi32>, vector<16xi32>], vector<16xf32>,
        %mul3A_1346 = arith.mulf %gather3A_1344, %gather3A_1345 : vector<16xf32>
        %add3A_1347 = arith.addf %add3A_1341, %mul3A_1346 : vector<16xf32>
        %broadcast_in_dim3A_1348 = arith.constant 72 : i32
        %broadcast_in_dim3A_1349 = vector.broadcast %broadcast_in_dim3A_1348 : i32 to vector<16xi32>
        %gather3A_1350 = tpu.vector_load_idx %arg12[%add3A_105, %broadcast_in_dim3A_1349] : memref<80x256xf32, #tpu.memory_space<vmem>>[vector<16xi32>, vector<16xi32>], vector<16xf32>,
        %gather3A_1351 = tpu.vector_load_idx %arg13[%add3A_105, %broadcast_in_dim3A_1349] : memref<80x256xf32, #tpu.memory_space<vmem>>[vector<16xi32>, vector<16xi32>], vector<16xf32>,
        %mul3A_1352 = arith.mulf %gather3A_1350, %gather3A_1351 : vector<16xf32>
        %add3A_1353 = arith.addf %add3A_1347, %mul3A_1352 : vector<16xf32>
        %broadcast_in_dim3A_1354 = arith.constant 73 : i32
        %broadcast_in_dim3A_1355 = vector.broadcast %broadcast_in_dim3A_1354 : i32 to vector<16xi32>
        %gather3A_1356 = tpu.vector_load_idx %arg12[%add3A_105, %broadcast_in_dim3A_1355] : memref<80x256xf32, #tpu.memory_space<vmem>>[vector<16xi32>, vector<16xi32>], vector<16xf32>,
        %gather3A_1357 = tpu.vector_load_idx %arg13[%add3A_105, %broadcast_in_dim3A_1355] : memref<80x256xf32, #tpu.memory_space<vmem>>[vector<16xi32>, vector<16xi32>], vector<16xf32>,
        %mul3A_1358 = arith.mulf %gather3A_1356, %gather3A_1357 : vector<16xf32>
        %add3A_1359 = arith.addf %add3A_1353, %mul3A_1358 : vector<16xf32>
        %broadcast_in_dim3A_1360 = arith.constant 74 : i32
        %broadcast_in_dim3A_1361 = vector.broadcast %broadcast_in_dim3A_1360 : i32 to vector<16xi32>
        %gather3A_1362 = tpu.vector_load_idx %arg12[%add3A_105, %broadcast_in_dim3A_1361] : memref<80x256xf32, #tpu.memory_space<vmem>>[vector<16xi32>, vector<16xi32>], vector<16xf32>,
        %gather3A_1363 = tpu.vector_load_idx %arg13[%add3A_105, %broadcast_in_dim3A_1361] : memref<80x256xf32, #tpu.memory_space<vmem>>[vector<16xi32>, vector<16xi32>], vector<16xf32>,
        %mul3A_1364 = arith.mulf %gather3A_1362, %gather3A_1363 : vector<16xf32>
        %add3A_1365 = arith.addf %add3A_1359, %mul3A_1364 : vector<16xf32>
        %broadcast_in_dim3A_1366 = arith.constant 75 : i32
        %broadcast_in_dim3A_1367 = vector.broadcast %broadcast_in_dim3A_1366 : i32 to vector<16xi32>
        %gather3A_1368 = tpu.vector_load_idx %arg12[%add3A_105, %broadcast_in_dim3A_1367] : memref<80x256xf32, #tpu.memory_space<vmem>>[vector<16xi32>, vector<16xi32>], vector<16xf32>,
        %gather3A_1369 = tpu.vector_load_idx %arg13[%add3A_105, %broadcast_in_dim3A_1367] : memref<80x256xf32, #tpu.memory_space<vmem>>[vector<16xi32>, vector<16xi32>], vector<16xf32>,
        %mul3A_1370 = arith.mulf %gather3A_1368, %gather3A_1369 : vector<16xf32>
        %add3A_1371 = arith.addf %add3A_1365, %mul3A_1370 : vector<16xf32>
        %broadcast_in_dim3A_1372 = arith.constant 76 : i32
        %broadcast_in_dim3A_1373 = vector.broadcast %broadcast_in_dim3A_1372 : i32 to vector<16xi32>
        %gather3A_1374 = tpu.vector_load_idx %arg12[%add3A_105, %broadcast_in_dim3A_1373] : memref<80x256xf32, #tpu.memory_space<vmem>>[vector<16xi32>, vector<16xi32>], vector<16xf32>,
        %gather3A_1375 = tpu.vector_load_idx %arg13[%add3A_105, %broadcast_in_dim3A_1373] : memref<80x256xf32, #tpu.memory_space<vmem>>[vector<16xi32>, vector<16xi32>], vector<16xf32>,
        %mul3A_1376 = arith.mulf %gather3A_1374, %gather3A_1375 : vector<16xf32>
        %add3A_1377 = arith.addf %add3A_1371, %mul3A_1376 : vector<16xf32>
        %broadcast_in_dim3A_1378 = arith.constant 77 : i32
        %broadcast_in_dim3A_1379 = vector.broadcast %broadcast_in_dim3A_1378 : i32 to vector<16xi32>
        %gather3A_1380 = tpu.vector_load_idx %arg12[%add3A_105, %broadcast_in_dim3A_1379] : memref<80x256xf32, #tpu.memory_space<vmem>>[vector<16xi32>, vector<16xi32>], vector<16xf32>,
        %gather3A_1381 = tpu.vector_load_idx %arg13[%add3A_105, %broadcast_in_dim3A_1379] : memref<80x256xf32, #tpu.memory_space<vmem>>[vector<16xi32>, vector<16xi32>], vector<16xf32>,
        %mul3A_1382 = arith.mulf %gather3A_1380, %gather3A_1381 : vector<16xf32>
        %add3A_1383 = arith.addf %add3A_1377, %mul3A_1382 : vector<16xf32>
        %broadcast_in_dim3A_1384 = arith.constant 78 : i32
        %broadcast_in_dim3A_1385 = vector.broadcast %broadcast_in_dim3A_1384 : i32 to vector<16xi32>
        %gather3A_1386 = tpu.vector_load_idx %arg12[%add3A_105, %broadcast_in_dim3A_1385] : memref<80x256xf32, #tpu.memory_space<vmem>>[vector<16xi32>, vector<16xi32>], vector<16xf32>,
        %gather3A_1387 = tpu.vector_load_idx %arg13[%add3A_105, %broadcast_in_dim3A_1385] : memref<80x256xf32, #tpu.memory_space<vmem>>[vector<16xi32>, vector<16xi32>], vector<16xf32>,
        %mul3A_1388 = arith.mulf %gather3A_1386, %gather3A_1387 : vector<16xf32>
        %add3A_1389 = arith.addf %add3A_1383, %mul3A_1388 : vector<16xf32>
        %broadcast_in_dim3A_1390 = arith.constant 79 : i32
        %broadcast_in_dim3A_1391 = vector.broadcast %broadcast_in_dim3A_1390 : i32 to vector<16xi32>
        %gather3A_1392 = tpu.vector_load_idx %arg12[%add3A_105, %broadcast_in_dim3A_1391] : memref<80x256xf32, #tpu.memory_space<vmem>>[vector<16xi32>, vector<16xi32>], vector<16xf32>,
        %gather3A_1393 = tpu.vector_load_idx %arg13[%add3A_105, %broadcast_in_dim3A_1391] : memref<80x256xf32, #tpu.memory_space<vmem>>[vector<16xi32>, vector<16xi32>], vector<16xf32>,
        %mul3A_1394 = arith.mulf %gather3A_1392, %gather3A_1393 : vector<16xf32>
        %add3A_1395 = arith.addf %add3A_1389, %mul3A_1394 : vector<16xf32>
        %mul3A_1396 = arith.constant 2.500000e-01 : f32
        %mul3A_1397 = vector.broadcast %mul3A_1396 : f32 to vector<16xf32>
        %mul3A_1398 = arith.mulf %add3A_1395, %mul3A_1397 : vector<16xf32>
        %mul3A_1399 = arith.mulf %get3A_12, %add3A_874 : vector<16xf32>
        %add3A_1400 = arith.addf %mul3A_1398, %mul3A_1399 : vector<16xf32>
        %exp3A_1401 = math.exp %add3A_1400 : vector<16xf32>
        %broadcast_in_dim3A_1402 = arith.constant 4 : i32
        %broadcast_in_dim3A_1403 = vector.broadcast %broadcast_in_dim3A_1402 : i32 to vector<16xi32>
        tpu.vector_store_idx %arg14[%add3A_105, %broadcast_in_dim3A_1403], %exp3A_1401 : memref<80x16xf32, #tpu.memory_space<vmem>>[vector<16xi32>, vector<16xi32>], vector<16xf32>,
        %broadcast_in_dim3A_1404 = arith.constant 0.000000e+00 : f32
        %broadcast_in_dim3A_1405 = vector.broadcast %broadcast_in_dim3A_1404 : f32 to vector<16xf32>
        %broadcast_in_dim3A_1406 = arith.constant 80 : i32
        %broadcast_in_dim3A_1407 = vector.broadcast %broadcast_in_dim3A_1406 : i32 to vector<16xi32>
        %gather3A_1408 = tpu.vector_load_idx %arg12[%add3A_105, %broadcast_in_dim3A_1407] : memref<80x256xf32, #tpu.memory_space<vmem>>[vector<16xi32>, vector<16xi32>], vector<16xf32>,
        %gather3A_1409 = tpu.vector_load_idx %arg13[%add3A_105, %broadcast_in_dim3A_1407] : memref<80x256xf32, #tpu.memory_space<vmem>>[vector<16xi32>, vector<16xi32>], vector<16xf32>,
        %mul3A_1410 = arith.mulf %gather3A_1408, %gather3A_1409 : vector<16xf32>
        %add3A_1411 = arith.addf %broadcast_in_dim3A_1405, %mul3A_1410 : vector<16xf32>
        %broadcast_in_dim3A_1412 = arith.constant 81 : i32
        %broadcast_in_dim3A_1413 = vector.broadcast %broadcast_in_dim3A_1412 : i32 to vector<16xi32>
        %gather3A_1414 = tpu.vector_load_idx %arg12[%add3A_105, %broadcast_in_dim3A_1413] : memref<80x256xf32, #tpu.memory_space<vmem>>[vector<16xi32>, vector<16xi32>], vector<16xf32>,
        %gather3A_1415 = tpu.vector_load_idx %arg13[%add3A_105, %broadcast_in_dim3A_1413] : memref<80x256xf32, #tpu.memory_space<vmem>>[vector<16xi32>, vector<16xi32>], vector<16xf32>,
        %mul3A_1416 = arith.mulf %gather3A_1414, %gather3A_1415 : vector<16xf32>
        %add3A_1417 = arith.addf %add3A_1411, %mul3A_1416 : vector<16xf32>
        %broadcast_in_dim3A_1418 = arith.constant 82 : i32
        %broadcast_in_dim3A_1419 = vector.broadcast %broadcast_in_dim3A_1418 : i32 to vector<16xi32>
        %gather3A_1420 = tpu.vector_load_idx %arg12[%add3A_105, %broadcast_in_dim3A_1419] : memref<80x256xf32, #tpu.memory_space<vmem>>[vector<16xi32>, vector<16xi32>], vector<16xf32>,
        %gather3A_1421 = tpu.vector_load_idx %arg13[%add3A_105, %broadcast_in_dim3A_1419] : memref<80x256xf32, #tpu.memory_space<vmem>>[vector<16xi32>, vector<16xi32>], vector<16xf32>,
        %mul3A_1422 = arith.mulf %gather3A_1420, %gather3A_1421 : vector<16xf32>
        %add3A_1423 = arith.addf %add3A_1417, %mul3A_1422 : vector<16xf32>
        %broadcast_in_dim3A_1424 = arith.constant 83 : i32
        %broadcast_in_dim3A_1425 = vector.broadcast %broadcast_in_dim3A_1424 : i32 to vector<16xi32>
        %gather3A_1426 = tpu.vector_load_idx %arg12[%add3A_105, %broadcast_in_dim3A_1425] : memref<80x256xf32, #tpu.memory_space<vmem>>[vector<16xi32>, vector<16xi32>], vector<16xf32>,
        %gather3A_1427 = tpu.vector_load_idx %arg13[%add3A_105, %broadcast_in_dim3A_1425] : memref<80x256xf32, #tpu.memory_space<vmem>>[vector<16xi32>, vector<16xi32>], vector<16xf32>,
        %mul3A_1428 = arith.mulf %gather3A_1426, %gather3A_1427 : vector<16xf32>
        %add3A_1429 = arith.addf %add3A_1423, %mul3A_1428 : vector<16xf32>
        %broadcast_in_dim3A_1430 = arith.constant 84 : i32
        %broadcast_in_dim3A_1431 = vector.broadcast %broadcast_in_dim3A_1430 : i32 to vector<16xi32>
        %gather3A_1432 = tpu.vector_load_idx %arg12[%add3A_105, %broadcast_in_dim3A_1431] : memref<80x256xf32, #tpu.memory_space<vmem>>[vector<16xi32>, vector<16xi32>], vector<16xf32>,
        %gather3A_1433 = tpu.vector_load_idx %arg13[%add3A_105, %broadcast_in_dim3A_1431] : memref<80x256xf32, #tpu.memory_space<vmem>>[vector<16xi32>, vector<16xi32>], vector<16xf32>,
        %mul3A_1434 = arith.mulf %gather3A_1432, %gather3A_1433 : vector<16xf32>
        %add3A_1435 = arith.addf %add3A_1429, %mul3A_1434 : vector<16xf32>
        %broadcast_in_dim3A_1436 = arith.constant 85 : i32
        %broadcast_in_dim3A_1437 = vector.broadcast %broadcast_in_dim3A_1436 : i32 to vector<16xi32>
        %gather3A_1438 = tpu.vector_load_idx %arg12[%add3A_105, %broadcast_in_dim3A_1437] : memref<80x256xf32, #tpu.memory_space<vmem>>[vector<16xi32>, vector<16xi32>], vector<16xf32>,
        %gather3A_1439 = tpu.vector_load_idx %arg13[%add3A_105, %broadcast_in_dim3A_1437] : memref<80x256xf32, #tpu.memory_space<vmem>>[vector<16xi32>, vector<16xi32>], vector<16xf32>,
        %mul3A_1440 = arith.mulf %gather3A_1438, %gather3A_1439 : vector<16xf32>
        %add3A_1441 = arith.addf %add3A_1435, %mul3A_1440 : vector<16xf32>
        %broadcast_in_dim3A_1442 = arith.constant 86 : i32
        %broadcast_in_dim3A_1443 = vector.broadcast %broadcast_in_dim3A_1442 : i32 to vector<16xi32>
        %gather3A_1444 = tpu.vector_load_idx %arg12[%add3A_105, %broadcast_in_dim3A_1443] : memref<80x256xf32, #tpu.memory_space<vmem>>[vector<16xi32>, vector<16xi32>], vector<16xf32>,
        %gather3A_1445 = tpu.vector_load_idx %arg13[%add3A_105, %broadcast_in_dim3A_1443] : memref<80x256xf32, #tpu.memory_space<vmem>>[vector<16xi32>, vector<16xi32>], vector<16xf32>,
        %mul3A_1446 = arith.mulf %gather3A_1444, %gather3A_1445 : vector<16xf32>
        %add3A_1447 = arith.addf %add3A_1441, %mul3A_1446 : vector<16xf32>
        %broadcast_in_dim3A_1448 = arith.constant 87 : i32
        %broadcast_in_dim3A_1449 = vector.broadcast %broadcast_in_dim3A_1448 : i32 to vector<16xi32>
        %gather3A_1450 = tpu.vector_load_idx %arg12[%add3A_105, %broadcast_in_dim3A_1449] : memref<80x256xf32, #tpu.memory_space<vmem>>[vector<16xi32>, vector<16xi32>], vector<16xf32>,
        %gather3A_1451 = tpu.vector_load_idx %arg13[%add3A_105, %broadcast_in_dim3A_1449] : memref<80x256xf32, #tpu.memory_space<vmem>>[vector<16xi32>, vector<16xi32>], vector<16xf32>,
        %mul3A_1452 = arith.mulf %gather3A_1450, %gather3A_1451 : vector<16xf32>
        %add3A_1453 = arith.addf %add3A_1447, %mul3A_1452 : vector<16xf32>
        %broadcast_in_dim3A_1454 = arith.constant 88 : i32
        %broadcast_in_dim3A_1455 = vector.broadcast %broadcast_in_dim3A_1454 : i32 to vector<16xi32>
        %gather3A_1456 = tpu.vector_load_idx %arg12[%add3A_105, %broadcast_in_dim3A_1455] : memref<80x256xf32, #tpu.memory_space<vmem>>[vector<16xi32>, vector<16xi32>], vector<16xf32>,
        %gather3A_1457 = tpu.vector_load_idx %arg13[%add3A_105, %broadcast_in_dim3A_1455] : memref<80x256xf32, #tpu.memory_space<vmem>>[vector<16xi32>, vector<16xi32>], vector<16xf32>,
        %mul3A_1458 = arith.mulf %gather3A_1456, %gather3A_1457 : vector<16xf32>
        %add3A_1459 = arith.addf %add3A_1453, %mul3A_1458 : vector<16xf32>
        %broadcast_in_dim3A_1460 = arith.constant 89 : i32
        %broadcast_in_dim3A_1461 = vector.broadcast %broadcast_in_dim3A_1460 : i32 to vector<16xi32>
        %gather3A_1462 = tpu.vector_load_idx %arg12[%add3A_105, %broadcast_in_dim3A_1461] : memref<80x256xf32, #tpu.memory_space<vmem>>[vector<16xi32>, vector<16xi32>], vector<16xf32>,
        %gather3A_1463 = tpu.vector_load_idx %arg13[%add3A_105, %broadcast_in_dim3A_1461] : memref<80x256xf32, #tpu.memory_space<vmem>>[vector<16xi32>, vector<16xi32>], vector<16xf32>,
        %mul3A_1464 = arith.mulf %gather3A_1462, %gather3A_1463 : vector<16xf32>
        %add3A_1465 = arith.addf %add3A_1459, %mul3A_1464 : vector<16xf32>
        %broadcast_in_dim3A_1466 = arith.constant 90 : i32
        %broadcast_in_dim3A_1467 = vector.broadcast %broadcast_in_dim3A_1466 : i32 to vector<16xi32>
        %gather3A_1468 = tpu.vector_load_idx %arg12[%add3A_105, %broadcast_in_dim3A_1467] : memref<80x256xf32, #tpu.memory_space<vmem>>[vector<16xi32>, vector<16xi32>], vector<16xf32>,
        %gather3A_1469 = tpu.vector_load_idx %arg13[%add3A_105, %broadcast_in_dim3A_1467] : memref<80x256xf32, #tpu.memory_space<vmem>>[vector<16xi32>, vector<16xi32>], vector<16xf32>,
        %mul3A_1470 = arith.mulf %gather3A_1468, %gather3A_1469 : vector<16xf32>
        %add3A_1471 = arith.addf %add3A_1465, %mul3A_1470 : vector<16xf32>
        %broadcast_in_dim3A_1472 = arith.constant 91 : i32
        %broadcast_in_dim3A_1473 = vector.broadcast %broadcast_in_dim3A_1472 : i32 to vector<16xi32>
        %gather3A_1474 = tpu.vector_load_idx %arg12[%add3A_105, %broadcast_in_dim3A_1473] : memref<80x256xf32, #tpu.memory_space<vmem>>[vector<16xi32>, vector<16xi32>], vector<16xf32>,
        %gather3A_1475 = tpu.vector_load_idx %arg13[%add3A_105, %broadcast_in_dim3A_1473] : memref<80x256xf32, #tpu.memory_space<vmem>>[vector<16xi32>, vector<16xi32>], vector<16xf32>,
        %mul3A_1476 = arith.mulf %gather3A_1474, %gather3A_1475 : vector<16xf32>
        %add3A_1477 = arith.addf %add3A_1471, %mul3A_1476 : vector<16xf32>
        %broadcast_in_dim3A_1478 = arith.constant 92 : i32
        %broadcast_in_dim3A_1479 = vector.broadcast %broadcast_in_dim3A_1478 : i32 to vector<16xi32>
        %gather3A_1480 = tpu.vector_load_idx %arg12[%add3A_105, %broadcast_in_dim3A_1479] : memref<80x256xf32, #tpu.memory_space<vmem>>[vector<16xi32>, vector<16xi32>], vector<16xf32>,
        %gather3A_1481 = tpu.vector_load_idx %arg13[%add3A_105, %broadcast_in_dim3A_1479] : memref<80x256xf32, #tpu.memory_space<vmem>>[vector<16xi32>, vector<16xi32>], vector<16xf32>,
        %mul3A_1482 = arith.mulf %gather3A_1480, %gather3A_1481 : vector<16xf32>
        %add3A_1483 = arith.addf %add3A_1477, %mul3A_1482 : vector<16xf32>
        %broadcast_in_dim3A_1484 = arith.constant 93 : i32
        %broadcast_in_dim3A_1485 = vector.broadcast %broadcast_in_dim3A_1484 : i32 to vector<16xi32>
        %gather3A_1486 = tpu.vector_load_idx %arg12[%add3A_105, %broadcast_in_dim3A_1485] : memref<80x256xf32, #tpu.memory_space<vmem>>[vector<16xi32>, vector<16xi32>], vector<16xf32>,
        %gather3A_1487 = tpu.vector_load_idx %arg13[%add3A_105, %broadcast_in_dim3A_1485] : memref<80x256xf32, #tpu.memory_space<vmem>>[vector<16xi32>, vector<16xi32>], vector<16xf32>,
        %mul3A_1488 = arith.mulf %gather3A_1486, %gather3A_1487 : vector<16xf32>
        %add3A_1489 = arith.addf %add3A_1483, %mul3A_1488 : vector<16xf32>
        %broadcast_in_dim3A_1490 = arith.constant 94 : i32
        %broadcast_in_dim3A_1491 = vector.broadcast %broadcast_in_dim3A_1490 : i32 to vector<16xi32>
        %gather3A_1492 = tpu.vector_load_idx %arg12[%add3A_105, %broadcast_in_dim3A_1491] : memref<80x256xf32, #tpu.memory_space<vmem>>[vector<16xi32>, vector<16xi32>], vector<16xf32>,
        %gather3A_1493 = tpu.vector_load_idx %arg13[%add3A_105, %broadcast_in_dim3A_1491] : memref<80x256xf32, #tpu.memory_space<vmem>>[vector<16xi32>, vector<16xi32>], vector<16xf32>,
        %mul3A_1494 = arith.mulf %gather3A_1492, %gather3A_1493 : vector<16xf32>
        %add3A_1495 = arith.addf %add3A_1489, %mul3A_1494 : vector<16xf32>
        %broadcast_in_dim3A_1496 = arith.constant 95 : i32
        %broadcast_in_dim3A_1497 = vector.broadcast %broadcast_in_dim3A_1496 : i32 to vector<16xi32>
        %gather3A_1498 = tpu.vector_load_idx %arg12[%add3A_105, %broadcast_in_dim3A_1497] : memref<80x256xf32, #tpu.memory_space<vmem>>[vector<16xi32>, vector<16xi32>], vector<16xf32>,
        %gather3A_1499 = tpu.vector_load_idx %arg13[%add3A_105, %broadcast_in_dim3A_1497] : memref<80x256xf32, #tpu.memory_space<vmem>>[vector<16xi32>, vector<16xi32>], vector<16xf32>,
        %mul3A_1500 = arith.mulf %gather3A_1498, %gather3A_1499 : vector<16xf32>
        %add3A_1501 = arith.addf %add3A_1495, %mul3A_1500 : vector<16xf32>
        %mul3A_1502 = arith.constant 2.500000e-01 : f32
        %mul3A_1503 = vector.broadcast %mul3A_1502 : f32 to vector<16xf32>
        %mul3A_1504 = arith.mulf %add3A_1501, %mul3A_1503 : vector<16xf32>
        %mul3A_1505 = arith.mulf %get3A_12, %add3A_874 : vector<16xf32>
        %add3A_1506 = arith.addf %mul3A_1504, %mul3A_1505 : vector<16xf32>
        %exp3A_1507 = math.exp %add3A_1506 : vector<16xf32>
        %broadcast_in_dim3A_1508 = arith.constant 5 : i32
        %broadcast_in_dim3A_1509 = vector.broadcast %broadcast_in_dim3A_1508 : i32 to vector<16xi32>
        tpu.vector_store_idx %arg14[%add3A_105, %broadcast_in_dim3A_1509], %exp3A_1507 : memref<80x16xf32, #tpu.memory_space<vmem>>[vector<16xi32>, vector<16xi32>], vector<16xf32>,
        %broadcast_in_dim3A_1510 = arith.constant 0.000000e+00 : f32
        %broadcast_in_dim3A_1511 = vector.broadcast %broadcast_in_dim3A_1510 : f32 to vector<16xf32>
        %broadcast_in_dim3A_1512 = arith.constant 96 : i32
        %broadcast_in_dim3A_1513 = vector.broadcast %broadcast_in_dim3A_1512 : i32 to vector<16xi32>
        %gather3A_1514 = tpu.vector_load_idx %arg12[%add3A_105, %broadcast_in_dim3A_1513] : memref<80x256xf32, #tpu.memory_space<vmem>>[vector<16xi32>, vector<16xi32>], vector<16xf32>,
        %gather3A_1515 = tpu.vector_load_idx %arg13[%add3A_105, %broadcast_in_dim3A_1513] : memref<80x256xf32, #tpu.memory_space<vmem>>[vector<16xi32>, vector<16xi32>], vector<16xf32>,
        %mul3A_1516 = arith.mulf %gather3A_1514, %gather3A_1515 : vector<16xf32>
        %add3A_1517 = arith.addf %broadcast_in_dim3A_1511, %mul3A_1516 : vector<16xf32>
        %broadcast_in_dim3A_1518 = arith.constant 97 : i32
        %broadcast_in_dim3A_1519 = vector.broadcast %broadcast_in_dim3A_1518 : i32 to vector<16xi32>
        %gather3A_1520 = tpu.vector_load_idx %arg12[%add3A_105, %broadcast_in_dim3A_1519] : memref<80x256xf32, #tpu.memory_space<vmem>>[vector<16xi32>, vector<16xi32>], vector<16xf32>,
        %gather3A_1521 = tpu.vector_load_idx %arg13[%add3A_105, %broadcast_in_dim3A_1519] : memref<80x256xf32, #tpu.memory_space<vmem>>[vector<16xi32>, vector<16xi32>], vector<16xf32>,
        %mul3A_1522 = arith.mulf %gather3A_1520, %gather3A_1521 : vector<16xf32>
        %add3A_1523 = arith.addf %add3A_1517, %mul3A_1522 : vector<16xf32>
        %broadcast_in_dim3A_1524 = arith.constant 98 : i32
        %broadcast_in_dim3A_1525 = vector.broadcast %broadcast_in_dim3A_1524 : i32 to vector<16xi32>
        %gather3A_1526 = tpu.vector_load_idx %arg12[%add3A_105, %broadcast_in_dim3A_1525] : memref<80x256xf32, #tpu.memory_space<vmem>>[vector<16xi32>, vector<16xi32>], vector<16xf32>,
        %gather3A_1527 = tpu.vector_load_idx %arg13[%add3A_105, %broadcast_in_dim3A_1525] : memref<80x256xf32, #tpu.memory_space<vmem>>[vector<16xi32>, vector<16xi32>], vector<16xf32>,
        %mul3A_1528 = arith.mulf %gather3A_1526, %gather3A_1527 : vector<16xf32>
        %add3A_1529 = arith.addf %add3A_1523, %mul3A_1528 : vector<16xf32>
        %broadcast_in_dim3A_1530 = arith.constant 99 : i32
        %broadcast_in_dim3A_1531 = vector.broadcast %broadcast_in_dim3A_1530 : i32 to vector<16xi32>
        %gather3A_1532 = tpu.vector_load_idx %arg12[%add3A_105, %broadcast_in_dim3A_1531] : memref<80x256xf32, #tpu.memory_space<vmem>>[vector<16xi32>, vector<16xi32>], vector<16xf32>,
        %gather3A_1533 = tpu.vector_load_idx %arg13[%add3A_105, %broadcast_in_dim3A_1531] : memref<80x256xf32, #tpu.memory_space<vmem>>[vector<16xi32>, vector<16xi32>], vector<16xf32>,
        %mul3A_1534 = arith.mulf %gather3A_1532, %gather3A_1533 : vector<16xf32>
        %add3A_1535 = arith.addf %add3A_1529, %mul3A_1534 : vector<16xf32>
        %broadcast_in_dim3A_1536 = arith.constant 100 : i32
        %broadcast_in_dim3A_1537 = vector.broadcast %broadcast_in_dim3A_1536 : i32 to vector<16xi32>
        %gather3A_1538 = tpu.vector_load_idx %arg12[%add3A_105, %broadcast_in_dim3A_1537] : memref<80x256xf32, #tpu.memory_space<vmem>>[vector<16xi32>, vector<16xi32>], vector<16xf32>,
        %gather3A_1539 = tpu.vector_load_idx %arg13[%add3A_105, %broadcast_in_dim3A_1537] : memref<80x256xf32, #tpu.memory_space<vmem>>[vector<16xi32>, vector<16xi32>], vector<16xf32>,
        %mul3A_1540 = arith.mulf %gather3A_1538, %gather3A_1539 : vector<16xf32>
        %add3A_1541 = arith.addf %add3A_1535, %mul3A_1540 : vector<16xf32>
        %broadcast_in_dim3A_1542 = arith.constant 101 : i32
        %broadcast_in_dim3A_1543 = vector.broadcast %broadcast_in_dim3A_1542 : i32 to vector<16xi32>
        %gather3A_1544 = tpu.vector_load_idx %arg12[%add3A_105, %broadcast_in_dim3A_1543] : memref<80x256xf32, #tpu.memory_space<vmem>>[vector<16xi32>, vector<16xi32>], vector<16xf32>,
        %gather3A_1545 = tpu.vector_load_idx %arg13[%add3A_105, %broadcast_in_dim3A_1543] : memref<80x256xf32, #tpu.memory_space<vmem>>[vector<16xi32>, vector<16xi32>], vector<16xf32>,
        %mul3A_1546 = arith.mulf %gather3A_1544, %gather3A_1545 : vector<16xf32>
        %add3A_1547 = arith.addf %add3A_1541, %mul3A_1546 : vector<16xf32>
        %broadcast_in_dim3A_1548 = arith.constant 102 : i32
        %broadcast_in_dim3A_1549 = vector.broadcast %broadcast_in_dim3A_1548 : i32 to vector<16xi32>
        %gather3A_1550 = tpu.vector_load_idx %arg12[%add3A_105, %broadcast_in_dim3A_1549] : memref<80x256xf32, #tpu.memory_space<vmem>>[vector<16xi32>, vector<16xi32>], vector<16xf32>,
        %gather3A_1551 = tpu.vector_load_idx %arg13[%add3A_105, %broadcast_in_dim3A_1549] : memref<80x256xf32, #tpu.memory_space<vmem>>[vector<16xi32>, vector<16xi32>], vector<16xf32>,
        %mul3A_1552 = arith.mulf %gather3A_1550, %gather3A_1551 : vector<16xf32>
        %add3A_1553 = arith.addf %add3A_1547, %mul3A_1552 : vector<16xf32>
        %broadcast_in_dim3A_1554 = arith.constant 103 : i32
        %broadcast_in_dim3A_1555 = vector.broadcast %broadcast_in_dim3A_1554 : i32 to vector<16xi32>
        %gather3A_1556 = tpu.vector_load_idx %arg12[%add3A_105, %broadcast_in_dim3A_1555] : memref<80x256xf32, #tpu.memory_space<vmem>>[vector<16xi32>, vector<16xi32>], vector<16xf32>,
        %gather3A_1557 = tpu.vector_load_idx %arg13[%add3A_105, %broadcast_in_dim3A_1555] : memref<80x256xf32, #tpu.memory_space<vmem>>[vector<16xi32>, vector<16xi32>], vector<16xf32>,
        %mul3A_1558 = arith.mulf %gather3A_1556, %gather3A_1557 : vector<16xf32>
        %add3A_1559 = arith.addf %add3A_1553, %mul3A_1558 : vector<16xf32>
        %broadcast_in_dim3A_1560 = arith.constant 104 : i32
        %broadcast_in_dim3A_1561 = vector.broadcast %broadcast_in_dim3A_1560 : i32 to vector<16xi32>
        %gather3A_1562 = tpu.vector_load_idx %arg12[%add3A_105, %broadcast_in_dim3A_1561] : memref<80x256xf32, #tpu.memory_space<vmem>>[vector<16xi32>, vector<16xi32>], vector<16xf32>,
        %gather3A_1563 = tpu.vector_load_idx %arg13[%add3A_105, %broadcast_in_dim3A_1561] : memref<80x256xf32, #tpu.memory_space<vmem>>[vector<16xi32>, vector<16xi32>], vector<16xf32>,
        %mul3A_1564 = arith.mulf %gather3A_1562, %gather3A_1563 : vector<16xf32>
        %add3A_1565 = arith.addf %add3A_1559, %mul3A_1564 : vector<16xf32>
        %broadcast_in_dim3A_1566 = arith.constant 105 : i32
        %broadcast_in_dim3A_1567 = vector.broadcast %broadcast_in_dim3A_1566 : i32 to vector<16xi32>
        %gather3A_1568 = tpu.vector_load_idx %arg12[%add3A_105, %broadcast_in_dim3A_1567] : memref<80x256xf32, #tpu.memory_space<vmem>>[vector<16xi32>, vector<16xi32>], vector<16xf32>,
        %gather3A_1569 = tpu.vector_load_idx %arg13[%add3A_105, %broadcast_in_dim3A_1567] : memref<80x256xf32, #tpu.memory_space<vmem>>[vector<16xi32>, vector<16xi32>], vector<16xf32>,
        %mul3A_1570 = arith.mulf %gather3A_1568, %gather3A_1569 : vector<16xf32>
        %add3A_1571 = arith.addf %add3A_1565, %mul3A_1570 : vector<16xf32>
        %broadcast_in_dim3A_1572 = arith.constant 106 : i32
        %broadcast_in_dim3A_1573 = vector.broadcast %broadcast_in_dim3A_1572 : i32 to vector<16xi32>
        %gather3A_1574 = tpu.vector_load_idx %arg12[%add3A_105, %broadcast_in_dim3A_1573] : memref<80x256xf32, #tpu.memory_space<vmem>>[vector<16xi32>, vector<16xi32>], vector<16xf32>,
        %gather3A_1575 = tpu.vector_load_idx %arg13[%add3A_105, %broadcast_in_dim3A_1573] : memref<80x256xf32, #tpu.memory_space<vmem>>[vector<16xi32>, vector<16xi32>], vector<16xf32>,
        %mul3A_1576 = arith.mulf %gather3A_1574, %gather3A_1575 : vector<16xf32>
        %add3A_1577 = arith.addf %add3A_1571, %mul3A_1576 : vector<16xf32>
        %broadcast_in_dim3A_1578 = arith.constant 107 : i32
        %broadcast_in_dim3A_1579 = vector.broadcast %broadcast_in_dim3A_1578 : i32 to vector<16xi32>
        %gather3A_1580 = tpu.vector_load_idx %arg12[%add3A_105, %broadcast_in_dim3A_1579] : memref<80x256xf32, #tpu.memory_space<vmem>>[vector<16xi32>, vector<16xi32>], vector<16xf32>,
        %gather3A_1581 = tpu.vector_load_idx %arg13[%add3A_105, %broadcast_in_dim3A_1579] : memref<80x256xf32, #tpu.memory_space<vmem>>[vector<16xi32>, vector<16xi32>], vector<16xf32>,
        %mul3A_1582 = arith.mulf %gather3A_1580, %gather3A_1581 : vector<16xf32>
        %add3A_1583 = arith.addf %add3A_1577, %mul3A_1582 : vector<16xf32>
        %broadcast_in_dim3A_1584 = arith.constant 108 : i32
        %broadcast_in_dim3A_1585 = vector.broadcast %broadcast_in_dim3A_1584 : i32 to vector<16xi32>
        %gather3A_1586 = tpu.vector_load_idx %arg12[%add3A_105, %broadcast_in_dim3A_1585] : memref<80x256xf32, #tpu.memory_space<vmem>>[vector<16xi32>, vector<16xi32>], vector<16xf32>,
        %gather3A_1587 = tpu.vector_load_idx %arg13[%add3A_105, %broadcast_in_dim3A_1585] : memref<80x256xf32, #tpu.memory_space<vmem>>[vector<16xi32>, vector<16xi32>], vector<16xf32>,
        %mul3A_1588 = arith.mulf %gather3A_1586, %gather3A_1587 : vector<16xf32>
        %add3A_1589 = arith.addf %add3A_1583, %mul3A_1588 : vector<16xf32>
        %broadcast_in_dim3A_1590 = arith.constant 109 : i32
        %broadcast_in_dim3A_1591 = vector.broadcast %broadcast_in_dim3A_1590 : i32 to vector<16xi32>
        %gather3A_1592 = tpu.vector_load_idx %arg12[%add3A_105, %broadcast_in_dim3A_1591] : memref<80x256xf32, #tpu.memory_space<vmem>>[vector<16xi32>, vector<16xi32>], vector<16xf32>,
        %gather3A_1593 = tpu.vector_load_idx %arg13[%add3A_105, %broadcast_in_dim3A_1591] : memref<80x256xf32, #tpu.memory_space<vmem>>[vector<16xi32>, vector<16xi32>], vector<16xf32>,
        %mul3A_1594 = arith.mulf %gather3A_1592, %gather3A_1593 : vector<16xf32>
        %add3A_1595 = arith.addf %add3A_1589, %mul3A_1594 : vector<16xf32>
        %broadcast_in_dim3A_1596 = arith.constant 110 : i32
        %broadcast_in_dim3A_1597 = vector.broadcast %broadcast_in_dim3A_1596 : i32 to vector<16xi32>
        %gather3A_1598 = tpu.vector_load_idx %arg12[%add3A_105, %broadcast_in_dim3A_1597] : memref<80x256xf32, #tpu.memory_space<vmem>>[vector<16xi32>, vector<16xi32>], vector<16xf32>,
        %gather3A_1599 = tpu.vector_load_idx %arg13[%add3A_105, %broadcast_in_dim3A_1597] : memref<80x256xf32, #tpu.memory_space<vmem>>[vector<16xi32>, vector<16xi32>], vector<16xf32>,
        %mul3A_1600 = arith.mulf %gather3A_1598, %gather3A_1599 : vector<16xf32>
        %add3A_1601 = arith.addf %add3A_1595, %mul3A_1600 : vector<16xf32>
        %broadcast_in_dim3A_1602 = arith.constant 111 : i32
        %broadcast_in_dim3A_1603 = vector.broadcast %broadcast_in_dim3A_1602 : i32 to vector<16xi32>
        %gather3A_1604 = tpu.vector_load_idx %arg12[%add3A_105, %broadcast_in_dim3A_1603] : memref<80x256xf32, #tpu.memory_space<vmem>>[vector<16xi32>, vector<16xi32>], vector<16xf32>,
        %gather3A_1605 = tpu.vector_load_idx %arg13[%add3A_105, %broadcast_in_dim3A_1603] : memref<80x256xf32, #tpu.memory_space<vmem>>[vector<16xi32>, vector<16xi32>], vector<16xf32>,
        %mul3A_1606 = arith.mulf %gather3A_1604, %gather3A_1605 : vector<16xf32>
        %add3A_1607 = arith.addf %add3A_1601, %mul3A_1606 : vector<16xf32>
        %mul3A_1608 = arith.constant 2.500000e-01 : f32
        %mul3A_1609 = vector.broadcast %mul3A_1608 : f32 to vector<16xf32>
        %mul3A_1610 = arith.mulf %add3A_1607, %mul3A_1609 : vector<16xf32>
        %mul3A_1611 = arith.mulf %get3A_12, %add3A_874 : vector<16xf32>
        %add3A_1612 = arith.addf %mul3A_1610, %mul3A_1611 : vector<16xf32>
        %exp3A_1613 = math.exp %add3A_1612 : vector<16xf32>
        %broadcast_in_dim3A_1614 = arith.constant 6 : i32
        %broadcast_in_dim3A_1615 = vector.broadcast %broadcast_in_dim3A_1614 : i32 to vector<16xi32>
        tpu.vector_store_idx %arg14[%add3A_105, %broadcast_in_dim3A_1615], %exp3A_1613 : memref<80x16xf32, #tpu.memory_space<vmem>>[vector<16xi32>, vector<16xi32>], vector<16xf32>,
        %broadcast_in_dim3A_1616 = arith.constant 0.000000e+00 : f32
        %broadcast_in_dim3A_1617 = vector.broadcast %broadcast_in_dim3A_1616 : f32 to vector<16xf32>
        %broadcast_in_dim3A_1618 = arith.constant 112 : i32
        %broadcast_in_dim3A_1619 = vector.broadcast %broadcast_in_dim3A_1618 : i32 to vector<16xi32>
        %gather3A_1620 = tpu.vector_load_idx %arg12[%add3A_105, %broadcast_in_dim3A_1619] : memref<80x256xf32, #tpu.memory_space<vmem>>[vector<16xi32>, vector<16xi32>], vector<16xf32>,
        %gather3A_1621 = tpu.vector_load_idx %arg13[%add3A_105, %broadcast_in_dim3A_1619] : memref<80x256xf32, #tpu.memory_space<vmem>>[vector<16xi32>, vector<16xi32>], vector<16xf32>,
        %mul3A_1622 = arith.mulf %gather3A_1620, %gather3A_1621 : vector<16xf32>
        %add3A_1623 = arith.addf %broadcast_in_dim3A_1617, %mul3A_1622 : vector<16xf32>
        %broadcast_in_dim3A_1624 = arith.constant 113 : i32
        %broadcast_in_dim3A_1625 = vector.broadcast %broadcast_in_dim3A_1624 : i32 to vector<16xi32>
        %gather3A_1626 = tpu.vector_load_idx %arg12[%add3A_105, %broadcast_in_dim3A_1625] : memref<80x256xf32, #tpu.memory_space<vmem>>[vector<16xi32>, vector<16xi32>], vector<16xf32>,
        %gather3A_1627 = tpu.vector_load_idx %arg13[%add3A_105, %broadcast_in_dim3A_1625] : memref<80x256xf32, #tpu.memory_space<vmem>>[vector<16xi32>, vector<16xi32>], vector<16xf32>,
        %mul3A_1628 = arith.mulf %gather3A_1626, %gather3A_1627 : vector<16xf32>
        %add3A_1629 = arith.addf %add3A_1623, %mul3A_1628 : vector<16xf32>
        %broadcast_in_dim3A_1630 = arith.constant 114 : i32
        %broadcast_in_dim3A_1631 = vector.broadcast %broadcast_in_dim3A_1630 : i32 to vector<16xi32>
        %gather3A_1632 = tpu.vector_load_idx %arg12[%add3A_105, %broadcast_in_dim3A_1631] : memref<80x256xf32, #tpu.memory_space<vmem>>[vector<16xi32>, vector<16xi32>], vector<16xf32>,
        %gather3A_1633 = tpu.vector_load_idx %arg13[%add3A_105, %broadcast_in_dim3A_1631] : memref<80x256xf32, #tpu.memory_space<vmem>>[vector<16xi32>, vector<16xi32>], vector<16xf32>,
        %mul3A_1634 = arith.mulf %gather3A_1632, %gather3A_1633 : vector<16xf32>
        %add3A_1635 = arith.addf %add3A_1629, %mul3A_1634 : vector<16xf32>
        %broadcast_in_dim3A_1636 = arith.constant 115 : i32
        %broadcast_in_dim3A_1637 = vector.broadcast %broadcast_in_dim3A_1636 : i32 to vector<16xi32>
        %gather3A_1638 = tpu.vector_load_idx %arg12[%add3A_105, %broadcast_in_dim3A_1637] : memref<80x256xf32, #tpu.memory_space<vmem>>[vector<16xi32>, vector<16xi32>], vector<16xf32>,
        %gather3A_1639 = tpu.vector_load_idx %arg13[%add3A_105, %broadcast_in_dim3A_1637] : memref<80x256xf32, #tpu.memory_space<vmem>>[vector<16xi32>, vector<16xi32>], vector<16xf32>,
        %mul3A_1640 = arith.mulf %gather3A_1638, %gather3A_1639 : vector<16xf32>
        %add3A_1641 = arith.addf %add3A_1635, %mul3A_1640 : vector<16xf32>
        %broadcast_in_dim3A_1642 = arith.constant 116 : i32
        %broadcast_in_dim3A_1643 = vector.broadcast %broadcast_in_dim3A_1642 : i32 to vector<16xi32>
        %gather3A_1644 = tpu.vector_load_idx %arg12[%add3A_105, %broadcast_in_dim3A_1643] : memref<80x256xf32, #tpu.memory_space<vmem>>[vector<16xi32>, vector<16xi32>], vector<16xf32>,
        %gather3A_1645 = tpu.vector_load_idx %arg13[%add3A_105, %broadcast_in_dim3A_1643] : memref<80x256xf32, #tpu.memory_space<vmem>>[vector<16xi32>, vector<16xi32>], vector<16xf32>,
        %mul3A_1646 = arith.mulf %gather3A_1644, %gather3A_1645 : vector<16xf32>
        %add3A_1647 = arith.addf %add3A_1641, %mul3A_1646 : vector<16xf32>
        %broadcast_in_dim3A_1648 = arith.constant 117 : i32
        %broadcast_in_dim3A_1649 = vector.broadcast %broadcast_in_dim3A_1648 : i32 to vector<16xi32>
        %gather3A_1650 = tpu.vector_load_idx %arg12[%add3A_105, %broadcast_in_dim3A_1649] : memref<80x256xf32, #tpu.memory_space<vmem>>[vector<16xi32>, vector<16xi32>], vector<16xf32>,
        %gather3A_1651 = tpu.vector_load_idx %arg13[%add3A_105, %broadcast_in_dim3A_1649] : memref<80x256xf32, #tpu.memory_space<vmem>>[vector<16xi32>, vector<16xi32>], vector<16xf32>,
        %mul3A_1652 = arith.mulf %gather3A_1650, %gather3A_1651 : vector<16xf32>
        %add3A_1653 = arith.addf %add3A_1647, %mul3A_1652 : vector<16xf32>
        %broadcast_in_dim3A_1654 = arith.constant 118 : i32
        %broadcast_in_dim3A_1655 = vector.broadcast %broadcast_in_dim3A_1654 : i32 to vector<16xi32>
        %gather3A_1656 = tpu.vector_load_idx %arg12[%add3A_105, %broadcast_in_dim3A_1655] : memref<80x256xf32, #tpu.memory_space<vmem>>[vector<16xi32>, vector<16xi32>], vector<16xf32>,
        %gather3A_1657 = tpu.vector_load_idx %arg13[%add3A_105, %broadcast_in_dim3A_1655] : memref<80x256xf32, #tpu.memory_space<vmem>>[vector<16xi32>, vector<16xi32>], vector<16xf32>,
        %mul3A_1658 = arith.mulf %gather3A_1656, %gather3A_1657 : vector<16xf32>
        %add3A_1659 = arith.addf %add3A_1653, %mul3A_1658 : vector<16xf32>
        %broadcast_in_dim3A_1660 = arith.constant 119 : i32
        %broadcast_in_dim3A_1661 = vector.broadcast %broadcast_in_dim3A_1660 : i32 to vector<16xi32>
        %gather3A_1662 = tpu.vector_load_idx %arg12[%add3A_105, %broadcast_in_dim3A_1661] : memref<80x256xf32, #tpu.memory_space<vmem>>[vector<16xi32>, vector<16xi32>], vector<16xf32>,
        %gather3A_1663 = tpu.vector_load_idx %arg13[%add3A_105, %broadcast_in_dim3A_1661] : memref<80x256xf32, #tpu.memory_space<vmem>>[vector<16xi32>, vector<16xi32>], vector<16xf32>,
        %mul3A_1664 = arith.mulf %gather3A_1662, %gather3A_1663 : vector<16xf32>
        %add3A_1665 = arith.addf %add3A_1659, %mul3A_1664 : vector<16xf32>
        %broadcast_in_dim3A_1666 = arith.constant 120 : i32
        %broadcast_in_dim3A_1667 = vector.broadcast %broadcast_in_dim3A_1666 : i32 to vector<16xi32>
        %gather3A_1668 = tpu.vector_load_idx %arg12[%add3A_105, %broadcast_in_dim3A_1667] : memref<80x256xf32, #tpu.memory_space<vmem>>[vector<16xi32>, vector<16xi32>], vector<16xf32>,
        %gather3A_1669 = tpu.vector_load_idx %arg13[%add3A_105, %broadcast_in_dim3A_1667] : memref<80x256xf32, #tpu.memory_space<vmem>>[vector<16xi32>, vector<16xi32>], vector<16xf32>,
        %mul3A_1670 = arith.mulf %gather3A_1668, %gather3A_1669 : vector<16xf32>
        %add3A_1671 = arith.addf %add3A_1665, %mul3A_1670 : vector<16xf32>
        %broadcast_in_dim3A_1672 = arith.constant 121 : i32
        %broadcast_in_dim3A_1673 = vector.broadcast %broadcast_in_dim3A_1672 : i32 to vector<16xi32>
        %gather3A_1674 = tpu.vector_load_idx %arg12[%add3A_105, %broadcast_in_dim3A_1673] : memref<80x256xf32, #tpu.memory_space<vmem>>[vector<16xi32>, vector<16xi32>], vector<16xf32>,
        %gather3A_1675 = tpu.vector_load_idx %arg13[%add3A_105, %broadcast_in_dim3A_1673] : memref<80x256xf32, #tpu.memory_space<vmem>>[vector<16xi32>, vector<16xi32>], vector<16xf32>,
        %mul3A_1676 = arith.mulf %gather3A_1674, %gather3A_1675 : vector<16xf32>
        %add3A_1677 = arith.addf %add3A_1671, %mul3A_1676 : vector<16xf32>
        %broadcast_in_dim3A_1678 = arith.constant 122 : i32
        %broadcast_in_dim3A_1679 = vector.broadcast %broadcast_in_dim3A_1678 : i32 to vector<16xi32>
        %gather3A_1680 = tpu.vector_load_idx %arg12[%add3A_105, %broadcast_in_dim3A_1679] : memref<80x256xf32, #tpu.memory_space<vmem>>[vector<16xi32>, vector<16xi32>], vector<16xf32>,
        %gather3A_1681 = tpu.vector_load_idx %arg13[%add3A_105, %broadcast_in_dim3A_1679] : memref<80x256xf32, #tpu.memory_space<vmem>>[vector<16xi32>, vector<16xi32>], vector<16xf32>,
        %mul3A_1682 = arith.mulf %gather3A_1680, %gather3A_1681 : vector<16xf32>
        %add3A_1683 = arith.addf %add3A_1677, %mul3A_1682 : vector<16xf32>
        %broadcast_in_dim3A_1684 = arith.constant 123 : i32
        %broadcast_in_dim3A_1685 = vector.broadcast %broadcast_in_dim3A_1684 : i32 to vector<16xi32>
        %gather3A_1686 = tpu.vector_load_idx %arg12[%add3A_105, %broadcast_in_dim3A_1685] : memref<80x256xf32, #tpu.memory_space<vmem>>[vector<16xi32>, vector<16xi32>], vector<16xf32>,
        %gather3A_1687 = tpu.vector_load_idx %arg13[%add3A_105, %broadcast_in_dim3A_1685] : memref<80x256xf32, #tpu.memory_space<vmem>>[vector<16xi32>, vector<16xi32>], vector<16xf32>,
        %mul3A_1688 = arith.mulf %gather3A_1686, %gather3A_1687 : vector<16xf32>
        %add3A_1689 = arith.addf %add3A_1683, %mul3A_1688 : vector<16xf32>
        %broadcast_in_dim3A_1690 = arith.constant 124 : i32
        %broadcast_in_dim3A_1691 = vector.broadcast %broadcast_in_dim3A_1690 : i32 to vector<16xi32>
        %gather3A_1692 = tpu.vector_load_idx %arg12[%add3A_105, %broadcast_in_dim3A_1691] : memref<80x256xf32, #tpu.memory_space<vmem>>[vector<16xi32>, vector<16xi32>], vector<16xf32>,
        %gather3A_1693 = tpu.vector_load_idx %arg13[%add3A_105, %broadcast_in_dim3A_1691] : memref<80x256xf32, #tpu.memory_space<vmem>>[vector<16xi32>, vector<16xi32>], vector<16xf32>,
        %mul3A_1694 = arith.mulf %gather3A_1692, %gather3A_1693 : vector<16xf32>
        %add3A_1695 = arith.addf %add3A_1689, %mul3A_1694 : vector<16xf32>
        %broadcast_in_dim3A_1696 = arith.constant 125 : i32
        %broadcast_in_dim3A_1697 = vector.broadcast %broadcast_in_dim3A_1696 : i32 to vector<16xi32>
        %gather3A_1698 = tpu.vector_load_idx %arg12[%add3A_105, %broadcast_in_dim3A_1697] : memref<80x256xf32, #tpu.memory_space<vmem>>[vector<16xi32>, vector<16xi32>], vector<16xf32>,
        %gather3A_1699 = tpu.vector_load_idx %arg13[%add3A_105, %broadcast_in_dim3A_1697] : memref<80x256xf32, #tpu.memory_space<vmem>>[vector<16xi32>, vector<16xi32>], vector<16xf32>,
        %mul3A_1700 = arith.mulf %gather3A_1698, %gather3A_1699 : vector<16xf32>
        %add3A_1701 = arith.addf %add3A_1695, %mul3A_1700 : vector<16xf32>
        %broadcast_in_dim3A_1702 = arith.constant 126 : i32
        %broadcast_in_dim3A_1703 = vector.broadcast %broadcast_in_dim3A_1702 : i32 to vector<16xi32>
        %gather3A_1704 = tpu.vector_load_idx %arg12[%add3A_105, %broadcast_in_dim3A_1703] : memref<80x256xf32, #tpu.memory_space<vmem>>[vector<16xi32>, vector<16xi32>], vector<16xf32>,
        %gather3A_1705 = tpu.vector_load_idx %arg13[%add3A_105, %broadcast_in_dim3A_1703] : memref<80x256xf32, #tpu.memory_space<vmem>>[vector<16xi32>, vector<16xi32>], vector<16xf32>,
        %mul3A_1706 = arith.mulf %gather3A_1704, %gather3A_1705 : vector<16xf32>
        %add3A_1707 = arith.addf %add3A_1701, %mul3A_1706 : vector<16xf32>
        %broadcast_in_dim3A_1708 = arith.constant 127 : i32
        %broadcast_in_dim3A_1709 = vector.broadcast %broadcast_in_dim3A_1708 : i32 to vector<16xi32>
        %gather3A_1710 = tpu.vector_load_idx %arg12[%add3A_105, %broadcast_in_dim3A_1709] : memref<80x256xf32, #tpu.memory_space<vmem>>[vector<16xi32>, vector<16xi32>], vector<16xf32>,
        %gather3A_1711 = tpu.vector_load_idx %arg13[%add3A_105, %broadcast_in_dim3A_1709] : memref<80x256xf32, #tpu.memory_space<vmem>>[vector<16xi32>, vector<16xi32>], vector<16xf32>,
        %mul3A_1712 = arith.mulf %gather3A_1710, %gather3A_1711 : vector<16xf32>
        %add3A_1713 = arith.addf %add3A_1707, %mul3A_1712 : vector<16xf32>
        %mul3A_1714 = arith.constant 2.500000e-01 : f32
        %mul3A_1715 = vector.broadcast %mul3A_1714 : f32 to vector<16xf32>
        %mul3A_1716 = arith.mulf %add3A_1713, %mul3A_1715 : vector<16xf32>
        %mul3A_1717 = arith.mulf %get3A_12, %add3A_874 : vector<16xf32>
        %add3A_1718 = arith.addf %mul3A_1716, %mul3A_1717 : vector<16xf32>
        %exp3A_1719 = math.exp %add3A_1718 : vector<16xf32>
        %broadcast_in_dim3A_1720 = arith.constant 7 : i32
        %broadcast_in_dim3A_1721 = vector.broadcast %broadcast_in_dim3A_1720 : i32 to vector<16xi32>
        tpu.vector_store_idx %arg14[%add3A_105, %broadcast_in_dim3A_1721], %exp3A_1719 : memref<80x16xf32, #tpu.memory_space<vmem>>[vector<16xi32>, vector<16xi32>], vector<16xf32>,
        %scan3A_1722 = arith.constant 0 : i32
        scf.yield %scan3A_1722 : i32
      }
      %scan3A_78 = arith.constant 5 : i32
      "tpu.region"() ({
        %run_scoped3A_100 = tpu.sem_alloc : memref<!tpu.dma_semaphore, #tpu.memory_space<semaphore_mem>>
        %dma_start3A_101 = arith.constant 0 : i32
        %dma_start3A_102 = tpu.memref_slice %arg7[%add3A_43, %dma_start3A_101] : memref<320000x16xf32, #tpu.memory_space<hbm>> -> memref<80x16xf32, #tpu.memory_space<hbm>>
        %dma_start3A_103 = arith.constant 0 : i32
        %dma_start3A_104 = tpu.memref_slice %arg7[%add3A_43, %dma_start3A_103] : memref<320000x16xf32, #tpu.memory_space<hbm>> -> memref<80x16xf32, #tpu.memory_space<hbm>>
        tpu.enqueue_dma source(%arg14 : memref<80x16xf32, #tpu.memory_space<vmem>>) target(%dma_start3A_104 : memref<80x16xf32, #tpu.memory_space<hbm>>) target_semaphore(%run_scoped3A_100 : memref<!tpu.dma_semaphore, #tpu.memory_space<semaphore_mem>>)
        %dma_wait3A_105 = arith.constant 0 : i32
        %dma_wait3A_106 = tpu.memref_slice %arg7[%add3A_43, %dma_wait3A_105] : memref<320000x16xf32, #tpu.memory_space<hbm>> -> memref<80x16xf32, #tpu.memory_space<hbm>>
        %dma_wait3A_107 = arith.constant 0 : i32
        %dma_wait3A_108 = tpu.memref_slice %arg7[%add3A_43, %dma_wait3A_107] : memref<320000x16xf32, #tpu.memory_space<hbm>> -> memref<80x16xf32, #tpu.memory_space<hbm>>
        tpu.wait_dma2 semaphore(%run_scoped3A_100 : memref<!tpu.dma_semaphore, #tpu.memory_space<semaphore_mem>>) src(%arg14 : memref<80x16xf32, #tpu.memory_space<vmem>>) dst(%dma_wait3A_108 : memref<80x16xf32, #tpu.memory_space<hbm>>)
        tpu.yield
      }) : () -> ()
      %get3A_79 = arith.constant 0 : i32
      %get3A_80 = arith.index_cast %get3A_79 : i32 to index
      %get3A_81 = arith.constant 0 : index
      %get3A_82 = tpu.vector_load %arg11[%get3A_80, %get3A_81] {strides = array<i32>} : memref<1x80xi32, #tpu.memory_space<vmem>>, vector<16xi32>,
      "tpu.region"() ({
        %run_scoped3A_100 = tpu.sem_alloc : memref<!tpu.dma_semaphore, #tpu.memory_space<semaphore_mem>>
        %dma_start3A_101 = arith.constant 0 : i32
        %dma_start3A_102 = arith.constant 0 : i32
        %dma_start3A_103 = tpu.memref_slice %arg14[%dma_start3A_101, %dma_start3A_102] : memref<80x16xf32, #tpu.memory_space<vmem>> -> memref<16x16xf32, #tpu.memory_space<vmem>>
        %dma_start3A_104 = arith.constant 0 : i32
        %dma_start3A_105 = arith.constant 0 : i32
        %dma_start3A_106 = tpu.memref_slice %arg17[%dma_start3A_104, %dma_start3A_105] : memref<10240x16xf32, #tpu.memory_space<vmem_shared>> -> memref<10240x16xf32, #tpu.memory_space<vmem_shared>>
        tpu.enqueue_indirect_dma source(%dma_start3A_103 : memref<16x16xf32, #tpu.memory_space<vmem>>) target(%dma_start3A_106 : memref<10240x16xf32, #tpu.memory_space<vmem_shared>>) offsets(%get3A_82 : vector<16xi32>) semaphore(%run_scoped3A_100 : memref<!tpu.dma_semaphore, #tpu.memory_space<semaphore_mem>>) {add = true}
        %dma_wait3A_107 = arith.constant 0 : i32
        %dma_wait3A_108 = arith.constant 0 : i32
        %dma_wait3A_109 = tpu.memref_slice %arg14[%dma_wait3A_107, %dma_wait3A_108] : memref<80x16xf32, #tpu.memory_space<vmem>> -> memref<16x16xf32, #tpu.memory_space<vmem>>
        %dma_wait3A_110 = arith.constant 0 : i32
        %dma_wait3A_111 = arith.constant 0 : i32
        %dma_wait3A_112 = tpu.memref_slice %arg17[%dma_wait3A_110, %dma_wait3A_111] : memref<10240x16xf32, #tpu.memory_space<vmem_shared>> -> memref<10240x16xf32, #tpu.memory_space<vmem_shared>>
        tpu.wait_indirect_dma semaphore(%run_scoped3A_100 : memref<!tpu.dma_semaphore, #tpu.memory_space<semaphore_mem>>) src(%dma_wait3A_109 : memref<16x16xf32, #tpu.memory_space<vmem>>) dst(%dma_wait3A_112 : memref<10240x16xf32, #tpu.memory_space<vmem_shared>>)
        tpu.yield
      }) : () -> ()
      %get3A_83 = arith.constant 0 : i32
      %get3A_84 = arith.index_cast %get3A_83 : i32 to index
      %get3A_85 = arith.constant 16 : index
      %get3A_86 = tpu.vector_load %arg11[%get3A_84, %get3A_85] {strides = array<i32>} : memref<1x80xi32, #tpu.memory_space<vmem>>, vector<16xi32>,
      "tpu.region"() ({
        %run_scoped3A_100 = tpu.sem_alloc : memref<!tpu.dma_semaphore, #tpu.memory_space<semaphore_mem>>
        %dma_start3A_101 = arith.constant 16 : i32
        %dma_start3A_102 = arith.constant 0 : i32
        %dma_start3A_103 = tpu.memref_slice %arg14[%dma_start3A_101, %dma_start3A_102] : memref<80x16xf32, #tpu.memory_space<vmem>> -> memref<16x16xf32, #tpu.memory_space<vmem>>
        %dma_start3A_104 = arith.constant 0 : i32
        %dma_start3A_105 = arith.constant 0 : i32
        %dma_start3A_106 = tpu.memref_slice %arg17[%dma_start3A_104, %dma_start3A_105] : memref<10240x16xf32, #tpu.memory_space<vmem_shared>> -> memref<10240x16xf32, #tpu.memory_space<vmem_shared>>
        tpu.enqueue_indirect_dma source(%dma_start3A_103 : memref<16x16xf32, #tpu.memory_space<vmem>>) target(%dma_start3A_106 : memref<10240x16xf32, #tpu.memory_space<vmem_shared>>) offsets(%get3A_86 : vector<16xi32>) semaphore(%run_scoped3A_100 : memref<!tpu.dma_semaphore, #tpu.memory_space<semaphore_mem>>) {add = true}
        %dma_wait3A_107 = arith.constant 16 : i32
        %dma_wait3A_108 = arith.constant 0 : i32
        %dma_wait3A_109 = tpu.memref_slice %arg14[%dma_wait3A_107, %dma_wait3A_108] : memref<80x16xf32, #tpu.memory_space<vmem>> -> memref<16x16xf32, #tpu.memory_space<vmem>>
        %dma_wait3A_110 = arith.constant 0 : i32
        %dma_wait3A_111 = arith.constant 0 : i32
        %dma_wait3A_112 = tpu.memref_slice %arg17[%dma_wait3A_110, %dma_wait3A_111] : memref<10240x16xf32, #tpu.memory_space<vmem_shared>> -> memref<10240x16xf32, #tpu.memory_space<vmem_shared>>
        tpu.wait_indirect_dma semaphore(%run_scoped3A_100 : memref<!tpu.dma_semaphore, #tpu.memory_space<semaphore_mem>>) src(%dma_wait3A_109 : memref<16x16xf32, #tpu.memory_space<vmem>>) dst(%dma_wait3A_112 : memref<10240x16xf32, #tpu.memory_space<vmem_shared>>)
        tpu.yield
      }) : () -> ()
      %get3A_87 = arith.constant 0 : i32
      %get3A_88 = arith.index_cast %get3A_87 : i32 to index
      %get3A_89 = arith.constant 32 : index
      %get3A_90 = tpu.vector_load %arg11[%get3A_88, %get3A_89] {strides = array<i32>} : memref<1x80xi32, #tpu.memory_space<vmem>>, vector<16xi32>,
      "tpu.region"() ({
        %run_scoped3A_100 = tpu.sem_alloc : memref<!tpu.dma_semaphore, #tpu.memory_space<semaphore_mem>>
        %dma_start3A_101 = arith.constant 32 : i32
        %dma_start3A_102 = arith.constant 0 : i32
        %dma_start3A_103 = tpu.memref_slice %arg14[%dma_start3A_101, %dma_start3A_102] : memref<80x16xf32, #tpu.memory_space<vmem>> -> memref<16x16xf32, #tpu.memory_space<vmem>>
        %dma_start3A_104 = arith.constant 0 : i32
        %dma_start3A_105 = arith.constant 0 : i32
        %dma_start3A_106 = tpu.memref_slice %arg17[%dma_start3A_104, %dma_start3A_105] : memref<10240x16xf32, #tpu.memory_space<vmem_shared>> -> memref<10240x16xf32, #tpu.memory_space<vmem_shared>>
        tpu.enqueue_indirect_dma source(%dma_start3A_103 : memref<16x16xf32, #tpu.memory_space<vmem>>) target(%dma_start3A_106 : memref<10240x16xf32, #tpu.memory_space<vmem_shared>>) offsets(%get3A_90 : vector<16xi32>) semaphore(%run_scoped3A_100 : memref<!tpu.dma_semaphore, #tpu.memory_space<semaphore_mem>>) {add = true}
        %dma_wait3A_107 = arith.constant 32 : i32
        %dma_wait3A_108 = arith.constant 0 : i32
        %dma_wait3A_109 = tpu.memref_slice %arg14[%dma_wait3A_107, %dma_wait3A_108] : memref<80x16xf32, #tpu.memory_space<vmem>> -> memref<16x16xf32, #tpu.memory_space<vmem>>
        %dma_wait3A_110 = arith.constant 0 : i32
        %dma_wait3A_111 = arith.constant 0 : i32
        %dma_wait3A_112 = tpu.memref_slice %arg17[%dma_wait3A_110, %dma_wait3A_111] : memref<10240x16xf32, #tpu.memory_space<vmem_shared>> -> memref<10240x16xf32, #tpu.memory_space<vmem_shared>>
        tpu.wait_indirect_dma semaphore(%run_scoped3A_100 : memref<!tpu.dma_semaphore, #tpu.memory_space<semaphore_mem>>) src(%dma_wait3A_109 : memref<16x16xf32, #tpu.memory_space<vmem>>) dst(%dma_wait3A_112 : memref<10240x16xf32, #tpu.memory_space<vmem_shared>>)
        tpu.yield
      }) : () -> ()
      %get3A_91 = arith.constant 0 : i32
      %get3A_92 = arith.index_cast %get3A_91 : i32 to index
      %get3A_93 = arith.constant 48 : index
      %get3A_94 = tpu.vector_load %arg11[%get3A_92, %get3A_93] {strides = array<i32>} : memref<1x80xi32, #tpu.memory_space<vmem>>, vector<16xi32>,
      "tpu.region"() ({
        %run_scoped3A_100 = tpu.sem_alloc : memref<!tpu.dma_semaphore, #tpu.memory_space<semaphore_mem>>
        %dma_start3A_101 = arith.constant 48 : i32
        %dma_start3A_102 = arith.constant 0 : i32
        %dma_start3A_103 = tpu.memref_slice %arg14[%dma_start3A_101, %dma_start3A_102] : memref<80x16xf32, #tpu.memory_space<vmem>> -> memref<16x16xf32, #tpu.memory_space<vmem>>
        %dma_start3A_104 = arith.constant 0 : i32
        %dma_start3A_105 = arith.constant 0 : i32
        %dma_start3A_106 = tpu.memref_slice %arg17[%dma_start3A_104, %dma_start3A_105] : memref<10240x16xf32, #tpu.memory_space<vmem_shared>> -> memref<10240x16xf32, #tpu.memory_space<vmem_shared>>
        tpu.enqueue_indirect_dma source(%dma_start3A_103 : memref<16x16xf32, #tpu.memory_space<vmem>>) target(%dma_start3A_106 : memref<10240x16xf32, #tpu.memory_space<vmem_shared>>) offsets(%get3A_94 : vector<16xi32>) semaphore(%run_scoped3A_100 : memref<!tpu.dma_semaphore, #tpu.memory_space<semaphore_mem>>) {add = true}
        %dma_wait3A_107 = arith.constant 48 : i32
        %dma_wait3A_108 = arith.constant 0 : i32
        %dma_wait3A_109 = tpu.memref_slice %arg14[%dma_wait3A_107, %dma_wait3A_108] : memref<80x16xf32, #tpu.memory_space<vmem>> -> memref<16x16xf32, #tpu.memory_space<vmem>>
        %dma_wait3A_110 = arith.constant 0 : i32
        %dma_wait3A_111 = arith.constant 0 : i32
        %dma_wait3A_112 = tpu.memref_slice %arg17[%dma_wait3A_110, %dma_wait3A_111] : memref<10240x16xf32, #tpu.memory_space<vmem_shared>> -> memref<10240x16xf32, #tpu.memory_space<vmem_shared>>
        tpu.wait_indirect_dma semaphore(%run_scoped3A_100 : memref<!tpu.dma_semaphore, #tpu.memory_space<semaphore_mem>>) src(%dma_wait3A_109 : memref<16x16xf32, #tpu.memory_space<vmem>>) dst(%dma_wait3A_112 : memref<10240x16xf32, #tpu.memory_space<vmem_shared>>)
        tpu.yield
      }) : () -> ()
      %get3A_95 = arith.constant 0 : i32
      %get3A_96 = arith.index_cast %get3A_95 : i32 to index
      %get3A_97 = arith.constant 64 : index
      %get3A_98 = tpu.vector_load %arg11[%get3A_96, %get3A_97] {strides = array<i32>} : memref<1x80xi32, #tpu.memory_space<vmem>>, vector<16xi32>,
      "tpu.region"() ({
        %run_scoped3A_100 = tpu.sem_alloc : memref<!tpu.dma_semaphore, #tpu.memory_space<semaphore_mem>>
        %dma_start3A_101 = arith.constant 64 : i32
        %dma_start3A_102 = arith.constant 0 : i32
        %dma_start3A_103 = tpu.memref_slice %arg14[%dma_start3A_101, %dma_start3A_102] : memref<80x16xf32, #tpu.memory_space<vmem>> -> memref<16x16xf32, #tpu.memory_space<vmem>>
        %dma_start3A_104 = arith.constant 0 : i32
        %dma_start3A_105 = arith.constant 0 : i32
        %dma_start3A_106 = tpu.memref_slice %arg17[%dma_start3A_104, %dma_start3A_105] : memref<10240x16xf32, #tpu.memory_space<vmem_shared>> -> memref<10240x16xf32, #tpu.memory_space<vmem_shared>>
        tpu.enqueue_indirect_dma source(%dma_start3A_103 : memref<16x16xf32, #tpu.memory_space<vmem>>) target(%dma_start3A_106 : memref<10240x16xf32, #tpu.memory_space<vmem_shared>>) offsets(%get3A_98 : vector<16xi32>) semaphore(%run_scoped3A_100 : memref<!tpu.dma_semaphore, #tpu.memory_space<semaphore_mem>>) {add = true}
        %dma_wait3A_107 = arith.constant 64 : i32
        %dma_wait3A_108 = arith.constant 0 : i32
        %dma_wait3A_109 = tpu.memref_slice %arg14[%dma_wait3A_107, %dma_wait3A_108] : memref<80x16xf32, #tpu.memory_space<vmem>> -> memref<16x16xf32, #tpu.memory_space<vmem>>
        %dma_wait3A_110 = arith.constant 0 : i32
        %dma_wait3A_111 = arith.constant 0 : i32
        %dma_wait3A_112 = tpu.memref_slice %arg17[%dma_wait3A_110, %dma_wait3A_111] : memref<10240x16xf32, #tpu.memory_space<vmem_shared>> -> memref<10240x16xf32, #tpu.memory_space<vmem_shared>>
        tpu.wait_indirect_dma semaphore(%run_scoped3A_100 : memref<!tpu.dma_semaphore, #tpu.memory_space<semaphore_mem>>) src(%dma_wait3A_109 : memref<16x16xf32, #tpu.memory_space<vmem>>) dst(%dma_wait3A_112 : memref<10240x16xf32, #tpu.memory_space<vmem_shared>>)
        tpu.yield
      }) : () -> ()
      %scan3A_99 = arith.constant 0 : i32
      scf.yield %scan3A_99 : i32
    }
    %scan3A_28 = arith.constant 125 : i32
    %barrier3A_29 = arith.constant 0 : index
    tpu.barrier barrier_id(%barrier3A_29)
    %mul3A_30 = arith.constant 640 : i32
    %mul3A_31 = arith.muli %arg1, %mul3A_30 : i32
    "tpu.region"() ({
      %run_scoped3A_39 = tpu.sem_alloc : memref<!tpu.dma_semaphore, #tpu.memory_space<semaphore_mem>>
      %dma_start3A = arith.constant 0 : i32
      %dma_start3A_40 = tpu.memref_slice %arg17[%mul3A_31, %dma_start3A] : memref<10240x16xf32, #tpu.memory_space<vmem_shared>> -> memref<640x16xf32, #tpu.memory_space<vmem_shared>>
      %dma_start3A_41 = arith.constant 0 : i32
      %dma_start3A_42 = tpu.memref_slice %arg17[%mul3A_31, %dma_start3A_41] : memref<10240x16xf32, #tpu.memory_space<vmem_shared>> -> memref<640x16xf32, #tpu.memory_space<vmem_shared>>
      tpu.enqueue_dma source(%dma_start3A_42 : memref<640x16xf32, #tpu.memory_space<vmem_shared>>) target(%arg16 : memref<640x16xf32, #tpu.memory_space<vmem>>) target_semaphore(%run_scoped3A_39 : memref<!tpu.dma_semaphore, #tpu.memory_space<semaphore_mem>>)
      %dma_wait3A = arith.constant 0 : i32
      %dma_wait3A_43 = tpu.memref_slice %arg17[%mul3A_31, %dma_wait3A] : memref<10240x16xf32, #tpu.memory_space<vmem_shared>> -> memref<640x16xf32, #tpu.memory_space<vmem_shared>>
      %dma_wait3A_44 = arith.constant 0 : i32
      %dma_wait3A_45 = tpu.memref_slice %arg17[%mul3A_31, %dma_wait3A_44] : memref<10240x16xf32, #tpu.memory_space<vmem_shared>> -> memref<640x16xf32, #tpu.memory_space<vmem_shared>>
      tpu.wait_dma2 semaphore(%run_scoped3A_39 : memref<!tpu.dma_semaphore, #tpu.memory_space<semaphore_mem>>) src(%dma_wait3A_45 : memref<640x16xf32, #tpu.memory_space<vmem_shared>>) dst(%arg16 : memref<640x16xf32, #tpu.memory_space<vmem>>)
      tpu.yield
    }) : () -> ()
    %eq3A = arith.constant 0 : i32
    %eq3A_32 = arith.cmpi eq, %arg0, %eq3A : i32
    %convert_element_type3A = arith.extui %eq3A_32 : i1 to i32
    %cond3A = arith.constant 0 : i32
    %cond3A_33 = arith.cmpi ne, %convert_element_type3A, %cond3A : i32
    scf.if %cond3A_33 {
      %mul3A_39 = arith.constant 640 : i32
      %mul3A_40 = arith.muli %arg1, %mul3A_39 : i32
      "tpu.region"() ({
        %run_scoped3A_41 = tpu.sem_alloc : memref<!tpu.dma_semaphore, #tpu.memory_space<semaphore_mem>>
        %dma_start3A = arith.constant 0 : i32
        %dma_start3A_42 = tpu.memref_slice %arg8[%mul3A_40, %dma_start3A] : memref<10240x16xf32, #tpu.memory_space<hbm>> -> memref<640x16xf32, #tpu.memory_space<hbm>>
        %dma_start3A_43 = arith.constant 0 : i32
        %dma_start3A_44 = tpu.memref_slice %arg8[%mul3A_40, %dma_start3A_43] : memref<10240x16xf32, #tpu.memory_space<hbm>> -> memref<640x16xf32, #tpu.memory_space<hbm>>
        tpu.enqueue_dma source(%arg16 : memref<640x16xf32, #tpu.memory_space<vmem>>) target(%dma_start3A_44 : memref<640x16xf32, #tpu.memory_space<hbm>>) target_semaphore(%run_scoped3A_41 : memref<!tpu.dma_semaphore, #tpu.memory_space<semaphore_mem>>)
        %dma_wait3A = arith.constant 0 : i32
        %dma_wait3A_45 = tpu.memref_slice %arg8[%mul3A_40, %dma_wait3A] : memref<10240x16xf32, #tpu.memory_space<hbm>> -> memref<640x16xf32, #tpu.memory_space<hbm>>
        %dma_wait3A_46 = arith.constant 0 : i32
        %dma_wait3A_47 = tpu.memref_slice %arg8[%mul3A_40, %dma_wait3A_46] : memref<10240x16xf32, #tpu.memory_space<hbm>> -> memref<640x16xf32, #tpu.memory_space<hbm>>
        tpu.wait_dma2 semaphore(%run_scoped3A_41 : memref<!tpu.dma_semaphore, #tpu.memory_space<semaphore_mem>>) src(%arg16 : memref<640x16xf32, #tpu.memory_space<vmem>>) dst(%dma_wait3A_47 : memref<640x16xf32, #tpu.memory_space<hbm>>)
        tpu.yield
      }) : () -> ()
    } else {
    }
    %eq3A_34 = arith.constant 1 : i32
    %eq3A_35 = arith.cmpi eq, %arg0, %eq3A_34 : i32
    %convert_element_type3A_36 = arith.extui %eq3A_35 : i1 to i32
    %cond3A_37 = arith.constant 0 : i32
    %cond3A_38 = arith.cmpi ne, %convert_element_type3A_36, %cond3A_37 : i32
    scf.if %cond3A_38 {
      %mul3A_39 = arith.constant 640 : i32
      %mul3A_40 = arith.muli %arg1, %mul3A_39 : i32
      "tpu.region"() ({
        %run_scoped3A_41 = tpu.sem_alloc : memref<!tpu.dma_semaphore, #tpu.memory_space<semaphore_mem>>
        %dma_start3A = arith.constant 0 : i32
        %dma_start3A_42 = tpu.memref_slice %arg9[%mul3A_40, %dma_start3A] : memref<10240x16xf32, #tpu.memory_space<hbm>> -> memref<640x16xf32, #tpu.memory_space<hbm>>
        %dma_start3A_43 = arith.constant 0 : i32
        %dma_start3A_44 = tpu.memref_slice %arg9[%mul3A_40, %dma_start3A_43] : memref<10240x16xf32, #tpu.memory_space<hbm>> -> memref<640x16xf32, #tpu.memory_space<hbm>>
        tpu.enqueue_dma source(%arg16 : memref<640x16xf32, #tpu.memory_space<vmem>>) target(%dma_start3A_44 : memref<640x16xf32, #tpu.memory_space<hbm>>) target_semaphore(%run_scoped3A_41 : memref<!tpu.dma_semaphore, #tpu.memory_space<semaphore_mem>>)
        %dma_wait3A = arith.constant 0 : i32
        %dma_wait3A_45 = tpu.memref_slice %arg9[%mul3A_40, %dma_wait3A] : memref<10240x16xf32, #tpu.memory_space<hbm>> -> memref<640x16xf32, #tpu.memory_space<hbm>>
        %dma_wait3A_46 = arith.constant 0 : i32
        %dma_wait3A_47 = tpu.memref_slice %arg9[%mul3A_40, %dma_wait3A_46] : memref<10240x16xf32, #tpu.memory_space<hbm>> -> memref<640x16xf32, #tpu.memory_space<hbm>>
        tpu.wait_dma2 semaphore(%run_scoped3A_41 : memref<!tpu.dma_semaphore, #tpu.memory_space<semaphore_mem>>) src(%arg16 : memref<640x16xf32, #tpu.memory_space<vmem>>) dst(%dma_wait3A_47 : memref<640x16xf32, #tpu.memory_space<hbm>>)
        tpu.yield
      }) : () -> ()
    } else {
    }
    return
  }
}

module attributes {stable_mosaic.version = 14 : i64} {
  func.func @_tc_project_body(%arg0: i32, %arg1: memref<1000x128xf32, #tpu.memory_space<vmem>>, %arg2: memref<128x128xf32, #tpu.memory_space<vmem>>, %arg3: memref<1x128xf32, #tpu.memory_space<vmem>>, %arg4: memref<128x128xf32, #tpu.memory_space<vmem>>, %arg5: memref<1x128xf32, #tpu.memory_space<vmem>>, %arg6: memref<128x128xf32, #tpu.memory_space<vmem>>, %arg7: memref<1x128xf32, #tpu.memory_space<vmem>>, %arg8: memref<128x128xf32, #tpu.memory_space<vmem>>, %arg9: memref<128x128xf32, #tpu.memory_space<vmem>>, %arg10: memref<128x128xf32, #tpu.memory_space<vmem>>, %arg11: memref<1024x16xf32, #tpu.memory_space<vmem>>, %arg12: memref<1024x16xf32, #tpu.memory_space<vmem>>, %arg13: memref<1xf32, #tpu.memory_space<smem>>, %arg14: memref<1000x256xf32, #tpu.memory_space<vmem>>, %arg15: memref<1000x256xf32, #tpu.memory_space<vmem>>, %arg16: memref<1000x128xf32, #tpu.memory_space<vmem>>, %arg17: memref<8x128xf32, #tpu.memory_space<vmem>>, %arg18: memref<1xf32, #tpu.memory_space<smem>>) attributes {dimension_semantics = [#tpu.dimension_semantics<arbitrary>], iteration_bounds = array<i64: 10>, scalar_prefetch = 0 : i64, scratch_operands = 1 : i64, tpu.core_type = #tpu.core_type<tc>, window_params = [{transform_indices = @transform_0, window_bounds = array<i64: 1000, 128>}, {pipeline_mode = #tpu.pipeline_mode<synchronous>, transform_indices = @transform_1, window_bounds = array<i64: 128, 128>}, {pipeline_mode = #tpu.pipeline_mode<synchronous>, transform_indices = @transform_2, window_bounds = array<i64: 1, 128>}, {pipeline_mode = #tpu.pipeline_mode<synchronous>, transform_indices = @transform_3, window_bounds = array<i64: 128, 128>}, {pipeline_mode = #tpu.pipeline_mode<synchronous>, transform_indices = @transform_4, window_bounds = array<i64: 1, 128>}, {pipeline_mode = #tpu.pipeline_mode<synchronous>, transform_indices = @transform_5, window_bounds = array<i64: 128, 128>}, {pipeline_mode = #tpu.pipeline_mode<synchronous>, transform_indices = @transform_6, window_bounds = array<i64: 1, 128>}, {pipeline_mode = #tpu.pipeline_mode<synchronous>, transform_indices = @transform_7, window_bounds = array<i64: 128, 128>}, {pipeline_mode = #tpu.pipeline_mode<synchronous>, transform_indices = @transform_8, window_bounds = array<i64: 128, 128>}, {pipeline_mode = #tpu.pipeline_mode<synchronous>, transform_indices = @transform_9, window_bounds = array<i64: 128, 128>}, {transform_indices = @transform_10, window_bounds = array<i64: 1024, 16>}, {transform_indices = @transform_11, window_bounds = array<i64: 1024, 16>}, {transform_indices = @transform_12, window_bounds = array<i64: 1>}, {transform_indices = @transform_13, window_bounds = array<i64: 1000, 256>}, {transform_indices = @transform_14, window_bounds = array<i64: 1000, 256>}, {transform_indices = @transform_15, window_bounds = array<i64: 1000, 128>}, {pipeline_mode = #tpu.pipeline_mode<synchronous>, transform_indices = @transform_16, window_bounds = array<i64: 8, 128>}]} {
    %eq3A = arith.constant 0 : i32
    %eq3A_0 = arith.cmpi eq, %arg0, %eq3A : i32
    %convert_element_type3A = arith.extui %eq3A_0 : i1 to i32
    %cond3A = arith.constant 0 : i32
    %cond3A_1 = arith.cmpi ne, %convert_element_type3A, %cond3A : i32
    scf.if %cond3A_1 {
      %swap3A_95 = arith.constant 0.000000e+00 : f32
      %swap3A_96 = arith.constant 0 : index
      %swap3A_97 = memref.load %arg18[%swap3A_96] : memref<1xf32, #tpu.memory_space<smem>>
      memref.store %swap3A_95, %arg18[%swap3A_96] : memref<1xf32, #tpu.memory_space<smem>>
    } else {
    }
    %get3A = arith.constant 0 : index
    %get3A_2 = arith.constant 0 : index
    %get3A_3 = vector.load %arg1[%get3A, %get3A_2] : memref<1000x128xf32, #tpu.memory_space<vmem>>, vector<1000x128xf32>
    %get3A_4 = arith.constant 0 : index
    %get3A_5 = arith.constant 0 : index
    %get3A_6 = vector.load %arg2[%get3A_4, %get3A_5] : memref<128x128xf32, #tpu.memory_space<vmem>>, vector<128x128xf32>
    %dot_general3A = arith.constant dense<0.000000e+00> : vector<1000x128xf32>
    %dot_general3A_7 = tpu.matmul %get3A_3, %get3A_6, %dot_general3A {dimension_numbers = #tpu.dot_dimension_numbers<[1], [0], [0], [1], [0, 0, 1, 1], [], []>, transpose_lhs_hint = false} : vector<1000x128xf32>, vector<128x128xf32>, vector<1000x128xf32> -> vector<1000x128xf32>
    %get3A_8 = arith.constant 0 : index
    %get3A_9 = arith.constant 0 : index
    %get3A_10 = vector.load %arg3[%get3A_8, %get3A_9] : memref<1x128xf32, #tpu.memory_space<vmem>>, vector<1x128xf32>
    %add3A = vector.broadcast %get3A_10 : vector<1x128xf32> to vector<1000x128xf32>
    %add3A_11 = arith.addf %dot_general3A_7, %add3A : vector<1000x128xf32>
    %get3A_12 = arith.constant 0 : index
    %get3A_13 = arith.constant 0 : index
    %get3A_14 = vector.load %arg4[%get3A_12, %get3A_13] : memref<128x128xf32, #tpu.memory_space<vmem>>, vector<128x128xf32>
    %dot_general3A_15 = arith.constant dense<0.000000e+00> : vector<1000x128xf32>
    %dot_general3A_16 = tpu.matmul %get3A_3, %get3A_14, %dot_general3A_15 {dimension_numbers = #tpu.dot_dimension_numbers<[1], [0], [0], [1], [0, 0, 1, 1], [], []>, transpose_lhs_hint = false} : vector<1000x128xf32>, vector<128x128xf32>, vector<1000x128xf32> -> vector<1000x128xf32>
    %get3A_17 = arith.constant 0 : index
    %get3A_18 = arith.constant 0 : index
    %get3A_19 = vector.load %arg5[%get3A_17, %get3A_18] : memref<1x128xf32, #tpu.memory_space<vmem>>, vector<1x128xf32>
    %add3A_20 = vector.broadcast %get3A_19 : vector<1x128xf32> to vector<1000x128xf32>
    %add3A_21 = arith.addf %dot_general3A_16, %add3A_20 : vector<1000x128xf32>
    %get3A_22 = arith.constant 0 : index
    %get3A_23 = arith.constant 0 : index
    %get3A_24 = vector.load %arg6[%get3A_22, %get3A_23] : memref<128x128xf32, #tpu.memory_space<vmem>>, vector<128x128xf32>
    %dot_general3A_25 = arith.constant dense<0.000000e+00> : vector<1000x128xf32>
    %dot_general3A_26 = tpu.matmul %get3A_3, %get3A_24, %dot_general3A_25 {dimension_numbers = #tpu.dot_dimension_numbers<[1], [0], [0], [1], [0, 0, 1, 1], [], []>, transpose_lhs_hint = false} : vector<1000x128xf32>, vector<128x128xf32>, vector<1000x128xf32> -> vector<1000x128xf32>
    %get3A_27 = arith.constant 0 : index
    %get3A_28 = arith.constant 0 : index
    %get3A_29 = vector.load %arg7[%get3A_27, %get3A_28] : memref<1x128xf32, #tpu.memory_space<vmem>>, vector<1x128xf32>
    %add3A_30 = vector.broadcast %get3A_29 : vector<1x128xf32> to vector<1000x128xf32>
    %add3A_31 = arith.addf %dot_general3A_26, %add3A_30 : vector<1000x128xf32>
    %get3A_32 = arith.constant 0 : index
    %get3A_33 = arith.constant 0 : index
    %get3A_34 = vector.load %arg8[%get3A_32, %get3A_33] : memref<128x128xf32, #tpu.memory_space<vmem>>, vector<128x128xf32>
    %dot_general3A_35 = arith.constant dense<0.000000e+00> : vector<1000x128xf32>
    %dot_general3A_36 = tpu.matmul %add3A_11, %get3A_34, %dot_general3A_35 {dimension_numbers = #tpu.dot_dimension_numbers<[1], [0], [0], [1], [0, 0, 1, 1], [], []>, transpose_lhs_hint = false} : vector<1000x128xf32>, vector<128x128xf32>, vector<1000x128xf32> -> vector<1000x128xf32>
    %get3A_37 = arith.constant 0 : index
    %get3A_38 = arith.constant 0 : index
    %get3A_39 = vector.load %arg9[%get3A_37, %get3A_38] : memref<128x128xf32, #tpu.memory_space<vmem>>, vector<128x128xf32>
    %dot_general3A_40 = arith.constant dense<0.000000e+00> : vector<1000x128xf32>
    %dot_general3A_41 = tpu.matmul %add3A_21, %get3A_39, %dot_general3A_40 {dimension_numbers = #tpu.dot_dimension_numbers<[1], [0], [0], [1], [0, 0, 1, 1], [], []>, transpose_lhs_hint = false} : vector<1000x128xf32>, vector<128x128xf32>, vector<1000x128xf32> -> vector<1000x128xf32>
    %get3A_42 = arith.constant 0 : index
    %get3A_43 = arith.constant 0 : index
    %get3A_44 = vector.load %arg10[%get3A_42, %get3A_43] : memref<128x128xf32, #tpu.memory_space<vmem>>, vector<128x128xf32>
    %dot_general3A_45 = arith.constant dense<0.000000e+00> : vector<1000x128xf32>
    %dot_general3A_46 = tpu.matmul %add3A_31, %get3A_44, %dot_general3A_45 {dimension_numbers = #tpu.dot_dimension_numbers<[1], [0], [0], [1], [0, 0, 1, 1], [], []>, transpose_lhs_hint = false} : vector<1000x128xf32>, vector<128x128xf32>, vector<1000x128xf32> -> vector<1000x128xf32>
    %mul3A = arith.mulf %get3A_3, %get3A_3 : vector<1000x128xf32>
    %reduce_sum3A = arith.constant dense<0.000000e+00> : vector<1000xf32>
    %reduce_sum3A_47 = vector.multi_reduction <add>, %mul3A, %reduce_sum3A [1] : vector<1000x128xf32> to vector<1000xf32>
    %broadcast_in_dim3A = vector.shape_cast %reduce_sum3A_47 : vector<1000xf32> to vector<1000x1xf32>
    %sqrt3A = math.sqrt %broadcast_in_dim3A : vector<1000x1xf32>
    %max3A = arith.constant 9.99999996E-13 : f32
    %max3A_48 = vector.broadcast %max3A : f32 to vector<1000x1xf32>
    %max3A_49 = arith.maximumf %sqrt3A, %max3A_48 : vector<1000x1xf32>
    %div3A = vector.broadcast %max3A_49 : vector<1000x1xf32> to vector<1000x128xf32>
    %div3A_50 = arith.divf %get3A_3, %div3A : vector<1000x128xf32>
    %swap3A = arith.constant 0 : index
    %swap3A_51 = arith.constant 0 : index
    %swap3A_52 = vector.load %arg14[%swap3A, %swap3A_51] : memref<1000x256xf32, #tpu.memory_space<vmem>>, vector<1000x128xf32>
    tpu.vector_store %arg14[%swap3A, %swap3A_51], %dot_general3A_36 {strides = array<i32>} : memref<1000x256xf32, #tpu.memory_space<vmem>>, vector<1000x128xf32>,
    %swap3A_53 = arith.constant 0 : index
    %swap3A_54 = arith.constant 128 : index
    %swap3A_55 = vector.load %arg14[%swap3A_53, %swap3A_54] : memref<1000x256xf32, #tpu.memory_space<vmem>>, vector<1000x128xf32>
    tpu.vector_store %arg14[%swap3A_53, %swap3A_54], %div3A_50 {strides = array<i32>} : memref<1000x256xf32, #tpu.memory_space<vmem>>, vector<1000x128xf32>,
    %swap3A_56 = arith.constant 0 : index
    %swap3A_57 = arith.constant 0 : index
    %swap3A_58 = vector.load %arg15[%swap3A_56, %swap3A_57] : memref<1000x256xf32, #tpu.memory_space<vmem>>, vector<1000x128xf32>
    tpu.vector_store %arg15[%swap3A_56, %swap3A_57], %dot_general3A_41 {strides = array<i32>} : memref<1000x256xf32, #tpu.memory_space<vmem>>, vector<1000x128xf32>,
    %swap3A_59 = arith.constant 0 : index
    %swap3A_60 = arith.constant 128 : index
    %swap3A_61 = vector.load %arg15[%swap3A_59, %swap3A_60] : memref<1000x256xf32, #tpu.memory_space<vmem>>, vector<1000x128xf32>
    tpu.vector_store %arg15[%swap3A_59, %swap3A_60], %div3A_50 {strides = array<i32>} : memref<1000x256xf32, #tpu.memory_space<vmem>>, vector<1000x128xf32>,
    %swap3A_62 = arith.constant 0 : index
    %swap3A_63 = arith.constant 0 : index
    %swap3A_64 = vector.load %arg16[%swap3A_62, %swap3A_63] : memref<1000x128xf32, #tpu.memory_space<vmem>>, vector<1000x128xf32>
    tpu.vector_store %arg16[%swap3A_62, %swap3A_63], %dot_general3A_46 {strides = array<i32>} : memref<1000x128xf32, #tpu.memory_space<vmem>>, vector<1000x128xf32>,
    %get3A_65 = arith.constant 0 : index
    %get3A_66 = arith.constant 0 : index
    %get3A_67 = vector.load %arg11[%get3A_65, %get3A_66] : memref<1024x16xf32, #tpu.memory_space<vmem>>, vector<1024x16xf32>
    %reduce_max3A = arith.constant dense<0xFF800000> : vector<1024xf32>
    %reduce_max3A_68 = vector.multi_reduction <maximumf>, %get3A_67, %reduce_max3A [1] : vector<1024x16xf32> to vector<1024xf32>
    %get3A_69 = arith.constant 0 : index
    %get3A_70 = arith.constant 0 : index
    %get3A_71 = vector.load %arg12[%get3A_69, %get3A_70] : memref<1024x16xf32, #tpu.memory_space<vmem>>, vector<1024x16xf32>
    %reduce_max3A_72 = arith.constant dense<0xFF800000> : vector<1024xf32>
    %reduce_max3A_73 = vector.multi_reduction <maximumf>, %get3A_71, %reduce_max3A_72 [1] : vector<1024x16xf32> to vector<1024xf32>
    %add3A_74 = arith.addf %reduce_max3A_68, %reduce_max3A_73 : vector<1024xf32>
    %get3A_75 = arith.constant 0 : index
    %get3A_76 = memref.load %arg18[%get3A_75] : memref<1xf32, #tpu.memory_space<smem>>
    %eq3A_77 = arith.constant 0.000000e+00 : f32
    %eq3A_78 = vector.broadcast %eq3A_77 : f32 to vector<1024xf32>
    %eq3A_79 = arith.cmpf oeq, %add3A_74, %eq3A_78 : vector<1024xf32>
    %convert_element_type3A_80 = arith.extui %eq3A_79 : vector<1024xi1> to vector<1024xi32>
    %convert_element_type3A_81 = arith.sitofp %convert_element_type3A_80 : vector<1024xi32> to vector<1024xf32>
    %reduce_sum3A_82 = vector.shape_cast %convert_element_type3A_81 : vector<1024xf32> to vector<1x1024xf32>
    %reduce_sum3A_83 = arith.constant dense<0.000000e+00> : vector<1xf32>
    %reduce_sum3A_84 = vector.multi_reduction <add>, %reduce_sum3A_82, %reduce_sum3A_83 [1] : vector<1x1024xf32> to vector<1xf32>
    %reduce_sum3A_85 = vector.shape_cast %reduce_sum3A_84 : vector<1xf32> to vector<1x1xf32>
    %reduce_sum3A_86 = vector.extract %reduce_sum3A_85[0, 0] : f32 from vector<1x1xf32>
    %add3A_87 = arith.addf %get3A_76, %reduce_sum3A_86 : f32
    %swap3A_88 = arith.constant 0 : index
    %swap3A_89 = memref.load %arg18[%swap3A_88] : memref<1xf32, #tpu.memory_space<smem>>
    memref.store %add3A_87, %arg18[%swap3A_88] : memref<1xf32, #tpu.memory_space<smem>>
    %eq3A_90 = arith.constant 9 : i32
    %eq3A_91 = arith.cmpi eq, %arg0, %eq3A_90 : i32
    %convert_element_type3A_92 = arith.extui %eq3A_91 : i1 to i32
    %cond3A_93 = arith.constant 0 : i32
    %cond3A_94 = arith.cmpi ne, %convert_element_type3A_92, %cond3A_93 : i32
    scf.if %cond3A_94 {
      %get3A_95 = arith.constant 0 : index
      %get3A_96 = memref.load %arg18[%get3A_95] : memref<1xf32, #tpu.memory_space<smem>>
      %sub3A = arith.constant 2.400000e+02 : f32
      %sub3A_97 = arith.subf %get3A_96, %sub3A : f32
      %div3A_98 = arith.constant 1.000000e+04 : f32
      %div3A_99 = arith.divf %sub3A_97, %div3A_98 : f32
      %gt3A = arith.constant 3.000000e-01 : f32
      %gt3A_100 = arith.cmpf ogt, %div3A_99, %gt3A : f32
      %get3A_101 = arith.constant 0 : index
      %get3A_102 = memref.load %arg13[%get3A_101] : memref<1xf32, #tpu.memory_space<smem>>
      %jit3A = arith.constant 0.000000e+00 : f32
      %select_n3A = arith.select %gt3A_100, %get3A_102, %jit3A : f32
      %broadcast_in_dim3A_103 = arith.constant 1.000000e+00 : f32
      %broadcast_in_dim3A_104 = vector.broadcast %broadcast_in_dim3A_103 : f32 to vector<8x128xf32>
      %mul3A_105 = vector.broadcast %select_n3A : f32 to vector<8x128xf32>
      %mul3A_106 = arith.mulf %mul3A_105, %broadcast_in_dim3A_104 : vector<8x128xf32>
      %swap3A_107 = arith.constant 0 : index
      %swap3A_108 = arith.constant 0 : index
      %swap3A_109 = vector.load %arg17[%swap3A_107, %swap3A_108] : memref<8x128xf32, #tpu.memory_space<vmem>>, vector<8x128xf32>
      tpu.vector_store %arg17[%swap3A_107, %swap3A_108], %mul3A_106 {strides = array<i32>} : memref<8x128xf32, #tpu.memory_space<vmem>>, vector<8x128xf32>,
    } else {
    }
    return
  }
  func.func @transform_0(%arg0: i32) -> (i32, i32) {
    %c0_i32 = arith.constant 0 : i32
    %c0_i32_0 = arith.constant 0 : i32
    return %arg0, %c0_i32 : i32, i32
  }
  func.func @transform_1(%arg0: i32) -> (i32, i32) {
    %c0_i32 = arith.constant 0 : i32
    %c0_i32_0 = arith.constant 0 : i32
    %c0_i32_1 = arith.constant 0 : i32
    return %c0_i32, %c0_i32_0 : i32, i32
  }
  func.func @transform_2(%arg0: i32) -> (i32, i32) {
    %c0_i32 = arith.constant 0 : i32
    %c0_i32_0 = arith.constant 0 : i32
    %c0_i32_1 = arith.constant 0 : i32
    return %c0_i32, %c0_i32_0 : i32, i32
  }
  func.func @transform_3(%arg0: i32) -> (i32, i32) {
    %c0_i32 = arith.constant 0 : i32
    %c0_i32_0 = arith.constant 0 : i32
    %c0_i32_1 = arith.constant 0 : i32
    return %c0_i32, %c0_i32_0 : i32, i32
  }
  func.func @transform_4(%arg0: i32) -> (i32, i32) {
    %c0_i32 = arith.constant 0 : i32
    %c0_i32_0 = arith.constant 0 : i32
    %c0_i32_1 = arith.constant 0 : i32
    return %c0_i32, %c0_i32_0 : i32, i32
  }
  func.func @transform_5(%arg0: i32) -> (i32, i32) {
    %c0_i32 = arith.constant 0 : i32
    %c0_i32_0 = arith.constant 0 : i32
    %c0_i32_1 = arith.constant 0 : i32
    return %c0_i32, %c0_i32_0 : i32, i32
  }
  func.func @transform_6(%arg0: i32) -> (i32, i32) {
    %c0_i32 = arith.constant 0 : i32
    %c0_i32_0 = arith.constant 0 : i32
    %c0_i32_1 = arith.constant 0 : i32
    return %c0_i32, %c0_i32_0 : i32, i32
  }
  func.func @transform_7(%arg0: i32) -> (i32, i32) {
    %c0_i32 = arith.constant 0 : i32
    %c0_i32_0 = arith.constant 0 : i32
    %c0_i32_1 = arith.constant 0 : i32
    return %c0_i32, %c0_i32_0 : i32, i32
  }
  func.func @transform_8(%arg0: i32) -> (i32, i32) {
    %c0_i32 = arith.constant 0 : i32
    %c0_i32_0 = arith.constant 0 : i32
    %c0_i32_1 = arith.constant 0 : i32
    return %c0_i32, %c0_i32_0 : i32, i32
  }
  func.func @transform_9(%arg0: i32) -> (i32, i32) {
    %c0_i32 = arith.constant 0 : i32
    %c0_i32_0 = arith.constant 0 : i32
    %c0_i32_1 = arith.constant 0 : i32
    return %c0_i32, %c0_i32_0 : i32, i32
  }
  func.func @transform_10(%arg0: i32) -> (i32, i32) {
    %c0_i32 = arith.constant 0 : i32
    %c0_i32_0 = arith.constant 0 : i32
    return %arg0, %c0_i32 : i32, i32
  }
  func.func @transform_11(%arg0: i32) -> (i32, i32) {
    %c0_i32 = arith.constant 0 : i32
    %c0_i32_0 = arith.constant 0 : i32
    return %arg0, %c0_i32 : i32, i32
  }
  func.func @transform_12(%arg0: i32) -> i32 {
    %c0_i32 = arith.constant 0 : i32
    %c0_i32_0 = arith.constant 0 : i32
    return %c0_i32 : i32
  }
  func.func @transform_13(%arg0: i32) -> (i32, i32) {
    %c0_i32 = arith.constant 0 : i32
    %c0_i32_0 = arith.constant 0 : i32
    return %arg0, %c0_i32 : i32, i32
  }
  func.func @transform_14(%arg0: i32) -> (i32, i32) {
    %c0_i32 = arith.constant 0 : i32
    %c0_i32_0 = arith.constant 0 : i32
    return %arg0, %c0_i32 : i32, i32
  }
  func.func @transform_15(%arg0: i32) -> (i32, i32) {
    %c0_i32 = arith.constant 0 : i32
    %c0_i32_0 = arith.constant 0 : i32
    return %arg0, %c0_i32 : i32, i32
  }
  func.func @transform_16(%arg0: i32) -> (i32, i32) {
    %c0_i32 = arith.constant 0 : i32
    %c0_i32_0 = arith.constant 0 : i32
    %c0_i32_1 = arith.constant 0 : i32
    return %c0_i32, %c0_i32_0 : i32, i32
  }
}

module attributes {stable_mosaic.version = 14 : i64} {
  func.func @_tc_out_body(%arg0: i32, %arg1: memref<1000x128xf32, #tpu.memory_space<vmem>>, %arg2: memref<1000x128xf32, #tpu.memory_space<vmem>>, %arg3: memref<128x128xf32, #tpu.memory_space<vmem>>, %arg4: memref<1x128xf32, #tpu.memory_space<vmem>>, %arg5: memref<1x128xf32, #tpu.memory_space<vmem>>, %arg6: memref<1x128xf32, #tpu.memory_space<vmem>>, %arg7: memref<1000x128xf32, #tpu.memory_space<vmem>>) attributes {dimension_semantics = [#tpu.dimension_semantics<arbitrary>], iteration_bounds = array<i64: 10>, scalar_prefetch = 0 : i64, scratch_operands = 0 : i64, tpu.core_type = #tpu.core_type<tc>, window_params = [{transform_indices = @transform_0, window_bounds = array<i64: 1000, 128>}, {transform_indices = @transform_1, window_bounds = array<i64: 1000, 128>}, {pipeline_mode = #tpu.pipeline_mode<synchronous>, transform_indices = @transform_2, window_bounds = array<i64: 128, 128>}, {pipeline_mode = #tpu.pipeline_mode<synchronous>, transform_indices = @transform_3, window_bounds = array<i64: 1, 128>}, {pipeline_mode = #tpu.pipeline_mode<synchronous>, transform_indices = @transform_4, window_bounds = array<i64: 1, 128>}, {pipeline_mode = #tpu.pipeline_mode<synchronous>, transform_indices = @transform_5, window_bounds = array<i64: 1, 128>}, {transform_indices = @transform_6, window_bounds = array<i64: 1000, 128>}]} {
    %get3A = arith.constant 0 : index
    %get3A_0 = arith.constant 0 : index
    %get3A_1 = vector.load %arg1[%get3A, %get3A_0] : memref<1000x128xf32, #tpu.memory_space<vmem>>, vector<1000x128xf32>
    %get3A_2 = arith.constant 0 : index
    %get3A_3 = arith.constant 0 : index
    %get3A_4 = vector.load %arg2[%get3A_2, %get3A_3] : memref<1000x128xf32, #tpu.memory_space<vmem>>, vector<1000x128xf32>
    %add3A = arith.addf %get3A_1, %get3A_4 : vector<1000x128xf32>
    %get3A_5 = arith.constant 0 : index
    %get3A_6 = arith.constant 0 : index
    %get3A_7 = vector.load %arg3[%get3A_5, %get3A_6] : memref<128x128xf32, #tpu.memory_space<vmem>>, vector<128x128xf32>
    %dot_general3A = arith.constant dense<0.000000e+00> : vector<1000x128xf32>
    %dot_general3A_8 = tpu.matmul %add3A, %get3A_7, %dot_general3A {dimension_numbers = #tpu.dot_dimension_numbers<[1], [0], [0], [1], [0, 0, 1, 1], [], []>, transpose_lhs_hint = false} : vector<1000x128xf32>, vector<128x128xf32>, vector<1000x128xf32> -> vector<1000x128xf32>
    %get3A_9 = arith.constant 0 : index
    %get3A_10 = arith.constant 0 : index
    %get3A_11 = vector.load %arg4[%get3A_9, %get3A_10] : memref<1x128xf32, #tpu.memory_space<vmem>>, vector<1x128xf32>
    %add3A_12 = vector.broadcast %get3A_11 : vector<1x128xf32> to vector<1000x128xf32>
    %add3A_13 = arith.addf %dot_general3A_8, %add3A_12 : vector<1000x128xf32>
    %reduce_sum3A = arith.constant dense<0.000000e+00> : vector<1000xf32>
    %reduce_sum3A_14 = vector.multi_reduction <add>, %add3A_13, %reduce_sum3A [1] : vector<1000x128xf32> to vector<1000xf32>
    %broadcast_in_dim3A = vector.shape_cast %reduce_sum3A_14 : vector<1000xf32> to vector<1000x1xf32>
    %div3A = arith.constant 1.280000e+02 : f32
    %div3A_15 = vector.broadcast %div3A : f32 to vector<1000x1xf32>
    %div3A_16 = arith.divf %broadcast_in_dim3A, %div3A_15 : vector<1000x1xf32>
    %sub3A = vector.broadcast %div3A_16 : vector<1000x1xf32> to vector<1000x128xf32>
    %sub3A_17 = arith.subf %add3A_13, %sub3A : vector<1000x128xf32>
    %integer_pow3A = arith.mulf %sub3A_17, %sub3A_17 : vector<1000x128xf32>
    %reduce_sum3A_18 = arith.constant dense<0.000000e+00> : vector<1000xf32>
    %reduce_sum3A_19 = vector.multi_reduction <add>, %integer_pow3A, %reduce_sum3A_18 [1] : vector<1000x128xf32> to vector<1000xf32>
    %broadcast_in_dim3A_20 = vector.shape_cast %reduce_sum3A_19 : vector<1000xf32> to vector<1000x1xf32>
    %div3A_21 = arith.constant 1.280000e+02 : f32
    %div3A_22 = vector.broadcast %div3A_21 : f32 to vector<1000x1xf32>
    %div3A_23 = arith.divf %broadcast_in_dim3A_20, %div3A_22 : vector<1000x1xf32>
    %sub3A_24 = vector.broadcast %div3A_16 : vector<1000x1xf32> to vector<1000x128xf32>
    %sub3A_25 = arith.subf %add3A_13, %sub3A_24 : vector<1000x128xf32>
    %add3A_26 = arith.constant 9.99999974E-6 : f32
    %add3A_27 = vector.broadcast %add3A_26 : f32 to vector<1000x1xf32>
    %add3A_28 = arith.addf %div3A_23, %add3A_27 : vector<1000x1xf32>
    %rsqrt3A = math.rsqrt %add3A_28 : vector<1000x1xf32>
    %mul3A = vector.broadcast %rsqrt3A : vector<1000x1xf32> to vector<1000x128xf32>
    %mul3A_29 = arith.mulf %sub3A_25, %mul3A : vector<1000x128xf32>
    %get3A_30 = arith.constant 0 : index
    %get3A_31 = arith.constant 0 : index
    %get3A_32 = vector.load %arg5[%get3A_30, %get3A_31] : memref<1x128xf32, #tpu.memory_space<vmem>>, vector<1x128xf32>
    %mul3A_33 = vector.broadcast %get3A_32 : vector<1x128xf32> to vector<1000x128xf32>
    %mul3A_34 = arith.mulf %mul3A_29, %mul3A_33 : vector<1000x128xf32>
    %get3A_35 = arith.constant 0 : index
    %get3A_36 = arith.constant 0 : index
    %get3A_37 = vector.load %arg6[%get3A_35, %get3A_36] : memref<1x128xf32, #tpu.memory_space<vmem>>, vector<1x128xf32>
    %add3A_38 = vector.broadcast %get3A_37 : vector<1x128xf32> to vector<1000x128xf32>
    %add3A_39 = arith.addf %mul3A_34, %add3A_38 : vector<1000x128xf32>
    %swap3A = arith.constant 0 : index
    %swap3A_40 = arith.constant 0 : index
    %swap3A_41 = vector.load %arg7[%swap3A, %swap3A_40] : memref<1000x128xf32, #tpu.memory_space<vmem>>, vector<1000x128xf32>
    tpu.vector_store %arg7[%swap3A, %swap3A_40], %add3A_39 {strides = array<i32>} : memref<1000x128xf32, #tpu.memory_space<vmem>>, vector<1000x128xf32>,
    return
  }
  func.func @transform_0(%arg0: i32) -> (i32, i32) {
    %c0_i32 = arith.constant 0 : i32
    %c0_i32_0 = arith.constant 0 : i32
    return %arg0, %c0_i32 : i32, i32
  }
  func.func @transform_1(%arg0: i32) -> (i32, i32) {
    %c0_i32 = arith.constant 0 : i32
    %c0_i32_0 = arith.constant 0 : i32
    return %arg0, %c0_i32 : i32, i32
  }
  func.func @transform_2(%arg0: i32) -> (i32, i32) {
    %c0_i32 = arith.constant 0 : i32
    %c0_i32_0 = arith.constant 0 : i32
    %c0_i32_1 = arith.constant 0 : i32
    return %c0_i32, %c0_i32_0 : i32, i32
  }
  func.func @transform_3(%arg0: i32) -> (i32, i32) {
    %c0_i32 = arith.constant 0 : i32
    %c0_i32_0 = arith.constant 0 : i32
    %c0_i32_1 = arith.constant 0 : i32
    return %c0_i32, %c0_i32_0 : i32, i32
  }
  func.func @transform_4(%arg0: i32) -> (i32, i32) {
    %c0_i32 = arith.constant 0 : i32
    %c0_i32_0 = arith.constant 0 : i32
    %c0_i32_1 = arith.constant 0 : i32
    return %c0_i32, %c0_i32_0 : i32, i32
  }
  func.func @transform_5(%arg0: i32) -> (i32, i32) {
    %c0_i32 = arith.constant 0 : i32
    %c0_i32_0 = arith.constant 0 : i32
    %c0_i32_1 = arith.constant 0 : i32
    return %c0_i32, %c0_i32_0 : i32, i32
  }
  func.func @transform_6(%arg0: i32) -> (i32, i32) {
    %c0_i32 = arith.constant 0 : i32
    %c0_i32_0 = arith.constant 0 : i32
    return %arg0, %c0_i32 : i32, i32
  }
}

</mosaic_0001>

<sc_bundles>
// kernel: kernel.6.cloned.1.call-start
scs
__scs_entry_jumppad:
0x0: {  	(pc) =	sbr.rel $0x88, $3  }
0x1: {  	(tag) =	ssettag $0x0;
	lr =	simm.s32 $0x1  }
0x2: {  	[smem:$0x3F91] =	sst lr;
	_ =	strace $0xD0000000  }
0x3: {  	_ = 	snop  }
0x4: {  	_ = 	snop  }
0x5: {  	_ = 	snop  }
0x6: {  	_ = 	snop  }
0x7: {  	_ = 	snop  }
__scs_overlays_trampoline_lowered:
0x8: {  	[smem:$0x3FA0] =	sst s0  }
0x9: {  	[smem:$0x3FA1] =	sst s1  }
0xa: {  	[smem:$0x3FA2] =	sst s2  }
0xb: {  	[smem:$0x3FA3] =	sst s3  }
0xc: {  	[smem:$0x3FA4] =	sst s4  }
0xd: {  	[smem:$0x3FA5] =	sst s5  }
0xe: {  	[smem:$0x3FA6] =	sst s6  }
0xf: {  	[smem:$0x3FA7] =	sst s7  }
0x10: {  	[smem:$0x3FA8] =	sst s8  }
0x11: {  	[smem:$0x3FA9] =	sst s9;
	s0 =	simm.s32 @!p0 $0x0  }
0x12: {  	s1 =	sld [smem:$0x3F8F];
	s0 =	simm.s32 @p0 $0x1  }
0x13: {  	[smem:$0x3FAA] =	sst s0;
	s0 =	simm.s32 @!p1 $0x0  }
0x14: {  	s2 =	sld [smem:$0x3F8E];
	s0 =	simm.s32 @p1 $0x1  }
0x15: {  	[smem:$0x3FAB] =	sst s0;
	s0 =	simm.s32 @!p2 $0x0  }
0x16: {  	s3 =	sld [smem:$0x3FDB];
	s0 =	simm.s32 @p2 $0x1  }
0x17: {  	s4 =	simm.s32 $0x1BF5;
	[smem:$0x3FAD] =	sst s0  }
0x18: {  	s0 =	sld [smem:$0x3F90];
	_ =	swait.ge [sflag:s4], $0x0  }
0x19: {  	s7 =	sld [smem:$0x3F91]  }
0x1a: {  	s8 =	sadd.s32 $0xFFFFE003, lr  }
0x1b: {  	s9 =	sadd.s32 $0xFFFFFEF7, lr;
	s5 =	simm.s32 $0xFFFFFFFF;
	p2 =	slt.u32 s8, $0xFFFFF086  }
0x1c: {  	p1 =	slt.u32 s9, $0xF7A;
	s5 =	simm.s32 @!p2 $0x0  }
0x1d: {  	s5 =	simm.s32 @p1 $0x1;
	p0 =	seq.s32 s7, s2  }
0x1e: {  	s7 =	smul.u32 @!p0 $0xF7A, s2;
	p2 =	seq.s32 @!p0 s5, $0x0  }
0x1f: {  	s9 =	smul.u32 $0xF7A, s1;
	s8 =	simm.s32 @!p0 $0x1BF5;
	p2 =	por !p2, p0  }
0x20: {  	[sflag:s8] =	ssyncset.s32 @!p0 $0xFFFFF086;
	s6 =	sadd.s32 @!p0 s3, s7;
	s7 =	simm.s32 @!p0 $0x108  }
0x21: {  	s3 =	sadd.s32 s3, s9;
	s6 =	sadd.s32 @!p0 $0x88, s6;
	s7 =	simm.s32 @p2 $0x1082  }
0x22: {  	[simem:s7], [sflag:s8] =	dma.local @!p0 [hbm:s6], $0xF7A  }
0x23: {  	s9 =	sor.u32 $0xD0000000, s2;
	s6 =	simm.s32 $0x108;
	_ =	swait.ge @!p0 [sflag:s8], $0x0  }
0x24: {  	s3 =	sadd.s32 $0x88, s3;
	s6 =	simm.s32 @!p1 $0x1082;
	[sflag:s4] =	ssyncset.s32 $0xFFFFF086  }
0x25: {  	[simem:s6], [sflag:s4] =	dma.local [hbm:s3], $0xF7A  }
0x26: {  	[smem:$0x3F91] =	sst s1;
	(tag) =	ssettag s2;
	_ =	strace s9  }
0x27: {  	s1 =	sld [smem:$0x3FA1]  }
0x28: {  	s2 =	sld [smem:$0x3FA2]  }
0x29: {  	s4 =	sld [smem:$0x3FA4]  }
0x2a: {  	p0 =	seq.s32 s5, $0x0;
	s5 =	sld [smem:$0x3FA5]  }
0x2b: {  	s6 =	sld [smem:$0x3FA6]  }
0x2c: {  	s7 =	sld [smem:$0x3FA7]  }
0x2d: {  	s3 =	simm.s32 $0x108;
	s8 =	sld [smem:$0x3FA8]  }
0x2e: {  	s3 =	simm.s32 @!p0 $0x1082;
	s9 =	sld [smem:$0x3FA9]  }
0x2f: {  	lr =	sadd.s32 s0, s3;
	s0 =	sld [smem:$0x3FA0]  }
0x30: {  	s3 =	sld [smem:$0x3FA3]  }
0x31: {  	[smem:$0x3FAC] =	sst s10  }
0x32: {  	s10 =	sld [smem:$0x3FAA];
	_ =	sdelay $0x3  }
0x33: {  	p0 =	seq.s32 s10, $0x1;
	s10 =	sld [smem:$0x3FAC];
	_ =	sdelay $0x3  }
0x34: {  	[smem:$0x3FAC] =	sst s10  }
0x35: {  	s10 =	sld [smem:$0x3FAB];
	_ =	sdelay $0x3  }
0x36: {  	p1 =	seq.s32 s10, $0x1;
	s10 =	sld [smem:$0x3FAC];
	_ =	sdelay $0x3  }
0x37: {  	[smem:$0x3FAC] =	sst s10  }
0x38: {  	s10 =	sld [smem:$0x3FAD]  }
0x39: {  	_ = 	snop;
	(pc) =	sbr.ind lr, $3  }
0x3a: {  	_ = 	snop  }
0x3b: {  	_ = 	snop  }
0x3c: {  	p2 =	seq.s32 s10, $0x1;
	s10 =	sld [smem:$0x3FAC]  }
0x3d: {  	_ =	shalt  }
0x3e: {  	_ =	shalt  }
0x3f: {  	_ =	shalt  }
0x40: {  	_ =	shalt  }
0x41: {  	_ =	shalt  }
0x42: {  	_ =	shalt  }
0x43: {  	_ =	shalt  }
0x44: {  	_ =	shalt  }
0x45: {  	_ =	shalt  }
0x46: {  	_ =	shalt  }
0x47: {  	_ =	shalt  }
0x48: {  	_ =	shalt  }
0x49: {  	_ =	shalt  }
0x4a: {  	_ =	shalt  }
0x4b: {  	_ =	shalt  }
0x4c: {  	_ =	shalt  }
0x4d: {  	_ =	shalt  }
0x4e: {  	_ =	shalt  }
0x4f: {  	_ =	shalt  }
0x50: {  	_ =	shalt  }
0x51: {  	_ =	shalt  }
0x52: {  	_ =	shalt  }
0x53: {  	_ =	shalt  }
0x54: {  	_ =	shalt  }
0x55: {  	_ =	shalt  }
0x56: {  	_ =	shalt  }
0x57: {  	_ =	shalt  }
0x58: {  	_ =	shalt  }
0x59: {  	_ =	shalt  }
0x5a: {  	_ =	shalt  }
0x5b: {  	_ =	shalt  }
0x5c: {  	_ =	shalt  }
0x5d: {  	_ =	shalt  }
0x5e: {  	_ =	shalt  }
0x5f: {  	_ =	shalt  }
0x60: {  	_ =	shalt  }
0x61: {  	_ =	shalt  }
0x62: {  	_ =	shalt  }
0x63: {  	_ =	shalt  }
0x64: {  	_ =	shalt  }
0x65: {  	_ =	shalt  }
0x66: {  	_ =	shalt  }
0x67: {  	_ =	shalt  }
0x68: {  	_ =	shalt  }
0x69: {  	_ =	shalt  }
0x6a: {  	_ =	shalt  }
0x6b: {  	_ =	shalt  }
0x6c: {  	_ =	shalt  }
0x6d: {  	_ =	shalt  }
0x6e: {  	_ =	shalt  }
0x6f: {  	_ =	shalt  }
0x70: {  	_ =	shalt  }
0x71: {  	_ =	shalt  }
0x72: {  	_ =	shalt  }
0x73: {  	_ =	shalt  }
0x74: {  	_ =	shalt  }
0x75: {  	_ =	shalt  }
0x76: {  	_ =	shalt  }
0x77: {  	_ =	shalt  }
0x78: {  	_ =	shalt  }
0x79: {  	_ =	shalt  }
0x7a: {  	_ =	shalt  }
0x7b: {  	_ =	shalt  }
0x7c: {  	_ =	shalt  }
0x7d: {  	_ =	shalt  }
0x7e: {  	_ =	shalt  }
0x7f: {  	_ =	shalt  }
0x80: {  	_ =	shalt  }
0x81: {  	_ =	shalt  }
0x82: {  	_ =	shalt  }
0x83: {  	_ =	shalt  }
0x84: {  	_ =	shalt  }
0x85: {  	_ =	shalt  }
0x86: {  	_ =	shalt  }
0x87: {  	_ =	shalt  }
.Lfunc_end0:
.L_simem_size_0:
called_computation.2_lowered:
.L_overlay_start_0:
0x88: {  	s2 =	sld [smem:$0x3FD9]  }
0x89: {  	s3 =	sld [smem:$0x3FFE];
	_ =	sdelay $0x1  }
0x8a: {  	s1 =	srdreg.scid  }
0x8b: {  	s0 =	sand.u32 $0x1, s1  }
0x8c: {  	s17 =	sshll.u32 s0, $0xA;
	s2 =	sadd.s32 s3, s2  }
0x8d: {  	s2 =	sadd.s32 s2, s17  }
0x8e: {  	[smem:$0x3FB8] =	sst s2  }
0x8f: {  	_ = 	snop  }
0x90: {  	s2 =	sld [smem:$0x3FD0];
	(tm) =	ssettm $0x1  }
0x91: {  	s18 =	sld [smem:$0x3FFB];
	_ =	sdelay $0x3  }
0x92: {  	_ =	strace s18  }
0x93: {  	s3 =	sld [smem:$0x3FFC];
	_ =	sdelay $0x3  }
0x94: {  	_ =	strace s3  }
0x95: {  	s3 =	sld [smem:$0x3FFD];
	_ =	sdelay $0x3  }
0x96: {  	_ =	strace s3  }
0x97: {  	_ =	strace $0x8FFFFFFF  }
0x98: {  	s19 =	sld [smem:$0x3FDB];
	_ =	sdelay $0x1  }
0x99: {  	s4 =	simm.s32 $_scs_section_size  }
0x9a: {  	s5 =	simm.s32 $_size__tile_overlayer_lowered;
	s6 =	simm.s32 $_tile_overlayer_lowered  }
0x9b: {  	s22 =	simm.s32 $0x1BFF;
	s21 =	sshll.u32 s6, $0x1;
	s3 =	sadd.s32 s4, s19  }
0x9c: {  	s7 =	simm.s32 $0x0;
	s20 =	sshll.u32 s5, $0x1;
	s5 =	sadd.s32 s21, s3  }
0x9d: {  	[timem:s7], [sflag:s22] =	dma.local [hbm:s5], s20  }
0x9e: {  	_ =	swait.ge [sflag:s22], s20  }
0x9f: {  	s4 =	ssub.s32 $0x0, s20;
	[sflag:s22] =	ssyncset.done $0x0  }
0xa0: {  	[sflag:s22] =	ssyncadd.s32 s4;
	_ =	sdelay $0x1  }
0xa1: {  	s23 =	simm.s32 $0x1B8B  }
0xa2: {  	_ =	swait.ge [sflag:s23], $0x1  }
0xa3: {  	[sflag:s23] =	ssyncset.done $0x0  }
0xa4: {  	s25 =	simm.s32 $0x1B8E;
	s24 =	sld [smem:$0x3FFE];
	[sflag:s23] =	ssyncadd.s32 $0xFFFFFFFF  }
0xa5: {  	s26 =	simm.s32 $execute0_lowered;
	[smem:$0x3FD2] =	sst s25  }
0xa6: {  	s5 =	sshll.u32 s26, $0x1;
	_ =	strace $0x80000046;
	[dreg:$0x1] =	wrdreg $0xFFFFFFFF  }
0xa7: {  	s28 =	simm.s32 $_size_execute0_lowered;
	s3 =	sadd.s32 s3, s5;
	[dreg:$0x0] =	wrdreg $0x0  }
0xa8: {  	s5 =	sshll.u32 s28, $0x1;
	[dreg:$0x2] =	wrdreg s3  }
0xa9: {  	[dreg:$0x3] =	wrdreg s5  }
0xaa: {  	[dreg:$0x4] =	wrdreg $0xC0  }
0xab: {  	_ =	task [dreg:s7], $0x5FFFF  }
0xac: {  	[dreg:$0x1] =	wrdreg $0xFFFFFFFF  }
0xad: {  	[dreg:$0x0] =	wrdreg $0x60  }
0xae: {  	[dreg:$0x2] =	wrdreg s24  }
0xaf: {  	[dreg:$0x3] =	wrdreg s2  }
0xb0: {  	[dreg:$0x4] =	wrdreg $0x2D500  }
0xb1: {  	[dreg:$0x5] =	wrdreg $0x9  }
0xb2: {  	_ =	task.clear_ibuf [dreg:s7], $0x6FFFF;
	_ =	strace $0x90000046  }
0xb3: {  	s29 =	simm.s32 $0x9;
	_ =	strace $0x80000048  }
0xb4: {  	_ =	swait.ge [sflag:s29], $0x1  }
0xb5: {  	[sflag:s29] =	ssyncadd.s32 $0xFFFFFFFF  }
0xb6: {  	_ =	strace $0x90000048  }
0xb7: {  	_ =	sfence  }
0xb8: {  	s30 =	sld [smem:$0x0];
	_ =	sdelay $0x2  }
0xb9: {  	s31 =	sshll.u32 s1, $0xD;
	s1 =	sshrl.u32 s1, $0x2  }
0xba: {  	s3 =	sand.u32 $0x4000, s31;
	s1 =	sadd.s32 s1, s30  }
0xbb: {  	s0 =	sor.u32 s3, s0;
	s1 =	sshll.u32 s1, $0x11  }
0xbc: {  	s0 =	sor.u32 s1, s0  }
0xbd: {  	s0 =	sadd.s32 $0x8F2B, s0  }
0xbe: {  	[sflag:s0] =	ssyncadd.remote.s32 $0x1  }
0xbf: {  	_ =	sfence.sel $0xFFFF  }
0xc0: {  	[dreg:$0x0] =	wrdreg $0xFFFFFFFF;
	(pc) =	sbr.abs _section_cstart, $3  }
0xc1: {  	[dreg:$0x1] =	wrdreg $0xFFFFFFFF  }
0xc2: {  	_ =	task.clear_ibuf [dreg:s7], $0x2FFFF;
	_ =	strace $0x9FFFFFFF  }
0xc3: {  	(tm) =	ssettm $0x7FFFFFFF  }
tec
execute0_lowered:
.L_overlay_start_1:
0x0: {  	(tag) =	ssettag $0x1  }
0x1: {  	s4 =	rddreg [dreg:$0x0]  }
0x2: {  	s1 =	srdreg.scid;
	s6 =	rddreg [dreg:$0x1]  }
0x3: {  	s0 =	stileid.u32;
	s2 =	rddreg [dreg:$0x2];
	s3 =	simm.s32 $0x0  }
0x4: {  	s12 =	simm.s32 $0x150;
	s13 =	simm.s32 $0x250;
	s14 =	simm.s32 $0x350  }
0x5: {  	s15 =	simm.s32 $0x450;
	s16 =	simm.s32 $0x0;
	s7 =	smul.u32 $0x4E20, s0  }
0x6: {  	s5 =	sand.u32 $0x1, s1;
	s1 =	rddreg [dreg:$0x3];
	s10 =	smul.u32 $0x2800, s0  }
0x7: {  	[smem:$0x7FF] =	sst s3;
	s11 =	sadd.s32 $0x17600, s4;
	s8 =	smul.u32 $0x2710, s5  }
0x8: {  	_ =	strace $0x80000047;
	s29 =	ssub.s32 $0x2, s5;
	p0 =	seq.s32 s5, $0x1  }
0x9: {  	s30 =	sshrl.u32 s29, $0x1;
	s31 =	sshrl.u32 s10, $0x3;
	s7 =	sadd.s32 s8, s7  }
0xa: {  	s6 =	smov.u32 @p0 s11;
	s11 =	simm.s32 $0x50;
	s7 =	sshrl.u32 s7, $0x3  }
0xb: {  	s6 =	sadd.s32 s6, s31;
	s9 =	sadd.s32 s7, s4;
	s7 =	ssub.s32 s29, s30  }
0xc: {  	s4 =	sadd.s32 s10, s2;
	s10 =	simm.s32 $0x1;
	s5 =	smax.u32 s7, $0x1  }
0xd: {  	v0 =	vimm.f32 $0.0e+00;
	v1 =	vimm.f32 $1.000000000e+00;
	vm0 =	vmmov $0xffff;
	s7 =	sadd.s32 $0xD800, s9;
	s8 =	sadd.s32 $0x3A00, s9;
	s9 =	simm.s32 $0x550  }
.LBB2_1:
0xe: {  	s17 =	simm.s32 $0x40;
	s18 =	simm.s32 $0x0  }
.LBB2_2:
0xf: {  	p0 =	sne.s32 s17, $0x9FC0;
	[tilespmem:s18+$0x550] =	vst v0;
	s18 =	smov.u32 s17;
	s17 =	sadd.s32 $0x40, s17  }
.Ltmp0:
0x10: {  	(pc) =	sbr.rel @p0 .LBB2_2-.Ltmp0, $2  }
0x11: {  	_ =	sdelay $0x2  }
0x12: {  	s18 =	sshra.s32 s18, $0x2  }
0x13: {  	[tilespmem:s18+$0x550] =	vst v0  }
0x14: {  	[spmem:s4] =	stream.linear.scatter [tilespmem:s9], [sflag:$0x1], $0x2800, $0x38;
	[tilespmem:$0x5550] =	vst v63  }
0x15: {  	_ =	swait.ge [sflag:s10], $0x2800  }
0x16: {  	[sflag:s10] =	ssyncset.done $0x0  }
0x17: {  	s17 =	simm.s32 $0x0;
	[sflag:s10] =	ssyncadd.s32 $0xFFFFD800  }
0x18: {  	s18 =	simm.s32 $0x40;
	s19 =	simm.s32 $0x0;
	[bflag:$0x0] =	sbarrier.arrive $0xFFFF  }
.LBB2_4:
0x19: {  	p0 =	sne.s32 s18, $0x13C0;
	[tilespmem:s19+$0x50] =	vst v1;
	s19 =	smov.u32 s18;
	s18 =	sadd.s32 $0x40, s18  }
.Ltmp1:
0x1a: {  	(pc) =	sbr.rel @p0 .LBB2_4-.Ltmp1, $2  }
0x1b: {  	_ =	sdelay $0x2  }
0x1c: {  	s19 =	sshra.s32 s19, $0x2  }
0x1d: {  	[tilespmem:s19+$0x50] =	vst v1  }
.LBB2_6:
0x1e: {  	s18 =	sadd.s32 s17, s8  }
0x1f: {  	[tilespmem:s3], [sflag:$0x1] =	stream.linear.gather [hbm4b:s18+s3], $0x50, $0x38;
	[tilespmem:$0x5550] =	vst v63  }
0x20: {  	_ =	swait.ge [sflag:s10], $0x50  }
0x21: {  	[sflag:s10] =	ssyncset.done $0x0  }
0x22: {  	[sflag:s10] =	ssyncadd.s32 $0xFFFFFFB0  }
0x23: {  	v2 =	vld [tilespmem:$0x0];
	_ =	sdelay $0x7  }
0x24: {  	[spmem:s2] =	stream.indirect_vreg.scatter.add.f32 [tilespmem:s11], [sflag:$0x1], $0x10, v2, vm0, $0xb8;
	[tilespmem:$0x5550] =	vst v63  }
0x25: {  	_ =	swait.ge [sflag:s10], $0x100  }
0x26: {  	[sflag:s10] =	ssyncset.done $0x0  }
0x27: {  	[sflag:s10] =	ssyncadd.s32 $0xFFFFFF00  }
0x28: {  	v2 =	vld [tilespmem:$0x10];
	_ =	sdelay $0x7  }
0x29: {  	[spmem:s2] =	stream.indirect_vreg.scatter.add.f32 [tilespmem:s12], [sflag:$0x1], $0x10, v2, vm0, $0xb8;
	[tilespmem:$0x5550] =	vst v63  }
0x2a: {  	_ =	swait.ge [sflag:s10], $0x100  }
0x2b: {  	[sflag:s10] =	ssyncset.done $0x0  }
0x2c: {  	[sflag:s10] =	ssyncadd.s32 $0xFFFFFF00  }
0x2d: {  	v2 =	vld [tilespmem:$0x20];
	_ =	sdelay $0x7  }
0x2e: {  	[spmem:s2] =	stream.indirect_vreg.scatter.add.f32 [tilespmem:s13], [sflag:$0x1], $0x10, v2, vm0, $0xb8;
	[tilespmem:$0x5550] =	vst v63  }
0x2f: {  	_ =	swait.ge [sflag:s10], $0x100  }
0x30: {  	[sflag:s10] =	ssyncset.done $0x0  }
0x31: {  	[sflag:s10] =	ssyncadd.s32 $0xFFFFFF00  }
0x32: {  	v2 =	vld [tilespmem:$0x30];
	_ =	sdelay $0x7  }
0x33: {  	[spmem:s2] =	stream.indirect_vreg.scatter.add.f32 [tilespmem:s14], [sflag:$0x1], $0x10, v2, vm0, $0xb8;
	[tilespmem:$0x5550] =	vst v63  }
0x34: {  	_ =	swait.ge [sflag:s10], $0x100  }
0x35: {  	[sflag:s10] =	ssyncset.done $0x0  }
0x36: {  	[sflag:s10] =	ssyncadd.s32 $0xFFFFFF00  }
0x37: {  	v2 =	vld [tilespmem:$0x40];
	_ =	sdelay $0x7  }
0x38: {  	[spmem:s2] =	stream.indirect_vreg.scatter.add.f32 [tilespmem:s15], [sflag:$0x1], $0x10, v2, vm0, $0xb8;
	[tilespmem:$0x5550] =	vst v63  }
0x39: {  	_ =	swait.ge [sflag:s10], $0x100  }
0x3a: {  	[sflag:s10] =	ssyncset.done $0x0  }
0x3b: {  	s31 =	sadd.s32 s17, s7;
	[sflag:s10] =	ssyncadd.s32 $0xFFFFFF00  }
0x3c: {  	[tilespmem:s3], [sflag:$0x1] =	stream.linear.gather [hbm4b:s31+s3], $0x50, $0x38;
	[tilespmem:$0x5550] =	vst v63  }
0x3d: {  	_ =	swait.ge [sflag:s10], $0x50  }
0x3e: {  	[sflag:s10] =	ssyncset.done $0x0  }
0x3f: {  	[sflag:s10] =	ssyncadd.s32 $0xFFFFFFB0  }
0x40: {  	v2 =	vld [tilespmem:$0x0];
	_ =	sdelay $0x7  }
0x41: {  	[spmem:s2] =	stream.indirect_vreg.scatter.add.f32 [tilespmem:s11], [sflag:$0x1], $0x10, v2, vm0, $0xb8;
	[tilespmem:$0x5550] =	vst v63  }
0x42: {  	_ =	swait.ge [sflag:s10], $0x100  }
0x43: {  	[sflag:s10] =	ssyncset.done $0x0  }
0x44: {  	[sflag:s10] =	ssyncadd.s32 $0xFFFFFF00  }
0x45: {  	v2 =	vld [tilespmem:$0x10];
	_ =	sdelay $0x7  }
0x46: {  	[spmem:s2] =	stream.indirect_vreg.scatter.add.f32 [tilespmem:s12], [sflag:$0x1], $0x10, v2, vm0, $0xb8;
	[tilespmem:$0x5550] =	vst v63  }
0x47: {  	_ =	swait.ge [sflag:s10], $0x100  }
0x48: {  	[sflag:s10] =	ssyncset.done $0x0  }
0x49: {  	[sflag:s10] =	ssyncadd.s32 $0xFFFFFF00  }
0x4a: {  	v2 =	vld [tilespmem:$0x20];
	_ =	sdelay $0x7  }
0x4b: {  	[spmem:s2] =	stream.indirect_vreg.scatter.add.f32 [tilespmem:s13], [sflag:$0x1], $0x10, v2, vm0, $0xb8;
	[tilespmem:$0x5550] =	vst v63  }
0x4c: {  	_ =	swait.ge [sflag:s10], $0x100  }
0x4d: {  	[sflag:s10] =	ssyncset.done $0x0  }
0x4e: {  	[sflag:s10] =	ssyncadd.s32 $0xFFFFFF00  }
0x4f: {  	v2 =	vld [tilespmem:$0x30];
	_ =	sdelay $0x7  }
0x50: {  	[spmem:s2] =	stream.indirect_vreg.scatter.add.f32 [tilespmem:s14], [sflag:$0x1], $0x10, v2, vm0, $0xb8;
	[tilespmem:$0x5550] =	vst v63  }
0x51: {  	_ =	swait.ge [sflag:s10], $0x100  }
0x52: {  	[sflag:s10] =	ssyncset.done $0x0  }
0x53: {  	[sflag:s10] =	ssyncadd.s32 $0xFFFFFF00  }
0x54: {  	v2 =	vld [tilespmem:$0x40];
	_ =	sdelay $0x5  }
0x55: {  	p0 =	sne.s32 s17, $0x4D8  }
.Ltmp2:
0x56: {  	_ = 	snop;
	(pc) =	sbr.rel @p0 .LBB2_6-.Ltmp2, $4  }
0x57: {  	[spmem:s2] =	stream.indirect_vreg.scatter.add.f32 [tilespmem:s15], [sflag:$0x1], $0x10, v2, vm0, $0xb8;
	[tilespmem:$0x5550] =	vst v63  }
0x58: {  	_ =	swait.ge [sflag:s10], $0x100  }
0x59: {  	[sflag:s10] =	ssyncset.done $0x0  }
0x5a: {  	s17 =	sadd.s32 $0xA, s17;
	[sflag:s10] =	ssyncadd.s32 $0xFFFFFF00  }
0x5b: {  	[bflag:$0x0] =	sbarrier.arrive $0xFFFF  }
0x5c: {  	[tilespmem:s9], [sflag:$0x1] =	stream.linear.gather [spmem:s4], $0x2800, $0x38;
	[tilespmem:$0x5550] =	vst v63  }
0x5d: {  	s16 =	sadd.s32 $0x1, s16;
	_ =	swait.ge [sflag:s10], $0x2800  }
0x5e: {  	p0 =	sne.s32 s16, s5;
	[sflag:s10] =	ssyncset.done $0x0  }
.Ltmp3:
0x5f: {  	[sflag:s10] =	ssyncadd.s32 $0xFFFFD800;
	(pc) =	sbr.rel @p0 .LBB2_1-.Ltmp3, $4  }
0x60: {  	[hbm4b:s6+s3] =	stream.linear.scatter [tilespmem:s9], [sflag:$0x1], $0x2800, $0x38;
	[tilespmem:$0x5550] =	vst v63  }
0x61: {  	_ =	swait.ge [sflag:s10], $0x2800  }
0x62: {  	[sflag:s10] =	ssyncset.done $0x0  }
0x63: {  	[sflag:s10] =	ssyncadd.s32 $0xFFFFD800  }
0x64: {  	_ =	sfence.sel $0x180000  }
0x65: {  	[bflag:$0x0] =	sbarrier.arrive $0xFFFF  }
0x66: {  	p0 =	sne.s32 s0, $0x0;
	_ =	strace $0x90000047  }
0x67: {  	s0 =	sadd.s32 @!p0 $0x100000, s1;
	[bflag:$0x2] =	sbarrier.arrive $0xFFFF  }
0x68: {  	[sflag:s0] =	ssyncadd.tile.s32 @!p0 $0x1;
	_ =	shalt  }
.Lfunc_end2:
_tile_overlayer_lowered:
.L_overlay_start_2:
0x69: {  	(tag) =	ssettag $0x2  }
0x6a: {  	s0 =	rddreg [dreg:$0x0];
	s2 =	stileid.u32  }
0x6b: {  	s1 =	rddreg [dreg:$0x1];
	p0 =	sne.s32 s2, $0x0  }
0x6c: {  	s3 =	rddreg [dreg:$0x2];
	[bflag:$0x3] =	sbarrier.arrive $0xFFFF;
	s2 =	simm.s32 @!p0 $0x1C01  }
0x6d: {  	[timem:s3], [sflag:s2] =	dma.local @!p0 [hbm:s0], s1  }
0x6e: {  	s0 =	simm.s32 @!p0 $0x1  }
0x6f: {  	_ =	swait.ge @!p0 [sflag:s0], s1  }
0x70: {  	s1 =	ssub.s32 @!p0 $0x0, s1;
	[sflag:s0] =	ssyncset.done @!p0 $0x0  }
0x71: {  	[sflag:s0] =	ssyncadd.s32 @!p0 s1  }
0x72: {  	[bflag:$0x3] =	sbarrier.arrive $0xFFFF  }
0x73: {  	_ =	shalt  }

// kernel: kernel.9.cloned.1.call-start
scs
__scs_entry_jumppad:
0x0: {  	(pc) =	sbr.rel $0x88, $3  }
0x1: {  	(tag) =	ssettag $0x0;
	lr =	simm.s32 $0x1  }
0x2: {  	[smem:$0x3F91] =	sst lr;
	_ =	strace $0xD0000000  }
0x3: {  	_ = 	snop  }
0x4: {  	_ = 	snop  }
0x5: {  	_ = 	snop  }
0x6: {  	_ = 	snop  }
0x7: {  	_ = 	snop  }
__scs_overlays_trampoline_lowered:
0x8: {  	[smem:$0x3FA0] =	sst s0  }
0x9: {  	[smem:$0x3FA1] =	sst s1  }
0xa: {  	[smem:$0x3FA2] =	sst s2  }
0xb: {  	[smem:$0x3FA3] =	sst s3  }
0xc: {  	[smem:$0x3FA4] =	sst s4  }
0xd: {  	[smem:$0x3FA5] =	sst s5  }
0xe: {  	[smem:$0x3FA6] =	sst s6  }
0xf: {  	[smem:$0x3FA7] =	sst s7  }
0x10: {  	[smem:$0x3FA8] =	sst s8  }
0x11: {  	[smem:$0x3FA9] =	sst s9;
	s0 =	simm.s32 @!p0 $0x0  }
0x12: {  	s1 =	sld [smem:$0x3F8F];
	s0 =	simm.s32 @p0 $0x1  }
0x13: {  	[smem:$0x3FAA] =	sst s0;
	s0 =	simm.s32 @!p1 $0x0  }
0x14: {  	s2 =	sld [smem:$0x3F8E];
	s0 =	simm.s32 @p1 $0x1  }
0x15: {  	[smem:$0x3FAB] =	sst s0;
	s0 =	simm.s32 @!p2 $0x0  }
0x16: {  	s3 =	sld [smem:$0x3FDB];
	s0 =	simm.s32 @p2 $0x1  }
0x17: {  	s4 =	simm.s32 $0x1BF5;
	[smem:$0x3FAD] =	sst s0  }
0x18: {  	s0 =	sld [smem:$0x3F90];
	_ =	swait.ge [sflag:s4], $0x0  }
0x19: {  	s7 =	sld [smem:$0x3F91]  }
0x1a: {  	s8 =	sadd.s32 $0xFFFFE003, lr  }
0x1b: {  	s9 =	sadd.s32 $0xFFFFFEF7, lr;
	s5 =	simm.s32 $0xFFFFFFFF;
	p2 =	slt.u32 s8, $0xFFFFF086  }
0x1c: {  	p1 =	slt.u32 s9, $0xF7A;
	s5 =	simm.s32 @!p2 $0x0  }
0x1d: {  	s5 =	simm.s32 @p1 $0x1;
	p0 =	seq.s32 s7, s2  }
0x1e: {  	s7 =	smul.u32 @!p0 $0xF7A, s2;
	p2 =	seq.s32 @!p0 s5, $0x0  }
0x1f: {  	s9 =	smul.u32 $0xF7A, s1;
	s8 =	simm.s32 @!p0 $0x1BF5;
	p2 =	por !p2, p0  }
0x20: {  	[sflag:s8] =	ssyncset.s32 @!p0 $0xFFFFF086;
	s6 =	sadd.s32 @!p0 s3, s7;
	s7 =	simm.s32 @!p0 $0x108  }
0x21: {  	s3 =	sadd.s32 s3, s9;
	s6 =	sadd.s32 @!p0 $0x88, s6;
	s7 =	simm.s32 @p2 $0x1082  }
0x22: {  	[simem:s7], [sflag:s8] =	dma.local @!p0 [hbm:s6], $0xF7A  }
0x23: {  	s9 =	sor.u32 $0xD0000000, s2;
	s6 =	simm.s32 $0x108;
	_ =	swait.ge @!p0 [sflag:s8], $0x0  }
0x24: {  	s3 =	sadd.s32 $0x88, s3;
	s6 =	simm.s32 @!p1 $0x1082;
	[sflag:s4] =	ssyncset.s32 $0xFFFFF086  }
0x25: {  	[simem:s6], [sflag:s4] =	dma.local [hbm:s3], $0xF7A  }
0x26: {  	[smem:$0x3F91] =	sst s1;
	(tag) =	ssettag s2;
	_ =	strace s9  }
0x27: {  	s1 =	sld [smem:$0x3FA1]  }
0x28: {  	s2 =	sld [smem:$0x3FA2]  }
0x29: {  	s4 =	sld [smem:$0x3FA4]  }
0x2a: {  	p0 =	seq.s32 s5, $0x0;
	s5 =	sld [smem:$0x3FA5]  }
0x2b: {  	s6 =	sld [smem:$0x3FA6]  }
0x2c: {  	s7 =	sld [smem:$0x3FA7]  }
0x2d: {  	s3 =	simm.s32 $0x108;
	s8 =	sld [smem:$0x3FA8]  }
0x2e: {  	s3 =	simm.s32 @!p0 $0x1082;
	s9 =	sld [smem:$0x3FA9]  }
0x2f: {  	lr =	sadd.s32 s0, s3;
	s0 =	sld [smem:$0x3FA0]  }
0x30: {  	s3 =	sld [smem:$0x3FA3]  }
0x31: {  	[smem:$0x3FAC] =	sst s10  }
0x32: {  	s10 =	sld [smem:$0x3FAA];
	_ =	sdelay $0x3  }
0x33: {  	p0 =	seq.s32 s10, $0x1;
	s10 =	sld [smem:$0x3FAC];
	_ =	sdelay $0x3  }
0x34: {  	[smem:$0x3FAC] =	sst s10  }
0x35: {  	s10 =	sld [smem:$0x3FAB];
	_ =	sdelay $0x3  }
0x36: {  	p1 =	seq.s32 s10, $0x1;
	s10 =	sld [smem:$0x3FAC];
	_ =	sdelay $0x3  }
0x37: {  	[smem:$0x3FAC] =	sst s10  }
0x38: {  	s10 =	sld [smem:$0x3FAD]  }
0x39: {  	_ = 	snop;
	(pc) =	sbr.ind lr, $3  }
0x3a: {  	_ = 	snop  }
0x3b: {  	_ = 	snop  }
0x3c: {  	p2 =	seq.s32 s10, $0x1;
	s10 =	sld [smem:$0x3FAC]  }
0x3d: {  	_ =	shalt  }
0x3e: {  	_ =	shalt  }
0x3f: {  	_ =	shalt  }
0x40: {  	_ =	shalt  }
0x41: {  	_ =	shalt  }
0x42: {  	_ =	shalt  }
0x43: {  	_ =	shalt  }
0x44: {  	_ =	shalt  }
0x45: {  	_ =	shalt  }
0x46: {  	_ =	shalt  }
0x47: {  	_ =	shalt  }
0x48: {  	_ =	shalt  }
0x49: {  	_ =	shalt  }
0x4a: {  	_ =	shalt  }
0x4b: {  	_ =	shalt  }
0x4c: {  	_ =	shalt  }
0x4d: {  	_ =	shalt  }
0x4e: {  	_ =	shalt  }
0x4f: {  	_ =	shalt  }
0x50: {  	_ =	shalt  }
0x51: {  	_ =	shalt  }
0x52: {  	_ =	shalt  }
0x53: {  	_ =	shalt  }
0x54: {  	_ =	shalt  }
0x55: {  	_ =	shalt  }
0x56: {  	_ =	shalt  }
0x57: {  	_ =	shalt  }
0x58: {  	_ =	shalt  }
0x59: {  	_ =	shalt  }
0x5a: {  	_ =	shalt  }
0x5b: {  	_ =	shalt  }
0x5c: {  	_ =	shalt  }
0x5d: {  	_ =	shalt  }
0x5e: {  	_ =	shalt  }
0x5f: {  	_ =	shalt  }
0x60: {  	_ =	shalt  }
0x61: {  	_ =	shalt  }
0x62: {  	_ =	shalt  }
0x63: {  	_ =	shalt  }
0x64: {  	_ =	shalt  }
0x65: {  	_ =	shalt  }
0x66: {  	_ =	shalt  }
0x67: {  	_ =	shalt  }
0x68: {  	_ =	shalt  }
0x69: {  	_ =	shalt  }
0x6a: {  	_ =	shalt  }
0x6b: {  	_ =	shalt  }
0x6c: {  	_ =	shalt  }
0x6d: {  	_ =	shalt  }
0x6e: {  	_ =	shalt  }
0x6f: {  	_ =	shalt  }
0x70: {  	_ =	shalt  }
0x71: {  	_ =	shalt  }
0x72: {  	_ =	shalt  }
0x73: {  	_ =	shalt  }
0x74: {  	_ =	shalt  }
0x75: {  	_ =	shalt  }
0x76: {  	_ =	shalt  }
0x77: {  	_ =	shalt  }
0x78: {  	_ =	shalt  }
0x79: {  	_ =	shalt  }
0x7a: {  	_ =	shalt  }
0x7b: {  	_ =	shalt  }
0x7c: {  	_ =	shalt  }
0x7d: {  	_ =	shalt  }
0x7e: {  	_ =	shalt  }
0x7f: {  	_ =	shalt  }
0x80: {  	_ =	shalt  }
0x81: {  	_ =	shalt  }
0x82: {  	_ =	shalt  }
0x83: {  	_ =	shalt  }
0x84: {  	_ =	shalt  }
0x85: {  	_ =	shalt  }
0x86: {  	_ =	shalt  }
0x87: {  	_ =	shalt  }
.Lfunc_end0:
.L_simem_size_0:
called_computation.3_lowered:
.L_overlay_start_0:
0x88: {  	s2 =	sld [smem:$0x3FD9]  }
0x89: {  	s3 =	sld [smem:$0x3FFE];
	_ =	sdelay $0x1  }
0x8a: {  	s1 =	srdreg.scid  }
0x8b: {  	s0 =	sand.u32 $0x1, s1  }
0x8c: {  	s16 =	sshll.u32 s0, $0xA;
	s2 =	sadd.s32 s3, s2  }
0x8d: {  	s2 =	sadd.s32 s2, s16  }
0x8e: {  	[smem:$0x3FB8] =	sst s2  }
0x8f: {  	_ = 	snop  }
0x90: {  	(tm) =	ssettm $0x1  }
0x91: {  	s17 =	sld [smem:$0x3FFB];
	_ =	sdelay $0x3  }
0x92: {  	_ =	strace s17  }
0x93: {  	s2 =	sld [smem:$0x3FFC];
	_ =	sdelay $0x3  }
0x94: {  	_ =	strace s2  }
0x95: {  	s2 =	sld [smem:$0x3FFD];
	_ =	sdelay $0x3  }
0x96: {  	_ =	strace s2  }
0x97: {  	_ =	strace $0x8FFFFFFF  }
0x98: {  	s18 =	sld [smem:$0x3FDB];
	_ =	sdelay $0x1  }
0x99: {  	s19 =	simm.s32 $_scs_section_size  }
0x9a: {  	s4 =	simm.s32 $_size__tile_overlayer_lowered;
	s5 =	simm.s32 $_tile_overlayer_lowered  }
0x9b: {  	s22 =	simm.s32 $0x1BFF;
	s21 =	sshll.u32 s5, $0x1;
	s2 =	sadd.s32 s19, s18  }
0x9c: {  	s6 =	simm.s32 $0x0;
	s20 =	sshll.u32 s4, $0x1;
	s4 =	sadd.s32 s21, s2  }
0x9d: {  	[timem:s6], [sflag:s22] =	dma.local [hbm:s4], s20  }
0x9e: {  	_ =	swait.ge [sflag:s22], s20  }
0x9f: {  	s3 =	ssub.s32 $0x0, s20;
	[sflag:s22] =	ssyncset.done $0x0  }
0xa0: {  	[sflag:s22] =	ssyncadd.s32 s3;
	_ =	sdelay $0x1  }
0xa1: {  	s23 =	simm.s32 $0x1B8B  }
0xa2: {  	_ =	swait.ge [sflag:s23], $0x1  }
0xa3: {  	[sflag:s23] =	ssyncset.done $0x0  }
0xa4: {  	s25 =	simm.s32 $0x1B8E;
	s24 =	sld [smem:$0x3FFE];
	[sflag:s23] =	ssyncadd.s32 $0xFFFFFFFF  }
0xa5: {  	s26 =	simm.s32 $execute0_lowered;
	[smem:$0x3FD2] =	sst s25  }
0xa6: {  	s4 =	sshll.u32 s26, $0x1;
	_ =	strace $0x80000049;
	[dreg:$0x1] =	wrdreg $0xFFFFFFFF  }
0xa7: {  	s28 =	simm.s32 $_size_execute0_lowered;
	s2 =	sadd.s32 s2, s4;
	[dreg:$0x0] =	wrdreg $0x0  }
0xa8: {  	s4 =	sshll.u32 s28, $0x1;
	[dreg:$0x2] =	wrdreg s2  }
0xa9: {  	[dreg:$0x3] =	wrdreg s4  }
0xaa: {  	[dreg:$0x4] =	wrdreg $0xC0  }
0xab: {  	_ =	task [dreg:s6], $0x5FFFF  }
0xac: {  	[dreg:$0x1] =	wrdreg $0xFFFFFFFF  }
0xad: {  	[dreg:$0x0] =	wrdreg $0x60  }
0xae: {  	[dreg:$0x2] =	wrdreg s24  }
0xaf: {  	[dreg:$0x3] =	wrdreg $0xCE200  }
0xb0: {  	[dreg:$0x4] =	wrdreg $0x9  }
0xb1: {  	_ =	task.clear_ibuf [dreg:s6], $0x5FFFF;
	_ =	strace $0x90000049  }
0xb2: {  	s29 =	simm.s32 $0x9;
	_ =	strace $0x8000004B  }
0xb3: {  	_ =	swait.ge [sflag:s29], $0x1  }
0xb4: {  	[sflag:s29] =	ssyncadd.s32 $0xFFFFFFFF  }
0xb5: {  	_ =	strace $0x9000004B  }
0xb6: {  	_ =	sfence  }
0xb7: {  	s30 =	sld [smem:$0x0];
	_ =	sdelay $0x2  }
0xb8: {  	s31 =	sshll.u32 s1, $0xD;
	s1 =	sshrl.u32 s1, $0x2  }
0xb9: {  	s3 =	sand.u32 $0x4000, s31;
	s1 =	sadd.s32 s1, s30  }
0xba: {  	s0 =	sor.u32 s3, s0;
	s1 =	sshll.u32 s1, $0x11  }
0xbb: {  	s0 =	sor.u32 s1, s0  }
0xbc: {  	s0 =	sadd.s32 $0x8F2B, s0  }
0xbd: {  	[sflag:s0] =	ssyncadd.remote.s32 $0x1  }
0xbe: {  	_ =	sfence.sel $0xFFFF  }
0xbf: {  	[dreg:$0x0] =	wrdreg $0xFFFFFFFF;
	(pc) =	sbr.abs _section_cstart, $3  }
0xc0: {  	[dreg:$0x1] =	wrdreg $0xFFFFFFFF  }
0xc1: {  	_ =	task.clear_ibuf [dreg:s6], $0x2FFFF;
	_ =	strace $0x9FFFFFFF  }
0xc2: {  	(tm) =	ssettm $0x7FFFFFFF  }
0xc3: {  	_ =	shalt  }
tec
execute0_lowered:
.L_overlay_start_1:
0x0: {  	(tag) =	ssettag $0x1  }
0x1: {  	s12 =	rddreg [dreg:$0x0]  }
0x2: {  	s1 =	rddreg [dreg:$0x1];
	s2 =	simm.s32 $0x0  }
0x3: {  	s8 =	srdreg.scid;
	s4 =	stileid.u32;
	s16 =	simm.s32 $0x65800  }
0x4: {  	s17 =	simm.s32 $0x50;
	s18 =	simm.s32 $0xA0;
	s19 =	simm.s32 $0x50A0  }
0x5: {  	s20 =	simm.s32 $0x1;
	s21 =	simm.s32 $0xA0A0;
	s22 =	simm.s32 $0xA1A0  }
0x6: {  	s23 =	simm.s32 $0xA2A0;
	s24 =	simm.s32 $0xA3A0;
	s25 =	simm.s32 $0xA4A0  }
0x7: {  	s26 =	simm.s32 $0x0;
	[smem:$0x7FF] =	sst s2;
	s3 =	sadd.s32 $0x3A00, s12  }
0x8: {  	s5 =	sadd.s32 $0xD800, s12;
	s6 =	sadd.s32 $0x17600, s12;
	s7 =	sadd.s32 $0xB3C00, s12  }
0x9: {  	s10 =	sand.u32 $0x1, s8;
	s8 =	sadd.s32 $0xB3A00, s12;
	s9 =	sadd.s32 $0x101E00, s12  }
0xa: {  	s13 =	sshll.u32 s4, $0x1;
	s15 =	smul.u32 $0x2800, s4;
	_ =	strace $0x8000004A  }
0xb: {  	s11 =	ssub.s32 $0x2, s10;
	s13 =	sor.u32 s10, s13;
	p0 =	seq.s32 s10, $0x1  }
0xc: {  	s14 =	sshrl.u32 s11, $0x1;
	s10 =	smul.u32 $0x2710, s13;
	s16 =	simm.s32 @!p0 $0x6A800  }
0xd: {  	s30 =	sshrl.u32 s15, $0x3;
	s14 =	ssub.s32 s11, s14;
	s11 =	sadd.s32 s15, s1  }
0xe: {  	s31 =	sadd.s32 s16, s12;
	s15 =	simm.s32 $0x2;
	s16 =	simm.s32 $0xA5A0  }
0xf: {  	v0 =	vimm.f32 $0.0e+00;
	v1 =	vlaneseq.u32;
	vm0 =	vmmov $0xffff;
	s12 =	smax.u32 s14, $0x1;
	s13 =	sadd.s32 s31, s30;
	s14 =	simm.s32 $0xA620  }
.LBB2_1:
0x10: {  	s28 =	simm.s32 $0x40;
	s29 =	simm.s32 $0x0  }
.LBB2_2:
0x11: {  	p0 =	sne.s32 s28, $0x9FC0;
	[tilespmem:s29+$0xA620] =	vst v0;
	s29 =	smov.u32 s28;
	s28 =	sadd.s32 $0x40, s28  }
.Ltmp0:
0x12: {  	(pc) =	sbr.rel @p0 .LBB2_2-.Ltmp0, $2  }
0x13: {  	_ =	sdelay $0x2  }
0x14: {  	s29 =	sshra.s32 s29, $0x2  }
0x15: {  	[tilespmem:s29+$0xA620] =	vst v0  }
0x16: {  	[spmem:s11] =	stream.linear.scatter [tilespmem:s14], [sflag:$0x2], $0x2800, $0x38;
	[tilespmem:$0xF620] =	vst v63  }
0x17: {  	_ =	swait.ge [sflag:s15], $0x2800  }
0x18: {  	[sflag:s15] =	ssyncset.done $0x0  }
0x19: {  	[sflag:s15] =	ssyncadd.s32 $0xFFFFD800  }
0x1a: {  	s28 =	simm.s32 $0x0;
	[bflag:$0x0] =	sbarrier.arrive $0xFFFF  }
0x1b: {  	[tilespmem:s16], [sflag:$0x2] =	stream.linear.gather [hbm4b:s8+s28], $0x80, $0x38;
	[tilespmem:$0xF620] =	vst v63  }
0x1c: {  	_ =	swait.ge [sflag:s15], $0x80  }
0x1d: {  	[sflag:s15] =	ssyncset.done $0x0  }
0x1e: {  	[sflag:s15] =	ssyncadd.s32 $0xFFFFFF80  }
0x1f: {  	s29 =	simm.s32 $0x40;
	s30 =	simm.s32 $0x0;
	v2 =	vld [tilespmem:$0xA5A0]  }
.LBB2_4:
0x20: {  	p0 =	sne.s32 s29, $0x13C0;
	[tilespmem:s30+$0xA0A0] =	vst v0;
	s30 =	smov.u32 s29;
	s29 =	sadd.s32 $0x40, s29  }
.Ltmp1:
0x21: {  	(pc) =	sbr.rel @p0 .LBB2_4-.Ltmp1, $2  }
0x22: {  	_ =	sdelay $0x2  }
0x23: {  	s30 =	sshra.s32 s30, $0x2  }
0x24: {  	[tilespmem:s30+$0xA0A0] =	vst v0  }
.LBB2_6:
0x25: {  	s29 =	smul.u32 $0x50, s28;
	_ =	sdelay $0x1  }
0x26: {  	s29 =	sadd.s32 s10, s29  }
0x27: {  	s31 =	sshrl.u32 s29, $0x3  }
0x28: {  	s30 =	simm.s32 $0x0;
	s0 =	sadd.s32 s3, s31  }
0x29: {  	[tilespmem:s30], [sflag:$0x2] =	stream.linear.gather [hbm4b:s0+s30], $0x50, $0x38;
	[tilespmem:$0xF620] =	vst v63  }
0x2a: {  	_ =	swait.ge [sflag:s15], $0x50  }
0x2b: {  	[sflag:s15] =	ssyncset.done $0x0  }
0x2c: {  	s31 =	sadd.s32 s5, s31;
	[sflag:s15] =	ssyncadd.s32 $0xFFFFFFB0  }
0x2d: {  	[tilespmem:s17], [sflag:$0x2] =	stream.linear.gather [hbm4b:s31+s30], $0x50, $0x38;
	[tilespmem:$0xF620] =	vst v63  }
0x2e: {  	_ =	swait.ge [sflag:s15], $0x50  }
0x2f: {  	[sflag:s15] =	ssyncset.done $0x0  }
0x30: {  	[sflag:s15] =	ssyncadd.s32 $0xFFFFFFB0  }
0x31: {  	[tilespmem:s18], [sflag:$0x1] =	stream.indirect.gather [hbm4b:s6+s17], $0x100, s30, s17, $0xb8;
	[tilespmem:$0xF620] =	vst v63  }
0x32: {  	_ = 	snop  }
0x33: {  	[tilespmem:s19], [sflag:$0x1] =	stream.indirect.gather [hbm4b:s7+s17], $0x100, s17, s17, $0xb8;
	[tilespmem:$0xF620] =	vst v63  }
0x34: {  	_ =	swait.ge [sflag:s20], $0x5000  }
0x35: {  	[sflag:s20] =	ssyncset.done $0x0  }
0x36: {  	[sflag:s20] =	ssyncadd.s32 $0xFFFFB000  }
0x37: {  	_ =	swait.ge [sflag:s20], $0x5000  }
0x38: {  	[sflag:s20] =	ssyncset.done $0x0  }
0x39: {  	[sflag:s20] =	ssyncadd.s32 $0xFFFFB000  }
.LBB2_7:
0x3a: {  	v4 =	vor.u32 s30, v1  }
0x3b: {  	v3 =	vshll.u32 v4, $0x8  }
0x3c: {  	v5 =	vor.u32 $0x80, v3;
	_ =	sdelay $0x1  }
0x3d: {  	v6 =	vor.u32 $0x81, v3;
	_ =	sdelay $0x1  }
0x3e: {  	v7 =	vor.u32 $0x82, v3  }
0x3f: {  	v8 =	vld.idx.msk [tilespmem:v5+s18+$0x0], $0xffff  }
0x40: {  	v9 =	vor.u32 $0x83, v3;
	v5 =	vld.idx.msk [tilespmem:v5+s19+$0x0], $0xffff  }
0x41: {  	v10 =	vld.idx.msk [tilespmem:v6+s18+$0x0], $0xffff  }
0x42: {  	v11 =	vor.u32 $0x84, v3;
	v6 =	vld.idx.msk [tilespmem:v6+s19+$0x0], $0xffff  }
0x43: {  	v12 =	vld.idx.msk [tilespmem:v7+s18+$0x0], $0xffff  }
0x44: {  	v13 =	vor.u32 $0x85, v3;
	v7 =	vld.idx.msk [tilespmem:v7+s19+$0x0], $0xffff  }
0x45: {  	v14 =	vld.idx.msk [tilespmem:v9+s18+$0x0], $0xffff  }
0x46: {  	v15 =	vor.u32 $0x86, v3;
	v9 =	vld.idx.msk [tilespmem:v9+s19+$0x0], $0xffff  }
0x47: {  	v16 =	vld.idx.msk [tilespmem:v11+s18+$0x0], $0xffff  }
0x48: {  	v17 =	vor.u32 $0x87, v3;
	v11 =	vld.idx.msk [tilespmem:v11+s19+$0x0], $0xffff  }
0x49: {  	v18 =	vld.idx.msk [tilespmem:v13+s18+$0x0], $0xffff  }
0x4a: {  	v19 =	vor.u32 $0x88, v3;
	v13 =	vld.idx.msk [tilespmem:v13+s19+$0x0], $0xffff  }
0x4b: {  	v20 =	vld.idx.msk [tilespmem:v15+s18+$0x0], $0xffff  }
0x4c: {  	v21 =	vor.u32 $0x89, v3;
	v15 =	vld.idx.msk [tilespmem:v15+s19+$0x0], $0xffff  }
0x4d: {  	v22 =	vld.idx.msk [tilespmem:v17+s18+$0x0], $0xffff  }
0x4e: {  	v23 =	vor.u32 $0x8A, v3;
	v17 =	vld.idx.msk [tilespmem:v17+s19+$0x0], $0xffff  }
0x4f: {  	v24 =	vld.idx.msk [tilespmem:v19+s18+$0x0], $0xffff  }
0x50: {  	v25 =	vor.u32 $0x8B, v3;
	v19 =	vld.idx.msk [tilespmem:v19+s19+$0x0], $0xffff  }
0x51: {  	v26 =	vld.idx.msk [tilespmem:v21+s18+$0x0], $0xffff  }
0x52: {  	v27 =	vor.u32 $0x8C, v3;
	v21 =	vld.idx.msk [tilespmem:v21+s19+$0x0], $0xffff  }
0x53: {  	v28 =	vld.idx.msk [tilespmem:v23+s18+$0x0], $0xffff  }
0x54: {  	v29 =	vor.u32 $0x8D, v3;
	v23 =	vld.idx.msk [tilespmem:v23+s19+$0x0], $0xffff  }
0x55: {  	v30 =	vld.idx.msk [tilespmem:v25+s18+$0x0], $0xffff  }
0x56: {  	v31 =	vor.u32 $0x8E, v3;
	v25 =	vld.idx.msk [tilespmem:v25+s19+$0x0], $0xffff  }
0x57: {  	v32 =	vld.idx.msk [tilespmem:v27+s18+$0x0], $0xffff  }
0x58: {  	v33 =	vor.u32 $0x8F, v3;
	v27 =	vld.idx.msk [tilespmem:v27+s19+$0x0], $0xffff  }
0x59: {  	v34 =	vld.idx.msk [tilespmem:v29+s18+$0x0], $0xffff  }
0x5a: {  	v35 =	vor.u32 $0x90, v3;
	v29 =	vld.idx.msk [tilespmem:v29+s19+$0x0], $0xffff  }
0x5b: {  	v36 =	vld.idx.msk [tilespmem:v31+s18+$0x0], $0xffff  }
0x5c: {  	v37 =	vor.u32 $0x91, v3;
	v31 =	vld.idx.msk [tilespmem:v31+s19+$0x0], $0xffff  }
0x5d: {  	v38 =	vld.idx.msk [tilespmem:v33+s18+$0x0], $0xffff  }
0x5e: {  	v39 =	vor.u32 $0x92, v3;
	v33 =	vld.idx.msk [tilespmem:v33+s19+$0x0], $0xffff  }
0x5f: {  	v41 =	vor.u32 $0x93, v3;
	v40 =	vld.idx.msk [tilespmem:v35+s18+$0x0], $0xffff  }
0x60: {  	v43 =	vor.u32 $0x94, v3;
	v35 =	vld.idx.msk [tilespmem:v35+s19+$0x0], $0xffff  }
0x61: {  	v42 =	vld.idx.msk [tilespmem:v37+s18+$0x0], $0xffff  }
0x62: {  	v37 =	vld.idx.msk [tilespmem:v37+s19+$0x0], $0xffff  }
0x63: {  	v44 =	vld.idx.msk [tilespmem:v39+s18+$0x0], $0xffff  }
0x64: {  	v61 =	vor.u32 $0x95, v3;
	v45 =	vld.idx.msk [tilespmem:v41+s18+$0x0], $0xffff  }
0x65: {  	v46 =	vld.idx.msk [tilespmem:v43+s18+$0x0], $0xffff;
	v5 =	vmul.f32 v5, v8  }
0x66: {  	v62 =	vor.u32 $0x96, v3;
	v8 =	vld.idx.msk [tilespmem:v39+s19+$0x0], $0xffff  }
0x67: {  	v6 =	vmul.f32 v6, v10;
	v10 =	vld.idx.msk [tilespmem:v41+s19+$0x0], $0xffff;
	v5 =	vadd.f32 $0.0e+00, v5  }
0x68: {  	v47 =	vor.u32 $0x97, v3;
	v63 =	vmul.f32 v7, v12;
	v7 =	vld.idx.msk [tilespmem:v43+s19+$0x0], $0xffff  }
0x69: {  	v43 =	vld.idx.msk [tilespmem:v61+s18+$0x0], $0xffff;
	v5 =	vadd.f32 v6, v5  }
0x6a: {  	v49 =	vor.u32 $0x98, v3;
	v48 =	vmul.f32 v9, v14;
	v9 =	vld.idx.msk [tilespmem:v61+s19+$0x0], $0xffff  }
0x6b: {  	v39 =	vld.idx.msk [tilespmem:v62+s18+$0x0], $0xffff;
	v5 =	vadd.f32 v63, v5  }
0x6c: {  	v51 =	vor.u32 $0x99, v3;
	v50 =	vmul.f32 v11, v16;
	v11 =	vld.idx.msk [tilespmem:v62+s19+$0x0], $0xffff  }
0x6d: {  	v41 =	vld.idx.msk [tilespmem:v47+s18+$0x0], $0xffff;
	v5 =	vadd.f32 v48, v5  }
0x6e: {  	v53 =	vor.u32 $0x9A, v3;
	v12 =	vld.idx.msk [tilespmem:v47+s19+$0x0], $0xffff  }
0x6f: {  	v52 =	vmul.f32 v13, v18;
	v18 =	vld.idx.msk [tilespmem:v49+s18+$0x0], $0xffff;
	v5 =	vadd.f32 v50, v5  }
0x70: {  	v55 =	vor.u32 $0x9B, v3;
	v14 =	vld.idx.msk [tilespmem:v49+s19+$0x0], $0xffff  }
0x71: {  	v54 =	vmul.f32 v15, v20;
	v20 =	vld.idx.msk [tilespmem:v51+s18+$0x0], $0xffff;
	v5 =	vadd.f32 v52, v5  }
0x72: {  	v57 =	vor.u32 $0x9C, v3;
	v16 =	vld.idx.msk [tilespmem:v51+s19+$0x0], $0xffff  }
0x73: {  	v56 =	vmul.f32 v17, v22;
	v22 =	vld.idx.msk [tilespmem:v53+s18+$0x0], $0xffff;
	v5 =	vadd.f32 v54, v5  }
0x74: {  	v59 =	vor.u32 $0x9D, v3;
	v13 =	vld.idx.msk [tilespmem:v53+s19+$0x0], $0xffff  }
0x75: {  	v58 =	vmul.f32 v19, v24;
	v24 =	vld.idx.msk [tilespmem:v55+s18+$0x0], $0xffff;
	v5 =	vadd.f32 v56, v5  }
0x76: {  	v15 =	vld.idx.msk [tilespmem:v55+s19+$0x0], $0xffff;
	v61 =	vor.u32 $0x9E, v3  }
0x77: {  	v60 =	vmul.f32 v21, v26;
	v26 =	vld.idx.msk [tilespmem:v57+s18+$0x0], $0xffff;
	v5 =	vadd.f32 v58, v5  }
0x78: {  	v17 =	vld.idx.msk [tilespmem:v57+s19+$0x0], $0xffff;
	v63 =	vor.u32 $0x9F, v3  }
0x79: {  	v62 =	vmul.f32 v23, v28;
	v28 =	vld.idx.msk [tilespmem:v59+s18+$0x0], $0xffff;
	v5 =	vadd.f32 v60, v5  }
0x7a: {  	v19 =	vld.idx.msk [tilespmem:v59+s19+$0x0], $0xffff;
	v48 =	vor.u32 $0xA0, v3  }
0x7b: {  	v47 =	vmul.f32 v25, v30;
	v30 =	vld.idx.msk [tilespmem:v61+s18+$0x0], $0xffff;
	v5 =	vadd.f32 v62, v5  }
0x7c: {  	v21 =	vld.idx.msk [tilespmem:v61+s19+$0x0], $0xffff;
	v50 =	vor.u32 $0xA1, v3  }
0x7d: {  	v49 =	vmul.f32 v27, v32;
	v32 =	vld.idx.msk [tilespmem:v63+s18+$0x0], $0xffff;
	v5 =	vadd.f32 v47, v5  }
0x7e: {  	v23 =	vld.idx.msk [tilespmem:v63+s19+$0x0], $0xffff;
	v52 =	vor.u32 $0xA2, v3  }
0x7f: {  	v51 =	vmul.f32 v29, v34;
	v34 =	vld.idx.msk [tilespmem:v48+s18+$0x0], $0xffff;
	v5 =	vadd.f32 v49, v5  }
0x80: {  	v25 =	vld.idx.msk [tilespmem:v48+s19+$0x0], $0xffff;
	v54 =	vor.u32 $0xA3, v3  }
0x81: {  	v53 =	vmul.f32 v31, v36;
	v36 =	vld.idx.msk [tilespmem:v50+s18+$0x0], $0xffff;
	v5 =	vadd.f32 v51, v5  }
0x82: {  	v27 =	vld.idx.msk [tilespmem:v50+s19+$0x0], $0xffff;
	v56 =	vor.u32 $0xA4, v3  }
0x83: {  	v55 =	vmul.f32 v33, v38;
	v38 =	vld.idx.msk [tilespmem:v52+s18+$0x0], $0xffff;
	v5 =	vadd.f32 v53, v5  }
0x84: {  	v29 =	vld.idx.msk [tilespmem:v52+s19+$0x0], $0xffff;
	v58 =	vor.u32 $0xA5, v3  }
0x85: {  	v57 =	vmul.f32 v35, v40;
	v40 =	vld.idx.msk [tilespmem:v54+s18+$0x0], $0xffff;
	v5 =	vadd.f32 v55, v5  }
0x86: {  	v31 =	vld.idx.msk [tilespmem:v54+s19+$0x0], $0xffff;
	v54 =	vor.u32 $0xAB, v3  }
0x87: {  	v59 =	vmul.f32 v37, v42;
	v60 =	vor.u32 $0xA6, v3;
	v42 =	vld.idx.msk [tilespmem:v56+s18+$0x0], $0xffff;
	v5 =	vadd.f32 v57, v5  }
0x88: {  	v61 =	vmul.f32 v8, v44;
	v8 =	vld.idx.msk [tilespmem:v56+s19+$0x0], $0xffff  }
0x89: {  	v56 =	vor.u32 $0xAC, v3;
	v44 =	vld.idx.msk [tilespmem:v58+s18+$0x0], $0xffff;
	v5 =	vadd.f32 v59, v5  }
0x8a: {  	v63 =	vmul.f32 v10, v45;
	v62 =	vor.u32 $0xA7, v3;
	v10 =	vld.idx.msk [tilespmem:v58+s19+$0x0], $0xffff  }
0x8b: {  	v33 =	vld.idx.msk [tilespmem:v54+s18+$0x0], $0xffff;
	v5 =	vadd.f32 v61, v5  }
0x8c: {  	v48 =	vor.u32 $0xA8, v3;
	v45 =	vld.idx.msk [tilespmem:v60+s18+$0x0], $0xffff  }
0x8d: {  	v58 =	vor.u32 $0xAD, v3;
	v49 =	vmul.f32 v7, v46;
	v7 =	vld.idx.msk [tilespmem:v60+s19+$0x0], $0xffff;
	v5 =	vadd.f32 v63, v5  }
0x8e: {  	v35 =	vld.idx.msk [tilespmem:v56+s18+$0x0], $0xffff  }
0x8f: {  	v50 =	vor.u32 $0xA9, v3;
	v46 =	vld.idx.msk [tilespmem:v62+s18+$0x0], $0xffff;
	v51 =	vmul.f32 v9, v43;
	v5 =	vadd.f32 v49, v5  }
0x90: {  	v60 =	vor.u32 $0xAE, v3;
	v9 =	vld.idx.msk [tilespmem:v62+s19+$0x0], $0xffff  }
0x91: {  	v43 =	vld.idx.msk [tilespmem:v48+s18+$0x0], $0xffff;
	v53 =	vmul.f32 v11, v39;
	v5 =	vadd.f32 v51, v5  }
0x92: {  	v52 =	vor.u32 $0xAA, v3;
	v37 =	vld.idx.msk [tilespmem:v58+s18+$0x0], $0xffff  }
0x93: {  	v47 =	vor.u32 $0xB0, v3;
	v11 =	vld.idx.msk [tilespmem:v48+s19+$0x0], $0xffff;
	v55 =	vmul.f32 v12, v41;
	v5 =	vadd.f32 v53, v5  }
0x94: {  	v62 =	vor.u32 $0xAF, v3;
	v39 =	vld.idx.msk [tilespmem:v50+s18+$0x0], $0xffff  }
0x95: {  	v48 =	vmul.f32 v17, v26;
	v17 =	vld.idx.msk [tilespmem:v60+s19+$0x0], $0xffff;
	v57 =	vmul.f32 v14, v18;
	v5 =	vadd.f32 v55, v5  }
0x96: {  	v12 =	vld.idx.msk [tilespmem:v50+s19+$0x0], $0xffff  }
0x97: {  	v41 =	vld.idx.msk [tilespmem:v52+s18+$0x0], $0xffff;
	v59 =	vmul.f32 v16, v20;
	v5 =	vadd.f32 v57, v5  }
0x98: {  	v50 =	vmul.f32 v19, v28;
	v28 =	vld.idx.msk [tilespmem:v47+s18+$0x0], $0xffff  }
0x99: {  	v26 =	vld.idx.msk [tilespmem:v62+s18+$0x0], $0xffff;
	v61 =	vmul.f32 v13, v22;
	v5 =	vadd.f32 v59, v5  }
0x9a: {  	v19 =	vld.idx.msk [tilespmem:v62+s19+$0x0], $0xffff  }
0x9b: {  	v14 =	vld.idx.msk [tilespmem:v52+s19+$0x0], $0xffff;
	v63 =	vmul.f32 v15, v24;
	v5 =	vadd.f32 v61, v5  }
0x9c: {  	v18 =	vld.idx.msk [tilespmem:v47+s19+$0x0], $0xffff;
	v49 =	vor.u32 $0xB1, v3  }
0x9d: {  	v16 =	vld.idx.msk [tilespmem:v54+s19+$0x0], $0xffff;
	v5 =	vadd.f32 v63, v5  }
0x9e: {  	v13 =	vld.idx.msk [tilespmem:v56+s19+$0x0], $0xffff;
	v51 =	vor.u32 $0xB2, v3  }
0x9f: {  	v15 =	vld.idx.msk [tilespmem:v58+s19+$0x0], $0xffff;
	v5 =	vadd.f32 v48, v5  }
0xa0: {  	v24 =	vld.idx.msk [tilespmem:v60+s18+$0x0], $0xffff;
	v53 =	vor.u32 $0xB3, v3  }
0xa1: {  	v52 =	vmul.f32 v21, v30;
	v30 =	vld.idx.msk [tilespmem:v49+s18+$0x0], $0xffff;
	v5 =	vadd.f32 v50, v5  }
0xa2: {  	v20 =	vld.idx.msk [tilespmem:v49+s19+$0x0], $0xffff;
	v55 =	vor.u32 $0xB4, v3  }
0xa3: {  	v54 =	vmul.f32 v23, v32;
	v32 =	vld.idx.msk [tilespmem:v51+s18+$0x0], $0xffff;
	v5 =	vadd.f32 v52, v5  }
0xa4: {  	v22 =	vld.idx.msk [tilespmem:v51+s19+$0x0], $0xffff;
	v57 =	vor.u32 $0xB5, v3  }
0xa5: {  	v56 =	vmul.f32 v25, v34;
	v34 =	vld.idx.msk [tilespmem:v53+s18+$0x0], $0xffff;
	v5 =	vadd.f32 v54, v5  }
0xa6: {  	v21 =	vld.idx.msk [tilespmem:v53+s19+$0x0], $0xffff;
	v59 =	vor.u32 $0xB6, v3  }
0xa7: {  	v58 =	vmul.f32 v27, v36;
	v36 =	vld.idx.msk [tilespmem:v55+s18+$0x0], $0xffff;
	v5 =	vadd.f32 v56, v5  }
0xa8: {  	v23 =	vld.idx.msk [tilespmem:v55+s19+$0x0], $0xffff;
	v61 =	vor.u32 $0xB7, v3  }
0xa9: {  	v60 =	vmul.f32 v29, v38;
	v38 =	vld.idx.msk [tilespmem:v57+s18+$0x0], $0xffff;
	v5 =	vadd.f32 v58, v5  }
0xaa: {  	v25 =	vld.idx.msk [tilespmem:v57+s19+$0x0], $0xffff;
	v63 =	vor.u32 $0xB8, v3  }
0xab: {  	v62 =	vmul.f32 v31, v40;
	v40 =	vld.idx.msk [tilespmem:v59+s18+$0x0], $0xffff;
	v5 =	vadd.f32 v60, v5  }
0xac: {  	v49 =	vor.u32 $0xB9, v3;
	v48 =	vmul.f32 v8, v42;
	v8 =	vld.idx.msk [tilespmem:v59+s19+$0x0], $0xffff  }
0xad: {  	v59 =	vor.u32 $0xBE, v3;
	v42 =	vld.idx.msk [tilespmem:v61+s18+$0x0], $0xffff;
	v5 =	vadd.f32 v62, v5  }
0xae: {  	v50 =	vmul.f32 v10, v44;
	v10 =	vld.idx.msk [tilespmem:v61+s19+$0x0], $0xffff  }
0xaf: {  	v51 =	vor.u32 $0xBA, v3;
	v44 =	vld.idx.msk [tilespmem:v63+s18+$0x0], $0xffff;
	v5 =	vadd.f32 v48, v5  }
0xb0: {  	v61 =	vor.u32 $0xBF, v3;
	v52 =	vmul.f32 v7, v45;
	v7 =	vld.idx.msk [tilespmem:v63+s19+$0x0], $0xffff  }
0xb1: {  	v45 =	vld.idx.msk [tilespmem:v49+s18+$0x0], $0xffff;
	v5 =	vadd.f32 v50, v5  }
0xb2: {  	v47 =	vmul.f32 v13, v35;
	v13 =	vld.idx.msk [tilespmem:v59+s19+$0x0], $0xffff  }
0xb3: {  	v53 =	vor.u32 $0xBB, v3;
	v54 =	vmul.f32 v9, v46;
	v9 =	vld.idx.msk [tilespmem:v49+s19+$0x0], $0xffff;
	v5 =	vadd.f32 v52, v5  }
0xb4: {  	v63 =	vor.u32 $0xC0, v3;
	v46 =	vld.idx.msk [tilespmem:v51+s18+$0x0], $0xffff  }
0xb5: {  	v35 =	vld.idx.msk [tilespmem:v61+s18+$0x0], $0xffff;
	v56 =	vmul.f32 v11, v43;
	v5 =	vadd.f32 v54, v5  }
0xb6: {  	v49 =	vmul.f32 v15, v37;
	v15 =	vld.idx.msk [tilespmem:v61+s19+$0x0], $0xffff  }
0xb7: {  	v55 =	vor.u32 $0xBC, v3;
	v11 =	vld.idx.msk [tilespmem:v51+s19+$0x0], $0xffff;
	v58 =	vmul.f32 v12, v39;
	v5 =	vadd.f32 v56, v5  }
0xb8: {  	v43 =	vld.idx.msk [tilespmem:v53+s18+$0x0], $0xffff  }
0xb9: {  	v57 =	vor.u32 $0xBD, v3;
	v37 =	vld.idx.msk [tilespmem:v63+s18+$0x0], $0xffff;
	v60 =	vmul.f32 v14, v41;
	v5 =	vadd.f32 v58, v5  }
0xba: {  	v51 =	vmul.f32 v17, v24;
	v17 =	vld.idx.msk [tilespmem:v63+s19+$0x0], $0xffff  }
0xbb: {  	v12 =	vld.idx.msk [tilespmem:v53+s19+$0x0], $0xffff;
	v62 =	vmul.f32 v16, v33;
	v5 =	vadd.f32 v60, v5  }
0xbc: {  	v39 =	vld.idx.msk [tilespmem:v55+s18+$0x0], $0xffff;
	v48 =	vor.u32 $0xC1, v3  }
0xbd: {  	v14 =	vld.idx.msk [tilespmem:v55+s19+$0x0], $0xffff;
	v5 =	vadd.f32 v62, v5  }
0xbe: {  	v41 =	vld.idx.msk [tilespmem:v57+s18+$0x0], $0xffff;
	v50 =	vor.u32 $0xC2, v3  }
0xbf: {  	v16 =	vld.idx.msk [tilespmem:v57+s19+$0x0], $0xffff;
	v5 =	vadd.f32 v47, v5  }
0xc0: {  	v33 =	vld.idx.msk [tilespmem:v59+s18+$0x0], $0xffff;
	v52 =	vor.u32 $0xC3, v3  }
0xc1: {  	v29 =	vld.idx.msk [tilespmem:v48+s18+$0x0], $0xffff;
	v5 =	vadd.f32 v49, v5  }
0xc2: {  	v53 =	vmul.f32 v19, v26;
	v19 =	vld.idx.msk [tilespmem:v48+s19+$0x0], $0xffff;
	v54 =	vor.u32 $0xC4, v3  }
0xc3: {  	v31 =	vld.idx.msk [tilespmem:v50+s18+$0x0], $0xffff;
	v5 =	vadd.f32 v51, v5  }
0xc4: {  	v55 =	vmul.f32 v18, v28;
	v18 =	vld.idx.msk [tilespmem:v50+s19+$0x0], $0xffff;
	v56 =	vor.u32 $0xC5, v3  }
0xc5: {  	v28 =	vld.idx.msk [tilespmem:v52+s18+$0x0], $0xffff;
	v5 =	vadd.f32 v53, v5  }
0xc6: {  	v57 =	vmul.f32 v20, v30;
	v20 =	vld.idx.msk [tilespmem:v52+s19+$0x0], $0xffff;
	v58 =	vor.u32 $0xC6, v3  }
0xc7: {  	v30 =	vld.idx.msk [tilespmem:v54+s18+$0x0], $0xffff;
	v5 =	vadd.f32 v55, v5  }
0xc8: {  	v59 =	vmul.f32 v22, v32;
	v22 =	vld.idx.msk [tilespmem:v54+s19+$0x0], $0xffff;
	v60 =	vor.u32 $0xC7, v3  }
0xc9: {  	v32 =	vld.idx.msk [tilespmem:v56+s18+$0x0], $0xffff;
	v5 =	vadd.f32 v57, v5  }
0xca: {  	v61 =	vmul.f32 v21, v34;
	v21 =	vld.idx.msk [tilespmem:v56+s19+$0x0], $0xffff;
	v62 =	vor.u32 $0xC8, v3  }
0xcb: {  	v34 =	vld.idx.msk [tilespmem:v58+s18+$0x0], $0xffff;
	v5 =	vadd.f32 v59, v5  }
0xcc: {  	v63 =	vmul.f32 v23, v36;
	v23 =	vld.idx.msk [tilespmem:v58+s19+$0x0], $0xffff;
	v47 =	vor.u32 $0xC9, v3  }
0xcd: {  	v36 =	vld.idx.msk [tilespmem:v60+s18+$0x0], $0xffff;
	v5 =	vadd.f32 v61, v5  }
0xce: {  	v48 =	vmul.f32 v25, v38;
	v25 =	vld.idx.msk [tilespmem:v60+s19+$0x0], $0xffff;
	v49 =	vor.u32 $0xCA, v3  }
0xcf: {  	v38 =	vld.idx.msk [tilespmem:v62+s18+$0x0], $0xffff;
	v5 =	vadd.f32 v63, v5  }
0xd0: {  	v50 =	vmul.f32 v8, v40;
	v8 =	vld.idx.msk [tilespmem:v62+s19+$0x0], $0xffff;
	v51 =	vor.u32 $0xCB, v3  }
0xd1: {  	v40 =	vld.idx.msk [tilespmem:v47+s18+$0x0], $0xffff;
	v5 =	vadd.f32 v48, v5  }
0xd2: {  	v52 =	vmul.f32 v10, v42;
	v10 =	vld.idx.msk [tilespmem:v47+s19+$0x0], $0xffff;
	v53 =	vor.u32 $0xCC, v3  }
0xd3: {  	v42 =	vld.idx.msk [tilespmem:v49+s18+$0x0], $0xffff;
	v5 =	vadd.f32 v50, v5  }
0xd4: {  	v54 =	vmul.f32 v7, v44;
	v7 =	vld.idx.msk [tilespmem:v49+s19+$0x0], $0xffff;
	v55 =	vor.u32 $0xCD, v3  }
0xd5: {  	v44 =	vld.idx.msk [tilespmem:v51+s18+$0x0], $0xffff;
	v5 =	vadd.f32 v52, v5  }
0xd6: {  	v56 =	vmul.f32 v9, v45;
	v9 =	vld.idx.msk [tilespmem:v51+s19+$0x0], $0xffff;
	v57 =	vor.u32 $0xCE, v3  }
0xd7: {  	v45 =	vld.idx.msk [tilespmem:v53+s18+$0x0], $0xffff;
	v5 =	vadd.f32 v54, v5  }
0xd8: {  	v58 =	vmul.f32 v11, v46;
	v11 =	vld.idx.msk [tilespmem:v53+s19+$0x0], $0xffff;
	v59 =	vor.u32 $0xCF, v3  }
0xd9: {  	v46 =	vld.idx.msk [tilespmem:v55+s18+$0x0], $0xffff;
	v5 =	vadd.f32 v56, v5  }
0xda: {  	v60 =	vmul.f32 v12, v43;
	v12 =	vld.idx.msk [tilespmem:v55+s19+$0x0], $0xffff;
	v61 =	vor.u32 $0xD0, v3  }
0xdb: {  	v43 =	vld.idx.msk [tilespmem:v57+s18+$0x0], $0xffff;
	v5 =	vadd.f32 v58, v5  }
0xdc: {  	v62 =	vmul.f32 v14, v39;
	v14 =	vld.idx.msk [tilespmem:v57+s19+$0x0], $0xffff;
	v63 =	vor.u32 $0xD1, v3  }
0xdd: {  	v39 =	vld.idx.msk [tilespmem:v59+s18+$0x0], $0xffff;
	v5 =	vadd.f32 v60, v5  }
0xde: {  	v47 =	vmul.f32 v16, v41;
	v16 =	vld.idx.msk [tilespmem:v59+s19+$0x0], $0xffff;
	v48 =	vor.u32 $0xD2, v3  }
0xdf: {  	v41 =	vld.idx.msk [tilespmem:v61+s18+$0x0], $0xffff;
	v5 =	vadd.f32 v62, v5  }
0xe0: {  	v49 =	vmul.f32 v13, v33;
	v13 =	vld.idx.msk [tilespmem:v61+s19+$0x0], $0xffff;
	v50 =	vor.u32 $0xD3, v3  }
0xe1: {  	v33 =	vld.idx.msk [tilespmem:v63+s18+$0x0], $0xffff;
	v5 =	vadd.f32 v47, v5  }
0xe2: {  	v51 =	vmul.f32 v15, v35;
	v15 =	vld.idx.msk [tilespmem:v63+s19+$0x0], $0xffff;
	v52 =	vor.u32 $0xD4, v3  }
0xe3: {  	v35 =	vld.idx.msk [tilespmem:v48+s18+$0x0], $0xffff;
	v5 =	vadd.f32 v49, v5  }
0xe4: {  	v53 =	vmul.f32 v17, v37;
	v17 =	vld.idx.msk [tilespmem:v48+s19+$0x0], $0xffff;
	v54 =	vor.u32 $0xD5, v3  }
0xe5: {  	v37 =	vld.idx.msk [tilespmem:v50+s18+$0x0], $0xffff;
	v5 =	vadd.f32 v51, v5  }
0xe6: {  	v55 =	vmul.f32 v19, v29;
	v19 =	vld.idx.msk [tilespmem:v50+s19+$0x0], $0xffff;
	v56 =	vor.u32 $0xD6, v3  }
0xe7: {  	v29 =	vld.idx.msk [tilespmem:v52+s18+$0x0], $0xffff;
	v5 =	vadd.f32 v53, v5  }
0xe8: {  	v57 =	vmul.f32 v18, v31;
	v18 =	vld.idx.msk [tilespmem:v52+s19+$0x0], $0xffff;
	v58 =	vor.u32 $0xD7, v3  }
0xe9: {  	v31 =	vld.idx.msk [tilespmem:v54+s18+$0x0], $0xffff;
	v5 =	vadd.f32 v55, v5  }
0xea: {  	v59 =	vmul.f32 v20, v28;
	v20 =	vld.idx.msk [tilespmem:v54+s19+$0x0], $0xffff;
	v60 =	vor.u32 $0xD8, v3  }
0xeb: {  	v28 =	vld.idx.msk [tilespmem:v56+s18+$0x0], $0xffff;
	v5 =	vadd.f32 v57, v5  }
0xec: {  	v61 =	vmul.f32 v22, v30;
	v22 =	vld.idx.msk [tilespmem:v56+s19+$0x0], $0xffff;
	v62 =	vor.u32 $0xD9, v3  }
0xed: {  	v30 =	vld.idx.msk [tilespmem:v58+s18+$0x0], $0xffff;
	v5 =	vadd.f32 v59, v5  }
0xee: {  	v63 =	vmul.f32 v21, v32;
	v21 =	vld.idx.msk [tilespmem:v58+s19+$0x0], $0xffff;
	v47 =	vor.u32 $0xDA, v3  }
0xef: {  	v32 =	vld.idx.msk [tilespmem:v60+s18+$0x0], $0xffff;
	v5 =	vadd.f32 v61, v5  }
0xf0: {  	v48 =	vmul.f32 v23, v34;
	v23 =	vld.idx.msk [tilespmem:v60+s19+$0x0], $0xffff;
	v49 =	vor.u32 $0xDB, v3  }
0xf1: {  	v34 =	vld.idx.msk [tilespmem:v62+s18+$0x0], $0xffff;
	v5 =	vadd.f32 v63, v5  }
0xf2: {  	v50 =	vmul.f32 v25, v36;
	v25 =	vld.idx.msk [tilespmem:v62+s19+$0x0], $0xffff;
	v51 =	vor.u32 $0xDC, v3  }
0xf3: {  	v36 =	vld.idx.msk [tilespmem:v47+s18+$0x0], $0xffff;
	v5 =	vadd.f32 v48, v5  }
0xf4: {  	v52 =	vmul.f32 v8, v38;
	v8 =	vld.idx.msk [tilespmem:v47+s19+$0x0], $0xffff;
	v53 =	vor.u32 $0xDD, v3  }
0xf5: {  	v38 =	vld.idx.msk [tilespmem:v49+s18+$0x0], $0xffff;
	v5 =	vadd.f32 v50, v5  }
0xf6: {  	v54 =	vmul.f32 v10, v40;
	v10 =	vld.idx.msk [tilespmem:v49+s19+$0x0], $0xffff;
	v55 =	vor.u32 $0xDE, v3  }
0xf7: {  	v40 =	vld.idx.msk [tilespmem:v51+s18+$0x0], $0xffff;
	v5 =	vadd.f32 v52, v5  }
0xf8: {  	v56 =	vmul.f32 v7, v42;
	v7 =	vld.idx.msk [tilespmem:v51+s19+$0x0], $0xffff;
	v57 =	vor.u32 $0xDF, v3  }
0xf9: {  	v42 =	vld.idx.msk [tilespmem:v53+s18+$0x0], $0xffff;
	v5 =	vadd.f32 v54, v5  }
0xfa: {  	v58 =	vmul.f32 v9, v44;
	v9 =	vld.idx.msk [tilespmem:v53+s19+$0x0], $0xffff;
	v59 =	vor.u32 $0xE0, v3  }
0xfb: {  	v44 =	vld.idx.msk [tilespmem:v55+s18+$0x0], $0xffff;
	v5 =	vadd.f32 v56, v5  }
0xfc: {  	v60 =	vmul.f32 v11, v45;
	v11 =	vld.idx.msk [tilespmem:v55+s19+$0x0], $0xffff;
	v61 =	vor.u32 $0xE1, v3  }
0xfd: {  	v45 =	vld.idx.msk [tilespmem:v57+s18+$0x0], $0xffff;
	v5 =	vadd.f32 v58, v5  }
0xfe: {  	v62 =	vmul.f32 v12, v46;
	v12 =	vld.idx.msk [tilespmem:v57+s19+$0x0], $0xffff;
	v63 =	vor.u32 $0xE2, v3  }
0xff: {  	v46 =	vld.idx.msk [tilespmem:v59+s18+$0x0], $0xffff;
	v5 =	vadd.f32 v60, v5  }
0x100: {  	v49 =	vor.u32 $0xE3, v3;
	v48 =	vmul.f32 v14, v43;
	v14 =	vld.idx.msk [tilespmem:v59+s19+$0x0], $0xffff  }
0x101: {  	v59 =	vor.u32 $0xE8, v3;
	v43 =	vld.idx.msk [tilespmem:v61+s18+$0x0], $0xffff;
	v5 =	vadd.f32 v62, v5  }
0x102: {  	v50 =	vmul.f32 v16, v39;
	v16 =	vld.idx.msk [tilespmem:v61+s19+$0x0], $0xffff  }
0x103: {  	v51 =	vor.u32 $0xE4, v3;
	v39 =	vld.idx.msk [tilespmem:v63+s18+$0x0], $0xffff;
	v5 =	vadd.f32 v48, v5  }
0x104: {  	v61 =	vor.u32 $0xE9, v3;
	v52 =	vmul.f32 v13, v41;
	v13 =	vld.idx.msk [tilespmem:v63+s19+$0x0], $0xffff  }
0x105: {  	v41 =	vld.idx.msk [tilespmem:v49+s18+$0x0], $0xffff;
	v5 =	vadd.f32 v50, v5  }
0x106: {  	v47 =	vmul.f32 v22, v28;
	v22 =	vld.idx.msk [tilespmem:v59+s19+$0x0], $0xffff  }
0x107: {  	v53 =	vor.u32 $0xE5, v3;
	v54 =	vmul.f32 v15, v33;
	v15 =	vld.idx.msk [tilespmem:v49+s19+$0x0], $0xffff;
	v5 =	vadd.f32 v52, v5  }
0x108: {  	v63 =	vor.u32 $0xEA, v3;
	v33 =	vld.idx.msk [tilespmem:v51+s18+$0x0], $0xffff  }
0x109: {  	v28 =	vld.idx.msk [tilespmem:v61+s18+$0x0], $0xffff;
	v56 =	vmul.f32 v17, v35;
	v5 =	vadd.f32 v54, v5  }
0x10a: {  	v49 =	vmul.f32 v21, v30;
	v21 =	vld.idx.msk [tilespmem:v61+s19+$0x0], $0xffff  }
0x10b: {  	v55 =	vor.u32 $0xE6, v3;
	v17 =	vld.idx.msk [tilespmem:v51+s19+$0x0], $0xffff;
	v58 =	vmul.f32 v19, v37;
	v5 =	vadd.f32 v56, v5  }
0x10c: {  	v35 =	vld.idx.msk [tilespmem:v53+s18+$0x0], $0xffff  }
0x10d: {  	v57 =	vor.u32 $0xE7, v3;
	v30 =	vld.idx.msk [tilespmem:v63+s18+$0x0], $0xffff;
	v60 =	vmul.f32 v18, v29;
	v5 =	vadd.f32 v58, v5  }
0x10e: {  	v51 =	vmul.f32 v23, v32;
	v23 =	vld.idx.msk [tilespmem:v63+s19+$0x0], $0xffff  }
0x10f: {  	v19 =	vld.idx.msk [tilespmem:v53+s19+$0x0], $0xffff;
	v62 =	vmul.f32 v20, v31;
	v5 =	vadd.f32 v60, v5  }
0x110: {  	v37 =	vld.idx.msk [tilespmem:v55+s18+$0x0], $0xffff;
	v48 =	vor.u32 $0xEB, v3  }
0x111: {  	v18 =	vld.idx.msk [tilespmem:v55+s19+$0x0], $0xffff;
	v5 =	vadd.f32 v62, v5  }
0x112: {  	v29 =	vld.idx.msk [tilespmem:v57+s18+$0x0], $0xffff;
	v50 =	vor.u32 $0xEC, v3  }
0x113: {  	v20 =	vld.idx.msk [tilespmem:v57+s19+$0x0], $0xffff;
	v5 =	vadd.f32 v47, v5  }
0x114: {  	v31 =	vld.idx.msk [tilespmem:v59+s18+$0x0], $0xffff;
	v52 =	vor.u32 $0xED, v3  }
0x115: {  	v32 =	vld.idx.msk [tilespmem:v48+s18+$0x0], $0xffff;
	v5 =	vadd.f32 v49, v5  }
0x116: {  	v53 =	vmul.f32 v25, v34;
	v25 =	vld.idx.msk [tilespmem:v48+s19+$0x0], $0xffff;
	v54 =	vor.u32 $0xEE, v3  }
0x117: {  	v34 =	vld.idx.msk [tilespmem:v50+s18+$0x0], $0xffff;
	v5 =	vadd.f32 v51, v5  }
0x118: {  	v55 =	vmul.f32 v8, v36;
	v8 =	vld.idx.msk [tilespmem:v50+s19+$0x0], $0xffff;
	v56 =	vor.u32 $0xEF, v3  }
0x119: {  	v36 =	vld.idx.msk [tilespmem:v52+s18+$0x0], $0xffff;
	v5 =	vadd.f32 v53, v5  }
0x11a: {  	v57 =	vmul.f32 v10, v38;
	v10 =	vld.idx.msk [tilespmem:v52+s19+$0x0], $0xffff;
	v58 =	vor.u32 $0xF0, v3  }
0x11b: {  	v38 =	vld.idx.msk [tilespmem:v54+s18+$0x0], $0xffff;
	v5 =	vadd.f32 v55, v5  }
0x11c: {  	v59 =	vmul.f32 v7, v40;
	v7 =	vld.idx.msk [tilespmem:v54+s19+$0x0], $0xffff;
	v60 =	vor.u32 $0xF1, v3  }
0x11d: {  	v40 =	vld.idx.msk [tilespmem:v56+s18+$0x0], $0xffff;
	v5 =	vadd.f32 v57, v5  }
0x11e: {  	v61 =	vmul.f32 v9, v42;
	v9 =	vld.idx.msk [tilespmem:v56+s19+$0x0], $0xffff;
	v62 =	vor.u32 $0xF2, v3  }
0x11f: {  	v42 =	vld.idx.msk [tilespmem:v58+s18+$0x0], $0xffff;
	v5 =	vadd.f32 v59, v5  }
0x120: {  	v63 =	vmul.f32 v11, v44;
	v48 =	vor.u32 $0xF3, v3;
	v11 =	vld.idx.msk [tilespmem:v58+s19+$0x0], $0xffff  }
0x121: {  	v44 =	vld.idx.msk [tilespmem:v60+s18+$0x0], $0xffff;
	v5 =	vadd.f32 v61, v5  }
0x122: {  	v50 =	vor.u32 $0xF4, v3;
	v49 =	vmul.f32 v12, v45;
	v12 =	vld.idx.msk [tilespmem:v60+s19+$0x0], $0xffff  }
0x123: {  	v60 =	vor.u32 $0xF9, v3;
	v45 =	vld.idx.msk [tilespmem:v62+s18+$0x0], $0xffff;
	v5 =	vadd.f32 v63, v5  }
0x124: {  	v51 =	vmul.f32 v14, v46;
	v14 =	vld.idx.msk [tilespmem:v62+s19+$0x0], $0xffff  }
0x125: {  	v52 =	vor.u32 $0xF5, v3;
	v46 =	vld.idx.msk [tilespmem:v48+s18+$0x0], $0xffff;
	v5 =	vadd.f32 v49, v5  }
0x126: {  	v47 =	vor.u32 $0xFB, v3;
	v53 =	vmul.f32 v16, v43;
	v16 =	vld.idx.msk [tilespmem:v48+s19+$0x0], $0xffff  }
0x127: {  	v62 =	vor.u32 $0xFA, v3;
	v43 =	vld.idx.msk [tilespmem:v50+s18+$0x0], $0xffff;
	v5 =	vadd.f32 v51, v5  }
0x128: {  	v48 =	vmul.f32 v20, v29;
	v20 =	vld.idx.msk [tilespmem:v60+s19+$0x0], $0xffff  }
0x129: {  	v55 =	vmul.f32 v13, v39;
	v13 =	vld.idx.msk [tilespmem:v50+s19+$0x0], $0xffff;
	v5 =	vadd.f32 v53, v5  }
0x12a: {  	v54 =	vor.u32 $0xF6, v3;
	v39 =	vld.idx.msk [tilespmem:v52+s18+$0x0], $0xffff  }
0x12b: {  	v50 =	vmul.f32 v22, v31;
	v31 =	vld.idx.msk [tilespmem:v47+s18+$0x0], $0xffff;
	v57 =	vmul.f32 v15, v41;
	v5 =	vadd.f32 v55, v5  }
0x12c: {  	v29 =	vld.idx.msk [tilespmem:v62+s18+$0x0], $0xffff  }
0x12d: {  	v56 =	vor.u32 $0xF7, v3;
	v22 =	vld.idx.msk [tilespmem:v62+s19+$0x0], $0xffff;
	v59 =	vmul.f32 v17, v33;
	v5 =	vadd.f32 v57, v5  }
0x12e: {  	v15 =	vld.idx.msk [tilespmem:v52+s19+$0x0], $0xffff  }
0x12f: {  	v58 =	vor.u32 $0xF8, v3;
	v41 =	vld.idx.msk [tilespmem:v54+s18+$0x0], $0xffff;
	v61 =	vmul.f32 v19, v35;
	v5 =	vadd.f32 v59, v5  }
0x130: {  	v52 =	vmul.f32 v21, v28;
	v21 =	vld.idx.msk [tilespmem:v47+s19+$0x0], $0xffff  }
0x131: {  	v17 =	vld.idx.msk [tilespmem:v54+s19+$0x0], $0xffff;
	v63 =	vmul.f32 v18, v37;
	v5 =	vadd.f32 v61, v5  }
0x132: {  	v33 =	vld.idx.msk [tilespmem:v56+s18+$0x0], $0xffff;
	v49 =	vor.u32 $0xFC, v3  }
0x133: {  	v19 =	vld.idx.msk [tilespmem:v56+s19+$0x0], $0xffff;
	v5 =	vadd.f32 v63, v5  }
0x134: {  	v35 =	vld.idx.msk [tilespmem:v58+s18+$0x0], $0xffff;
	v51 =	vor.u32 $0xFD, v3  }
0x135: {  	v18 =	vld.idx.msk [tilespmem:v58+s19+$0x0], $0xffff;
	v5 =	vadd.f32 v48, v5  }
0x136: {  	v37 =	vld.idx.msk [tilespmem:v60+s18+$0x0], $0xffff;
	v53 =	vor.u32 $0xFE, v3  }
0x137: {  	v28 =	vld.idx.msk [tilespmem:v49+s18+$0x0], $0xffff;
	v5 =	vadd.f32 v50, v5  }
0x138: {  	v54 =	vmul.f32 v23, v30;
	v23 =	vld.idx.msk [tilespmem:v49+s19+$0x0], $0xffff;
	v55 =	vor.u32 $0xFF, v3  }
0x139: {  	v30 =	vld.idx.msk [tilespmem:v51+s18+$0x0], $0xffff;
	v5 =	vadd.f32 v52, v5  }
0x13a: {  	v56 =	vmul.f32 v25, v32;
	v25 =	vld.idx.msk [tilespmem:v51+s19+$0x0], $0xffff  }
0x13b: {  	v26 =	vld.idx.msk [tilespmem:v53+s18+$0x0], $0xffff;
	v5 =	vadd.f32 v54, v5  }
0x13c: {  	v58 =	vor.u32 $0x1, v3;
	v57 =	vmul.f32 v8, v34;
	v8 =	vld.idx.msk [tilespmem:v53+s19+$0x0], $0xffff  }
0x13d: {  	v32 =	vld.idx.msk [tilespmem:v55+s18+$0x0], $0xffff;
	v5 =	vadd.f32 v56, v5  }
0x13e: {  	v60 =	vor.u32 $0x2, v3;
	v61 =	vld.idx.msk [tilespmem:v3+s18+$0x0], $0xffff  }
0x13f: {  	v59 =	vmul.f32 v10, v36;
	v63 =	vld.idx.msk [tilespmem:v3+s19+$0x0], $0xffff;
	v5 =	vadd.f32 v57, v5  }
0x140: {  	v47 =	vor.u32 $0x3, v3;
	v10 =	vld.idx.msk [tilespmem:v55+s19+$0x0], $0xffff  }
0x141: {  	v62 =	vmul.f32 v7, v38;
	v48 =	vld.idx.msk [tilespmem:v58+s18+$0x0], $0xffff;
	v5 =	vadd.f32 v59, v5  }
0x142: {  	v51 =	vor.u32 $0x4, v3;
	v50 =	vld.idx.msk [tilespmem:v58+s19+$0x0], $0xffff  }
0x143: {  	v49 =	vmul.f32 v9, v40;
	v52 =	vld.idx.msk [tilespmem:v60+s18+$0x0], $0xffff;
	v5 =	vadd.f32 v62, v5  }
0x144: {  	v55 =	vor.u32 $0x5, v3;
	v7 =	vmul.f32 v63, v61;
	v54 =	vld.idx.msk [tilespmem:v60+s19+$0x0], $0xffff  }
0x145: {  	v53 =	vmul.f32 v11, v42;
	v58 =	vld.idx.msk [tilespmem:v47+s19+$0x0], $0xffff;
	v5 =	vadd.f32 v49, v5  }
0x146: {  	v7 =	vadd.f32 $0.0e+00, v7;
	v56 =	vld.idx.msk [tilespmem:v47+s18+$0x0], $0xffff;
	v59 =	vor.u32 $0x6, v3  }
0x147: {  	v60 =	vld.idx.msk [tilespmem:v51+s18+$0x0], $0xffff;
	v9 =	vmul.f32 v50, v48;
	v57 =	vmul.f32 v12, v44;
	v5 =	vadd.f32 v53, v5  }
0x148: {  	v61 =	vmul.f32 v14, v45;
	v63 =	vor.u32 $0x7, v3;
	v45 =	vmul.f32 v16, v46;
	v62 =	vld.idx.msk [tilespmem:v51+s19+$0x0], $0xffff  }
0x149: {  	v46 =	vld.idx.msk [tilespmem:v55+s19+$0x0], $0xffff;
	v7 =	vadd.f32 v9, v7;
	v42 =	vmul.f32 v54, v52;
	v5 =	vadd.f32 v57, v5  }
0x14a: {  	v47 =	vor.u32 $0x8, v3;
	v44 =	vld.idx.msk [tilespmem:v55+s18+$0x0], $0xffff  }
0x14b: {  	v7 =	vadd.f32 v42, v7;
	v48 =	vmul.f32 v58, v56;
	v49 =	vld.idx.msk [tilespmem:v59+s18+$0x0], $0xffff;
	v5 =	vadd.f32 v61, v5  }
0x14c: {  	v50 =	vmul.f32 v13, v43;
	v52 =	vor.u32 $0x9, v3;
	v51 =	vld.idx.msk [tilespmem:v59+s19+$0x0], $0xffff  }
0x14d: {  	v54 =	vld.idx.msk [tilespmem:v63+s18+$0x0], $0xffff;
	v7 =	vadd.f32 v48, v7;
	v53 =	vmul.f32 v62, v60;
	v5 =	vadd.f32 v45, v5  }
0x14e: {  	v55 =	vmul.f32 v15, v39;
	v56 =	vld.idx.msk [tilespmem:v63+s19+$0x0], $0xffff;
	v57 =	vor.u32 $0xA, v3  }
0x14f: {  	v58 =	vmul.f32 v46, v44;
	v59 =	vld.idx.msk [tilespmem:v47+s18+$0x0], $0xffff;
	v7 =	vadd.f32 v53, v7;
	v5 =	vadd.f32 v50, v5  }
0x150: {  	v60 =	vmul.f32 v17, v41;
	v62 =	vor.u32 $0xB, v3;
	v61 =	vld.idx.msk [tilespmem:v47+s19+$0x0], $0xffff  }
0x151: {  	v24 =	vld.idx.msk [tilespmem:v52+s18+$0x0], $0xffff;
	v63 =	vmul.f32 v51, v49;
	v7 =	vadd.f32 v58, v7;
	v5 =	vadd.f32 v55, v5  }
0x152: {  	v36 =	vmul.f32 v19, v33;
	v39 =	vor.u32 $0xC, v3;
	v38 =	vld.idx.msk [tilespmem:v52+s19+$0x0], $0xffff  }
0x153: {  	v40 =	vmul.f32 v56, v54;
	v7 =	vadd.f32 v63, v7;
	v41 =	vld.idx.msk [tilespmem:v57+s18+$0x0], $0xffff;
	v5 =	vadd.f32 v60, v5  }
0x154: {  	v42 =	vmul.f32 v18, v35;
	v44 =	vor.u32 $0xD, v3;
	v43 =	vld.idx.msk [tilespmem:v57+s19+$0x0], $0xffff  }
0x155: {  	v46 =	vld.idx.msk [tilespmem:v62+s18+$0x0], $0xffff;
	v7 =	vadd.f32 v40, v7;
	v45 =	vmul.f32 v61, v59;
	v5 =	vadd.f32 v36, v5  }
0x156: {  	v47 =	vmul.f32 v20, v37;
	v49 =	vor.u32 $0xE, v3;
	v48 =	vld.idx.msk [tilespmem:v62+s19+$0x0], $0xffff  }
0x157: {  	v53 =	vld.idx.msk [tilespmem:v39+s19+$0x0], $0xffff;
	v50 =	vmul.f32 v38, v24;
	v7 =	vadd.f32 v45, v7;
	v5 =	vadd.f32 v42, v5  }
0x158: {  	v52 =	vmul.f32 v22, v29;
	v54 =	vor.u32 $0xF, v3;
	v51 =	vld.idx.msk [tilespmem:v39+s18+$0x0], $0xffff  }
0x159: {  	v56 =	vld.idx.msk [tilespmem:v44+s18+$0x0], $0xffff;
	v55 =	vmul.f32 v43, v41;
	v7 =	vadd.f32 v50, v7;
	v5 =	vadd.f32 v47, v5  }
0x15a: {  	v58 =	vld.idx.msk [tilespmem:v44+s19+$0x0], $0xffff;
	v57 =	vmul.f32 v21, v31  }
0x15b: {  	v62 =	vld.idx.msk [tilespmem:v49+s19+$0x0], $0xffff;
	v59 =	vmul.f32 v48, v46;
	v7 =	vadd.f32 v55, v7;
	v5 =	vadd.f32 v52, v5  }
0x15c: {  	v61 =	vmul.f32 v23, v28;
	v60 =	vld.idx.msk [tilespmem:v49+s18+$0x0], $0xffff  }
0x15d: {  	v17 =	vld.idx.msk [tilespmem:v54+s18+$0x0], $0xffff;
	v63 =	vmul.f32 v53, v51;
	v7 =	vadd.f32 v59, v7;
	v5 =	vadd.f32 v57, v5  }
0x15e: {  	v18 =	vmul.f32 v25, v30;
	v20 =	vld.idx.msk [tilespmem:v54+s19+$0x0], $0xffff  }
0x15f: {  	v21 =	vmul.f32 v58, v56;
	v7 =	vadd.f32 v63, v7;
	v5 =	vadd.f32 v61, v5  }
0x160: {  	v22 =	vmul.f32 v8, v26  }
0x161: {  	v23 =	vmul.f32 v62, v60;
	v7 =	vadd.f32 v21, v7;
	v5 =	vadd.f32 v18, v5  }
0x162: {  	v24 =	vmul.f32 v10, v32  }
0x163: {  	v25 =	vmul.f32 v20, v17;
	v7 =	vadd.f32 v23, v7;
	v5 =	vadd.f32 v22, v5;
	_ =	sdelay $0x1  }
0x164: {  	v26 =	vadd.f32 v25, v7;
	v5 =	vadd.f32 v24, v5;
	_ =	sdelay $0x1  }
0x165: {  	v6 =	vmul.f32 $2.500000000e-01, v26;
	v5 =	vmul.f32 v5, v2;
	_ =	sdelay $0x1  }
0x166: {  	v6 =	vadd.f32 v6, v5;
	_ =	sdelay $0x1  }
0x167: {  	v6 =	vmul.f32 $1.442695020e+00, v6;
	_ =	sdelay $0x1  }
0x168: {  	(erf) = vpow2.f32 v6;
	_ =	sdelay $0x4  }
0x169: {  	v4 =	vshll.u32 v4, $0x4  }
0x16a: {  	v27 =	vor.u32 $0x10, v3;
	_ =	sdelay $0x1  }
0x16b: {  	v28 =	vor.u32 $0x11, v3  }
0x16c: {  	v29 =	vpop (erf)  }
0x16d: {  	v30 =	vor.u32 $0x12, v3;
	[tilespmem:v4+s21+$0x0] =	vst.idx.msk $0xffff, v29  }
0x16e: {  	v31 =	vld.idx.msk [tilespmem:v27+s18+$0x0], $0xffff  }
0x16f: {  	v32 =	vor.u32 $0x13, v3;
	v6 =	vld.idx.msk [tilespmem:v27+s19+$0x0], $0xffff  }
0x170: {  	v33 =	vld.idx.msk [tilespmem:v28+s18+$0x0], $0xffff  }
0x171: {  	v34 =	vor.u32 $0x14, v3;
	v7 =	vld.idx.msk [tilespmem:v28+s19+$0x0], $0xffff  }
0x172: {  	v35 =	vld.idx.msk [tilespmem:v30+s18+$0x0], $0xffff  }
0x173: {  	v36 =	vor.u32 $0x15, v3;
	v8 =	vld.idx.msk [tilespmem:v30+s19+$0x0], $0xffff  }
0x174: {  	v37 =	vld.idx.msk [tilespmem:v32+s18+$0x0], $0xffff;
	v6 =	vmul.f32 v6, v31  }
0x175: {  	v38 =	vor.u32 $0x16, v3;
	v10 =	vld.idx.msk [tilespmem:v32+s19+$0x0], $0xffff  }
0x176: {  	v39 =	vld.idx.msk [tilespmem:v34+s18+$0x0], $0xffff;
	v7 =	vmul.f32 v7, v33;
	v6 =	vadd.f32 $0.0e+00, v6  }
0x177: {  	v40 =	vor.u32 $0x17, v3;
	v12 =	vld.idx.msk [tilespmem:v34+s19+$0x0], $0xffff  }
0x178: {  	v42 =	vld.idx.msk [tilespmem:v36+s18+$0x0], $0xffff;
	v41 =	vmul.f32 v8, v35;
	v6 =	vadd.f32 v7, v6  }
0x179: {  	v44 =	vor.u32 $0x18, v3;
	v43 =	vld.idx.msk [tilespmem:v36+s19+$0x0], $0xffff  }
0x17a: {  	v46 =	vld.idx.msk [tilespmem:v38+s18+$0x0], $0xffff;
	v45 =	vmul.f32 v10, v37;
	v6 =	vadd.f32 v41, v6  }
0x17b: {  	v48 =	vor.u32 $0x19, v3;
	v47 =	vld.idx.msk [tilespmem:v38+s19+$0x0], $0xffff  }
0x17c: {  	v50 =	vld.idx.msk [tilespmem:v40+s18+$0x0], $0xffff;
	v49 =	vmul.f32 v12, v39;
	v6 =	vadd.f32 v45, v6  }
0x17d: {  	v52 =	vor.u32 $0x1A, v3;
	v51 =	vld.idx.msk [tilespmem:v40+s19+$0x0], $0xffff  }
0x17e: {  	v54 =	vld.idx.msk [tilespmem:v44+s18+$0x0], $0xffff;
	v53 =	vmul.f32 v43, v42;
	v6 =	vadd.f32 v49, v6  }
0x17f: {  	v56 =	vor.u32 $0x1B, v3;
	v55 =	vld.idx.msk [tilespmem:v44+s19+$0x0], $0xffff  }
0x180: {  	v58 =	vld.idx.msk [tilespmem:v48+s18+$0x0], $0xffff;
	v57 =	vmul.f32 v47, v46;
	v6 =	vadd.f32 v53, v6  }
0x181: {  	v60 =	vor.u32 $0x1C, v3;
	v59 =	vld.idx.msk [tilespmem:v48+s19+$0x0], $0xffff  }
0x182: {  	v62 =	vld.idx.msk [tilespmem:v52+s18+$0x0], $0xffff;
	v61 =	vmul.f32 v51, v50;
	v6 =	vadd.f32 v57, v6  }
0x183: {  	v20 =	vor.u32 $0x1D, v3;
	v63 =	vld.idx.msk [tilespmem:v52+s19+$0x0], $0xffff  }
0x184: {  	v22 =	vld.idx.msk [tilespmem:v56+s18+$0x0], $0xffff;
	v21 =	vmul.f32 v55, v54;
	v6 =	vadd.f32 v61, v6  }
0x185: {  	v24 =	vor.u32 $0x1E, v3;
	v23 =	vld.idx.msk [tilespmem:v56+s19+$0x0], $0xffff  }
0x186: {  	v26 =	vld.idx.msk [tilespmem:v60+s18+$0x0], $0xffff;
	v25 =	vmul.f32 v59, v58;
	v6 =	vadd.f32 v21, v6  }
0x187: {  	v27 =	vld.idx.msk [tilespmem:v60+s19+$0x0], $0xffff;
	v28 =	vor.u32 $0x1F, v3  }
0x188: {  	v30 =	vld.idx.msk [tilespmem:v20+s18+$0x0], $0xffff;
	v29 =	vmul.f32 v63, v62;
	v6 =	vadd.f32 v25, v6  }
0x189: {  	v31 =	vld.idx.msk [tilespmem:v20+s19+$0x0], $0xffff  }
0x18a: {  	v34 =	vld.idx.msk [tilespmem:v24+s19+$0x0], $0xffff;
	v32 =	vmul.f32 v23, v22;
	v6 =	vadd.f32 v29, v6  }
0x18b: {  	v33 =	vld.idx.msk [tilespmem:v24+s18+$0x0], $0xffff  }
0x18c: {  	v35 =	vmul.f32 v27, v26;
	v36 =	vld.idx.msk [tilespmem:v28+s18+$0x0], $0xffff;
	v6 =	vadd.f32 v32, v6  }
0x18d: {  	v37 =	vld.idx.msk [tilespmem:v28+s19+$0x0], $0xffff  }
0x18e: {  	v38 =	vmul.f32 v31, v30;
	v6 =	vadd.f32 v35, v6;
	_ =	sdelay $0x1  }
0x18f: {  	v39 =	vmul.f32 v34, v33;
	v6 =	vadd.f32 v38, v6;
	_ =	sdelay $0x1  }
0x190: {  	v40 =	vmul.f32 v37, v36;
	v6 =	vadd.f32 v39, v6;
	_ =	sdelay $0x1  }
0x191: {  	v6 =	vadd.f32 v40, v6;
	_ =	sdelay $0x1  }
0x192: {  	v6 =	vmul.f32 $2.500000000e-01, v6;
	_ =	sdelay $0x1  }
0x193: {  	v6 =	vadd.f32 v6, v5;
	_ =	sdelay $0x1  }
0x194: {  	v6 =	vmul.f32 $1.442695020e+00, v6;
	_ =	sdelay $0x1  }
0x195: {  	(erf) = vpow2.f32 v6;
	_ =	sdelay $0x4  }
0x196: {  	v41 =	vor.u32 $0x1, v4  }
0x197: {  	v42 =	vor.u32 $0x20, v3;
	_ =	sdelay $0x1  }
0x198: {  	v43 =	vor.u32 $0x21, v3  }
0x199: {  	v44 =	vpop (erf)  }
0x19a: {  	v45 =	vor.u32 $0x22, v3;
	[tilespmem:v41+s21+$0x0] =	vst.idx.msk $0xffff, v44  }
0x19b: {  	v9 =	vld.idx.msk [tilespmem:v42+s18+$0x0], $0xffff  }
0x19c: {  	v46 =	vor.u32 $0x23, v3;
	v7 =	vld.idx.msk [tilespmem:v42+s19+$0x0], $0xffff  }
0x19d: {  	v47 =	vld.idx.msk [tilespmem:v43+s18+$0x0], $0xffff  }
0x19e: {  	v48 =	vor.u32 $0x24, v3;
	v8 =	vld.idx.msk [tilespmem:v43+s19+$0x0], $0xffff  }
0x19f: {  	v49 =	vld.idx.msk [tilespmem:v45+s18+$0x0], $0xffff  }
0x1a0: {  	v50 =	vor.u32 $0x25, v3;
	v6 =	vld.idx.msk [tilespmem:v45+s19+$0x0], $0xffff  }
0x1a1: {  	v51 =	vld.idx.msk [tilespmem:v46+s18+$0x0], $0xffff;
	v7 =	vmul.f32 v7, v9  }
0x1a2: {  	v52 =	vor.u32 $0x26, v3;
	v10 =	vld.idx.msk [tilespmem:v46+s19+$0x0], $0xffff  }
0x1a3: {  	v53 =	vld.idx.msk [tilespmem:v48+s18+$0x0], $0xffff;
	v8 =	vmul.f32 v8, v47;
	v7 =	vadd.f32 $0.0e+00, v7  }
0x1a4: {  	v54 =	vor.u32 $0x27, v3;
	v12 =	vld.idx.msk [tilespmem:v48+s19+$0x0], $0xffff  }
0x1a5: {  	v55 =	vld.idx.msk [tilespmem:v50+s18+$0x0], $0xffff;
	v6 =	vmul.f32 v6, v49;
	v7 =	vadd.f32 v8, v7  }
0x1a6: {  	v57 =	vor.u32 $0x28, v3;
	v56 =	vld.idx.msk [tilespmem:v50+s19+$0x0], $0xffff  }
0x1a7: {  	v59 =	vld.idx.msk [tilespmem:v52+s18+$0x0], $0xffff;
	v58 =	vmul.f32 v10, v51;
	v6 =	vadd.f32 v6, v7  }
0x1a8: {  	v61 =	vor.u32 $0x29, v3;
	v60 =	vld.idx.msk [tilespmem:v52+s19+$0x0], $0xffff  }
0x1a9: {  	v63 =	vld.idx.msk [tilespmem:v54+s18+$0x0], $0xffff;
	v62 =	vmul.f32 v12, v53;
	v6 =	vadd.f32 v58, v6  }
0x1aa: {  	v21 =	vor.u32 $0x2A, v3;
	v20 =	vld.idx.msk [tilespmem:v54+s19+$0x0], $0xffff  }
0x1ab: {  	v23 =	vld.idx.msk [tilespmem:v57+s18+$0x0], $0xffff;
	v22 =	vmul.f32 v56, v55;
	v6 =	vadd.f32 v62, v6  }
0x1ac: {  	v25 =	vor.u32 $0x2B, v3;
	v24 =	vld.idx.msk [tilespmem:v57+s19+$0x0], $0xffff  }
0x1ad: {  	v27 =	vld.idx.msk [tilespmem:v61+s18+$0x0], $0xffff;
	v26 =	vmul.f32 v60, v59;
	v6 =	vadd.f32 v22, v6  }
0x1ae: {  	v29 =	vor.u32 $0x2C, v3;
	v28 =	vld.idx.msk [tilespmem:v61+s19+$0x0], $0xffff  }
0x1af: {  	v31 =	vld.idx.msk [tilespmem:v21+s18+$0x0], $0xffff;
	v30 =	vmul.f32 v20, v63;
	v6 =	vadd.f32 v26, v6  }
0x1b0: {  	v33 =	vor.u32 $0x2D, v3;
	v32 =	vld.idx.msk [tilespmem:v21+s19+$0x0], $0xffff  }
0x1b1: {  	v35 =	vld.idx.msk [tilespmem:v25+s18+$0x0], $0xffff;
	v34 =	vmul.f32 v24, v23;
	v6 =	vadd.f32 v30, v6  }
0x1b2: {  	v37 =	vor.u32 $0x2E, v3;
	v36 =	vld.idx.msk [tilespmem:v25+s19+$0x0], $0xffff  }
0x1b3: {  	v39 =	vld.idx.msk [tilespmem:v29+s18+$0x0], $0xffff;
	v38 =	vmul.f32 v28, v27;
	v6 =	vadd.f32 v34, v6  }
0x1b4: {  	v41 =	vor.u32 $0x2F, v3;
	v40 =	vld.idx.msk [tilespmem:v29+s19+$0x0], $0xffff  }
0x1b5: {  	v43 =	vld.idx.msk [tilespmem:v33+s18+$0x0], $0xffff;
	v42 =	vmul.f32 v32, v31;
	v6 =	vadd.f32 v38, v6  }
0x1b6: {  	v44 =	vld.idx.msk [tilespmem:v33+s19+$0x0], $0xffff  }
0x1b7: {  	v46 =	vld.idx.msk [tilespmem:v37+s18+$0x0], $0xffff;
	v45 =	vmul.f32 v36, v35;
	v6 =	vadd.f32 v42, v6  }
0x1b8: {  	v47 =	vld.idx.msk [tilespmem:v37+s19+$0x0], $0xffff  }
0x1b9: {  	v50 =	vld.idx.msk [tilespmem:v41+s19+$0x0], $0xffff;
	v48 =	vmul.f32 v40, v39;
	v6 =	vadd.f32 v45, v6  }
0x1ba: {  	v49 =	vld.idx.msk [tilespmem:v41+s18+$0x0], $0xffff  }
0x1bb: {  	v51 =	vmul.f32 v44, v43;
	v6 =	vadd.f32 v48, v6;
	_ =	sdelay $0x1  }
0x1bc: {  	v52 =	vmul.f32 v47, v46;
	v6 =	vadd.f32 v51, v6;
	_ =	sdelay $0x1  }
0x1bd: {  	v53 =	vmul.f32 v50, v49;
	v6 =	vadd.f32 v52, v6;
	_ =	sdelay $0x1  }
0x1be: {  	v6 =	vadd.f32 v53, v6;
	_ =	sdelay $0x1  }
0x1bf: {  	v6 =	vmul.f32 $2.500000000e-01, v6;
	_ =	sdelay $0x1  }
0x1c0: {  	v6 =	vadd.f32 v6, v5;
	_ =	sdelay $0x1  }
0x1c1: {  	v6 =	vmul.f32 $1.442695020e+00, v6;
	_ =	sdelay $0x1  }
0x1c2: {  	(erf) = vpow2.f32 v6;
	_ =	sdelay $0x4  }
0x1c3: {  	v54 =	vor.u32 $0x2, v4  }
0x1c4: {  	v55 =	vor.u32 $0x30, v3;
	_ =	sdelay $0x1  }
0x1c5: {  	v56 =	vor.u32 $0x31, v3  }
0x1c6: {  	v57 =	vpop (erf)  }
0x1c7: {  	v58 =	vor.u32 $0x32, v3;
	[tilespmem:v54+s21+$0x0] =	vst.idx.msk $0xffff, v57  }
0x1c8: {  	v9 =	vld.idx.msk [tilespmem:v55+s18+$0x0], $0xffff  }
0x1c9: {  	v59 =	vor.u32 $0x33, v3;
	v7 =	vld.idx.msk [tilespmem:v55+s19+$0x0], $0xffff  }
0x1ca: {  	v60 =	vld.idx.msk [tilespmem:v56+s18+$0x0], $0xffff  }
0x1cb: {  	v61 =	vor.u32 $0x34, v3;
	v8 =	vld.idx.msk [tilespmem:v56+s19+$0x0], $0xffff  }
0x1cc: {  	v62 =	vld.idx.msk [tilespmem:v58+s18+$0x0], $0xffff  }
0x1cd: {  	v63 =	vor.u32 $0x35, v3;
	v6 =	vld.idx.msk [tilespmem:v58+s19+$0x0], $0xffff  }
0x1ce: {  	v20 =	vld.idx.msk [tilespmem:v59+s18+$0x0], $0xffff;
	v7 =	vmul.f32 v7, v9  }
0x1cf: {  	v21 =	vor.u32 $0x36, v3;
	v10 =	vld.idx.msk [tilespmem:v59+s19+$0x0], $0xffff  }
0x1d0: {  	v22 =	vld.idx.msk [tilespmem:v61+s18+$0x0], $0xffff;
	v8 =	vmul.f32 v8, v60;
	v7 =	vadd.f32 $0.0e+00, v7  }
0x1d1: {  	v23 =	vor.u32 $0x37, v3;
	v12 =	vld.idx.msk [tilespmem:v61+s19+$0x0], $0xffff  }
0x1d2: {  	v24 =	vld.idx.msk [tilespmem:v63+s18+$0x0], $0xffff;
	v6 =	vmul.f32 v6, v62;
	v7 =	vadd.f32 v8, v7  }
0x1d3: {  	v26 =	vor.u32 $0x38, v3;
	v25 =	vld.idx.msk [tilespmem:v63+s19+$0x0], $0xffff  }
0x1d4: {  	v28 =	vld.idx.msk [tilespmem:v21+s18+$0x0], $0xffff;
	v27 =	vmul.f32 v10, v20;
	v6 =	vadd.f32 v6, v7  }
0x1d5: {  	v30 =	vor.u32 $0x39, v3;
	v29 =	vld.idx.msk [tilespmem:v21+s19+$0x0], $0xffff  }
0x1d6: {  	v32 =	vld.idx.msk [tilespmem:v23+s18+$0x0], $0xffff;
	v31 =	vmul.f32 v12, v22;
	v6 =	vadd.f32 v27, v6  }
0x1d7: {  	v34 =	vor.u32 $0x3A, v3;
	v33 =	vld.idx.msk [tilespmem:v23+s19+$0x0], $0xffff  }
0x1d8: {  	v36 =	vld.idx.msk [tilespmem:v26+s18+$0x0], $0xffff;
	v35 =	vmul.f32 v25, v24;
	v6 =	vadd.f32 v31, v6  }
0x1d9: {  	v38 =	vor.u32 $0x3B, v3;
	v37 =	vld.idx.msk [tilespmem:v26+s19+$0x0], $0xffff  }
0x1da: {  	v40 =	vld.idx.msk [tilespmem:v30+s18+$0x0], $0xffff;
	v39 =	vmul.f32 v29, v28;
	v6 =	vadd.f32 v35, v6  }
0x1db: {  	v42 =	vor.u32 $0x3C, v3;
	v41 =	vld.idx.msk [tilespmem:v30+s19+$0x0], $0xffff  }
0x1dc: {  	v44 =	vld.idx.msk [tilespmem:v34+s18+$0x0], $0xffff;
	v43 =	vmul.f32 v33, v32;
	v6 =	vadd.f32 v39, v6  }
0x1dd: {  	v46 =	vor.u32 $0x3D, v3;
	v45 =	vld.idx.msk [tilespmem:v34+s19+$0x0], $0xffff  }
0x1de: {  	v48 =	vld.idx.msk [tilespmem:v38+s18+$0x0], $0xffff;
	v47 =	vmul.f32 v37, v36;
	v6 =	vadd.f32 v43, v6  }
0x1df: {  	v50 =	vor.u32 $0x3E, v3;
	v49 =	vld.idx.msk [tilespmem:v38+s19+$0x0], $0xffff  }
0x1e0: {  	v52 =	vld.idx.msk [tilespmem:v42+s18+$0x0], $0xffff;
	v51 =	vmul.f32 v41, v40;
	v6 =	vadd.f32 v47, v6  }
0x1e1: {  	v54 =	vor.u32 $0x3F, v3;
	v53 =	vld.idx.msk [tilespmem:v42+s19+$0x0], $0xffff  }
0x1e2: {  	v56 =	vld.idx.msk [tilespmem:v46+s18+$0x0], $0xffff;
	v55 =	vmul.f32 v45, v44;
	v6 =	vadd.f32 v51, v6  }
0x1e3: {  	v57 =	vld.idx.msk [tilespmem:v46+s19+$0x0], $0xffff  }
0x1e4: {  	v59 =	vld.idx.msk [tilespmem:v50+s18+$0x0], $0xffff;
	v58 =	vmul.f32 v49, v48;
	v6 =	vadd.f32 v55, v6  }
0x1e5: {  	v60 =	vld.idx.msk [tilespmem:v50+s19+$0x0], $0xffff  }
0x1e6: {  	v63 =	vld.idx.msk [tilespmem:v54+s19+$0x0], $0xffff;
	v61 =	vmul.f32 v53, v52;
	v6 =	vadd.f32 v58, v6  }
0x1e7: {  	v62 =	vld.idx.msk [tilespmem:v54+s18+$0x0], $0xffff  }
0x1e8: {  	v14 =	vmul.f32 v57, v56;
	v6 =	vadd.f32 v61, v6;
	_ =	sdelay $0x1  }
0x1e9: {  	v15 =	vmul.f32 v60, v59;
	v6 =	vadd.f32 v14, v6;
	_ =	sdelay $0x1  }
0x1ea: {  	v16 =	vmul.f32 v63, v62;
	v6 =	vadd.f32 v15, v6;
	_ =	sdelay $0x1  }
0x1eb: {  	v6 =	vadd.f32 v16, v6;
	_ =	sdelay $0x1  }
0x1ec: {  	v6 =	vmul.f32 $2.500000000e-01, v6;
	_ =	sdelay $0x1  }
0x1ed: {  	v6 =	vadd.f32 v6, v5;
	_ =	sdelay $0x1  }
0x1ee: {  	v6 =	vmul.f32 $1.442695020e+00, v6;
	_ =	sdelay $0x1  }
0x1ef: {  	(erf) = vpow2.f32 v6;
	_ =	sdelay $0x4  }
0x1f0: {  	v17 =	vor.u32 $0x3, v4  }
0x1f1: {  	v18 =	vor.u32 $0x40, v3;
	_ =	sdelay $0x1  }
0x1f2: {  	v19 =	vor.u32 $0x41, v3  }
0x1f3: {  	v20 =	vpop (erf)  }
0x1f4: {  	v21 =	vor.u32 $0x42, v3;
	[tilespmem:v17+s21+$0x0] =	vst.idx.msk $0xffff, v20  }
0x1f5: {  	v9 =	vld.idx.msk [tilespmem:v18+s18+$0x0], $0xffff  }
0x1f6: {  	v22 =	vor.u32 $0x43, v3;
	v7 =	vld.idx.msk [tilespmem:v18+s19+$0x0], $0xffff  }
0x1f7: {  	v23 =	vld.idx.msk [tilespmem:v19+s18+$0x0], $0xffff  }
0x1f8: {  	v24 =	vor.u32 $0x44, v3;
	v8 =	vld.idx.msk [tilespmem:v19+s19+$0x0], $0xffff  }
0x1f9: {  	v25 =	vld.idx.msk [tilespmem:v21+s18+$0x0], $0xffff  }
0x1fa: {  	v26 =	vor.u32 $0x45, v3;
	v6 =	vld.idx.msk [tilespmem:v21+s19+$0x0], $0xffff  }
0x1fb: {  	v27 =	vld.idx.msk [tilespmem:v22+s18+$0x0], $0xffff;
	v7 =	vmul.f32 v7, v9  }
0x1fc: {  	v28 =	vor.u32 $0x46, v3;
	v10 =	vld.idx.msk [tilespmem:v22+s19+$0x0], $0xffff  }
0x1fd: {  	v29 =	vld.idx.msk [tilespmem:v24+s18+$0x0], $0xffff;
	v8 =	vmul.f32 v8, v23;
	v7 =	vadd.f32 $0.0e+00, v7  }
0x1fe: {  	v30 =	vor.u32 $0x47, v3;
	v12 =	vld.idx.msk [tilespmem:v24+s19+$0x0], $0xffff  }
0x1ff: {  	v31 =	vld.idx.msk [tilespmem:v26+s18+$0x0], $0xffff;
	v6 =	vmul.f32 v6, v25;
	v7 =	vadd.f32 v8, v7  }
0x200: {  	v33 =	vor.u32 $0x48, v3;
	v32 =	vld.idx.msk [tilespmem:v26+s19+$0x0], $0xffff  }
0x201: {  	v35 =	vld.idx.msk [tilespmem:v28+s18+$0x0], $0xffff;
	v34 =	vmul.f32 v10, v27;
	v6 =	vadd.f32 v6, v7  }
0x202: {  	v37 =	vor.u32 $0x49, v3;
	v36 =	vld.idx.msk [tilespmem:v28+s19+$0x0], $0xffff  }
0x203: {  	v39 =	vld.idx.msk [tilespmem:v30+s18+$0x0], $0xffff;
	v38 =	vmul.f32 v12, v29;
	v6 =	vadd.f32 v34, v6  }
0x204: {  	v41 =	vor.u32 $0x4A, v3;
	v40 =	vld.idx.msk [tilespmem:v30+s19+$0x0], $0xffff  }
0x205: {  	v43 =	vld.idx.msk [tilespmem:v33+s18+$0x0], $0xffff;
	v42 =	vmul.f32 v32, v31;
	v6 =	vadd.f32 v38, v6  }
0x206: {  	v45 =	vor.u32 $0x4B, v3;
	v44 =	vld.idx.msk [tilespmem:v33+s19+$0x0], $0xffff  }
0x207: {  	v47 =	vld.idx.msk [tilespmem:v37+s18+$0x0], $0xffff;
	v46 =	vmul.f32 v36, v35;
	v6 =	vadd.f32 v42, v6  }
0x208: {  	v49 =	vor.u32 $0x4C, v3;
	v48 =	vld.idx.msk [tilespmem:v37+s19+$0x0], $0xffff  }
0x209: {  	v51 =	vld.idx.msk [tilespmem:v41+s18+$0x0], $0xffff;
	v50 =	vmul.f32 v40, v39;
	v6 =	vadd.f32 v46, v6  }
0x20a: {  	v53 =	vor.u32 $0x4D, v3;
	v52 =	vld.idx.msk [tilespmem:v41+s19+$0x0], $0xffff  }
0x20b: {  	v55 =	vld.idx.msk [tilespmem:v45+s18+$0x0], $0xffff;
	v54 =	vmul.f32 v44, v43;
	v6 =	vadd.f32 v50, v6  }
0x20c: {  	v57 =	vor.u32 $0x4E, v3;
	v56 =	vld.idx.msk [tilespmem:v45+s19+$0x0], $0xffff  }
0x20d: {  	v59 =	vld.idx.msk [tilespmem:v49+s18+$0x0], $0xffff;
	v58 =	vmul.f32 v48, v47;
	v6 =	vadd.f32 v54, v6  }
0x20e: {  	v61 =	vor.u32 $0x4F, v3;
	v60 =	vld.idx.msk [tilespmem:v49+s19+$0x0], $0xffff  }
0x20f: {  	v63 =	vld.idx.msk [tilespmem:v53+s18+$0x0], $0xffff;
	v62 =	vmul.f32 v52, v51;
	v6 =	vadd.f32 v58, v6  }
0x210: {  	v17 =	vld.idx.msk [tilespmem:v53+s19+$0x0], $0xffff  }
0x211: {  	v19 =	vld.idx.msk [tilespmem:v57+s18+$0x0], $0xffff;
	v18 =	vmul.f32 v56, v55;
	v6 =	vadd.f32 v62, v6  }
0x212: {  	v20 =	vld.idx.msk [tilespmem:v57+s19+$0x0], $0xffff  }
0x213: {  	v22 =	vld.idx.msk [tilespmem:v61+s18+$0x0], $0xffff;
	v21 =	vmul.f32 v60, v59;
	v6 =	vadd.f32 v18, v6  }
0x214: {  	v23 =	vld.idx.msk [tilespmem:v61+s19+$0x0], $0xffff  }
0x215: {  	v24 =	vmul.f32 v17, v63;
	v6 =	vadd.f32 v21, v6;
	_ =	sdelay $0x1  }
0x216: {  	v25 =	vmul.f32 v20, v19;
	v6 =	vadd.f32 v24, v6;
	_ =	sdelay $0x1  }
0x217: {  	v26 =	vmul.f32 v23, v22;
	v6 =	vadd.f32 v25, v6;
	_ =	sdelay $0x1  }
0x218: {  	v6 =	vadd.f32 v26, v6;
	_ =	sdelay $0x1  }
0x219: {  	v6 =	vmul.f32 $2.500000000e-01, v6;
	_ =	sdelay $0x1  }
0x21a: {  	v6 =	vadd.f32 v6, v5;
	_ =	sdelay $0x1  }
0x21b: {  	v6 =	vmul.f32 $1.442695020e+00, v6;
	_ =	sdelay $0x1  }
0x21c: {  	(erf) = vpow2.f32 v6;
	_ =	sdelay $0x4  }
0x21d: {  	v27 =	vor.u32 $0x4, v4  }
0x21e: {  	v28 =	vor.u32 $0x50, v3;
	_ =	sdelay $0x1  }
0x21f: {  	v29 =	vor.u32 $0x51, v3  }
0x220: {  	v30 =	vpop (erf)  }
0x221: {  	v31 =	vor.u32 $0x52, v3;
	[tilespmem:v27+s21+$0x0] =	vst.idx.msk $0xffff, v30  }
0x222: {  	v9 =	vld.idx.msk [tilespmem:v28+s18+$0x0], $0xffff  }
0x223: {  	v32 =	vor.u32 $0x53, v3;
	v7 =	vld.idx.msk [tilespmem:v28+s19+$0x0], $0xffff  }
0x224: {  	v33 =	vld.idx.msk [tilespmem:v29+s18+$0x0], $0xffff  }
0x225: {  	v34 =	vor.u32 $0x54, v3;
	v8 =	vld.idx.msk [tilespmem:v29+s19+$0x0], $0xffff  }
0x226: {  	v35 =	vld.idx.msk [tilespmem:v31+s18+$0x0], $0xffff  }
0x227: {  	v36 =	vor.u32 $0x55, v3;
	v6 =	vld.idx.msk [tilespmem:v31+s19+$0x0], $0xffff  }
0x228: {  	v37 =	vld.idx.msk [tilespmem:v32+s18+$0x0], $0xffff;
	v7 =	vmul.f32 v7, v9  }
0x229: {  	v38 =	vor.u32 $0x56, v3;
	v10 =	vld.idx.msk [tilespmem:v32+s19+$0x0], $0xffff  }
0x22a: {  	v39 =	vld.idx.msk [tilespmem:v34+s18+$0x0], $0xffff;
	v8 =	vmul.f32 v8, v33;
	v7 =	vadd.f32 $0.0e+00, v7  }
0x22b: {  	v40 =	vor.u32 $0x57, v3;
	v12 =	vld.idx.msk [tilespmem:v34+s19+$0x0], $0xffff  }
0x22c: {  	v41 =	vld.idx.msk [tilespmem:v36+s18+$0x0], $0xffff;
	v6 =	vmul.f32 v6, v35;
	v7 =	vadd.f32 v8, v7  }
0x22d: {  	v43 =	vor.u32 $0x58, v3;
	v42 =	vld.idx.msk [tilespmem:v36+s19+$0x0], $0xffff  }
0x22e: {  	v45 =	vld.idx.msk [tilespmem:v38+s18+$0x0], $0xffff;
	v44 =	vmul.f32 v10, v37;
	v6 =	vadd.f32 v6, v7  }
0x22f: {  	v47 =	vor.u32 $0x59, v3;
	v46 =	vld.idx.msk [tilespmem:v38+s19+$0x0], $0xffff  }
0x230: {  	v49 =	vld.idx.msk [tilespmem:v40+s18+$0x0], $0xffff;
	v48 =	vmul.f32 v12, v39;
	v6 =	vadd.f32 v44, v6  }
0x231: {  	v51 =	vor.u32 $0x5A, v3;
	v50 =	vld.idx.msk [tilespmem:v40+s19+$0x0], $0xffff  }
0x232: {  	v53 =	vld.idx.msk [tilespmem:v43+s18+$0x0], $0xffff;
	v52 =	vmul.f32 v42, v41;
	v6 =	vadd.f32 v48, v6  }
0x233: {  	v55 =	vor.u32 $0x5B, v3;
	v54 =	vld.idx.msk [tilespmem:v43+s19+$0x0], $0xffff  }
0x234: {  	v57 =	vld.idx.msk [tilespmem:v47+s18+$0x0], $0xffff;
	v56 =	vmul.f32 v46, v45;
	v6 =	vadd.f32 v52, v6  }
0x235: {  	v59 =	vor.u32 $0x5C, v3;
	v58 =	vld.idx.msk [tilespmem:v47+s19+$0x0], $0xffff  }
0x236: {  	v61 =	vld.idx.msk [tilespmem:v51+s18+$0x0], $0xffff;
	v60 =	vmul.f32 v50, v49;
	v6 =	vadd.f32 v56, v6  }
0x237: {  	v63 =	vor.u32 $0x5D, v3;
	v62 =	vld.idx.msk [tilespmem:v51+s19+$0x0], $0xffff  }
0x238: {  	v21 =	vld.idx.msk [tilespmem:v55+s18+$0x0], $0xffff;
	v20 =	vmul.f32 v54, v53;
	v6 =	vadd.f32 v60, v6  }
0x239: {  	v23 =	vor.u32 $0x5E, v3;
	v22 =	vld.idx.msk [tilespmem:v55+s19+$0x0], $0xffff  }
0x23a: {  	v25 =	vld.idx.msk [tilespmem:v59+s18+$0x0], $0xffff;
	v24 =	vmul.f32 v58, v57;
	v6 =	vadd.f32 v20, v6  }
0x23b: {  	v27 =	vor.u32 $0x5F, v3;
	v26 =	vld.idx.msk [tilespmem:v59+s19+$0x0], $0xffff  }
0x23c: {  	v29 =	vld.idx.msk [tilespmem:v63+s18+$0x0], $0xffff;
	v28 =	vmul.f32 v62, v61;
	v6 =	vadd.f32 v24, v6  }
0x23d: {  	v30 =	vld.idx.msk [tilespmem:v63+s19+$0x0], $0xffff  }
0x23e: {  	v32 =	vld.idx.msk [tilespmem:v23+s18+$0x0], $0xffff;
	v31 =	vmul.f32 v22, v21;
	v6 =	vadd.f32 v28, v6  }
0x23f: {  	v33 =	vld.idx.msk [tilespmem:v23+s19+$0x0], $0xffff  }
0x240: {  	v36 =	vld.idx.msk [tilespmem:v27+s19+$0x0], $0xffff;
	v34 =	vmul.f32 v26, v25;
	v6 =	vadd.f32 v31, v6  }
0x241: {  	v35 =	vld.idx.msk [tilespmem:v27+s18+$0x0], $0xffff  }
0x242: {  	v37 =	vmul.f32 v30, v29;
	v6 =	vadd.f32 v34, v6;
	_ =	sdelay $0x1  }
0x243: {  	v38 =	vmul.f32 v33, v32;
	v6 =	vadd.f32 v37, v6;
	_ =	sdelay $0x1  }
0x244: {  	v39 =	vmul.f32 v36, v35;
	v6 =	vadd.f32 v38, v6;
	_ =	sdelay $0x1  }
0x245: {  	v6 =	vadd.f32 v39, v6;
	_ =	sdelay $0x1  }
0x246: {  	v6 =	vmul.f32 $2.500000000e-01, v6;
	_ =	sdelay $0x1  }
0x247: {  	v6 =	vadd.f32 v6, v5;
	_ =	sdelay $0x1  }
0x248: {  	v6 =	vmul.f32 $1.442695020e+00, v6;
	_ =	sdelay $0x1  }
0x249: {  	(erf) = vpow2.f32 v6;
	_ =	sdelay $0x4  }
0x24a: {  	v40 =	vor.u32 $0x5, v4  }
0x24b: {  	v41 =	vor.u32 $0x60, v3;
	_ =	sdelay $0x1  }
0x24c: {  	v42 =	vor.u32 $0x61, v3  }
0x24d: {  	v43 =	vpop (erf)  }
0x24e: {  	v44 =	vor.u32 $0x62, v3;
	[tilespmem:v40+s21+$0x0] =	vst.idx.msk $0xffff, v43  }
0x24f: {  	v9 =	vld.idx.msk [tilespmem:v41+s18+$0x0], $0xffff  }
0x250: {  	v45 =	vor.u32 $0x63, v3;
	v7 =	vld.idx.msk [tilespmem:v41+s19+$0x0], $0xffff  }
0x251: {  	v46 =	vld.idx.msk [tilespmem:v42+s18+$0x0], $0xffff  }
0x252: {  	v47 =	vor.u32 $0x64, v3;
	v8 =	vld.idx.msk [tilespmem:v42+s19+$0x0], $0xffff  }
0x253: {  	v48 =	vld.idx.msk [tilespmem:v44+s18+$0x0], $0xffff  }
0x254: {  	v49 =	vor.u32 $0x65, v3;
	v6 =	vld.idx.msk [tilespmem:v44+s19+$0x0], $0xffff  }
0x255: {  	v50 =	vld.idx.msk [tilespmem:v45+s18+$0x0], $0xffff;
	v7 =	vmul.f32 v7, v9  }
0x256: {  	v51 =	vor.u32 $0x66, v3;
	v10 =	vld.idx.msk [tilespmem:v45+s19+$0x0], $0xffff  }
0x257: {  	v52 =	vld.idx.msk [tilespmem:v47+s18+$0x0], $0xffff;
	v8 =	vmul.f32 v8, v46;
	v7 =	vadd.f32 $0.0e+00, v7  }
0x258: {  	v53 =	vor.u32 $0x67, v3;
	v12 =	vld.idx.msk [tilespmem:v47+s19+$0x0], $0xffff  }
0x259: {  	v54 =	vld.idx.msk [tilespmem:v49+s18+$0x0], $0xffff;
	v6 =	vmul.f32 v6, v48;
	v7 =	vadd.f32 v8, v7  }
0x25a: {  	v56 =	vor.u32 $0x68, v3;
	v55 =	vld.idx.msk [tilespmem:v49+s19+$0x0], $0xffff  }
0x25b: {  	v58 =	vld.idx.msk [tilespmem:v51+s18+$0x0], $0xffff;
	v57 =	vmul.f32 v10, v50;
	v6 =	vadd.f32 v6, v7  }
0x25c: {  	v60 =	vor.u32 $0x69, v3;
	v59 =	vld.idx.msk [tilespmem:v51+s19+$0x0], $0xffff  }
0x25d: {  	v62 =	vld.idx.msk [tilespmem:v53+s18+$0x0], $0xffff;
	v61 =	vmul.f32 v12, v52;
	v6 =	vadd.f32 v57, v6  }
0x25e: {  	v20 =	vor.u32 $0x6A, v3;
	v63 =	vld.idx.msk [tilespmem:v53+s19+$0x0], $0xffff  }
0x25f: {  	v22 =	vld.idx.msk [tilespmem:v56+s18+$0x0], $0xffff;
	v21 =	vmul.f32 v55, v54;
	v6 =	vadd.f32 v61, v6  }
0x260: {  	v24 =	vor.u32 $0x6B, v3;
	v23 =	vld.idx.msk [tilespmem:v56+s19+$0x0], $0xffff  }
0x261: {  	v26 =	vld.idx.msk [tilespmem:v60+s18+$0x0], $0xffff;
	v25 =	vmul.f32 v59, v58;
	v6 =	vadd.f32 v21, v6  }
0x262: {  	v28 =	vor.u32 $0x6C, v3;
	v27 =	vld.idx.msk [tilespmem:v60+s19+$0x0], $0xffff  }
0x263: {  	v30 =	vld.idx.msk [tilespmem:v20+s18+$0x0], $0xffff;
	v29 =	vmul.f32 v63, v62;
	v6 =	vadd.f32 v25, v6  }
0x264: {  	v32 =	vor.u32 $0x6D, v3;
	v31 =	vld.idx.msk [tilespmem:v20+s19+$0x0], $0xffff  }
0x265: {  	v34 =	vld.idx.msk [tilespmem:v24+s18+$0x0], $0xffff;
	v33 =	vmul.f32 v23, v22;
	v6 =	vadd.f32 v29, v6  }
0x266: {  	v36 =	vor.u32 $0x6E, v3;
	v35 =	vld.idx.msk [tilespmem:v24+s19+$0x0], $0xffff  }
0x267: {  	v38 =	vld.idx.msk [tilespmem:v28+s18+$0x0], $0xffff;
	v37 =	vmul.f32 v27, v26;
	v6 =	vadd.f32 v33, v6  }
0x268: {  	v40 =	vor.u32 $0x6F, v3;
	v39 =	vld.idx.msk [tilespmem:v28+s19+$0x0], $0xffff  }
0x269: {  	v42 =	vld.idx.msk [tilespmem:v32+s18+$0x0], $0xffff;
	v41 =	vmul.f32 v31, v30;
	v6 =	vadd.f32 v37, v6  }
0x26a: {  	v43 =	vld.idx.msk [tilespmem:v32+s19+$0x0], $0xffff  }
0x26b: {  	v45 =	vld.idx.msk [tilespmem:v36+s18+$0x0], $0xffff;
	v44 =	vmul.f32 v35, v34;
	v6 =	vadd.f32 v41, v6  }
0x26c: {  	v46 =	vld.idx.msk [tilespmem:v36+s19+$0x0], $0xffff  }
0x26d: {  	v49 =	vld.idx.msk [tilespmem:v40+s19+$0x0], $0xffff;
	v47 =	vmul.f32 v39, v38;
	v6 =	vadd.f32 v44, v6  }
0x26e: {  	v48 =	vld.idx.msk [tilespmem:v40+s18+$0x0], $0xffff  }
0x26f: {  	v50 =	vmul.f32 v43, v42;
	v6 =	vadd.f32 v47, v6;
	_ =	sdelay $0x1  }
0x270: {  	v51 =	vmul.f32 v46, v45;
	v6 =	vadd.f32 v50, v6;
	_ =	sdelay $0x1  }
0x271: {  	v52 =	vmul.f32 v49, v48;
	v6 =	vadd.f32 v51, v6;
	_ =	sdelay $0x1  }
0x272: {  	v6 =	vadd.f32 v52, v6;
	_ =	sdelay $0x1  }
0x273: {  	v6 =	vmul.f32 $2.500000000e-01, v6;
	_ =	sdelay $0x1  }
0x274: {  	v6 =	vadd.f32 v6, v5;
	_ =	sdelay $0x1  }
0x275: {  	v6 =	vmul.f32 $1.442695020e+00, v6;
	_ =	sdelay $0x1  }
0x276: {  	(erf) = vpow2.f32 v6;
	_ =	sdelay $0x4  }
0x277: {  	v53 =	vor.u32 $0x6, v4  }
0x278: {  	v54 =	vor.u32 $0x70, v3;
	_ =	sdelay $0x1  }
0x279: {  	v55 =	vor.u32 $0x71, v3  }
0x27a: {  	v56 =	vpop (erf)  }
0x27b: {  	v57 =	vor.u32 $0x72, v3;
	[tilespmem:v53+s21+$0x0] =	vst.idx.msk $0xffff, v56  }
0x27c: {  	v9 =	vld.idx.msk [tilespmem:v54+s18+$0x0], $0xffff  }
0x27d: {  	v58 =	vor.u32 $0x73, v3;
	v7 =	vld.idx.msk [tilespmem:v54+s19+$0x0], $0xffff  }
0x27e: {  	v59 =	vld.idx.msk [tilespmem:v55+s18+$0x0], $0xffff  }
0x27f: {  	v60 =	vor.u32 $0x74, v3;
	v8 =	vld.idx.msk [tilespmem:v55+s19+$0x0], $0xffff  }
0x280: {  	v61 =	vld.idx.msk [tilespmem:v57+s18+$0x0], $0xffff  }
0x281: {  	v62 =	vor.u32 $0x75, v3;
	v6 =	vld.idx.msk [tilespmem:v57+s19+$0x0], $0xffff  }
0x282: {  	v63 =	vld.idx.msk [tilespmem:v58+s18+$0x0], $0xffff;
	v7 =	vmul.f32 v7, v9  }
0x283: {  	v20 =	vor.u32 $0x76, v3;
	v10 =	vld.idx.msk [tilespmem:v58+s19+$0x0], $0xffff  }
0x284: {  	v21 =	vld.idx.msk [tilespmem:v60+s18+$0x0], $0xffff;
	v8 =	vmul.f32 v8, v59;
	v7 =	vadd.f32 $0.0e+00, v7  }
0x285: {  	v22 =	vor.u32 $0x77, v3;
	v12 =	vld.idx.msk [tilespmem:v60+s19+$0x0], $0xffff  }
0x286: {  	v23 =	vld.idx.msk [tilespmem:v62+s18+$0x0], $0xffff;
	v6 =	vmul.f32 v6, v61;
	v7 =	vadd.f32 v8, v7  }
0x287: {  	v25 =	vor.u32 $0x78, v3;
	v24 =	vld.idx.msk [tilespmem:v62+s19+$0x0], $0xffff  }
0x288: {  	v27 =	vld.idx.msk [tilespmem:v20+s18+$0x0], $0xffff;
	v26 =	vmul.f32 v10, v63;
	v6 =	vadd.f32 v6, v7  }
0x289: {  	v29 =	vor.u32 $0x79, v3;
	v28 =	vld.idx.msk [tilespmem:v20+s19+$0x0], $0xffff  }
0x28a: {  	v31 =	vld.idx.msk [tilespmem:v22+s18+$0x0], $0xffff;
	v30 =	vmul.f32 v12, v21;
	v6 =	vadd.f32 v26, v6  }
0x28b: {  	v33 =	vor.u32 $0x7A, v3;
	v32 =	vld.idx.msk [tilespmem:v22+s19+$0x0], $0xffff  }
0x28c: {  	v35 =	vld.idx.msk [tilespmem:v25+s18+$0x0], $0xffff;
	v34 =	vmul.f32 v24, v23;
	v6 =	vadd.f32 v30, v6  }
0x28d: {  	v37 =	vor.u32 $0x7B, v3;
	v36 =	vld.idx.msk [tilespmem:v25+s19+$0x0], $0xffff  }
0x28e: {  	v39 =	vld.idx.msk [tilespmem:v29+s18+$0x0], $0xffff;
	v38 =	vmul.f32 v28, v27;
	v6 =	vadd.f32 v34, v6  }
0x28f: {  	v41 =	vor.u32 $0x7C, v3;
	v40 =	vld.idx.msk [tilespmem:v29+s19+$0x0], $0xffff  }
0x290: {  	v43 =	vld.idx.msk [tilespmem:v33+s18+$0x0], $0xffff;
	v42 =	vmul.f32 v32, v31;
	v6 =	vadd.f32 v38, v6  }
0x291: {  	v45 =	vor.u32 $0x7D, v3;
	v44 =	vld.idx.msk [tilespmem:v33+s19+$0x0], $0xffff  }
0x292: {  	v47 =	vld.idx.msk [tilespmem:v37+s18+$0x0], $0xffff;
	v46 =	vmul.f32 v36, v35;
	v6 =	vadd.f32 v42, v6  }
0x293: {  	v49 =	vor.u32 $0x7E, v3;
	v48 =	vld.idx.msk [tilespmem:v37+s19+$0x0], $0xffff  }
0x294: {  	v51 =	vld.idx.msk [tilespmem:v41+s18+$0x0], $0xffff;
	v50 =	vmul.f32 v40, v39;
	v6 =	vadd.f32 v46, v6  }
0x295: {  	v3 =	vor.u32 $0x7F, v3;
	v52 =	vld.idx.msk [tilespmem:v41+s19+$0x0], $0xffff  }
0x296: {  	v54 =	vld.idx.msk [tilespmem:v45+s18+$0x0], $0xffff;
	v53 =	vmul.f32 v44, v43;
	v6 =	vadd.f32 v50, v6  }
0x297: {  	v55 =	vld.idx.msk [tilespmem:v45+s19+$0x0], $0xffff  }
0x298: {  	v57 =	vld.idx.msk [tilespmem:v49+s18+$0x0], $0xffff;
	v56 =	vmul.f32 v48, v47;
	v6 =	vadd.f32 v53, v6  }
0x299: {  	v58 =	vld.idx.msk [tilespmem:v49+s19+$0x0], $0xffff  }
0x29a: {  	v60 =	vld.idx.msk [tilespmem:v3+s18+$0x0], $0xffff;
	v59 =	vmul.f32 v52, v51;
	v6 =	vadd.f32 v56, v6  }
0x29b: {  	v3 =	vld.idx.msk [tilespmem:v3+s19+$0x0], $0xffff  }
0x29c: {  	v61 =	vmul.f32 v55, v54;
	v6 =	vadd.f32 v59, v6;
	_ =	sdelay $0x1  }
0x29d: {  	v62 =	vmul.f32 v58, v57;
	v6 =	vadd.f32 v61, v6;
	_ =	sdelay $0x1  }
0x29e: {  	v3 =	vmul.f32 v3, v60;
	v6 =	vadd.f32 v62, v6;
	_ =	sdelay $0x1  }
0x29f: {  	v3 =	vadd.f32 v3, v6;
	_ =	sdelay $0x1  }
0x2a0: {  	v3 =	vmul.f32 $2.500000000e-01, v3;
	_ =	sdelay $0x1  }
0x2a1: {  	v3 =	vadd.f32 v3, v5;
	_ =	sdelay $0x1  }
0x2a2: {  	v3 =	vmul.f32 $1.442695020e+00, v3;
	_ =	sdelay $0x1  }
0x2a3: {  	(erf) = vpow2.f32 v3;
	_ =	sdelay $0x4  }
0x2a4: {  	p0 =	sne.s32 s30, $0x40;
	v3 =	vor.u32 $0x7, v4  }
.Ltmp2:
0x2a5: {  	_ = 	snop;
	(pc) =	sbr.rel @p0 .LBB2_7-.Ltmp2, $3  }
0x2a6: {  	_ =	sdelay $0x1  }
0x2a7: {  	v63 =	vpop (erf)  }
0x2a8: {  	s30 =	sadd.s32 $0x10, s30;
	[tilespmem:v3+s21+$0x0] =	vst.idx.msk $0xffff, v63  }
0x2a9: {  	s0 =	sshll.u32 s29, $0x1  }
0x2aa: {  	s0 =	sadd.s32 s9, s0  }
0x2ab: {  	[hbm4b:s0+s2] =	stream.linear.scatter [tilespmem:s21], [sflag:$0x2], $0x500, $0x38;
	[tilespmem:$0xF620] =	vst v63  }
0x2ac: {  	_ =	swait.ge [sflag:s15], $0x500  }
0x2ad: {  	[sflag:s15] =	ssyncset.done $0x0  }
0x2ae: {  	[sflag:s15] =	ssyncadd.s32 $0xFFFFFB00  }
0x2af: {  	v3 =	vld [tilespmem:$0x50];
	_ =	sdelay $0x7  }
0x2b0: {  	[spmem:s1] =	stream.indirect_vreg.scatter.add.f32 [tilespmem:s21], [sflag:$0x2], $0x10, v3, vm0, $0xb8;
	[tilespmem:$0xF620] =	vst v63  }
0x2b1: {  	_ =	swait.ge [sflag:s15], $0x100  }
0x2b2: {  	[sflag:s15] =	ssyncset.done $0x0  }
0x2b3: {  	[sflag:s15] =	ssyncadd.s32 $0xFFFFFF00  }
0x2b4: {  	v3 =	vld [tilespmem:$0x60];
	_ =	sdelay $0x7  }
0x2b5: {  	[spmem:s1] =	stream.indirect_vreg.scatter.add.f32 [tilespmem:s22], [sflag:$0x2], $0x10, v3, vm0, $0xb8;
	[tilespmem:$0xF620] =	vst v63  }
0x2b6: {  	_ =	swait.ge [sflag:s15], $0x100  }
0x2b7: {  	[sflag:s15] =	ssyncset.done $0x0  }
0x2b8: {  	[sflag:s15] =	ssyncadd.s32 $0xFFFFFF00  }
0x2b9: {  	v3 =	vld [tilespmem:$0x70];
	_ =	sdelay $0x7  }
0x2ba: {  	[spmem:s1] =	stream.indirect_vreg.scatter.add.f32 [tilespmem:s23], [sflag:$0x2], $0x10, v3, vm0, $0xb8;
	[tilespmem:$0xF620] =	vst v63  }
0x2bb: {  	_ =	swait.ge [sflag:s15], $0x100  }
0x2bc: {  	[sflag:s15] =	ssyncset.done $0x0  }
0x2bd: {  	[sflag:s15] =	ssyncadd.s32 $0xFFFFFF00  }
0x2be: {  	v3 =	vld [tilespmem:$0x80];
	_ =	sdelay $0x7  }
0x2bf: {  	[spmem:s1] =	stream.indirect_vreg.scatter.add.f32 [tilespmem:s24], [sflag:$0x2], $0x10, v3, vm0, $0xb8;
	[tilespmem:$0xF620] =	vst v63  }
0x2c0: {  	_ =	swait.ge [sflag:s15], $0x100  }
0x2c1: {  	[sflag:s15] =	ssyncset.done $0x0  }
0x2c2: {  	[sflag:s15] =	ssyncadd.s32 $0xFFFFFF00  }
0x2c3: {  	v3 =	vld [tilespmem:$0x90];
	_ =	sdelay $0x4  }
0x2c4: {  	s28 =	sadd.s32 $0x1, s28  }
0x2c5: {  	p0 =	sne.s32 s28, $0x7D  }
.Ltmp3:
0x2c6: {  	_ = 	snop;
	(pc) =	sbr.rel @p0 .LBB2_6-.Ltmp3, $4  }
0x2c7: {  	[spmem:s1] =	stream.indirect_vreg.scatter.add.f32 [tilespmem:s25], [sflag:$0x2], $0x10, v3, vm0, $0xb8;
	[tilespmem:$0xF620] =	vst v63  }
0x2c8: {  	_ =	swait.ge [sflag:s15], $0x100  }
0x2c9: {  	[sflag:s15] =	ssyncset.done $0x0  }
0x2ca: {  	[sflag:s15] =	ssyncadd.s32 $0xFFFFFF00  }
0x2cb: {  	[bflag:$0x0] =	sbarrier.arrive $0xFFFF  }
0x2cc: {  	[tilespmem:s14], [sflag:$0x2] =	stream.linear.gather [spmem:s11], $0x2800, $0x38;
	[tilespmem:$0xF620] =	vst v63  }
0x2cd: {  	s26 =	sadd.s32 $0x1, s26;
	_ =	swait.ge [sflag:s15], $0x2800  }
0x2ce: {  	p0 =	sne.s32 s26, s12;
	[sflag:s15] =	ssyncset.done $0x0  }
.Ltmp4:
0x2cf: {  	[sflag:s15] =	ssyncadd.s32 $0xFFFFD800;
	(pc) =	sbr.rel @p0 .LBB2_1-.Ltmp4, $4  }
0x2d0: {  	[hbm4b:s13+s2] =	stream.linear.scatter [tilespmem:s14], [sflag:$0x2], $0x2800, $0x38;
	[tilespmem:$0xF620] =	vst v63  }
0x2d1: {  	_ =	swait.ge [sflag:s15], $0x2800  }
0x2d2: {  	[sflag:s15] =	ssyncset.done $0x0  }
0x2d3: {  	[sflag:s15] =	ssyncadd.s32 $0xFFFFD800  }
0x2d4: {  	_ =	sfence.sel $0x180000  }
0x2d5: {  	[bflag:$0x0] =	sbarrier.arrive $0xFFFF  }
0x2d6: {  	_ =	strace $0x9000004A  }
0x2d7: {  	[bflag:$0x2] =	sbarrier.arrive $0xFFFF  }
0x2d8: {  	p0 =	sne.s32 s4, $0x0;
	s0 =	rddreg [dreg:$0x2]  }
0x2d9: {  	s0 =	sadd.s32 @!p0 $0x100000, s0  }
0x2da: {  	[sflag:s0] =	ssyncadd.tile.s32 @!p0 $0x1;
	_ =	shalt  }
.Lfunc_end2:
_tile_overlayer_lowered:
.L_overlay_start_2:
0x2db: {  	(tag) =	ssettag $0x2  }
0x2dc: {  	s0 =	rddreg [dreg:$0x0];
	s2 =	stileid.u32  }
0x2dd: {  	s1 =	rddreg [dreg:$0x1];
	p0 =	sne.s32 s2, $0x0  }
0x2de: {  	s3 =	rddreg [dreg:$0x2];
	[bflag:$0x3] =	sbarrier.arrive $0xFFFF;
	s2 =	simm.s32 @!p0 $0x1C02  }
0x2df: {  	[timem:s3], [sflag:s2] =	dma.local @!p0 [hbm:s0], s1  }
0x2e0: {  	s0 =	simm.s32 @!p0 $0x2  }
0x2e1: {  	_ =	swait.ge @!p0 [sflag:s0], s1  }
0x2e2: {  	s1 =	ssub.s32 @!p0 $0x0, s1;
	[sflag:s0] =	ssyncset.done @!p0 $0x0  }
0x2e3: {  	[sflag:s0] =	ssyncadd.s32 @!p0 s1  }
0x2e4: {  	[bflag:$0x3] =	sbarrier.arrive $0xFFFF  }
0x2e5: {  	_ =	shalt  }

// kernel: scatter_offload_async_start
scs
__scs_entry_jumppad:
0x0: {  	(pc) =	sbr.rel $0x88, $3  }
0x1: {  	(tag) =	ssettag $0x0;
	lr =	simm.s32 $0x1  }
0x2: {  	[smem:$0x3F91] =	sst lr;
	_ =	strace $0xD0000000  }
0x3: {  	_ = 	snop  }
0x4: {  	_ = 	snop  }
0x5: {  	_ = 	snop  }
0x6: {  	_ = 	snop  }
0x7: {  	_ = 	snop  }
__scs_overlays_trampoline_lowered:
0x8: {  	[smem:$0x3FA0] =	sst s0  }
0x9: {  	[smem:$0x3FA1] =	sst s1  }
0xa: {  	[smem:$0x3FA2] =	sst s2  }
0xb: {  	[smem:$0x3FA3] =	sst s3  }
0xc: {  	[smem:$0x3FA4] =	sst s4  }
0xd: {  	[smem:$0x3FA5] =	sst s5  }
0xe: {  	[smem:$0x3FA6] =	sst s6  }
0xf: {  	[smem:$0x3FA7] =	sst s7  }
0x10: {  	[smem:$0x3FA8] =	sst s8  }
0x11: {  	[smem:$0x3FA9] =	sst s9;
	s0 =	simm.s32 @!p0 $0x0  }
0x12: {  	s1 =	sld [smem:$0x3F8F];
	s0 =	simm.s32 @p0 $0x1  }
0x13: {  	[smem:$0x3FAA] =	sst s0;
	s0 =	simm.s32 @!p1 $0x0  }
0x14: {  	s2 =	sld [smem:$0x3F8E];
	s0 =	simm.s32 @p1 $0x1  }
0x15: {  	[smem:$0x3FAB] =	sst s0;
	s0 =	simm.s32 @!p2 $0x0  }
0x16: {  	s3 =	sld [smem:$0x3FDB];
	s0 =	simm.s32 @p2 $0x1  }
0x17: {  	s4 =	simm.s32 $0x1BF5;
	[smem:$0x3FAD] =	sst s0  }
0x18: {  	s0 =	sld [smem:$0x3F90];
	_ =	swait.ge [sflag:s4], $0x0  }
0x19: {  	s7 =	sld [smem:$0x3F91]  }
0x1a: {  	s8 =	sadd.s32 $0xFFFFE003, lr  }
0x1b: {  	s9 =	sadd.s32 $0xFFFFFEF7, lr;
	s5 =	simm.s32 $0xFFFFFFFF;
	p2 =	slt.u32 s8, $0xFFFFF086  }
0x1c: {  	p1 =	slt.u32 s9, $0xF7A;
	s5 =	simm.s32 @!p2 $0x0  }
0x1d: {  	s5 =	simm.s32 @p1 $0x1;
	p0 =	seq.s32 s7, s2  }
0x1e: {  	s7 =	smul.u32 @!p0 $0xF7A, s2;
	p2 =	seq.s32 @!p0 s5, $0x0  }
0x1f: {  	s9 =	smul.u32 $0xF7A, s1;
	s8 =	simm.s32 @!p0 $0x1BF5;
	p2 =	por !p2, p0  }
0x20: {  	[sflag:s8] =	ssyncset.s32 @!p0 $0xFFFFF086;
	s6 =	sadd.s32 @!p0 s3, s7;
	s7 =	simm.s32 @!p0 $0x108  }
0x21: {  	s3 =	sadd.s32 s3, s9;
	s6 =	sadd.s32 @!p0 $0x88, s6;
	s7 =	simm.s32 @p2 $0x1082  }
0x22: {  	[simem:s7], [sflag:s8] =	dma.local @!p0 [hbm:s6], $0xF7A  }
0x23: {  	s9 =	sor.u32 $0xD0000000, s2;
	s6 =	simm.s32 $0x108;
	_ =	swait.ge @!p0 [sflag:s8], $0x0  }
0x24: {  	s3 =	sadd.s32 $0x88, s3;
	s6 =	simm.s32 @!p1 $0x1082;
	[sflag:s4] =	ssyncset.s32 $0xFFFFF086  }
0x25: {  	[simem:s6], [sflag:s4] =	dma.local [hbm:s3], $0xF7A  }
0x26: {  	[smem:$0x3F91] =	sst s1;
	(tag) =	ssettag s2;
	_ =	strace s9  }
0x27: {  	s1 =	sld [smem:$0x3FA1]  }
0x28: {  	s2 =	sld [smem:$0x3FA2]  }
0x29: {  	s4 =	sld [smem:$0x3FA4]  }
0x2a: {  	p0 =	seq.s32 s5, $0x0;
	s5 =	sld [smem:$0x3FA5]  }
0x2b: {  	s6 =	sld [smem:$0x3FA6]  }
0x2c: {  	s7 =	sld [smem:$0x3FA7]  }
0x2d: {  	s3 =	simm.s32 $0x108;
	s8 =	sld [smem:$0x3FA8]  }
0x2e: {  	s3 =	simm.s32 @!p0 $0x1082;
	s9 =	sld [smem:$0x3FA9]  }
0x2f: {  	lr =	sadd.s32 s0, s3;
	s0 =	sld [smem:$0x3FA0]  }
0x30: {  	s3 =	sld [smem:$0x3FA3]  }
0x31: {  	[smem:$0x3FAC] =	sst s10  }
0x32: {  	s10 =	sld [smem:$0x3FAA];
	_ =	sdelay $0x3  }
0x33: {  	p0 =	seq.s32 s10, $0x1;
	s10 =	sld [smem:$0x3FAC];
	_ =	sdelay $0x3  }
0x34: {  	[smem:$0x3FAC] =	sst s10  }
0x35: {  	s10 =	sld [smem:$0x3FAB];
	_ =	sdelay $0x3  }
0x36: {  	p1 =	seq.s32 s10, $0x1;
	s10 =	sld [smem:$0x3FAC];
	_ =	sdelay $0x3  }
0x37: {  	[smem:$0x3FAC] =	sst s10  }
0x38: {  	s10 =	sld [smem:$0x3FAD]  }
0x39: {  	_ = 	snop;
	(pc) =	sbr.ind lr, $3  }
0x3a: {  	_ = 	snop  }
0x3b: {  	_ = 	snop  }
0x3c: {  	p2 =	seq.s32 s10, $0x1;
	s10 =	sld [smem:$0x3FAC]  }
0x3d: {  	_ =	shalt  }
0x3e: {  	_ =	shalt  }
0x3f: {  	_ =	shalt  }
0x40: {  	_ =	shalt  }
0x41: {  	_ =	shalt  }
0x42: {  	_ =	shalt  }
0x43: {  	_ =	shalt  }
0x44: {  	_ =	shalt  }
0x45: {  	_ =	shalt  }
0x46: {  	_ =	shalt  }
0x47: {  	_ =	shalt  }
0x48: {  	_ =	shalt  }
0x49: {  	_ =	shalt  }
0x4a: {  	_ =	shalt  }
0x4b: {  	_ =	shalt  }
0x4c: {  	_ =	shalt  }
0x4d: {  	_ =	shalt  }
0x4e: {  	_ =	shalt  }
0x4f: {  	_ =	shalt  }
0x50: {  	_ =	shalt  }
0x51: {  	_ =	shalt  }
0x52: {  	_ =	shalt  }
0x53: {  	_ =	shalt  }
0x54: {  	_ =	shalt  }
0x55: {  	_ =	shalt  }
0x56: {  	_ =	shalt  }
0x57: {  	_ =	shalt  }
0x58: {  	_ =	shalt  }
0x59: {  	_ =	shalt  }
0x5a: {  	_ =	shalt  }
0x5b: {  	_ =	shalt  }
0x5c: {  	_ =	shalt  }
0x5d: {  	_ =	shalt  }
0x5e: {  	_ =	shalt  }
0x5f: {  	_ =	shalt  }
0x60: {  	_ =	shalt  }
0x61: {  	_ =	shalt  }
0x62: {  	_ =	shalt  }
0x63: {  	_ =	shalt  }
0x64: {  	_ =	shalt  }
0x65: {  	_ =	shalt  }
0x66: {  	_ =	shalt  }
0x67: {  	_ =	shalt  }
0x68: {  	_ =	shalt  }
0x69: {  	_ =	shalt  }
0x6a: {  	_ =	shalt  }
0x6b: {  	_ =	shalt  }
0x6c: {  	_ =	shalt  }
0x6d: {  	_ =	shalt  }
0x6e: {  	_ =	shalt  }
0x6f: {  	_ =	shalt  }
0x70: {  	_ =	shalt  }
0x71: {  	_ =	shalt  }
0x72: {  	_ =	shalt  }
0x73: {  	_ =	shalt  }
0x74: {  	_ =	shalt  }
0x75: {  	_ =	shalt  }
0x76: {  	_ =	shalt  }
0x77: {  	_ =	shalt  }
0x78: {  	_ =	shalt  }
0x79: {  	_ =	shalt  }
0x7a: {  	_ =	shalt  }
0x7b: {  	_ =	shalt  }
0x7c: {  	_ =	shalt  }
0x7d: {  	_ =	shalt  }
0x7e: {  	_ =	shalt  }
0x7f: {  	_ =	shalt  }
0x80: {  	_ =	shalt  }
0x81: {  	_ =	shalt  }
0x82: {  	_ =	shalt  }
0x83: {  	_ =	shalt  }
0x84: {  	_ =	shalt  }
0x85: {  	_ =	shalt  }
0x86: {  	_ =	shalt  }
0x87: {  	_ =	shalt  }
.Lfunc_end0:
.L_simem_size_0:
called_computation_lowered:
.L_overlay_start_0:
0x88: {  	s2 =	sld [smem:$0x3FD9]  }
0x89: {  	s3 =	sld [smem:$0x3FFE];
	_ =	sdelay $0x1  }
0x8a: {  	s1 =	srdreg.scid  }
0x8b: {  	s0 =	sand.u32 $0x1, s1  }
0x8c: {  	s15 =	sshll.u32 s0, $0xA;
	s2 =	sadd.s32 s3, s2  }
0x8d: {  	s2 =	sadd.s32 s2, s15  }
0x8e: {  	[smem:$0x3FB8] =	sst s2  }
0x8f: {  	_ = 	snop  }
0x90: {  	(tm) =	ssettm $0x1  }
0x91: {  	s16 =	sld [smem:$0x3FFB];
	_ =	sdelay $0x3  }
0x92: {  	_ =	strace s16  }
0x93: {  	s2 =	sld [smem:$0x3FFC];
	_ =	sdelay $0x3  }
0x94: {  	_ =	strace s2  }
0x95: {  	s2 =	sld [smem:$0x3FFD];
	_ =	sdelay $0x3  }
0x96: {  	_ =	strace s2  }
0x97: {  	_ =	strace $0x8FFFFFFF  }
0x98: {  	s17 =	sld [smem:$0x3FDB];
	_ =	sdelay $0x1  }
0x99: {  	s18 =	simm.s32 $_scs_section_size  }
0x9a: {  	s4 =	simm.s32 $_size__tile_overlayer_lowered;
	s5 =	simm.s32 $_tile_overlayer_lowered  }
0x9b: {  	s21 =	simm.s32 $0x1BFF;
	s20 =	sshll.u32 s5, $0x1;
	s2 =	sadd.s32 s18, s17  }
0x9c: {  	s6 =	simm.s32 $0x0;
	s19 =	sshll.u32 s4, $0x1;
	s4 =	sadd.s32 s20, s2  }
0x9d: {  	[timem:s6], [sflag:s21] =	dma.local [hbm:s4], s19  }
0x9e: {  	_ =	swait.ge [sflag:s21], s19  }
0x9f: {  	s3 =	ssub.s32 $0x0, s19;
	[sflag:s21] =	ssyncset.done $0x0  }
0xa0: {  	[sflag:s21] =	ssyncadd.s32 s3;
	_ =	sdelay $0x1  }
0xa1: {  	s22 =	simm.s32 $0x1B8B  }
0xa2: {  	_ =	swait.ge [sflag:s22], $0x1  }
0xa3: {  	[sflag:s22] =	ssyncset.done $0x0  }
0xa4: {  	s23 =	sld [smem:$0x3FFE];
	[sflag:s22] =	ssyncadd.s32 $0xFFFFFFFF  }
0xa5: {  	s25 =	simm.s32 $0x1B8E;
	s24 =	sld [smem:$0x0]  }
0xa6: {  	s26 =	simm.s32 $execute0_lowered;
	[smem:$0x3FD2] =	sst s25  }
0xa7: {  	s5 =	sshll.u32 s26, $0x1;
	_ =	strace $0x8000004F;
	[dreg:$0x1] =	wrdreg $0xFFFFFFFF  }
0xa8: {  	s28 =	simm.s32 $_size_execute0_lowered;
	s2 =	sadd.s32 s2, s5;
	[dreg:$0x0] =	wrdreg $0x0  }
0xa9: {  	s5 =	sshll.u32 s28, $0x1;
	[dreg:$0x2] =	wrdreg s2  }
0xaa: {  	[dreg:$0x3] =	wrdreg s5  }
0xab: {  	[dreg:$0x4] =	wrdreg $0xC0  }
0xac: {  	_ =	task [dreg:s6], $0x5FFFF  }
0xad: {  	[dreg:$0x1] =	wrdreg $0xFFFFFFFF  }
0xae: {  	[dreg:$0x0] =	wrdreg $0x60  }
0xaf: {  	[dreg:$0x2] =	wrdreg s23  }
0xb0: {  	[dreg:$0x3] =	wrdreg s1  }
0xb1: {  	[dreg:$0x4] =	wrdreg s24  }
0xb2: {  	[dreg:$0x5] =	wrdreg $0x9  }
0xb3: {  	_ =	task.clear_ibuf [dreg:s6], $0x6FFFF;
	_ =	strace $0x9000004F  }
0xb4: {  	s29 =	simm.s32 $0x9;
	_ =	strace $0x80000051  }
0xb5: {  	_ =	swait.ge [sflag:s29], $0x1  }
0xb6: {  	[sflag:s29] =	ssyncadd.s32 $0xFFFFFFFF  }
0xb7: {  	_ =	strace $0x90000051  }
0xb8: {  	_ =	sfence  }
0xb9: {  	s30 =	sld [smem:$0x0];
	_ =	sdelay $0x2  }
0xba: {  	s31 =	sshll.u32 s1, $0xD;
	s1 =	sshrl.u32 s1, $0x2  }
0xbb: {  	s3 =	sand.u32 $0x4000, s31;
	s1 =	sadd.s32 s1, s30  }
0xbc: {  	s0 =	sor.u32 s3, s0;
	s1 =	sshll.u32 s1, $0x11  }
0xbd: {  	s0 =	sor.u32 s1, s0  }
0xbe: {  	s0 =	sadd.s32 $0x8F2B, s0  }
0xbf: {  	[sflag:s0] =	ssyncadd.remote.s32 $0x1  }
0xc0: {  	_ =	sfence.sel $0xFFFF  }
0xc1: {  	[dreg:$0x0] =	wrdreg $0xFFFFFFFF;
	(pc) =	sbr.abs _section_cstart, $3  }
0xc2: {  	[dreg:$0x1] =	wrdreg $0xFFFFFFFF  }
0xc3: {  	_ =	task.clear_ibuf [dreg:s6], $0x2FFFF;
	_ =	strace $0x9FFFFFFF  }
0xc4: {  	(tm) =	ssettm $0x7FFFFFFF  }
0xc5: {  	_ =	shalt  }
tec
execute0_lowered:
.L_overlay_start_1:
0x0: {  	(tag) =	ssettag $0x1  }
0x1: {  	s2 =	rddreg [dreg:$0x0]  }
0x2: {  	s3 =	rddreg [dreg:$0x1];
	_ =	strace $0x80000050;
	s0 =	simm.s32 $0x1  }
0x3: {  	v0 =	vimm.s32 $0x0;
	[sflag:s0] =	ssyncpa.u1 $0x0;
	s0 =	simm.s32 $0x108  }
0x4: {  	[tilespmem:s0+$0x70] =	vst v0  }
0x5: {  	[tilespmem:s0+$0x60] =	vst v0  }
0x6: {  	[tilespmem:s0+$0x50] =	vst v0  }
0x7: {  	[tilespmem:s0+$0x40] =	vst v0  }
0x8: {  	[tilespmem:s0+$0x30] =	vst v0  }
0x9: {  	s1 =	sadd.s32 $0x17600, s2;
	s15 =	sadd.s32 $0x3A00, s2;
	s6 =	sadd.s32 $0xA3D600, s2;
	[tilespmem:s0+$0x20] =	vst v0  }
0xa: {  	s14 =	sadd.s32 $0xD800, s2;
	s5 =	sand.u32 $0x1, s3;
	s3 =	simm.s32 $0x40;
	[tilespmem:s0+$0x10] =	vst v0  }
.LBB2_1:
0xb: {  	s3 =	sadd.s32 $0x40, s3;
	[tilespmem:s0+$0x0] =	vst v0;
	s0 =	sadd.s32 $0x80, s0  }
0xc: {  	p0 =	slt.u32 s3, $0x3C40;
	[tilespmem:s0+$0x70] =	vst v0  }
0xd: {  	[tilespmem:s0+$0x60] =	vst v0  }
.Ltmp0:
0xe: {  	[tilespmem:s0+$0x50] =	vst v0;
	(pc) =	sbr.rel @p0 .LBB2_1-.Ltmp0, $4  }
0xf: {  	[tilespmem:s0+$0x40] =	vst v0  }
0x10: {  	[tilespmem:s0+$0x30] =	vst v0  }
0x11: {  	[tilespmem:s0+$0x20] =	vst v0  }
0x12: {  	[tilespmem:s0+$0x10] =	vst v0  }
0x13: {  	s9 =	stileid.u32  }
0x14: {  	s2 =	smul.u32 $0x29, s9  }
0x15: {  	s3 =	smin.u32 s9, $0xB  }
0x16: {  	s2 =	sadd.s32 s3, s2  }
0x17: {  	p0 =	slt.u32 s9, $0xB;
	s7 =	smul.u32 $0xF0, s2;
	s2 =	simm.s32 $0x2760  }
0x18: {  	s2 =	simm.s32 @!p0 $0x2670  }
0x19: {  	s2 =	sadd.s32 s2, s7  }
0x1a: {  	s8 =	smin.u32 s2, $0x27100  }
0x1b: {  	s2 =	ssub.s32 s8, s7  }
0x1c: {  	p0 =	sgt.s32 s2, $0x0  }
0x1d: {  	s29 =	simm.s32 $0x2;
	s10 =	simm.s32 $0x9;
	s2 =	simm.s32 @!p0 $0x0  }
0x1e: {  	s4 =	simm.s32 $0xA;
	s11 =	simm.s32 $0xB;
	s28 =	smulhi.u32 $0x88888889, s2  }
0x1f: {  	[dreg:$0x4] =	wrdreg s5;
	s31 =	smul.u32 $0x4E20, s5;
	s12 =	simm.s32 $0x1  }
0x20: {  	s22 =	simm.s32 $0x0;
	s18 =	simm.s32 $0xC;
	s30 =	sshrl.u32 s28, $0x7  }
0x21: {  	s20 =	simm.s32 $0x0;
	s21 =	simm.s32 $0x0;
	s3 =	smul.u32 $0xF0, s30  }
.Ltmp1:
0x22: {  	[tilespmem:s0+$0x0] =	vst v0;
	v0 =	vimm.s32 $0xFFFFFFFF;
	[sflag:s29] =	ssyncpa.u1 $0x0;
	s16 =	sshll.u32 s9, $0x8;
	(pc) =	sbr.rel .LBB2_3-.Ltmp1, $4  }
0x23: {  	[tilespmem:$0xF208] =	vst v0;
	[sflag:s10] =	ssyncpa.u1 $0x0;
	p0 =	sne.s32 s2, s3;
	s2 =	simm.s32 $0x1  }
0x24: {  	s14 =	sadd.s32 s31, s14;
	[sflag:s4] =	ssyncpa.u1 $0x0;
	s2 =	simm.s32 @!p0 $0x0  }
0x25: {  	s15 =	sadd.s32 s31, s15;
	[sflag:s11] =	ssyncpa.u1 $0x0;
	s13 =	sadd.s32 s2, s30  }
0x26: {  	v0 =	vlaneseq.u32;
	s19 =	smov.u32 s7;
	p0 =	por $0x0, $0x0;
	s17 =	sadd.s32 $0x1, s13  }
.LBB2_18:
0x27: {  	s0 =	sshrl.u32 s31, $0x2  }
.LBB2_20:
0x28: {  	_ =	swait.ge [sflag:s18], s0  }
0x29: {  	s31 =	ssub.s32 $0x0, s0;
	v1 =	vmov s24;
	vm0 =	veq.s32 v0, $0x0;
	[sflag:s18] =	ssyncset.done $0x0  }
0x2a: {  	vm15 =	veq.s32 v0, $0x2;
	v1 =	vsel vm0, s30, v1;
	[sflag:s18] =	ssyncadd.s32 s31  }
0x2b: {  	v1 =	vsel vm15, s22, v1;
	[sflag:s18] =	ssyncpa.u1 $0x1  }
0x2c: {  	[tilespmem:$0xF208] =	vst v1  }
.LBB2_21:
0x2d: {  	s0 =	sadd.s32 $0xF0, s19  }
0x2e: {  	s2 =	smov.u32 s7;
	p1 =	slt.s32 s0, s8  }
0x2f: {  	s2 =	smov.u32 @p1 s0;
	p1 =	sne.s32 s21, s17  }
.Ltmp2:
0x30: {  	_ = 	snop;
	(pc) =	sbr.rel @!p1 .LBB2_22-.Ltmp2, $3  }
0x31: {  	_ =	sdelay $0x1  }
0x32: {  	s22 =	smov.u32 s20;
	s31 =	sadd.s32 $0x1, s21;
	s20 =	smov.u32 s19  }
0x33: {  	p0 =	por !p0, !p0;
	s21 =	smov.u32 s31;
	s19 =	smov.u32 s2  }
.LBB2_3:
0x34: {  	p1 =	sge.u32 s21, s13  }
0x35: {  	s0 =	smulhi.u32 @!p1 $0xAAAAAAAB, s21  }
0x36: {  	s2 =	smov.u32 s19;
	p2 =	sgt.s32 @!p1 s19, $0x27010  }
0x37: {  	s3 =	sshra.s32 @!p1 s19, $0x1F;
	p2 =	por !p2, p1;
	s0 =	sshrl.u32 @!p1 s0, $0x1  }
0x38: {  	s3 =	sand.u32 @!p1 s3, s19;
	s2 =	simm.s32 @p2 $0x27010;
	s0 =	smul.u32 @!p1 $0x3, s0  }
0x39: {  	s2 =	ssub.s32 @!p1 s2, s3  }
0x3a: {  	s2 =	sadd.s32 @!p1 $0xFFFD8FF0, s2;
	s0 =	ssub.s32 @!p1 s21, s0  }
0x3b: {  	s3 =	sshll.u32 @!p1 s2, $0x2;
	p2 =	sgt.s32 @!p1 s2, $0xEF;
	s0 =	smul.u32 @!p1 $0x3C0, s0  }
0x3c: {  	s4 =	sand.u32 @!p1 $0x7, s19;
	s2 =	ssub.s32 @!p1 $0x3C0, s3;
	p2 =	por !p2, p1  }
0x3d: {  	s3 =	sshrl.u32 @!p1 s19, $0x3;
	s2 =	sshrl.u32 @!p1 s2, $0x2;
	s0 =	sshrl.u32 @!p1 s0, $0x2  }
0x3e: {  	s3 =	sadd.s32 @!p1 s3, s14;
	s2 =	simm.s32 @!p2 $0x0;
	s0 =	sadd.s32 @!p1 $0x10248, s0  }
0x3f: {  	[tilespmem:s0], [sflag:$0xA] =	stream.linear.gather @!p1 [hbm4b:s3+s4], s2, $0x38;
	[tilespmem:$0x1F6F8] =	vst v63  }
0x40: {  	s0 =	sadd.s32 $0xFFFFFFFF, s21  }
0x41: {  	p1 =	sge.u32 s0, s13  }
0x42: {  	p2 =	sgt.s32 @!p1 s20, $0x27010  }
0x43: {  	s2 =	smov.u32 s20;
	s3 =	sshra.s32 @!p1 s20, $0x1F;
	p2 =	por !p2, p1  }
0x44: {  	s3 =	sand.u32 @!p1 s3, s20;
	s2 =	simm.s32 @p2 $0x27010  }
0x45: {  	s2 =	ssub.s32 @!p1 s2, s3  }
0x46: {  	s2 =	sadd.s32 @!p1 $0xFFFD8FF0, s2  }
0x47: {  	s4 =	sand.u32 @!p1 $0x1, s0;
	s3 =	sshll.u32 @!p1 s2, $0x2  }
0x48: {  	p2 =	sgt.s32 @!p1 s2, $0xEF;
	s2 =	ssub.s32 @!p1 $0x3C0, s3;
	s3 =	smulhi.u32 @!p1 $0xAAAAAAAB, s0  }
0x49: {  	s23 =	smul.u32 @!p1 $0x3C0, s4;
	p2 =	por !p2, p1;
	s2 =	sshrl.u32 @!p1 s2, $0x2  }
0x4a: {  	s5 =	simm.s32 @!p1 $0xA;
	s2 =	simm.s32 @!p2 $0x0;
	s3 =	sshrl.u32 @!p1 s3, $0x1  }
0x4b: {  	s23 =	sshrl.u32 @!p1 s23, $0x2;
	_ =	swait.ge @!p1 [sflag:s5], s2;
	s3 =	smul.u32 @!p1 $0x3, s3  }
0x4c: {  	s23 =	sadd.s32 @!p1 $0x10518, s23;
	s24 =	ssub.s32 @!p1 $0x0, s2;
	[sflag:s5] =	ssyncset.done @!p1 $0x0  }
0x4d: {  	[sflag:s5] =	ssyncadd.s32 @!p1 s24;
	s5 =	sshrl.u32 @!p1 s20, $0x3;
	s0 =	ssub.s32 @!p1 s0, s3  }
0x4e: {  	s24 =	sand.u32 @!p1 $0x7, s20;
	s5 =	sadd.s32 @!p1 s5, s15;
	s0 =	smul.u32 @!p1 $0x3C0, s0  }
0x4f: {  	[tilespmem:s23], [sflag:$0xB] =	stream.linear.gather @!p1 [hbm4b:s5+s24], s2, $0x38;
	[tilespmem:$0x1F6F8] =	vst v63  }
0x50: {  	s3 =	ssub.s32 @!p1 $0x27100, s20;
	s2 =	smul.u32 @!p1 $0x1E000, s4  }
0x51: {  	p2 =	slt.s32 @!p1 s3, $0xF0  }
0x52: {  	p2 =	por !p2, p1;
	s0 =	sshrl.u32 @!p1 s0, $0x2;
	s2 =	sshrl.u32 @!p1 s2, $0x2  }
0x53: {  	s3 =	simm.s32 @p2 $0xF0;
	s0 =	sadd.s32 @!p1 $0x10248, s0;
	s2 =	sor.u32 @!p1 $0x106F8, s2  }
0x54: {  	[tilespmem:s2], [sflag:$0x9] =	stream.indirect.gather @!p1 [hbm4b:s6+s3], $0x80, s0, s3, $0xb8;
	[tilespmem:$0x1F6F8] =	vst v63  }
0x55: {  	p1 =	slt.u32 s21, $0x2  }
.Ltmp3:
0x56: {  	_ = 	snop;
	(pc) =	sbr.rel @p1 .LBB2_21-.Ltmp3, $1  }
0x57: {  	_ =	sdelay $0x3  }
0x58: {  	p1 =	sgt.s32 s22, $0x27010  }
0x59: {  	s0 =	smov.u32 s22;
	s2 =	sshra.s32 s22, $0x1F;
	s3 =	ssub.s32 $0x27100, s22  }
0x5a: {  	s0 =	simm.s32 @!p1 $0x27010;
	s2 =	sand.u32 s2, s22;
	p1 =	slt.s32 s3, $0xF0  }
0x5b: {  	s0 =	ssub.s32 s0, s2;
	s3 =	simm.s32 @!p1 $0xF0  }
0x5c: {  	s0 =	sadd.s32 $0xFFFD8FF0, s0;
	s25 =	sshll.u32 s3, $0x7  }
0x5d: {  	s26 =	sshll.u32 s0, $0x2;
	s2 =	sand.u32 $0x3FFFFF80, s25  }
0x5e: {  	p1 =	sgt.s32 s0, $0xEF;
	s29 =	ssub.s32 $0x3C0, s26;
	_ =	swait.ge [sflag:s10], s2  }
0x5f: {  	s2 =	ssub.s32 $0x0, s2;
	[sflag:s10] =	ssyncset.done $0x0;
	s0 =	sshrl.u32 s29, $0x2  }
0x60: {  	[sflag:s10] =	ssyncadd.s32 s2;
	s0 =	simm.s32 @p1 $0x0  }
0x61: {  	_ =	swait.ge [sflag:s11], s0  }
0x62: {  	s0 =	ssub.s32 $0x0, s0;
	[sflag:s11] =	ssyncset.done $0x0  }
0x63: {  	[sflag:s11] =	ssyncadd.s32 s0  }
0x64: {  	v1 =	vld [tilespmem:$0xF208];
	_ =	sdelay $0x4  }
0x65: {  	(v2sf) =	vpush v1, $0x0  }
0x66: {  	(v2sf) =	vpush v1, $0x1  }
0x67: {  	(v2sf) =	vpush v1, $0x2;
	_ =	sdelay $0x3  }
0x68: {  	s0 =	sadd.s32 $0xF0, s22  }
0x69: {  	s2 =	ssub.s32 $0x4E200, s22;
	p1 =	slt.s32 s8, s0  }
0x6a: {  	s0 =	smov.u32 @p1 s8;
	p1 =	sgt.s32 s2, $0x0  }
0x6b: {  	s26 =	ssub.s32 s0, s22;
	s2 =	simm.s32 @!p1 $0x0  }
0x6c: {  	p1 =	slt.s32 s2, s26  }
0x6d: {  	s26 =	smov.u32 @p1 s2  }
0x6e: {  	s25 =	simm.s32 $0x1;
	p1 =	slt.s32 s26, $0x1  }
.Ltmp4:
0x6f: {  	s25 =	simm.s32 @!p0 $0x0;
	(pc) =	sbr.rel @p1 .LBB2_8-.Ltmp4, $4  }
0x70: {  	s31 =	smul.u32 $0x3C0, s25  }
0x71: {  	s28 =	spop (v2sf)  }
0x72: {  	s0 =	sshrl.u32 s31, $0x2;
	s30 =	spop (v2sf)  }
0x73: {  	s23 =	sadd.s32 $0x10518, s0;
	s22 =	spop (v2sf)  }
0x74: {  	s0 =	smin.u32 s26, $0x10  }
0x75: {  	v1 =	vmov s0  }
0x76: {  	p2 =	sgt.s32 s26, $0x10;
	vm1 =	vgt.u32 v1, v0  }
.Ltmp5:
0x77: {  	_ = 	snop;
	(pc) =	sbr.rel @!p2 .LBB2_7-.Ltmp5, $2  }
0x78: {  	_ =	sdelay $0x2  }
0x79: {  	s4 =	simm.s32 $0x10;
	s24 =	sadd.s32 $0xFFFFFFF0, s26;
	s0 =	smov.u32 s23;
	vm0 =	vmmov vm1  }
.LBB2_6:
0x7a: {  	s2 =	smin.u32 s24, $0x10;
	s4 =	sadd.s32 $0x10, s4;
	v1 =	vld.msk [tilespmem:s0+$0x0 ss:$0x1], vm1  }
0x7b: {  	v2 =	vmov s2;
	p2 =	slt.s32 s4, s26  }
0x7c: {  	vm1 =	vgt.u32 v2, v0  }
.Ltmp6:
0x7d: {  	(pc) =	sbr.rel @p2 .LBB2_6-.Ltmp6, $3  }
0x7e: {  	_ =	sdelay $0x1  }
0x7f: {  	v1 =	vshll.u32 v1, $0x4  }
0x80: {  	s24 =	sadd.s32 $0xFFFFFFF0, s24;
	[tilespmem:s0+$0x0] =	vst.msk vm0, v1;
	s0 =	sadd.s32 $0x10, s0;
	vm0 =	vmmov vm1  }
.LBB2_7:
0x81: {  	_ =	sdelay $0x4  }
0x82: {  	v1 =	vld.msk [tilespmem:s0+$0x0 ss:$0x1], vm1;
	_ =	sdelay $0x4  }
0x83: {  	v1 =	vshll.u32 v1, $0x4  }
0x84: {  	[tilespmem:s0+$0x0] =	vst.msk vm0, v1  }
.LBB2_8:
0x85: {  	s0 =	sand.u32 $0x1, s21  }
0x86: {  	s0 =	smul.u32 $0xF0, s0  }
0x87: {  	p2 =	sne.s32 s30, $0xFFFFFFFF  }
0x88: {  	v1 =	vld.msk @!p2 [tilespmem:s0+$0x10518], $0x1;
	_ =	sdelay $0x4  }
0x89: {  	(v2sf) =	vpush @!p2 v1, $0x0;
	_ =	sdelay $0xc  }
.Ltmp7:
0x8a: {  	_ = 	snop;
	(pc) =	sbr.rel @p1 .LBB2_19-.Ltmp7, $4  }
0x8b: {  	_ = 	snop  }
0x8c: {  	s29 =	spop @!p2 (v2sf)  }
0x8d: {  	s22 =	simm.s32 @!p2 $0x0;
	s24 =	smov.u32 s29  }
0x8e: {  	[sflag:s18] =	ssyncpa.u1 $0x0;
	s29 =	smov.u32 @p2 s28;
	s24 =	smov.u32 @p2 s30  }
0x8f: {  	v1 =	vld.msk [tilespmem:s23+$0x0], $0x1;
	_ =	sdelay $0x4  }
0x90: {  	(v2sf) =	vpush v1, $0x0;
	_ =	sdelay $0xe  }
0x91: {  	s2 =	smul.u32 $0x1E000, s25;
	s0 =	spop (v2sf)  }
0x92: {  	s26 =	ssub.s32 $0x0, s26;
	p1 =	seq.s32 s29, s0  }
0x93: {  	s30 =	sadd.s32 $0x1, s26;
	s2 =	sshrl.u32 s2, $0x2;
	p2 =	sgt.s32 @!p1 s29, $0x0  }
0x94: {  	s25 =	sor.u32 $0x10738, s2;
	s2 =	smov.u32 s29;
	p2 =	por !p2, p1  }
0x95: {  	s2 =	simm.s32 @p2 $0x0;
	p2 =	seq.s32 s30, $0x0  }
.Ltmp8:
0x96: {  	_ = 	snop;
	(pc) =	sbr.rel @p2 .LBB2_11-.Ltmp8, $4  }
0x97: {  	_ = 	snop  }
0x98: {  	s28 =	simm.s32 $0x0;
	s31 =	sadd.s32 $0x1, s23;
	s2 =	smin.u32 @!p1 s2, $0x27FF0  }
0x99: {  	s4 =	simm.s32 @!p1 $0x1;
	s5 =	simm.s32 @!p1 $0x7988;
	s3 =	sand.u32 @!p1 $0x3FFF8, s2  }
0x9a: {  	s4 =	smov.u32 @p1 s28;
	s2 =	sand.u32 @!p1 $0x7, s2;
	s3 =	sadd.s32 @!p1 s1, s3  }
.LBB2_10:
0x9b: {  	s9 =	smov.u32 s4  }
0x9c: {  	[tilespmem:s5], [sflag:$0x2] =	stream.linear.gather @!p1 [hbm4b:s3+s2], $0x80, $0x38;
	[tilespmem:$0x1F6F8] =	vst v63  }
0x9d: {  	s30 =	sadd.s32 $0x1, s30;
	s2 =	smov.u32 s0;
	v1 =	vld.msk [tilespmem:s31+$0x0], $0x1  }
0x9e: {  	p2 =	seq.s32 s30, $0x0;
	_ =	sdelay $0x3  }
0x9f: {  	(v2sf) =	vpush v1, $0x0;
	_ =	sdelay $0xe  }
0xa0: {  	s0 =	spop (v2sf)  }
0xa1: {  	p1 =	seq.s32 s2, s0  }
0xa2: {  	p3 =	sgt.s32 @!p1 s2, $0x0;
	s3 =	sshll.u32 @!p1 s4, $0x9;
	s4 =	sadd.s32 @!p1 $0x1, s4  }
.Ltmp9:
0xa3: {  	p3 =	por !p3, p1;
	s3 =	sshra.s32 @!p1 s3, $0x2;
	(pc) =	sbr.rel @!p2 .LBB2_10-.Ltmp9, $4  }
0xa4: {  	s4 =	smov.u32 @p1 s9;
	s2 =	simm.s32 @p3 $0x0;
	s5 =	sadd.s32 @!p1 $0x7988, s3  }
0xa5: {  	s2 =	smin.u32 @!p1 s2, $0x27FF0  }
0xa6: {  	s3 =	sand.u32 @!p1 $0x3FFF8, s2;
	s2 =	sand.u32 @!p1 $0x7, s2  }
0xa7: {  	s31 =	sadd.s32 $0x1, s31;
	s3 =	sadd.s32 @!p1 s1, s3  }
.LBB2_11:
0xa8: {  	[tilespmem:s5], [sflag:$0x2] =	stream.linear.gather @!p1 [hbm4b:s3+s2], $0x80, $0x38;
	[tilespmem:$0x1F6F8] =	vst v63  }
.Ltmp10:
0xa9: {  	s0 =	sshll.u32 s4, $0x7;
	(pc) =	sbr.rel .LBB2_12-.Ltmp10, $4  }
0xaa: {  	s30 =	simm.s32 $0x2;
	s0 =	sand.u32 $0x3FFFFF80, s0  }
0xab: {  	_ =	swait.ge [sflag:s30], s0  }
0xac: {  	s0 =	ssub.s32 $0x0, s0;
	[sflag:s30] =	ssyncset.done $0x0  }
0xad: {  	s31 =	simm.s32 $0x0;
	[sflag:s30] =	ssyncadd.s32 s0  }
.LBB2_13:
0xae: {  	v1 =	vld [tilespmem:s25+$0xFFFFFFC0];
	_ =	sdelay $0x3  }
0xaf: {  	s0 =	sshra.s32 s0, $0x2  }
0xb0: {  	[tilespmem:s0+$0x108] =	vst.add.f32.msk $0xffff, v1  }
0xb1: {  	v1 =	vld [tilespmem:s25+$0xFFFFFFD0];
	_ =	sdelay $0x4  }
0xb2: {  	[tilespmem:s0+$0x118] =	vst.add.f32.msk $0xffff, v1  }
0xb3: {  	v1 =	vld [tilespmem:s25+$0xFFFFFFE0];
	_ =	sdelay $0x4  }
0xb4: {  	[tilespmem:s0+$0x128] =	vst.add.f32.msk $0xffff, v1  }
0xb5: {  	v1 =	vld [tilespmem:s25+$0xFFFFFFF0];
	_ =	sdelay $0x4  }
0xb6: {  	[tilespmem:s0+$0x138] =	vst.add.f32.msk $0xffff, v1  }
0xb7: {  	v1 =	vld [tilespmem:s25+$0x0];
	_ =	sdelay $0x4  }
0xb8: {  	[tilespmem:s0+$0x148] =	vst.add.f32.msk $0xffff, v1  }
0xb9: {  	v1 =	vld [tilespmem:s25+$0x10];
	_ =	sdelay $0x4  }
0xba: {  	[tilespmem:s0+$0x158] =	vst.add.f32.msk $0xffff, v1  }
0xbb: {  	v1 =	vld [tilespmem:s25+$0x20];
	_ =	sdelay $0x4  }
0xbc: {  	[tilespmem:s0+$0x168] =	vst.add.f32.msk $0xffff, v1  }
0xbd: {  	v1 =	vld [tilespmem:s25+$0x30];
	_ =	sdelay $0x4  }
0xbe: {  	[tilespmem:s0+$0x178] =	vst.add.f32.msk $0xffff, v1  }
.LBB2_17:
0xbf: {  	s26 =	sadd.s32 $0x1, s26  }
0xc0: {  	p1 =	seq.s32 s26, $0x0  }
.Ltmp11:
0xc1: {  	_ = 	snop;
	(pc) =	sbr.rel @p1 .LBB2_18-.Ltmp11, $2  }
0xc2: {  	_ =	sdelay $0x2  }
0xc3: {  	s23 =	sadd.s32 $0x1, s23;
	s25 =	sadd.s32 $0x80, s25;
	s29 =	smov.u32 s30  }
.LBB2_12:
0xc4: {  	v1 =	vld.msk [tilespmem:s23+$0x0], $0x1;
	_ =	sdelay $0x4  }
0xc5: {  	(v2sf) =	vpush v1, $0x0;
	_ =	sdelay $0xe  }
0xc6: {  	s30 =	spop (v2sf)  }
0xc7: {  	p1 =	sne.s32 s29, s30  }
.Ltmp12:
0xc8: {  	_ = 	snop;
	(pc) =	sbr.rel @!p1 .LBB2_13-.Ltmp12, $2  }
0xc9: {  	_ =	sdelay $0x2  }
0xca: {  	s0 =	sshll.u32 s22, $0x9  }
0xcb: {  	p1 =	seq.s32 s29, s24  }
.Ltmp13:
0xcc: {  	_ = 	snop;
	(pc) =	sbr.rel @!p1 .LBB2_15-.Ltmp13, $1  }
0xcd: {  	_ =	sdelay $0x3  }
0xce: {  	s0 =	sshra.s32 s0, $0x2  }
.Ltmp14:
0xcf: {  	s0 =	sadd.s32 $0x108, s0;
	(pc) =	sbr.rel .LBB2_16-.Ltmp14, $4  }
0xd0: {  	[spmem:s16] =	stream.linear.scatter [tilespmem:s0], [sflag:$0x1], $0x80, $0x38;
	[tilespmem:$0x1F6F8] =	vst v63  }
0xd1: {  	_ =	swait.ge [sflag:s12], $0x80  }
0xd2: {  	[sflag:s12] =	ssyncset.done $0x0  }
0xd3: {  	[sflag:s12] =	ssyncadd.s32 $0xFFFFFF80  }
.LBB2_15:
0xd4: {  	s2 =	sshll.u32 s28, $0x9  }
0xd5: {  	s2 =	sshra.s32 s2, $0x2  }
0xd6: {  	v1 =	vld [tilespmem:s2+$0x7988];
	_ =	sdelay $0x3  }
0xd7: {  	s0 =	sshra.s32 s0, $0x2  }
0xd8: {  	[tilespmem:s0+$0x108] =	vst.add.f32.msk $0xffff, v1  }
0xd9: {  	v1 =	vld [tilespmem:s2+$0x7998];
	_ =	sdelay $0x4  }
0xda: {  	[tilespmem:s0+$0x118] =	vst.add.f32.msk $0xffff, v1  }
0xdb: {  	v1 =	vld [tilespmem:s2+$0x79A8];
	_ =	sdelay $0x4  }
0xdc: {  	[tilespmem:s0+$0x128] =	vst.add.f32.msk $0xffff, v1  }
0xdd: {  	v1 =	vld [tilespmem:s2+$0x79B8];
	_ =	sdelay $0x4  }
0xde: {  	[tilespmem:s0+$0x138] =	vst.add.f32.msk $0xffff, v1  }
0xdf: {  	v1 =	vld [tilespmem:s2+$0x79C8];
	_ =	sdelay $0x4  }
0xe0: {  	[tilespmem:s0+$0x148] =	vst.add.f32.msk $0xffff, v1  }
0xe1: {  	v1 =	vld [tilespmem:s2+$0x79D8];
	_ =	sdelay $0x4  }
0xe2: {  	[tilespmem:s0+$0x158] =	vst.add.f32.msk $0xffff, v1  }
0xe3: {  	v1 =	vld [tilespmem:s2+$0x79E8];
	_ =	sdelay $0x4  }
0xe4: {  	[tilespmem:s0+$0x168] =	vst.add.f32.msk $0xffff, v1  }
0xe5: {  	v1 =	vld [tilespmem:s2+$0x79F8];
	_ =	sdelay $0x2  }
0xe6: {  	p1 =	sgt.u32 s29, $0x27FF0  }
0xe7: {  	s2 =	sand.u32 @!p1 $0x3FFF8, s29  }
0xe8: {  	s3 =	sadd.s32 $0x108, s0;
	[tilespmem:s0+$0x178] =	vst.add.f32.msk $0xffff, v1;
	s0 =	sadd.s32 @!p1 s1, s2;
	s2 =	sand.u32 @!p1 $0x7, s29  }
0xe9: {  	[hbm4b:s0+s2] =	stream.linear.scatter @!p1 [tilespmem:s3], [sflag:$0xC], $0x80, $0x38;
	[tilespmem:$0x1F6F8] =	vst v63  }
0xea: {  	s0 =	simm.s32 $0x0  }
0xeb: {  	s0 =	simm.s32 @!p1 $0x200  }
0xec: {  	s31 =	sadd.s32 s0, s31  }
.LBB2_16:
0xed: {  	s0 =	sadd.s32 $0x1, s22  }
0xee: {  	s2 =	smulhi.u32 $0x88888889, s0;
	_ =	sdelay $0x1  }
0xef: {  	v1 =	vld [tilespmem:s25+$0xFFFFFFC0];
	s2 =	sshrl.u32 s2, $0x7  }
0xf0: {  	s2 =	smul.u32 $0xF0, s2;
	_ =	sdelay $0x1  }
0xf1: {  	s22 =	ssub.s32 s0, s2  }
0xf2: {  	s0 =	sshll.u32 s22, $0x7  }
0xf3: {  	[tilespmem:s0+$0x108] =	vst v1  }
0xf4: {  	v1 =	vld [tilespmem:s25+$0xFFFFFFD0];
	_ =	sdelay $0x4  }
0xf5: {  	[tilespmem:s0+$0x118] =	vst v1  }
0xf6: {  	v1 =	vld [tilespmem:s25+$0xFFFFFFE0];
	_ =	sdelay $0x4  }
0xf7: {  	[tilespmem:s0+$0x128] =	vst v1  }
0xf8: {  	v1 =	vld [tilespmem:s25+$0xFFFFFFF0];
	_ =	sdelay $0x4  }
0xf9: {  	[tilespmem:s0+$0x138] =	vst v1  }
0xfa: {  	v1 =	vld [tilespmem:s25+$0x0];
	_ =	sdelay $0x4  }
0xfb: {  	[tilespmem:s0+$0x148] =	vst v1  }
0xfc: {  	v1 =	vld [tilespmem:s25+$0x10];
	_ =	sdelay $0x4  }
0xfd: {  	[tilespmem:s0+$0x158] =	vst v1  }
0xfe: {  	v1 =	vld [tilespmem:s25+$0x20];
	_ =	sdelay $0x4  }
0xff: {  	[tilespmem:s0+$0x168] =	vst v1  }
0x100: {  	v1 =	vld [tilespmem:s25+$0x30]  }
.Ltmp15:
0x101: {  	_ = 	snop;
	(pc) =	sbr.rel .LBB2_17-.Ltmp15, $2  }
0x102: {  	_ =	sdelay $0x2  }
0x103: {  	s28 =	sadd.s32 $0x1, s28;
	[tilespmem:s0+$0x178] =	vst v1  }
.LBB2_19:
.Ltmp16:
0x104: {  	(pc) =	sbr.rel .LBB2_20-.Ltmp16, $4  }
0x105: {  	_ = 	snop  }
0x106: {  	s0 =	simm.s32 $0x2  }
0x107: {  	_ =	swait.ge [sflag:s0], $0x0  }
0x108: {  	s30 =	smov.u32 s29;
	[sflag:s0] =	ssyncset.done $0x0;
	s0 =	simm.s32 $0x0  }
.LBB2_22:
0x109: {  	_ =	sfence.sel $0x180000  }
0x10a: {  	s0 =	simm.s32 $0x9;
	[bflag:$0x0] =	sbarrier.arrive $0xFFFF  }
0x10b: {  	s24 =	simm.s32 $0xA;
	[sflag:s0] =	ssyncpa.u1 $0x1  }
0x10c: {  	s25 =	simm.s32 $0xB;
	[sflag:s24] =	ssyncpa.u1 $0x1  }
0x10d: {  	s26 =	simm.s32 $0x2;
	[sflag:s25] =	ssyncpa.u1 $0x1  }
0x10e: {  	[sflag:s26] =	ssyncpa.u1 $0x1  }
0x10f: {  	v0 =	vld [tilespmem:$0xF208];
	_ =	sdelay $0x4  }
0x110: {  	(v2sf) =	vpush v0, $0x0  }
0x111: {  	(v2sf) =	vpush v0, $0x1;
	_ =	sdelay $0x1  }
0x112: {  	(v2sf) =	vpush v0, $0x2;
	_ =	sdelay $0xb  }
0x113: {  	s0 =	spop (v2sf)  }
0x114: {  	s2 =	spop (v2sf)  }
0x115: {  	s3 =	smov.u32 s0;
	p0 =	sne.s32 s0, s2  }
0x116: {  	s4 =	spop (v2sf);
	s3 =	simm.s32 @!p0 $0xFFFFFFFF  }
0x117: {  	v2 =	vimm.s32 $0x1;
	v3 =	vlaneseq.u32;
	p0 =	seq.s32 s4, $0xFFFFFFFF;
	v1 =	vmov s3  }
0x118: {  	s16 =	stileid.u32;
	v0 =	vperm.xlane v0, v2;
	p1 =	sne.s32 @!p0 s0, s2;
	v1 =	vperm.xlane v1, v3  }
0x119: {  	vm0 =	vcmask $0x3F04;
	s6 =	simm.s32 $0xF208;
	s0 =	simm.s32 @!p0 $0x1;
	p1 =	por !p1, p0  }
0x11a: {  	s3 =	sshll.u32 s16, $0x1;
	s2 =	sshll.u32 @!p0 s4, $0x9;
	s0 =	simm.s32 @p1 $0x0;
	v0 =	vsel vm0, v1, v0  }
0x11b: {  	s5 =	sor.u32 $0x1000, s3;
	s2 =	sshra.s32 @!p0 s2, $0x2;
	s0 =	sor.u32 @!p0 s0, s3;
	[tilespmem:$0xF208] =	vst v0  }
0x11c: {  	[spmem:s5] =	stream.linear.scatter [tilespmem:s6], [sflag:$0x1], $0x2, $0x38;
	[tilespmem:$0x1F6F8] =	vst v63  }
0x11d: {  	s2 =	sadd.s32 @!p0 $0x108, s2;
	s0 =	sshll.u32 @!p0 s0, $0x7  }
0x11e: {  	[spmem:s0] =	stream.linear.scatter @!p0 [tilespmem:s2], [sflag:$0x1], $0x80, $0x38;
	[tilespmem:$0x1F6F8] =	vst v63  }
0x11f: {  	s0 =	simm.s32 @!p0 $0x82  }
0x120: {  	s28 =	simm.s32 $0x1;
	s0 =	simm.s32 @p0 $0x2  }
0x121: {  	_ =	swait.ge [sflag:s28], s0  }
0x122: {  	s0 =	ssub.s32 $0x0, s0;
	[sflag:s28] =	ssyncset.done $0x0  }
0x123: {  	p0 =	sne.s32 s16, $0x0;
	[sflag:s28] =	ssyncadd.s32 s0  }
.Ltmp17:
0x124: {  	_ =	sfence.stream.spmem;
	(pc) =	sbr.rel @p0 .LBB2_39-.Ltmp17, $4  }
0x125: {  	s29 =	simm.s32 $0x3;
	[bflag:$0x0] =	sbarrier.arrive $0xFFFF  }
0x126: {  	s30 =	simm.s32 $0x4;
	[sflag:s29] =	ssyncpa.u1 $0x1  }
0x127: {  	s31 =	simm.s32 $0x3C;
	[sflag:s30] =	ssyncpa.u1 $0x1  }
0x128: {  	s15 =	rddreg [dreg:$0x4];
	[sflag:s31] =	ssyncpa.u1 $0x1  }
0x129: {  	_ =	sfence.stream.spmem;
	s0 =	simm.s32 $0x5  }
0x12a: {  	s2 =	simm.s32 $0x1000;
	s3 =	simm.s32 $0xF218;
	[sflag:s0] =	ssyncpa.u1 $0x0  }
0x12b: {  	[tilespmem:s3], [sflag:$0x5] =	stream.linear.gather [spmem:s2], $0x20, $0x38;
	[tilespmem:$0x1F6F8] =	vst v63  }
0x12c: {  	s26 =	simm.s32 $0x0;
	s28 =	simm.s32 $0xF238  }
0x12d: {  	[tilespmem:s28], [sflag:$0x5] =	stream.linear.gather [spmem:s26], $0x1000, $0x38;
	[tilespmem:$0x1F6F8] =	vst v63  }
0x12e: {  	_ =	swait.ge [sflag:s0], $0x1020  }
0x12f: {  	[sflag:s0] =	ssyncset.done $0x0  }
0x130: {  	s29 =	simm.s32 $0x0;
	[sflag:s0] =	ssyncadd.s32 $0xFFFFEFE0  }
0x131: {  	v0 =	vld.msk [tilespmem:s29+$0xF218], $0x1;
	_ =	sdelay $0x1  }
0x132: {  	s30 =	simm.s32 $0x1  }
0x133: {  	v1 =	vld.msk [tilespmem:s30+$0xF218], $0x1;
	_ =	sdelay $0x1  }
0x134: {  	(v2sf) =	vpush v0, $0x0;
	_ =	sdelay $0x2  }
0x135: {  	(v2sf) =	vpush v1, $0x0;
	_ =	sdelay $0x2  }
0x136: {  	s31 =	simm.s32 $0x2  }
0x137: {  	v0 =	vld.msk [tilespmem:s31+$0xF218], $0x1;
	_ =	sdelay $0x2  }
0x138: {  	s4 =	simm.s32 $0xFFFFFFFF;
	s5 =	simm.s32 $0xFFFFFFFF;
	s0 =	simm.s32 $0xC  }
.LBB2_24:
0x139: {  	s2 =	smov.u32 s5;
	s3 =	smov.u32 s4  }
0x13a: {  	s4 =	sshra.s32 s0, $0x2;
	p1 =	sne.s32 s0, $0x7C;
	s0 =	sadd.s32 $0x4, s0;
	(v2sf) =	vpush v0, $0x0  }
0x13b: {  	v0 =	vld.msk [tilespmem:s4+$0xF218], $0x1  }
.Ltmp18:
0x13c: {  	(pc) =	sbr.rel @p1 .LBB2_24-.Ltmp18, $4  }
0x13d: {  	s5 =	spop (v2sf)  }
0x13e: {  	p2 =	sne.s32 s3, $0xFFFFFFFF;
	s4 =	smov.u32 s5  }
0x13f: {  	p3 =	seq.s32 s5, $0xFFFFFFFF;
	s4 =	smov.u32 @p2 s3  }
0x140: {  	s5 =	smov.u32 @p3 s2;
	s4 =	smov.u32 @p3 s3  }
0x141: {  	(v2sf) =	vpush v0, $0x0;
	_ =	sdelay $0x8  }
0x142: {  	s0 =	spop (v2sf)  }
0x143: {  	p1 =	sne.s32 s4, $0xFFFFFFFF;
	s2 =	smov.u32 s0  }
0x144: {  	s9 =	simm.s32 $0x6;
	p2 =	seq.s32 s0, $0xFFFFFFFF;
	s2 =	smov.u32 @p1 s4  }
0x145: {  	s6 =	simm.s32 $0x0;
	s2 =	smov.u32 @p2 s4;
	s3 =	spop (v2sf)  }
0x146: {  	s0 =	smov.u32 @p2 s5;
	p1 =	sne.s32 s2, $0xFFFFFFFF;
	s4 =	smov.u32 s3  }
.Ltmp19:
0x147: {  	p2 =	seq.s32 s3, $0xFFFFFFFF;
	s4 =	smov.u32 @p1 s2;
	(pc) =	sbr.rel .LBB2_26-.Ltmp19, $4  }
0x148: {  	s10 =	simm.s32 $0xF188;
	s4 =	smov.u32 @p2 s2;
	s7 =	spop (v2sf)  }
0x149: {  	s11 =	simm.s32 $0x0;
	p1 =	sne.s32 s4, $0xFFFFFFFF;
	s8 =	smov.u32 s7  }
0x14a: {  	s3 =	smov.u32 @p2 s0;
	p2 =	seq.s32 s7, $0xFFFFFFFF;
	s8 =	smov.u32 @p1 s4  }
0x14b: {  	[sflag:s9] =	ssyncpa.u1 $0x0;
	s7 =	smov.u32 @p2 s3;
	s8 =	smov.u32 @p2 s4  }
.LBB2_32:
0x14c: {  	p1 =	sgt.u32 s12, $0x27FF0  }
0x14d: {  	p2 =	seq.s32 @!p1 s12, s8  }
0x14e: {  	p1 =	por p1, p2  }
0x14f: {  	p2 =	sne.s32 @!p1 s12, s7  }
0x150: {  	p1 =	por p1, !p2  }
0x151: {  	s0 =	sshll.u32 @p1 s11, $0x9  }
0x152: {  	s0 =	sand.u32 @!p1 $0x3FFF8, s12  }
0x153: {  	s2 =	sand.u32 @!p1 $0x7, s12;
	s0 =	sadd.s32 @!p1 s1, s0  }
0x154: {  	[tilespmem:s10], [sflag:$0x6] =	stream.linear.gather @!p1 [hbm4b:s0+s2], $0x80, $0x38;
	[tilespmem:$0x1F6F8] =	vst v63  }
0x155: {  	_ =	swait.ge @!p1 [sflag:s9], $0x80  }
0x156: {  	[sflag:s9] =	ssyncset.done @!p1 $0x0  }
0x157: {  	[sflag:s9] =	ssyncadd.s32 @!p1 $0xFFFFFF80  }
0x158: {  	v1 =	vld @!p1 [tilespmem:$0xF188];
	_ =	sdelay $0x2  }
0x159: {  	s0 =	sshll.u32 @!p1 s11, $0x9  }
0x15a: {  	s2 =	sshrl.u32 @!p1 s0, $0x2  }
0x15b: {  	[tilespmem:s2+$0xF238] =	vst.add.f32.msk @!p1 $0xffff, v1  }
0x15c: {  	v1 =	vld @!p1 [tilespmem:$0xF198];
	_ =	sdelay $0x4  }
0x15d: {  	[tilespmem:s2+$0xF248] =	vst.add.f32.msk @!p1 $0xffff, v1  }
0x15e: {  	v1 =	vld @!p1 [tilespmem:$0xF1A8];
	_ =	sdelay $0x4  }
0x15f: {  	[tilespmem:s2+$0xF258] =	vst.add.f32.msk @!p1 $0xffff, v1  }
0x160: {  	v1 =	vld @!p1 [tilespmem:$0xF1B8];
	_ =	sdelay $0x4  }
0x161: {  	[tilespmem:s2+$0xF268] =	vst.add.f32.msk @!p1 $0xffff, v1  }
0x162: {  	v1 =	vld @!p1 [tilespmem:$0xF1C8];
	_ =	sdelay $0x4  }
0x163: {  	[tilespmem:s2+$0xF278] =	vst.add.f32.msk @!p1 $0xffff, v1  }
0x164: {  	v1 =	vld @!p1 [tilespmem:$0xF1D8];
	_ =	sdelay $0x4  }
0x165: {  	[tilespmem:s2+$0xF288] =	vst.add.f32.msk @!p1 $0xffff, v1  }
0x166: {  	v1 =	vld @!p1 [tilespmem:$0xF1E8];
	_ =	sdelay $0x4  }
0x167: {  	[tilespmem:s2+$0xF298] =	vst.add.f32.msk @!p1 $0xffff, v1  }
0x168: {  	v1 =	vld @!p1 [tilespmem:$0xF1F8];
	_ =	sdelay $0x4  }
0x169: {  	[tilespmem:s2+$0xF2A8] =	vst.add.f32.msk @!p1 $0xffff, v1  }
0x16a: {  	s0 =	sshrl.u32 s0, $0x2;
	[tilespmem:s6+$0xF218] =	vst.msk $0x1, v0  }
0x16b: {  	v0 =	vld [tilespmem:s0+$0xF238];
	_ =	sdelay $0x2  }
0x16c: {  	s31 =	sshll.u32 s6, $0x9  }
0x16d: {  	s2 =	sshra.s32 s31, $0x2  }
0x16e: {  	[tilespmem:s2+$0xF238] =	vst v0  }
0x16f: {  	v0 =	vld [tilespmem:s0+$0xF248];
	_ =	sdelay $0x4  }
0x170: {  	[tilespmem:s2+$0xF248] =	vst v0  }
0x171: {  	v0 =	vld [tilespmem:s0+$0xF258];
	_ =	sdelay $0x4  }
0x172: {  	[tilespmem:s2+$0xF258] =	vst v0  }
0x173: {  	v0 =	vld [tilespmem:s0+$0xF268];
	_ =	sdelay $0x4  }
0x174: {  	[tilespmem:s2+$0xF268] =	vst v0  }
0x175: {  	v0 =	vld [tilespmem:s0+$0xF278];
	_ =	sdelay $0x4  }
0x176: {  	[tilespmem:s2+$0xF278] =	vst v0  }
0x177: {  	v0 =	vld [tilespmem:s0+$0xF288];
	_ =	sdelay $0x4  }
0x178: {  	[tilespmem:s2+$0xF288] =	vst v0  }
0x179: {  	v0 =	vld [tilespmem:s0+$0xF298];
	_ =	sdelay $0x4  }
0x17a: {  	[tilespmem:s2+$0xF298] =	vst v0  }
0x17b: {  	v0 =	vld [tilespmem:s0+$0xF2A8];
	_ =	sdelay $0x4  }
0x17c: {  	s6 =	sadd.s32 $0x1, s6;
	[tilespmem:s2+$0xF2A8] =	vst v0  }
.LBB2_33:
0x17d: {  	s11 =	sadd.s32 $0x1, s11  }
0x17e: {  	p1 =	sne.s32 s11, $0x20  }
.Ltmp20:
0x17f: {  	_ = 	snop;
	(pc) =	sbr.rel @!p1 .LBB2_34-.Ltmp20, $1  }
0x180: {  	_ =	sdelay $0x3  }
.LBB2_26:
0x181: {  	v0 =	vld.msk [tilespmem:s11+$0xF218], $0x1;
	_ =	sdelay $0x4  }
0x182: {  	(v2sf) =	vpush v0, $0x0;
	_ =	sdelay $0xe  }
0x183: {  	s12 =	spop (v2sf)  }
0x184: {  	p1 =	seq.s32 s12, $0xFFFFFFFF  }
.Ltmp21:
0x185: {  	_ = 	snop;
	(pc) =	sbr.rel @p1 .LBB2_33-.Ltmp21, $1  }
0x186: {  	_ =	sdelay $0x3  }
0x187: {  	p1 =	slt.s32 s6, $0x1  }
.Ltmp22:
0x188: {  	_ = 	snop;
	(pc) =	sbr.rel @p1 .LBB2_32-.Ltmp22, $1  }
0x189: {  	_ =	sdelay $0x3  }
0x18a: {  	s13 =	simm.s32 $0xF218;
	p1 =	por $0x0, $0x0  }
0x18b: {  	v1 =	vld.msk @!p1 [tilespmem:s13+$0x0], $0x1;
	_ =	sdelay $0x4  }
0x18c: {  	(v2sf) =	vpush @!p1 v1, $0x0;
	_ =	sdelay $0xd  }
0x18d: {  	p3 =	sne.s32 s6, $0x1  }
.Ltmp23:
0x18e: {  	s0 =	spop @!p1 (v2sf);
	(pc) =	sbr.rel @!p3 .LBB2_30-.Ltmp23, $4  }
0x18f: {  	p2 =	seq.s32 @!p1 s12, s0  }
0x190: {  	s14 =	simm.s32 $0x0;
	p2 =	por !p2, p1  }
0x191: {  	s2 =	simm.s32 $0xFFFFFFFF;
	s14 =	simm.s32 @p2 $0xFFFFFFFF  }
0x192: {  	s0 =	simm.s32 $0x1;
	s14 =	smov.u32 @p1 s2  }
.LBB2_29:
0x193: {  	s2 =	smov.u32 s14;
	p1 =	sne.s32 s14, $0xFFFFFFFF  }
0x194: {  	s13 =	sadd.s32 $0x1, s13;
	s14 =	smov.u32 s0;
	s0 =	sadd.s32 $0x1, s0  }
0x195: {  	p2 =	sne.s32 s6, s0;
	v1 =	vld.msk @!p1 [tilespmem:s13+$0x0], $0x1;
	_ =	sdelay $0x4  }
0x196: {  	(v2sf) =	vpush @!p1 v1, $0x0;
	_ =	sdelay $0xe  }
.Ltmp24:
0x197: {  	s3 =	spop @!p1 (v2sf);
	(pc) =	sbr.rel @p2 .LBB2_29-.Ltmp24, $4  }
0x198: {  	p3 =	seq.s32 @!p1 s12, s3  }
0x199: {  	p3 =	por !p3, p1  }
0x19a: {  	s14 =	simm.s32 @p3 $0xFFFFFFFF  }
0x19b: {  	s14 =	smov.u32 @p1 s2  }
.LBB2_30:
0x19c: {  	p1 =	seq.s32 s14, $0xFFFFFFFF  }
.Ltmp25:
0x19d: {  	_ = 	snop;
	(pc) =	sbr.rel @p1 .LBB2_32-.Ltmp25, $1  }
0x19e: {  	_ =	sdelay $0x3  }
0x19f: {  	s0 =	sshll.u32 s11, $0x7  }
0x1a0: {  	s0 =	sand.u32 $0x3FFFFF80, s0  }
0x1a1: {  	v0 =	vld [tilespmem:s0+$0xF238];
	_ =	sdelay $0x2  }
0x1a2: {  	s2 =	sshll.u32 s14, $0x9  }
0x1a3: {  	s2 =	sshra.s32 s2, $0x2  }
0x1a4: {  	[tilespmem:s2+$0xF238] =	vst.add.f32.msk $0xffff, v0  }
0x1a5: {  	v0 =	vld [tilespmem:s0+$0xF248];
	_ =	sdelay $0x4  }
0x1a6: {  	[tilespmem:s2+$0xF248] =	vst.add.f32.msk $0xffff, v0  }
0x1a7: {  	v0 =	vld [tilespmem:s0+$0xF258];
	_ =	sdelay $0x4  }
0x1a8: {  	[tilespmem:s2+$0xF258] =	vst.add.f32.msk $0xffff, v0  }
0x1a9: {  	v0 =	vld [tilespmem:s0+$0xF268];
	_ =	sdelay $0x4  }
0x1aa: {  	[tilespmem:s2+$0xF268] =	vst.add.f32.msk $0xffff, v0  }
0x1ab: {  	v0 =	vld [tilespmem:s0+$0xF278];
	_ =	sdelay $0x4  }
0x1ac: {  	[tilespmem:s2+$0xF278] =	vst.add.f32.msk $0xffff, v0  }
0x1ad: {  	v0 =	vld [tilespmem:s0+$0xF288];
	_ =	sdelay $0x4  }
0x1ae: {  	[tilespmem:s2+$0xF288] =	vst.add.f32.msk $0xffff, v0  }
0x1af: {  	v0 =	vld [tilespmem:s0+$0xF298];
	_ =	sdelay $0x4  }
0x1b0: {  	[tilespmem:s2+$0xF298] =	vst.add.f32.msk $0xffff, v0  }
0x1b1: {  	v0 =	vld [tilespmem:s0+$0xF2A8]  }
.Ltmp26:
0x1b2: {  	_ = 	snop;
	(pc) =	sbr.rel .LBB2_33-.Ltmp26, $2  }
0x1b3: {  	_ =	sdelay $0x2  }
0x1b4: {  	[tilespmem:s2+$0xF2A8] =	vst.add.f32.msk $0xffff, v0  }
.LBB2_34:
0x1b5: {  	s0 =	simm.s32 $0x6;
	p1 =	seq.s32 s6, $0x0  }
0x1b6: {  	[sflag:s0] =	ssyncpa.u1 $0x1;
	v0 =	vimm.s32 @p1 $0xFFFFFFFF  }
0x1b7: {  	s9 =	sadd.s32 $0xFFFFFFFF, s6;
	[tilespmem:$0x10238] =	vst @p1 v0  }
0x1b8: {  	v0 =	vld.msk @!p1 [tilespmem:s9+$0xF218], $0x1;
	_ =	sdelay $0x1  }
0x1b9: {  	v1 =	vld.msk @!p1 [tilespmem:$0xF218], $0x1;
	_ =	sdelay $0x2  }
0x1ba: {  	p2 =	seq.s32 @!p1 s9, $0x0;
	v0 =	vbroadcast @!p1 v0, $0x0  }
0x1bb: {  	vm0 =	vmmov @!p1 $0x1;
	p2 =	por !p2, p1  }
0x1bc: {  	v1 =	vnsel @!p1 vm0, $0xFFFFFFFF, v1;
	vm0 =	vcmask @!p1 $0x308;
	v0 =	vpsel !p2, $0xFFFFFFFF, v0  }
0x1bd: {  	p2 =	sne.s32 @!p1 s8, s7;
	v0 =	vsel @!p1 vm0, v1, v0  }
0x1be: {  	s0 =	simm.s32 @!p1 $0xF238;
	s2 =	simm.s32 @!p1 $0x0;
	p3 =	por !p2, p1;
	[tilespmem:$0x10238] =	vst @!p1 v0  }
0x1bf: {  	[spmem:s2] =	stream.linear.scatter @!p1 [tilespmem:s0], [sflag:$0x1], $0x80, $0x38;
	[tilespmem:$0x1F6F8] =	vst v63  }
0x1c0: {  	s0 =	sshll.u32 @!p3 s9, $0x9  }
0x1c1: {  	s0 =	sshra.s32 @!p3 s0, $0x2  }
0x1c2: {  	s2 =	simm.s32 @!p3 $0x80;
	s0 =	sadd.s32 @!p3 $0xF238, s0  }
0x1c3: {  	[spmem:s2] =	stream.linear.scatter @!p3 [tilespmem:s0], [sflag:$0x1], $0x80, $0x38;
	[tilespmem:$0x1F6F8] =	vst v63  }
0x1c4: {  	s0 =	simm.s32 @!p3 $0x1  }
0x1c5: {  	_ =	swait.ge @!p3 [sflag:s0], $0x100  }
0x1c6: {  	p1 =	por p2, p1;
	[sflag:s0] =	ssyncset.done @!p3 $0x0  }
0x1c7: {  	[sflag:s0] =	ssyncadd.s32 @!p3 $0xFFFFFF00;
	s0 =	simm.s32 @!p1 $0x1  }
0x1c8: {  	_ =	swait.ge @!p1 [sflag:s0], $0x80  }
0x1c9: {  	s29 =	simm.s32 $0x10238;
	[sflag:s0] =	ssyncset.done @!p1 $0x0  }
0x1ca: {  	s30 =	simm.s32 $0x1000;
	s31 =	simm.s32 $0x1;
	[sflag:s0] =	ssyncadd.s32 @!p1 $0xFFFFFF80  }
0x1cb: {  	[spmem:s30] =	stream.linear.scatter [tilespmem:s29], [sflag:$0x1], $0x10, $0x38;
	[tilespmem:$0x1F6F8] =	vst v63  }
0x1cc: {  	_ =	swait.ge [sflag:s31], $0x10  }
0x1cd: {  	[sflag:s31] =	ssyncset.done $0x0  }
0x1ce: {  	p1 =	seq.s32 s15, $0x0;
	s8 =	rddreg [dreg:$0x1];
	[sflag:s31] =	ssyncadd.s32 $0xFFFFFFF0  }
0x1cf: {  	s2 =	sshll.u32 @p1 s8, $0xE;
	s7 =	rddreg [dreg:$0x2]  }
0x1d0: {  	s0 =	sadd.s32 @p1 $0x15C3C, s2;
	s2 =	sshll.u32 @p1 s7, $0x11  }
0x1d1: {  	_ =	sfence.stream.spmem;
	s0 =	sor.u32 @p1 s2, s0  }
0x1d2: {  	[sflag:s0] =	ssyncadd.remote.s32 @p1 $0x1;
	s0 =	simm.s32 @p1 $0x4  }
0x1d3: {  	s3 =	simm.s32 @!p1 $0x3C;
	s2 =	sand.u32 $0xFFFFFFFE, s8;
	_ =	swait.ge @p1 [sflag:s0], $0x22  }
0x1d4: {  	s4 =	simm.s32 @!p1 $0x0;
	s2 =	sadd.s32 @!p1 $0x4, s2;
	[sflag:s0] =	ssyncset.done @p1 $0x0  }
0x1d5: {  	s5 =	simm.s32 @!p1 $0x100;
	[sflag:s0] =	ssyncadd.s32 @p1 $0xFFFFFFDE;
	s0 =	sshll.u32 @!p1 s2, $0x1A  }
0x1d6: {  	s2 =	sshll.u32 @!p1 s2, $0xD;
	s0 =	sor.u32 @!p1 s0, s7;
	_ =	swait.eq @!p1 [sflag:s3], $0x1  }
0x1d7: {  	s2 =	sor.u32 @!p1 $0x1C04, s2;
	s3 =	simm.s32 @!p1 $0x1C03;
	s0 =	sor.u32 @!p1 $0x80004000, s0  }
0x1d8: {  	[spmem:s5], [sflag:s2] =	dma.general @!p1 [spmem:s4], [sflag:s3], length:$0x20, [dreg:$0x0], stride_count:$0x0, ici_dest:s0, dma_misc:DstOpCode:WRITE  }
0x1d9: {  	p2 =	slt.s32 s9, $0x2;
	s4 =	simm.s32 @!p1 $0x200;
	s5 =	simm.s32 @!p1 $0x202  }
0x1da: {  	[spmem:s5], [sflag:s2] =	dma.general @!p1 [spmem:s4], [sflag:s3], length:$0x2, [dreg:$0x0], stride_count:$0x0, ici_dest:s0, dma_misc:DstOpCode:WRITE  }
.Ltmp27:
0x1db: {  	s0 =	simm.s32 @!p1 $0x3;
	(pc) =	sbr.rel @p2 .LBB2_38-.Ltmp27, $4  }
0x1dc: {  	s2 =	sshll.u32 @!p1 s8, $0xE;
	_ =	swait.ge @!p1 [sflag:s0], $0x22  }
0x1dd: {  	s3 =	sshll.u32 @!p1 s7, $0x11;
	s2 =	sadd.s32 @!p1 $0x11C3C, s2;
	[sflag:s0] =	ssyncset.done @!p1 $0x0  }
0x1de: {  	[sflag:s0] =	ssyncadd.s32 @!p1 $0xFFFFFFDE;
	s0 =	sor.u32 @!p1 s3, s2  }
0x1df: {  	[sflag:s0] =	ssyncadd.remote.s32 @!p1 $0xFFFFFFFF;
	s0 =	simm.s32 $0x0  }
0x1e0: {  	s0 =	simm.s32 $0xF219  }
0x1e1: {  	v0 =	vld.msk [tilespmem:s0+$0x0], $0x1;
	_ =	sdelay $0x4  }
0x1e2: {  	(v2sf) =	vpush v0, $0x0;
	_ =	sdelay $0xb  }
0x1e3: {  	s31 =	sadd.s32 $0xFFFFFFFE, s6  }
0x1e4: {  	s0 =	sadd.s32 $0xFFFFFFFF, s31  }
0x1e5: {  	p2 =	sne.s32 s0, $0x0  }
.Ltmp28:
0x1e6: {  	s2 =	spop (v2sf);
	(pc) =	sbr.rel @!p2 .LBB2_37-.Ltmp28, $4  }
0x1e7: {  	s4 =	simm.s32 $0xF2B8;
	s7 =	simm.s32 $0x0;
	p1 =	sgt.u32 s2, $0x27FF0  }
0x1e8: {  	s5 =	simm.s32 $0x0;
	s6 =	simm.s32 $0xF21A;
	s3 =	sand.u32 @!p1 $0x3FFF8, s2  }
0x1e9: {  	s2 =	sand.u32 @!p1 $0x7, s2;
	s7 =	simm.s32 @!p1 $0x200;
	s3 =	sadd.s32 @!p1 s1, s3  }
0x1ea: {  	[hbm4b:s3+s2] =	stream.linear.scatter @!p1 [tilespmem:s4], [sflag:$0x5], $0x80, $0x38;
	[tilespmem:$0x1F6F8] =	vst v63  }
.LBB2_36:
0x1eb: {  	v0 =	vld.msk [tilespmem:s6+$0x0], $0x1;
	s0 =	sadd.s32 $0xFFFFFFFF, s0;
	s5 =	sadd.s32 s5, s7  }
0x1ec: {  	p1 =	sne.s32 s0, $0x0;
	_ =	sdelay $0x3  }
0x1ed: {  	(v2sf) =	vpush v0, $0x0;
	_ =	sdelay $0xe  }
.Ltmp29:
0x1ee: {  	s2 =	spop (v2sf);
	(pc) =	sbr.rel @p1 .LBB2_36-.Ltmp29, $4  }
0x1ef: {  	s7 =	simm.s32 $0x0;
	p2 =	sgt.u32 s2, $0x27FF0  }
0x1f0: {  	s4 =	sadd.s32 $0x80, s4;
	s7 =	simm.s32 @!p2 $0x200;
	s3 =	sand.u32 @!p2 $0x3FFF8, s2  }
0x1f1: {  	s6 =	sadd.s32 $0x1, s6;
	s2 =	sand.u32 @!p2 $0x7, s2;
	s3 =	sadd.s32 @!p2 s1, s3  }
0x1f2: {  	[hbm4b:s3+s2] =	stream.linear.scatter @!p2 [tilespmem:s4], [sflag:$0x5], $0x80, $0x38;
	[tilespmem:$0x1F6F8] =	vst v63  }
.LBB2_37:
0x1f3: {  	s0 =	sadd.s32 s5, s7  }
0x1f4: {  	s0 =	sshrl.u32 s0, $0x2  }
.LBB2_38:
0x1f5: {  	s2 =	simm.s32 $0x5  }
0x1f6: {  	_ =	swait.ge [sflag:s2], s0  }
0x1f7: {  	s31 =	ssub.s32 $0x0, s0;
	[sflag:s2] =	ssyncset.done $0x0  }
0x1f8: {  	[sflag:s2] =	ssyncadd.s32 s31  }
0x1f9: {  	[sflag:s2] =	ssyncpa.u1 $0x1  }
.LBB2_39:
0x1fa: {  	s0 =	sor.u32 s15, s16  }
0x1fb: {  	p1 =	sne.s32 s0, $0x0  }
.Ltmp30:
0x1fc: {  	_ = 	snop;
	(pc) =	sbr.rel @p1 .LBB2_54-.Ltmp30, $3  }
0x1fd: {  	_ =	sdelay $0x1  }
0x1fe: {  	[bflag:$0x0] =	sbarrier.arrive $0xFFFF  }
0x1ff: {  	_ =	sfence  }
0x200: {  	s0 =	simm.s32 $0x7  }
0x201: {  	s2 =	simm.s32 $0x1000;
	s3 =	simm.s32 $0xF218;
	[sflag:s0] =	ssyncpa.u1 $0x0  }
0x202: {  	[tilespmem:s3], [sflag:$0x7] =	stream.linear.gather [spmem:s2], $0x20, $0x38;
	[tilespmem:$0x1F6F8] =	vst v63  }
0x203: {  	s30 =	simm.s32 $0xF238;
	s2 =	simm.s32 $0x0  }
0x204: {  	[tilespmem:s30], [sflag:$0x7] =	stream.linear.gather [spmem:s2], $0x1000, $0x38;
	[tilespmem:$0x1F6F8] =	vst v63  }
.Ltmp31:
0x205: {  	_ = 	snop;
	(pc) =	sbr.rel .LBB2_41-.Ltmp31, $4  }
0x206: {  	_ =	swait.ge [sflag:s0], $0x1020  }
0x207: {  	[sflag:s0] =	ssyncset.done $0x0  }
0x208: {  	s31 =	simm.s32 $0x8;
	[sflag:s0] =	ssyncadd.s32 $0xFFFFEFE0  }
0x209: {  	s3 =	simm.s32 $0x0;
	[sflag:s31] =	ssyncpa.u1 $0x0  }
.LBB2_47:
0x20a: {  	p1 =	slt.u32 s4, $0x27FF1  }
0x20b: {  	s0 =	sand.u32 @p1 $0x3FFF8, s4  }
0x20c: {  	s4 =	sand.u32 @p1 $0x7, s4;
	s5 =	simm.s32 @p1 $0xF188;
	s0 =	sadd.s32 @p1 s1, s0  }
0x20d: {  	[tilespmem:s5], [sflag:$0x8] =	stream.linear.gather @p1 [hbm4b:s0+s4], $0x80, $0x38;
	[tilespmem:$0x1F6F8] =	vst v63  }
0x20e: {  	s0 =	simm.s32 @p1 $0x8  }
0x20f: {  	_ =	swait.ge @p1 [sflag:s0], $0x80  }
0x210: {  	[sflag:s0] =	ssyncset.done @p1 $0x0  }
0x211: {  	[sflag:s0] =	ssyncadd.s32 @p1 $0xFFFFFF80  }
0x212: {  	v1 =	vld @p1 [tilespmem:$0xF188];
	_ =	sdelay $0x2  }
0x213: {  	s0 =	sshll.u32 @p1 s3, $0x9  }
0x214: {  	s4 =	sshrl.u32 @p1 s0, $0x2  }
0x215: {  	[tilespmem:s4+$0xF238] =	vst.add.f32.msk @p1 $0xffff, v1  }
0x216: {  	v1 =	vld @p1 [tilespmem:$0xF198];
	_ =	sdelay $0x4  }
0x217: {  	[tilespmem:s4+$0xF248] =	vst.add.f32.msk @p1 $0xffff, v1  }
0x218: {  	v1 =	vld @p1 [tilespmem:$0xF1A8];
	_ =	sdelay $0x4  }
0x219: {  	[tilespmem:s4+$0xF258] =	vst.add.f32.msk @p1 $0xffff, v1  }
0x21a: {  	v1 =	vld @p1 [tilespmem:$0xF1B8];
	_ =	sdelay $0x4  }
0x21b: {  	[tilespmem:s4+$0xF268] =	vst.add.f32.msk @p1 $0xffff, v1  }
0x21c: {  	v1 =	vld @p1 [tilespmem:$0xF1C8];
	_ =	sdelay $0x4  }
0x21d: {  	[tilespmem:s4+$0xF278] =	vst.add.f32.msk @p1 $0xffff, v1  }
0x21e: {  	v1 =	vld @p1 [tilespmem:$0xF1D8];
	_ =	sdelay $0x4  }
0x21f: {  	[tilespmem:s4+$0xF288] =	vst.add.f32.msk @p1 $0xffff, v1  }
0x220: {  	v1 =	vld @p1 [tilespmem:$0xF1E8];
	_ =	sdelay $0x4  }
0x221: {  	[tilespmem:s4+$0xF298] =	vst.add.f32.msk @p1 $0xffff, v1  }
0x222: {  	v1 =	vld @p1 [tilespmem:$0xF1F8];
	_ =	sdelay $0x3  }
0x223: {  	s5 =	sshll.u32 @!p1 s3, $0x9  }
0x224: {  	s5 =	smov.u32 @p1 s0;
	[tilespmem:s4+$0xF2A8] =	vst.add.f32.msk @p1 $0xffff, v1  }
0x225: {  	s0 =	sshrl.u32 s5, $0x2;
	[tilespmem:s2+$0xF218] =	vst.msk $0x1, v0  }
0x226: {  	v0 =	vld [tilespmem:s0+$0xF238];
	_ =	sdelay $0x2  }
0x227: {  	s31 =	sshll.u32 s2, $0x9  }
0x228: {  	s4 =	sshra.s32 s31, $0x2  }
0x229: {  	[tilespmem:s4+$0xF238] =	vst v0  }
0x22a: {  	v0 =	vld [tilespmem:s0+$0xF248];
	_ =	sdelay $0x4  }
0x22b: {  	[tilespmem:s4+$0xF248] =	vst v0  }
0x22c: {  	v0 =	vld [tilespmem:s0+$0xF258];
	_ =	sdelay $0x4  }
0x22d: {  	[tilespmem:s4+$0xF258] =	vst v0  }
0x22e: {  	v0 =	vld [tilespmem:s0+$0xF268];
	_ =	sdelay $0x4  }
0x22f: {  	[tilespmem:s4+$0xF268] =	vst v0  }
0x230: {  	v0 =	vld [tilespmem:s0+$0xF278];
	_ =	sdelay $0x4  }
0x231: {  	[tilespmem:s4+$0xF278] =	vst v0  }
0x232: {  	v0 =	vld [tilespmem:s0+$0xF288];
	_ =	sdelay $0x4  }
0x233: {  	[tilespmem:s4+$0xF288] =	vst v0  }
0x234: {  	v0 =	vld [tilespmem:s0+$0xF298];
	_ =	sdelay $0x4  }
0x235: {  	[tilespmem:s4+$0xF298] =	vst v0  }
0x236: {  	v0 =	vld [tilespmem:s0+$0xF2A8];
	_ =	sdelay $0x4  }
0x237: {  	s2 =	sadd.s32 $0x1, s2;
	[tilespmem:s4+$0xF2A8] =	vst v0  }
.LBB2_48:
0x238: {  	s3 =	sadd.s32 $0x1, s3  }
0x239: {  	p1 =	sne.s32 s3, $0x20  }
.Ltmp32:
0x23a: {  	_ = 	snop;
	(pc) =	sbr.rel @!p1 .LBB2_49-.Ltmp32, $1  }
0x23b: {  	_ =	sdelay $0x3  }
.LBB2_41:
0x23c: {  	v0 =	vld.msk [tilespmem:s3+$0xF218], $0x1;
	_ =	sdelay $0x4  }
0x23d: {  	(v2sf) =	vpush v0, $0x0;
	_ =	sdelay $0xe  }
0x23e: {  	s4 =	spop (v2sf)  }
0x23f: {  	p1 =	seq.s32 s4, $0xFFFFFFFF  }
.Ltmp33:
0x240: {  	_ = 	snop;
	(pc) =	sbr.rel @p1 .LBB2_48-.Ltmp33, $1  }
0x241: {  	_ =	sdelay $0x3  }
0x242: {  	p1 =	slt.s32 s2, $0x1  }
.Ltmp34:
0x243: {  	_ = 	snop;
	(pc) =	sbr.rel @p1 .LBB2_47-.Ltmp34, $1  }
0x244: {  	_ =	sdelay $0x3  }
0x245: {  	s5 =	simm.s32 $0xF218;
	p1 =	por $0x0, $0x0  }
0x246: {  	v1 =	vld.msk @!p1 [tilespmem:s5+$0x0], $0x1;
	_ =	sdelay $0x4  }
0x247: {  	(v2sf) =	vpush @!p1 v1, $0x0;
	_ =	sdelay $0xd  }
0x248: {  	p3 =	sne.s32 s2, $0x1  }
.Ltmp35:
0x249: {  	s0 =	spop @!p1 (v2sf);
	(pc) =	sbr.rel @!p3 .LBB2_45-.Ltmp35, $4  }
0x24a: {  	p2 =	seq.s32 @!p1 s4, s0  }
0x24b: {  	s6 =	simm.s32 $0x0;
	p2 =	por !p2, p1  }
0x24c: {  	s7 =	simm.s32 $0xFFFFFFFF;
	s6 =	simm.s32 @p2 $0xFFFFFFFF  }
0x24d: {  	s0 =	simm.s32 $0x1;
	s6 =	smov.u32 @p1 s7  }
.LBB2_44:
0x24e: {  	s7 =	smov.u32 s6;
	p1 =	sne.s32 s6, $0xFFFFFFFF  }
0x24f: {  	s5 =	sadd.s32 $0x1, s5;
	s6 =	smov.u32 s0;
	s0 =	sadd.s32 $0x1, s0  }
0x250: {  	p2 =	sne.s32 s2, s0;
	v1 =	vld.msk @!p1 [tilespmem:s5+$0x0], $0x1;
	_ =	sdelay $0x4  }
0x251: {  	(v2sf) =	vpush @!p1 v1, $0x0;
	_ =	sdelay $0xe  }
.Ltmp36:
0x252: {  	s8 =	spop @!p1 (v2sf);
	(pc) =	sbr.rel @p2 .LBB2_44-.Ltmp36, $4  }
0x253: {  	p3 =	seq.s32 @!p1 s4, s8  }
0x254: {  	p3 =	por !p3, p1  }
0x255: {  	s6 =	simm.s32 @p3 $0xFFFFFFFF  }
0x256: {  	s6 =	smov.u32 @p1 s7  }
.LBB2_45:
0x257: {  	p1 =	seq.s32 s6, $0xFFFFFFFF  }
.Ltmp37:
0x258: {  	_ = 	snop;
	(pc) =	sbr.rel @p1 .LBB2_47-.Ltmp37, $1  }
0x259: {  	_ =	sdelay $0x3  }
0x25a: {  	s0 =	sshll.u32 s3, $0x7  }
0x25b: {  	s0 =	sand.u32 $0x3FFFFF80, s0  }
0x25c: {  	v0 =	vld [tilespmem:s0+$0xF238];
	_ =	sdelay $0x2  }
0x25d: {  	s4 =	sshll.u32 s6, $0x9  }
0x25e: {  	s4 =	sshra.s32 s4, $0x2  }
0x25f: {  	[tilespmem:s4+$0xF238] =	vst.add.f32.msk $0xffff, v0  }
0x260: {  	v0 =	vld [tilespmem:s0+$0xF248];
	_ =	sdelay $0x4  }
0x261: {  	[tilespmem:s4+$0xF248] =	vst.add.f32.msk $0xffff, v0  }
0x262: {  	v0 =	vld [tilespmem:s0+$0xF258];
	_ =	sdelay $0x4  }
0x263: {  	[tilespmem:s4+$0xF258] =	vst.add.f32.msk $0xffff, v0  }
0x264: {  	v0 =	vld [tilespmem:s0+$0xF268];
	_ =	sdelay $0x4  }
0x265: {  	[tilespmem:s4+$0xF268] =	vst.add.f32.msk $0xffff, v0  }
0x266: {  	v0 =	vld [tilespmem:s0+$0xF278];
	_ =	sdelay $0x4  }
0x267: {  	[tilespmem:s4+$0xF278] =	vst.add.f32.msk $0xffff, v0  }
0x268: {  	v0 =	vld [tilespmem:s0+$0xF288];
	_ =	sdelay $0x4  }
0x269: {  	[tilespmem:s4+$0xF288] =	vst.add.f32.msk $0xffff, v0  }
0x26a: {  	v0 =	vld [tilespmem:s0+$0xF298];
	_ =	sdelay $0x4  }
0x26b: {  	[tilespmem:s4+$0xF298] =	vst.add.f32.msk $0xffff, v0  }
0x26c: {  	v0 =	vld [tilespmem:s0+$0xF2A8]  }
.Ltmp38:
0x26d: {  	_ = 	snop;
	(pc) =	sbr.rel .LBB2_48-.Ltmp38, $2  }
0x26e: {  	_ =	sdelay $0x2  }
0x26f: {  	[tilespmem:s4+$0xF2A8] =	vst.add.f32.msk $0xffff, v0  }
.LBB2_49:
0x270: {  	p1 =	slt.s32 s2, $0x1  }
.Ltmp39:
0x271: {  	_ = 	snop;
	(pc) =	sbr.rel @p1 .LBB2_53-.Ltmp39, $3  }
0x272: {  	_ =	sdelay $0x1  }
0x273: {  	s0 =	simm.s32 $0x8  }
0x274: {  	s3 =	simm.s32 $0x0;
	[sflag:s0] =	ssyncpa.u1 $0x1  }
0x275: {  	s0 =	simm.s32 $0xF218  }
0x276: {  	v0 =	vld.msk [tilespmem:s0+$0x0], $0x1;
	_ =	sdelay $0x4  }
0x277: {  	(v2sf) =	vpush v0, $0x0;
	_ =	sdelay $0xe  }
0x278: {  	s0 =	sadd.s32 $0xFFFFFFFF, s2;
	s5 =	spop (v2sf)  }
0x279: {  	p2 =	sne.s32 s0, $0x0;
	p1 =	sgt.u32 s5, $0x27FF0  }
.Ltmp40:
0x27a: {  	s6 =	sand.u32 @!p1 $0x3FFF8, s5;
	(pc) =	sbr.rel @!p2 .LBB2_52-.Ltmp40, $4  }
0x27b: {  	s4 =	simm.s32 $0xF238;
	s5 =	sand.u32 @!p1 $0x7, s5;
	s2 =	sadd.s32 @!p1 s1, s6  }
0x27c: {  	[hbm4b:s2+s5] =	stream.linear.scatter @!p1 [tilespmem:s4], [sflag:$0x7], $0x80, $0x38;
	[tilespmem:$0x1F6F8] =	vst v63  }
0x27d: {  	s5 =	simm.s32 $0x0  }
0x27e: {  	s2 =	simm.s32 $0xF219;
	s5 =	simm.s32 @!p1 $0x200  }
.LBB2_51:
0x27f: {  	v0 =	vld.msk [tilespmem:s2+$0x0], $0x1;
	s0 =	sadd.s32 $0xFFFFFFFF, s0;
	s3 =	sadd.s32 s3, s5  }
0x280: {  	p1 =	sne.s32 s0, $0x0;
	_ =	sdelay $0x3  }
0x281: {  	(v2sf) =	vpush v0, $0x0;
	_ =	sdelay $0xe  }
.Ltmp41:
0x282: {  	s6 =	spop (v2sf);
	(pc) =	sbr.rel @p1 .LBB2_51-.Ltmp41, $4  }
0x283: {  	s5 =	simm.s32 $0x0;
	p2 =	sgt.u32 s6, $0x27FF0  }
0x284: {  	s4 =	sadd.s32 $0x80, s4;
	s5 =	simm.s32 @!p2 $0x200;
	s7 =	sand.u32 @!p2 $0x3FFF8, s6  }
0x285: {  	s2 =	sadd.s32 $0x1, s2;
	s6 =	sand.u32 @!p2 $0x7, s6;
	s7 =	sadd.s32 @!p2 s1, s7  }
0x286: {  	[hbm4b:s7+s6] =	stream.linear.scatter @!p2 [tilespmem:s4], [sflag:$0x7], $0x80, $0x38;
	[tilespmem:$0x1F6F8] =	vst v63  }
.LBB2_52:
0x287: {  	s0 =	sadd.s32 s3, s5  }
0x288: {  	s3 =	sshrl.u32 s0, $0x2  }
.LBB2_53:
0x289: {  	s0 =	simm.s32 $0x7  }
0x28a: {  	_ =	swait.ge [sflag:s0], s3  }
0x28b: {  	s1 =	ssub.s32 $0x0, s3;
	[sflag:s0] =	ssyncset.done $0x0  }
0x28c: {  	[sflag:s0] =	ssyncadd.s32 s1  }
0x28d: {  	[sflag:s0] =	ssyncpa.u1 $0x1  }
.LBB2_54:
0x28e: {  	_ =	sfence;
	s0 =	simm.s32 $0x1  }
0x28f: {  	[sflag:s0] =	ssyncpa.u1 $0x1  }
0x290: {  	_ =	strace $0x90000050  }
0x291: {  	[bflag:$0x2] =	sbarrier.arrive $0xFFFF  }
0x292: {  	s0 =	rddreg [dreg:$0x3]  }
0x293: {  	s0 =	sadd.s32 @!p0 $0x100000, s0  }
0x294: {  	[sflag:s0] =	ssyncadd.tile.s32 @!p0 $0x1;
	_ =	shalt  }
.Lfunc_end2:
_tile_overlayer_lowered:
.L_overlay_start_2:
0x295: {  	(tag) =	ssettag $0x2  }
0x296: {  	s0 =	rddreg [dreg:$0x0];
	s2 =	stileid.u32  }
0x297: {  	s1 =	rddreg [dreg:$0x1];
	p0 =	sne.s32 s2, $0x0  }
0x298: {  	s3 =	rddreg [dreg:$0x2];
	[bflag:$0x3] =	sbarrier.arrive $0xFFFF;
	s2 =	simm.s32 @!p0 $0x1C01  }
0x299: {  	[timem:s3], [sflag:s2] =	dma.local @!p0 [hbm:s0], s1  }
0x29a: {  	s0 =	simm.s32 @!p0 $0x1  }
0x29b: {  	_ =	swait.ge @!p0 [sflag:s0], s1  }
0x29c: {  	s1 =	ssub.s32 @!p0 $0x0, s1;
	[sflag:s0] =	ssyncset.done @!p0 $0x0  }
0x29d: {  	[sflag:s0] =	ssyncadd.s32 @!p0 s1  }
0x29e: {  	[bflag:$0x3] =	sbarrier.arrive $0xFFFF  }
0x29f: {  	_ =	shalt  }

// kernel: sparse-core-data-format-call.cloned.1.call-start
scs
called_computation.1_lowered:
.L_overlay_start_0:
0x0: {  	s1 =	sld [smem:$0x3FD9]  }
0x1: {  	s2 =	sld [smem:$0x3FFE];
	_ =	sdelay $0x1  }
0x2: {  	s3 =	srdreg.scid  }
0x3: {  	s0 =	sand.u32 $0x1, s3  }
0x4: {  	s17 =	sshll.u32 s0, $0xA;
	s1 =	sadd.s32 s2, s1  }
0x5: {  	s1 =	sadd.s32 s1, s17  }
0x6: {  	[smem:$0x3FB8] =	sst s1  }
0x7: {  	_ = 	snop  }
0x8: {  	(tm) =	ssettm $0x1  }
0x9: {  	s18 =	sld [smem:$0x3FFB];
	_ =	sdelay $0x3  }
0xa: {  	_ =	strace s18  }
0xb: {  	s1 =	sld [smem:$0x3FFC];
	_ =	sdelay $0x3  }
0xc: {  	_ =	strace s1  }
0xd: {  	s1 =	sld [smem:$0x3FFD];
	_ =	sdelay $0x3  }
0xe: {  	_ =	strace s1  }
0xf: {  	_ =	strace $0x8FFFFFFF  }
0x10: {  	s19 =	sld [smem:$0x3FDB];
	_ =	sdelay $0x1  }
0x11: {  	s20 =	simm.s32 $_scs_section_size  }
0x12: {  	s4 =	simm.s32 $_size__tile_overlayer_lowered;
	s5 =	simm.s32 $_tile_overlayer_lowered  }
0x13: {  	s23 =	simm.s32 $0x1BFF;
	s22 =	sshll.u32 s5, $0x1;
	s1 =	sadd.s32 s20, s19  }
0x14: {  	s6 =	simm.s32 $0x0;
	s21 =	sshll.u32 s4, $0x1;
	s4 =	sadd.s32 s22, s1  }
0x15: {  	[timem:s6], [sflag:s23] =	dma.local [hbm:s4], s21  }
0x16: {  	_ =	swait.ge [sflag:s23], s21  }
0x17: {  	s2 =	ssub.s32 $0x0, s21;
	[sflag:s23] =	ssyncset.done $0x0  }
0x18: {  	[sflag:s23] =	ssyncadd.s32 s2;
	_ =	sdelay $0x1  }
0x19: {  	s24 =	simm.s32 $0x1B8B  }
0x1a: {  	_ =	swait.ge [sflag:s24], $0x1  }
0x1b: {  	[sflag:s24] =	ssyncset.done $0x0  }
0x1c: {  	s26 =	simm.s32 $0x1B8E;
	s25 =	sld [smem:$0x3FFE];
	[sflag:s24] =	ssyncadd.s32 $0xFFFFFFFF  }
0x1d: {  	s27 =	simm.s32 $execute0_lowered;
	[smem:$0x3FD2] =	sst s26  }
0x1e: {  	s4 =	sshll.u32 s27, $0x1;
	_ =	strace $0x8000004C;
	[dreg:$0x1] =	wrdreg $0xFFFFFFFF  }
0x1f: {  	s28 =	simm.s32 $_size_execute0_lowered;
	s1 =	sadd.s32 s1, s4;
	[dreg:$0x0] =	wrdreg $0x0  }
0x20: {  	s4 =	sshll.u32 s28, $0x1;
	[dreg:$0x2] =	wrdreg s1  }
0x21: {  	[dreg:$0x3] =	wrdreg s4  }
0x22: {  	[dreg:$0x4] =	wrdreg $0xC0  }
0x23: {  	_ =	task [dreg:s6], $0x5FFFF  }
0x24: {  	[dreg:$0x1] =	wrdreg $0xFFFFFFFF  }
0x25: {  	[dreg:$0x0] =	wrdreg $0x60  }
0x26: {  	[dreg:$0x2] =	wrdreg s25  }
0x27: {  	[dreg:$0x3] =	wrdreg $0x9  }
0x28: {  	_ =	task.clear_ibuf [dreg:s6], $0x4FFFF;
	_ =	strace $0x9000004C  }
0x29: {  	s29 =	simm.s32 $0x9;
	_ =	strace $0x8000004E  }
0x2a: {  	_ =	swait.ge [sflag:s29], $0x1  }
0x2b: {  	[sflag:s29] =	ssyncadd.s32 $0xFFFFFFFF  }
0x2c: {  	_ =	strace $0x9000004E  }
0x2d: {  	_ =	sfence  }
0x2e: {  	s30 =	sld [smem:$0x0];
	_ =	sdelay $0x2  }
0x2f: {  	s31 =	sshll.u32 s3, $0xD;
	s3 =	sshrl.u32 s3, $0x2  }
0x30: {  	s2 =	sand.u32 $0x4000, s31;
	s1 =	sadd.s32 s3, s30  }
0x31: {  	s0 =	sor.u32 s2, s0;
	s1 =	sshll.u32 s1, $0x11  }
0x32: {  	s0 =	sor.u32 s1, s0  }
0x33: {  	s0 =	sadd.s32 $0x8F2B, s0  }
0x34: {  	[sflag:s0] =	ssyncadd.remote.s32 $0x1  }
0x35: {  	_ =	sfence.sel $0xFFFF  }
0x36: {  	[dreg:$0x0] =	wrdreg $0xFFFFFFFF;
	(pc) =	sbr.abs _section_cstart, $3  }
0x37: {  	[dreg:$0x1] =	wrdreg $0xFFFFFFFF  }
0x38: {  	_ =	task.clear_ibuf [dreg:s6], $0x2FFFF;
	_ =	strace $0x9FFFFFFF  }
0x39: {  	(tm) =	ssettm $0x7FFFFFFF  }
tec
execute0_lowered:
.L_overlay_start_1:
0x0: {  	(tag) =	ssettag $0x1  }
0x1: {  	s0 =	srdreg.scid  }
0x2: {  	s5 =	rddreg [dreg:$0x0];
	s1 =	sshll.u32 s0, $0x4  }
0x3: {  	s4 =	simm.s32 $0x1;
	s0 =	stileid.u32;
	s1 =	sand.u32 $0x10, s1  }
0x4: {  	s8 =	simm.s32 $0x2;
	s12 =	simm.s32 $0x0;
	s2 =	sor.u32 s0, s1  }
0x5: {  	s11 =	simm.s32 $0x0;
	s9 =	simm.s32 $0x0;
	s2 =	sshll.u32 s2, $0x7  }
0x6: {  	s10 =	simm.s32 $0x0;
	s3 =	sadd.s32 $0x79600, s5;
	s6 =	ssub.s32 $0x4E200, s2  }
.Ltmp0:
0x7: {  	s1 =	rddreg [dreg:$0x1];
	s7 =	sand.u32 $0xF80, s6;
	(pc) =	sbr.rel .LBB1_1-.Ltmp0, $4  }
0x8: {  	_ =	strace $0x8000004D;
	p0 =	sne.s32 s7, $0x0;
	s7 =	simm.s32 $0x1  }
0x9: {  	[sflag:s4] =	ssyncpa.u1 $0x0;
	s6 =	sshrl.u32 s6, $0xC;
	s7 =	simm.s32 @!p0 $0x0  }
0xa: {  	s5 =	sadd.s32 $0x55B600, s5;
	[sflag:s8] =	ssyncpa.u1 $0x0;
	s6 =	sadd.s32 s7, s6  }
0xb: {  	s8 =	smov.u32 s2;
	p0 =	por $0x0, $0x0;
	s7 =	sadd.s32 $0x1, s6  }
.LBB1_4:
0xc: {  	s12 =	sshll.u32 s12, $0x7;
	s18 =	sshll.u32 s11, $0x3  }
0xd: {  	v5 =	vld [tilespmem:s16+$0xFFFFFFD0];
	[tilespmem:s15+$0x2040 ss:$0x81] =	vst.msk $0xffff, v4;
	s19 =	sand.u32 $0xFFFFFC00, s12;
	s18 =	sand.u32 $0xFFFFFC00, s18  }
0xe: {  	v58 =	vld [tilespmem:s16+$0xFFFFFFE0];
	[tilespmem:s15+$0x2850 ss:$0x81] =	vst.msk $0xffff, v3;
	s12 =	sand.u32 $0x380, s12;
	s18 =	sadd.s32 s18, s19  }
0xf: {  	s17 =	sshra.s32 s17, $0x2;
	v59 =	vld [tilespmem:s16+$0xFFFFFFF0];
	[tilespmem:s15+$0x3060 ss:$0x81] =	vst.msk $0xffff, v2;
	s12 =	sor.u32 s12, s18  }
0x10: {  	v60 =	vld [tilespmem:s16+$0x0];
	[tilespmem:s15+$0x0 ss:$0x81] =	vst.msk $0xffff, v0;
	s14 =	sadd.s32 s17, s14;
	s12 =	sshrl.u32 s12, $0x7  }
0x11: {  	v61 =	vld [tilespmem:s16+$0x10];
	[tilespmem:s14+$0x3870 ss:$0x81] =	vst.msk $0xffff, v1;
	s28 =	smulhi.u32 $0x1A36E2F, s12  }
0x12: {  	v62 =	vld [tilespmem:s16+$0x20];
	[tilespmem:s14+$0x810 ss:$0x81] =	vst.msk $0xffff, v5  }
0x13: {  	v63 =	vld [tilespmem:s16+$0xFFFFFFC0];
	[tilespmem:s14+$0x1020 ss:$0x81] =	vst.msk $0xffff, v58;
	s15 =	sshrl.u32 s28, $0xB  }
0x14: {  	[tilespmem:s14+$0x1830 ss:$0x81] =	vst.msk $0xffff, v59;
	s15 =	smul.u32 $0x4E200, s15  }
0x15: {  	s29 =	sshrl.u32 s11, $0x3;
	[tilespmem:s14+$0x2040 ss:$0x81] =	vst.msk $0xffff, v60  }
0x16: {  	s30 =	sand.u32 $0xF, s29;
	[tilespmem:s14+$0x2850 ss:$0x81] =	vst.msk $0xffff, v61;
	s12 =	ssub.s32 s12, s15  }
0x17: {  	[tilespmem:s14+$0x3060 ss:$0x81] =	vst.msk $0xffff, v62;
	s15 =	sadd.s32 s5, s30;
	s12 =	sshll.u32 s12, $0x4  }
0x18: {  	s31 =	sand.u32 $0x7, s11;
	[tilespmem:s14+$0x0 ss:$0x81] =	vst.msk $0xffff, v63;
	s12 =	sadd.s32 s12, s15  }
0x19: {  	[hbm4b:s12+s31] =	stream.linear.scatter [tilespmem:s13], [sflag:$0x2], $0x4000, $0x20;
	[tilespmem:$0x10100] =	vst v63  }
.LBB1_5:
0x1a: {  	s13 =	sadd.s32 $0x1000, s8  }
0x1b: {  	s11 =	sadd.s32 $0x80, s9;
	s15 =	smov.u32 s9;
	p2 =	sgt.s32 s13, $0x4E1FF  }
0x1c: {  	s15 =	smov.u32 @p2 s11  }
0x1d: {  	s13 =	smov.u32 @p2 s2;
	p2 =	sgt.s32 s15, $0x7F  }
0x1e: {  	s15 =	simm.s32 @p2 $0x0;
	p2 =	sne.s32 s10, s7  }
.Ltmp1:
0x1f: {  	p1 =	slt.u32 s10, $0x2;
	(pc) =	sbr.rel @!p2 .LBB1_6-.Ltmp1, $4  }
0x20: {  	s14 =	simm.s32 @!p1 $0x2  }
0x21: {  	s12 =	smov.u32 s8;
	p0 =	por !p0, !p0;
	_ =	swait.ge @!p1 [sflag:s14], $0x4000  }
0x22: {  	s11 =	smov.u32 s9;
	[sflag:s14] =	ssyncset.done @!p1 $0x0;
	s8 =	smov.u32 s13  }
0x23: {  	s10 =	sadd.s32 $0x1, s10;
	[sflag:s14] =	ssyncadd.s32 @!p1 $0xFFFFC000;
	s9 =	smov.u32 s15  }
.LBB1_1:
0x24: {  	p1 =	sge.u32 s10, s6  }
0x25: {  	s13 =	sshrl.u32 @!p1 s9, $0x3  }
0x26: {  	s14 =	sshll.u32 @!p1 s8, $0x3;
	s13 =	smul.u32 @!p1 $0x271000, s13  }
0x27: {  	s15 =	sshll.u32 @!p1 s9, $0x7;
	s14 =	sand.u32 @!p1 $0xFFFFFC00, s14  }
0x28: {  	s13 =	sadd.s32 @!p1 s13, s14;
	s14 =	sand.u32 @!p1 $0x380, s15  }
0x29: {  	s15 =	sand.u32 @!p1 $0x7F, s8;
	s13 =	sor.u32 @!p1 s14, s13  }
0x2a: {  	s14 =	sor.u32 @!p1 s15, s13  }
0x2b: {  	s15 =	smulhi.u32 @!p1 $0xD1B71759, s14;
	_ =	sdelay $0x1  }
0x2c: {  	s13 =	smulhi.u32 @!p1 $0xD1B71759, s13;
	s15 =	sshrl.u32 @!p1 s15, $0x12  }
0x2d: {  	s15 =	smul.u32 @!p1 $0x4E200, s15  }
0x2e: {  	s31 =	sadd.s32 $0xFFFFFFFF, s10;
	s16 =	sxor.u32 @!p1 $0xFFFFFFFF, s10;
	s13 =	sshrl.u32 @!p1 s13, $0x12  }
0x2f: {  	s16 =	sshll.u32 @!p1 s16, $0xE;
	s13 =	sand.u32 @!p1 $0x7F, s13;
	s14 =	ssub.s32 @!p1 s14, s15  }
0x30: {  	s13 =	smul.u32 @!p1 $0x9C40, s13;
	s15 =	sshrl.u32 @!p1 s14, $0x3;
	s14 =	sand.u32 @!p1 $0x7, s14  }
0x31: {  	s16 =	sand.u32 @!p1 $0x4000, s16;
	s15 =	sadd.s32 @!p1 s3, s15;
	s14 =	sshll.u32 @!p1 s14, $0x12  }
0x32: {  	s13 =	sadd.s32 @!p1 s13, s15;
	s14 =	sor.u32 @!p1 $0x400, s14;
	s15 =	simm.s32 @!p1 $0x271000  }
0x33: {  	[tilespmem:s16], [sflag:$0x1] =	stream.strided.gather @!p1 [hbm4b:s13+s14], $0x4000, s15, s14, $0x38;
	[tilespmem:$0x10100] =	vst v63  }
0x34: {  	p1 =	sge.u32 s31, s6  }
.Ltmp2:
0x35: {  	_ = 	snop;
	(pc) =	sbr.rel @p1 .LBB1_5-.Ltmp2, $1  }
0x36: {  	_ =	sdelay $0x3  }
0x37: {  	s13 =	simm.s32 $0x1  }
0x38: {  	_ =	swait.ge [sflag:s4], $0x4000;
	s13 =	simm.s32 @!p0 $0x0  }
0x39: {  	[sflag:s4] =	ssyncset.done $0x0;
	s14 =	sshll.u32 s13, $0xE  }
0x3a: {  	[sflag:s4] =	ssyncadd.s32 $0xFFFFC000;
	s16 =	sor.u32 $0x40, s14  }
0x3b: {  	s13 =	smul.u32 $0x10200, s13;
	v0 =	vld [tilespmem:s16+$0x30]  }
0x3c: {  	v1 =	vld [tilespmem:s16+$0xFFFFFFD0]  }
0x3d: {  	s13 =	sshrl.u32 s13, $0x2;
	v5 =	vld [tilespmem:s16+$0xFFFFFFE0]  }
0x3e: {  	v6 =	vld [tilespmem:s16+$0xFFFFFFF0];
	s14 =	sor.u32 $0x8000, s13  }
0x3f: {  	s31 =	sand.u32 $0x1, s10;
	v4 =	vld [tilespmem:s16+$0x0];
	s15 =	sadd.s32 $0x0, s14  }
0x40: {  	v3 =	vld [tilespmem:s16+$0x10];
	s13 =	smul.u32 $0x10200, s31;
	[tilespmem:s15+$0x3870 ss:$0x81] =	vst.msk $0xffff, v0  }
0x41: {  	v2 =	vld [tilespmem:s16+$0x20];
	[tilespmem:s15+$0x810 ss:$0x81] =	vst.msk $0xffff, v1  }
0x42: {  	s13 =	sshrl.u32 s13, $0x2;
	v0 =	vld [tilespmem:s16+$0xFFFFFFC0];
	[tilespmem:s15+$0x1020 ss:$0x81] =	vst.msk $0xffff, v5;
	s16 =	sadd.s32 $0x80, s16  }
0x43: {  	s17 =	simm.s32 $0x4;
	s18 =	simm.s32 $0x8;
	s13 =	sor.u32 $0x8000, s13;
	[tilespmem:s15+$0x1830 ss:$0x81] =	vst.msk $0xffff, v6;
	v1 =	vld [tilespmem:s16+$0x30]  }
.LBB1_3:
0x44: {  	p1 =	sne.s32 s18, $0x1FC;
	v5 =	vld [tilespmem:s16+$0xFFFFFFD0];
	[tilespmem:s15+$0x2040 ss:$0x81] =	vst.msk $0xffff, v4  }
0x45: {  	v6 =	vld [tilespmem:s16+$0xFFFFFFE0];
	[tilespmem:s15+$0x2850 ss:$0x81] =	vst.msk $0xffff, v3  }
0x46: {  	s19 =	sshra.s32 s17, $0x2;
	s17 =	smov.u32 s18;
	v7 =	vld [tilespmem:s16+$0xFFFFFFF0];
	[tilespmem:s15+$0x3060 ss:$0x81] =	vst.msk $0xffff, v2  }
.Ltmp3:
0x47: {  	v4 =	vld [tilespmem:s16+$0x0];
	[tilespmem:s15+$0x0 ss:$0x81] =	vst.msk $0xffff, v0;
	s15 =	sadd.s32 s19, s14;
	(pc) =	sbr.rel @p1 .LBB1_3-.Ltmp3, $4  }
0x48: {  	v3 =	vld [tilespmem:s16+$0x10];
	[tilespmem:s15+$0x3870 ss:$0x81] =	vst.msk $0xffff, v1  }
0x49: {  	[tilespmem:s15+$0x810 ss:$0x81] =	vst.msk $0xffff, v5;
	v2 =	vld [tilespmem:s16+$0x20]  }
0x4a: {  	v0 =	vld [tilespmem:s16+$0xFFFFFFC0];
	[tilespmem:s15+$0x1020 ss:$0x81] =	vst.msk $0xffff, v6;
	s16 =	sadd.s32 $0x80, s16  }
0x4b: {  	s18 =	sadd.s32 $0x4, s18;
	v1 =	vld [tilespmem:s16+$0x30];
	[tilespmem:s15+$0x1830 ss:$0x81] =	vst.msk $0xffff, v7  }
.Ltmp4:
0x4c: {  	_ = 	snop;
	(pc) =	sbr.rel .LBB1_4-.Ltmp4, $1  }
0x4d: {  	_ =	sdelay $0x3  }
.LBB1_6:
0x4e: {  	_ =	sfence.sel $0x180000  }
0x4f: {  	s2 =	simm.s32 $0x1;
	[bflag:$0x0] =	sbarrier.arrive $0xFFFF  }
0x50: {  	s31 =	simm.s32 $0x2;
	[sflag:s2] =	ssyncpa.u1 $0x1  }
0x51: {  	[sflag:s31] =	ssyncpa.u1 $0x1  }
0x52: {  	p0 =	sne.s32 s0, $0x0;
	_ =	strace $0x9000004D  }
0x53: {  	s0 =	sadd.s32 @!p0 $0x100000, s1;
	[bflag:$0x2] =	sbarrier.arrive $0xFFFF  }
0x54: {  	[sflag:s0] =	ssyncadd.tile.s32 @!p0 $0x1;
	_ =	shalt  }
.Lfunc_end1:
_tile_overlayer_lowered:
.L_overlay_start_2:
0x55: {  	(tag) =	ssettag $0x2  }
0x56: {  	s0 =	rddreg [dreg:$0x0];
	s2 =	stileid.u32  }
0x57: {  	s1 =	rddreg [dreg:$0x1];
	p0 =	sne.s32 s2, $0x0  }
0x58: {  	s3 =	rddreg [dreg:$0x2];
	[bflag:$0x3] =	sbarrier.arrive $0xFFFF;
	s2 =	simm.s32 @!p0 $0x1C01  }
0x59: {  	[timem:s3], [sflag:s2] =	dma.local @!p0 [hbm:s0], s1  }
0x5a: {  	s0 =	simm.s32 @!p0 $0x1  }
0x5b: {  	_ =	swait.ge @!p0 [sflag:s0], s1  }
0x5c: {  	s1 =	ssub.s32 @!p0 $0x0, s1;
	[sflag:s0] =	ssyncset.done @!p0 $0x0  }
0x5d: {  	[sflag:s0] =	ssyncadd.s32 @!p0 s1  }
0x5e: {  	[bflag:$0x3] =	sbarrier.arrive $0xFFFF  }
0x5f: {  	_ =	shalt  }

</sc_bundles>
